<compile_context>
chip_gen: v7x
topology: tpu7x:2x2x1
jax: 0.10.2.dev20260603
libtpu: 0.0.44.dev20260713+nightly
codegen_flags: <defaults>
</compile_context>

<pallas_src>
import functools

import jax
import jax.numpy as jnp
from jax import lax
from jax.experimental import pallas as pl
from jax.experimental.pallas import tpu as pltpu
from jax.experimental.pallas import tpu_sc as plsc

N = 10000
D = 128
E = 320000
NHOPS = 3

NC = 2
NS = 16
NW = NC * NS

NPAD = 10240
NACC = 10112
EB = 80
NB = 126
NBUF = 3
NGRP = NB // NBUF
DEGBUF = 3
EPT = NB * EB
EPAD = NW * EPT
RPTA = NACC // NS
PSH = 14

_mesh = plsc.VectorSubcoreMesh(core_axis_name="c", subcore_axis_name="s")


def _zero_rows(ref, nrows, ncols):
    def row(i, c):
        def lane(k, c2):
            ref[i, pl.ds(k * 16, 16)] = jnp.zeros((16,), jnp.float32)
            return c2
        return lax.fori_loop(0, ncols // 16, lane, c)
    lax.fori_loop(0, nrows, row, 0)


def _zero_acc_slab(zbuf, acc, sid):
    base = sid * RPTA
    nfull = RPTA // EB
    for j in range(nfull):
        pltpu.sync_copy(zbuf, acc.at[pl.ds(base + j * EB, EB)])
    rem = RPTA - nfull * EB
    if rem:
        pltpu.sync_copy(zbuf.at[pl.ds(0, rem)],
                        acc.at[pl.ds(base + nfull * EB, rem)])


@functools.partial(
    pl.kernel,
    out_type=jax.ShapeDtypeStruct((NC, NPAD, D), jnp.float32),
    mesh=_mesh,
    scratch_types=[
        pltpu.VMEM((NB, EB), jnp.int32),
        pltpu.VMEM((EB, D), jnp.float32),
        pltpu.VMEM_SHARED((NACC, D), jnp.float32),
        pltpu.SemaphoreType.DMA,
        pltpu.SemaphoreType.DMA,
        pltpu.SemaphoreType.DMA,
        pltpu.SemaphoreType.DMA,
    ],
)
def _deg_call(row_hbm, out_hbm, row_v, ones_v, acc, sem0, sem1, sem2, sem3):
    cid = lax.axis_index("c")
    sid = lax.axis_index("s")
    wid = cid * NS + sid
    sems = (sem0, sem1, sem2, sem3)

    pltpu.sync_copy(row_hbm.at[wid], row_v)

    _zero_rows(ones_v, EB, D)
    _zero_acc_slab(ones_v, acc, sid)

    def fill(i, c):
        ones_v[i, pl.ds(0, 16)] = jnp.ones((16,), jnp.float32)
        return c
    lax.fori_loop(0, EB, fill, 0)
    plsc.subcore_barrier()

    for b in range(DEGBUF):
        pltpu.async_copy(ones_v, acc.at[row_v.at[b]], sems[b], add=True)

    def body(t, c):
        base = t * DEGBUF
        for b in range(DEGBUF):
            pltpu.make_async_copy(ones_v, acc.at[row_v.at[base - DEGBUF + b]],
                                  sems[b]).wait()
            pltpu.async_copy(ones_v, acc.at[row_v.at[base + b]], sems[b],
                             add=True)
        return c
    lax.fori_loop(1, NB // DEGBUF, body, 0)
    for b in range(DEGBUF):
        pltpu.make_async_copy(ones_v, acc.at[row_v.at[NB - DEGBUF + b]],
                              sems[b]).wait()

    plsc.subcore_barrier()
    pltpu.sync_copy(acc.at[pl.ds(sid * RPTA, RPTA)],
                    out_hbm.at[cid, pl.ds(sid * RPTA, RPTA)])


def _unpack(pk_v, j, dst, b, shift, mask):
    for k in range(EB // 16):
        v = pk_v[j, pl.ds(k * 16, 16)]
        if shift:
            v = lax.shift_right_logical(v, jnp.int32(shift))
        if mask is not None:
            v = lax.bitwise_and(v, jnp.int32(mask))
        dst[b, pl.ds(k * 16, 16)] = v


@functools.partial(
    pl.kernel,
    out_type=jax.ShapeDtypeStruct((NC, NPAD, D), jnp.float32),
    mesh=_mesh,
    scratch_types=[
        pltpu.VMEM((NB, EB), jnp.int32),
        pltpu.VMEM((NBUF, EB), jnp.int32),
        pltpu.VMEM((NBUF, EB), jnp.int32),
        pltpu.VMEM((EB, D), jnp.float32),
        pltpu.VMEM((EB, D), jnp.float32),
        pltpu.VMEM((EB, D), jnp.float32),
        pltpu.VMEM_SHARED((NACC, D), jnp.float32),
        pltpu.SemaphoreType.DMA,
        pltpu.SemaphoreType.DMA,
        pltpu.SemaphoreType.DMA,
        pltpu.SemaphoreType.DMA,
        pltpu.SemaphoreType.DMA,
        pltpu.SemaphoreType.DMA,
    ],
)
def _hop_call(pk_hbm, g_hbm, out_hbm, pk_v, idxr, idxc,
              buf0, buf1, buf2, acc, gs0, gs1, gs2, ss0, ss1, ss2):
    cid = lax.axis_index("c")
    sid = lax.axis_index("s")
    wid = cid * NS + sid
    bufs = (buf0, buf1, buf2)
    gsems = (gs0, gs1, gs2)
    ssems = (ss0, ss1, ss2)

    pltpu.sync_copy(pk_hbm.at[wid], pk_v)

    _zero_rows(buf0, EB, D)
    _zero_acc_slab(buf0, acc, sid)
    plsc.subcore_barrier()

    for b in range(NBUF):
        _unpack(pk_v, b, idxc, b, 0, (1 << PSH) - 1)
        pltpu.async_copy(g_hbm.at[idxc.at[b]], bufs[b], gsems[b])

    def group(t, c):
        base = t * NBUF
        for b in range(NBUF):
            jj = base + b
            pltpu.make_async_copy(g_hbm.at[idxc.at[b]], bufs[b],
                                  gsems[b]).wait()
            _unpack(pk_v, jj, idxr, b, PSH, None)
            pltpu.async_copy(bufs[b], acc.at[idxr.at[b]], ssems[b], add=True)

            bf = (b + NBUF - 1) % NBUF
            jf = jj + NBUF - 1

            @pl.when((jf < NB) & (jf >= NBUF))
            def _():
                pltpu.make_async_copy(bufs[bf], acc.at[idxr.at[bf]],
                                      ssems[bf]).wait()
                _unpack(pk_v, jf, idxc, bf, 0, (1 << PSH) - 1)
                pltpu.async_copy(g_hbm.at[idxc.at[bf]], bufs[bf], gsems[bf])
        return c
    lax.fori_loop(0, NGRP, group, 0)
    for m in (NB - 3, NB - 2, NB - 1):
        b = m % NBUF
        pltpu.make_async_copy(bufs[b], acc.at[idxr.at[b]], ssems[b]).wait()

    plsc.subcore_barrier()
    pltpu.sync_copy(acc.at[pl.ds(sid * RPTA, RPTA)],
                    out_hbm.at[cid, pl.ds(sid * RPTA, RPTA)])



_TB = 512
_GRID = NPAD // _TB


def _dinv_block(degp):
    deg = degp[0] + degp[1]
    return jnp.where(deg > 0.0, lax.rsqrt(deg), 0.0)[:, 0:1]


def _scale0_body(degp_ref, x_ref, g_ref):
    g_ref[...] = x_ref[...] * _dinv_block(degp_ref[...])


def _scaleh_body(degp_ref, p_ref, h_ref, g_ref):
    dinv = _dinv_block(degp_ref[...])
    h = (p_ref[0] + p_ref[1]) * dinv
    h_ref[...] = h
    g_ref[...] = h * dinv


def _final_body(degp_ref, x_ref, h1_ref, h2_ref, p3_ref, W_ref, b_ref,
                Wr_ref, br_ref, o_ref):
    dinv = _dinv_block(degp_ref[...])
    h3 = (p3_ref[0] + p3_ref[1]) * dinv
    feats = (x_ref[...], h1_ref[...], h2_ref[...], h3)
    acc = jnp.zeros((_TB, D), jnp.float32)
    for i in range(NHOPS + 1):
        mm = jnp.dot(feats[i], W_ref[i], preferred_element_type=jnp.float32)
        acc = acc + jnp.maximum(mm + b_ref[i][None, :], 0.0)
    out = jnp.dot(acc, Wr_ref[...], preferred_element_type=jnp.float32)
    o_ref[...] = jnp.maximum(out + br_ref[0][None, :], 0.0)


_degp_spec = pl.BlockSpec((NC, _TB, D), lambda i: (0, i, 0))
_node_spec = pl.BlockSpec((_TB, D), lambda i: (i, 0))
_part_spec = pl.BlockSpec((NC, _TB, D), lambda i: (0, i, 0))
_full = lambda shape: pl.BlockSpec(shape, lambda i: tuple(0 for _ in shape))

_scale0 = pl.pallas_call(
    _scale0_body,
    grid=(_GRID,),
    in_specs=[_degp_spec, _node_spec],
    out_specs=_node_spec,
    out_shape=jax.ShapeDtypeStruct((NPAD, D), jnp.float32),
)

_scaleh = pl.pallas_call(
    _scaleh_body,
    grid=(_GRID,),
    in_specs=[_degp_spec, _part_spec],
    out_specs=(_node_spec, _node_spec),
    out_shape=(jax.ShapeDtypeStruct((NPAD, D), jnp.float32),
               jax.ShapeDtypeStruct((NPAD, D), jnp.float32)),
)

_final = pl.pallas_call(
    _final_body,
    grid=(_GRID,),
    in_specs=[_degp_spec, _node_spec, _node_spec, _node_spec, _part_spec,
              _full((NHOPS + 1, D, D)), _full((8, D)),
              _full((D, D)), _full((8, D))],
    out_specs=_node_spec,
    out_shape=jax.ShapeDtypeStruct((NPAD, D), jnp.float32),
)


def kernel(x, edge_index, W, b, Wr, br):
    row = edge_index[0]
    col = edge_index[1]

    pad = EPAD - E
    ar = jnp.arange(pad, dtype=jnp.int32)
    rowp = jnp.concatenate([row, N + ar % (NACC - N)]).reshape(NW, NB, EB)
    colp = jnp.concatenate([col, ar % N]).reshape(NW, NB, EB)
    pk = (rowp << PSH) | colp

    xp = jnp.pad(x, ((0, NPAD - N), (0, 0)))
    b8 = jnp.pad(b, ((0, 8 - (NHOPS + 1)), (0, 0)))
    br8 = jnp.pad(br[None, :], ((0, 7), (0, 0)))

    degp = _deg_call(rowp)
    g = _scale0(degp, xp)
    feats = []
    for hop in range(NHOPS):
        p = _hop_call(pk, g)
        if hop < NHOPS - 1:
            h, g = _scaleh(degp, p)
            feats.append(h)
    out = _final(degp, xp, feats[0], feats[1], p, W, b8, Wr, br8)
    return out[:N]

# --- scband reference (transcript-rebuilt; emitter-appended) ---
"""Pipeline reference for scband-ignnconv-65738769433062 (READ-ONLY COPY).

The authoritative reference and input builder live on the scoring server;
editing this copy changes nothing except your own understanding.
"""

import jax, jax.numpy as jnp
import numpy as np

N = 10000
E = 320000
D = 128
H = 128
NHOPS = 3
NIE = NHOPS + 1


def setup_inputs(seed: int = 0) -> dict:
    key = jax.random.key(seed)
    ks = jax.random.split(key, 6)
    x = jax.random.normal(ks[0], (N, D), dtype=jnp.float32)
    edge_index = jax.random.randint(ks[1], (2, E), 0, N, dtype=jnp.int32)
    # per-hop independent embedding weights (IN='gcn-IN-SN': one Linear per hop feature)
    W = jax.random.normal(ks[2], (NIE, D, H), dtype=jnp.float32) * (1.0 / np.sqrt(D))
    b = jnp.zeros((NIE, H), dtype=jnp.float32)
    # RN='sum' relation-learning head: Linear(h_feats, h_feats)
    Wr = jax.random.normal(ks[3], (H, H), dtype=jnp.float32) * (1.0 / np.sqrt(H))
    br = jnp.zeros((H,), dtype=jnp.float32)
    return {"x": x, "edge_index": edge_index, "W": W, "b": b, "Wr": Wr, "br": br}


def reference(x, edge_index, W, b, Wr, br):
    row = edge_index[0]
    col = edge_index[1]
    # preprocess_adj with symm_norm=True: A_hat = D^{-1/2} A D^{-1/2}
    ones = jnp.ones((E,), dtype=jnp.float32)
    deg = jax.ops.segment_sum(ones, row, num_segments=N)
    dinv = jnp.where(deg > 0, deg ** -0.5, 0.0)
    vals = dinv[row] * dinv[col]

    def prop(h):
        # spmm(A_hat, h): out[row] += vals * h[col]
        return jax.ops.segment_sum(vals[:, None] * h[col], row, num_segments=N)

    # inceptive aggregation: nei_feats = [x, A x, A^2 x, ..., A^n_hops x]
    feats = [x]
    h = x
    for _ in range(NHOPS):
        h = prop(h)
        feats.append(h)
    # IN='gcn-IN-SN': independent Linear + act per hop feature (dropout p=0, norm=Identity)
    combined = jnp.zeros((N, H), dtype=jnp.float32)
    for i in range(NIE):
        combined = combined + jax.nn.relu(feats[i] @ W[i] + b[i])
    # RN='sum': sum hop embeddings, then nei_rel_learn Linear + act
    out = jax.nn.relu(combined @ Wr + br)
    return out

if __name__ == "__main__":
    import jax
    _d = setup_inputs()
    print(jax.jit(kernel)(*tuple(_d.values())))

</pallas_src>

<mosaic_0001>
#map = affine_map<(d0, d1) -> (0, 0, 0)>
#map1 = affine_map<(d0, d1) -> (0, 0)>
module attributes {stable_mosaic.version = 14 : i64} {
  func.func @_hop_call(%arg0: i32, %arg1: i32, %arg2: memref<32x126x80xi32, #tpu.memory_space<hbm>>, %arg3: memref<10240x128xf32, #tpu.memory_space<hbm>>, %arg4: memref<2x10240x128xf32, #tpu.memory_space<hbm>>, %arg5: memref<126x80xi32, #tpu.memory_space<vmem>>, %arg6: memref<3x80xi32, #tpu.memory_space<vmem>>, %arg7: memref<3x80xi32, #tpu.memory_space<vmem>>, %arg8: memref<80x128xf32, #tpu.memory_space<vmem>>, %arg9: memref<80x128xf32, #tpu.memory_space<vmem>>, %arg10: memref<80x128xf32, #tpu.memory_space<vmem>>, %arg11: memref<10112x128xf32, #tpu.memory_space<vmem_shared>>, %arg12: memref<!tpu.dma_semaphore, #tpu.memory_space<semaphore_mem>>, %arg13: memref<!tpu.dma_semaphore, #tpu.memory_space<semaphore_mem>>, %arg14: memref<!tpu.dma_semaphore, #tpu.memory_space<semaphore_mem>>, %arg15: memref<!tpu.dma_semaphore, #tpu.memory_space<semaphore_mem>>, %arg16: memref<!tpu.dma_semaphore, #tpu.memory_space<semaphore_mem>>, %arg17: memref<!tpu.dma_semaphore, #tpu.memory_space<semaphore_mem>>) attributes {dimension_semantics = [#tpu.dimension_semantics<core_parallel>, #tpu.dimension_semantics<subcore_parallel>], iteration_bounds = array<i64: 2, 16>, scalar_prefetch = 0 : i64, scratch_operands = 13 : i64, tpu.core_type = #tpu.core_type<sc_vector_subcore>, window_params = [{transform_indices = #map}, {transform_indices = #map1}, {transform_indices = #map}]} {
    %mul3A = arith.constant 16 : i32
    %mul3A_0 = arith.muli %arg0, %mul3A : i32
    %add3A = arith.addi %mul3A_0, %arg1 : i32
    "tpu.region"() ({
      %run_scoped3A = tpu.sem_alloc : memref<!tpu.dma_semaphore, #tpu.memory_space<semaphore_mem>>
      %dma_start3A_282 = arith.constant 0 : i32
      %dma_start3A_283 = arith.constant 0 : i32
      %dma_start3A_284 = tpu.memref_slice %arg2[%add3A, %dma_start3A_282, %dma_start3A_283] : memref<32x126x80xi32, #tpu.memory_space<hbm>> -> memref<1x126x80xi32, #tpu.memory_space<hbm>>
      %dma_start3A_285 = tpu.memref_squeeze %dma_start3A_284 : memref<1x126x80xi32, #tpu.memory_space<hbm>> -> memref<126x80xi32, #tpu.memory_space<hbm>>
      %dma_start3A_286 = arith.constant 0 : i32
      %dma_start3A_287 = arith.constant 0 : i32
      %dma_start3A_288 = tpu.memref_slice %arg2[%add3A, %dma_start3A_286, %dma_start3A_287] : memref<32x126x80xi32, #tpu.memory_space<hbm>> -> memref<1x126x80xi32, #tpu.memory_space<hbm>>
      %dma_start3A_289 = tpu.memref_squeeze %dma_start3A_288 : memref<1x126x80xi32, #tpu.memory_space<hbm>> -> memref<126x80xi32, #tpu.memory_space<hbm>>
      tpu.enqueue_dma source(%dma_start3A_289 : memref<126x80xi32, #tpu.memory_space<hbm>>) target(%arg5 : memref<126x80xi32, #tpu.memory_space<vmem>>) target_semaphore(%run_scoped3A : memref<!tpu.dma_semaphore, #tpu.memory_space<semaphore_mem>>)
      %dma_wait3A_290 = arith.constant 0 : i32
      %dma_wait3A_291 = arith.constant 0 : i32
      %dma_wait3A_292 = tpu.memref_slice %arg2[%add3A, %dma_wait3A_290, %dma_wait3A_291] : memref<32x126x80xi32, #tpu.memory_space<hbm>> -> memref<1x126x80xi32, #tpu.memory_space<hbm>>
      %dma_wait3A_293 = tpu.memref_squeeze %dma_wait3A_292 : memref<1x126x80xi32, #tpu.memory_space<hbm>> -> memref<126x80xi32, #tpu.memory_space<hbm>>
      %dma_wait3A_294 = arith.constant 0 : i32
      %dma_wait3A_295 = arith.constant 0 : i32
      %dma_wait3A_296 = tpu.memref_slice %arg2[%add3A, %dma_wait3A_294, %dma_wait3A_295] : memref<32x126x80xi32, #tpu.memory_space<hbm>> -> memref<1x126x80xi32, #tpu.memory_space<hbm>>
      %dma_wait3A_297 = tpu.memref_squeeze %dma_wait3A_296 : memref<1x126x80xi32, #tpu.memory_space<hbm>> -> memref<126x80xi32, #tpu.memory_space<hbm>>
      tpu.wait_dma2 semaphore(%run_scoped3A : memref<!tpu.dma_semaphore, #tpu.memory_space<semaphore_mem>>) src(%dma_wait3A_297 : memref<126x80xi32, #tpu.memory_space<hbm>>) dst(%arg5 : memref<126x80xi32, #tpu.memory_space<vmem>>)
      tpu.yield
    }) : () -> ()
    %scan3A = arith.constant 0 : i32
    %scan3A_1 = arith.constant 0 : i32
    %scan3A_2 = arith.constant 80 : i32
    %scan3A_3 = arith.addi %scan3A_1, %scan3A_2 : i32
    %scan3A_4 = arith.constant 1 : i32
    scf.for %scan3A_282 = %scan3A_1 to %scan3A_3 step %scan3A_4  : i32 {
      %scan3A_283 = arith.constant 0 : i32
      %scan3A_284 = arith.constant 8 : i32
      %scan3A_285 = arith.addi %scan3A_283, %scan3A_284 : i32
      %scan3A_286 = arith.constant 1 : i32
      scf.for %scan3A_288 = %scan3A_283 to %scan3A_285 step %scan3A_286  : i32 {
        %broadcast_in_dim3A = arith.constant 0.000000e+00 : f32
        %broadcast_in_dim3A_289 = vector.broadcast %broadcast_in_dim3A : f32 to vector<16xf32>
        %mul3A_290 = arith.constant 16 : i32
        %mul3A_291 = arith.muli %scan3A_288, %mul3A_290 : i32
        %swap3A_292 = arith.index_cast %scan3A_282 : i32 to index
        %swap3A_293 = arith.index_cast %mul3A_291 : i32 to index
        %swap3A_294 = tpu.vector_load %arg8[%swap3A_292, %swap3A_293] {strides = array<i32>} : memref<80x128xf32, #tpu.memory_space<vmem>>, vector<1x16xf32>,
        %swap3A_295 = vector.shape_cast %swap3A_294 : vector<1x16xf32> to vector<16xf32>
        %swap3A_296 = vector.shape_cast %broadcast_in_dim3A_289 : vector<16xf32> to vector<1x16xf32>
        tpu.vector_store %arg8[%swap3A_292, %swap3A_293], %swap3A_296 {strides = array<i32>} : memref<80x128xf32, #tpu.memory_space<vmem>>, vector<1x16xf32>,
      }
      %scan3A_287 = arith.constant 8 : i32
    }
    %scan3A_5 = arith.constant 80 : i32
    %mul3A_6 = arith.constant 632 : i32
    %mul3A_7 = arith.muli %arg1, %mul3A_6 : i32
    %add3A_8 = arith.constant 0 : i32
    %add3A_9 = arith.addi %mul3A_7, %add3A_8 : i32
    "tpu.region"() ({
      %run_scoped3A = tpu.sem_alloc : memref<!tpu.dma_semaphore, #tpu.memory_space<semaphore_mem>>
      %dma_start3A_282 = arith.constant 0 : i32
      %dma_start3A_283 = tpu.memref_slice %arg11[%add3A_9, %dma_start3A_282] : memref<10112x128xf32, #tpu.memory_space<vmem_shared>> -> memref<80x128xf32, #tpu.memory_space<vmem_shared>>
      %dma_start3A_284 = arith.constant 0 : i32
      %dma_start3A_285 = tpu.memref_slice %arg11[%add3A_9, %dma_start3A_284] : memref<10112x128xf32, #tpu.memory_space<vmem_shared>> -> memref<80x128xf32, #tpu.memory_space<vmem_shared>>
      tpu.enqueue_dma source(%arg8 : memref<80x128xf32, #tpu.memory_space<vmem>>) target(%dma_start3A_285 : memref<80x128xf32, #tpu.memory_space<vmem_shared>>) target_semaphore(%run_scoped3A : memref<!tpu.dma_semaphore, #tpu.memory_space<semaphore_mem>>)
      %dma_wait3A_286 = arith.constant 0 : i32
      %dma_wait3A_287 = tpu.memref_slice %arg11[%add3A_9, %dma_wait3A_286] : memref<10112x128xf32, #tpu.memory_space<vmem_shared>> -> memref<80x128xf32, #tpu.memory_space<vmem_shared>>
      %dma_wait3A_288 = arith.constant 0 : i32
      %dma_wait3A_289 = tpu.memref_slice %arg11[%add3A_9, %dma_wait3A_288] : memref<10112x128xf32, #tpu.memory_space<vmem_shared>> -> memref<80x128xf32, #tpu.memory_space<vmem_shared>>
      tpu.wait_dma2 semaphore(%run_scoped3A : memref<!tpu.dma_semaphore, #tpu.memory_space<semaphore_mem>>) src(%arg8 : memref<80x128xf32, #tpu.memory_space<vmem>>) dst(%dma_wait3A_289 : memref<80x128xf32, #tpu.memory_space<vmem_shared>>)
      tpu.yield
    }) : () -> ()
    %add3A_10 = arith.constant 80 : i32
    %add3A_11 = arith.addi %mul3A_7, %add3A_10 : i32
    "tpu.region"() ({
      %run_scoped3A = tpu.sem_alloc : memref<!tpu.dma_semaphore, #tpu.memory_space<semaphore_mem>>
      %dma_start3A_282 = arith.constant 0 : i32
      %dma_start3A_283 = tpu.memref_slice %arg11[%add3A_11, %dma_start3A_282] : memref<10112x128xf32, #tpu.memory_space<vmem_shared>> -> memref<80x128xf32, #tpu.memory_space<vmem_shared>>
      %dma_start3A_284 = arith.constant 0 : i32
      %dma_start3A_285 = tpu.memref_slice %arg11[%add3A_11, %dma_start3A_284] : memref<10112x128xf32, #tpu.memory_space<vmem_shared>> -> memref<80x128xf32, #tpu.memory_space<vmem_shared>>
      tpu.enqueue_dma source(%arg8 : memref<80x128xf32, #tpu.memory_space<vmem>>) target(%dma_start3A_285 : memref<80x128xf32, #tpu.memory_space<vmem_shared>>) target_semaphore(%run_scoped3A : memref<!tpu.dma_semaphore, #tpu.memory_space<semaphore_mem>>)
      %dma_wait3A_286 = arith.constant 0 : i32
      %dma_wait3A_287 = tpu.memref_slice %arg11[%add3A_11, %dma_wait3A_286] : memref<10112x128xf32, #tpu.memory_space<vmem_shared>> -> memref<80x128xf32, #tpu.memory_space<vmem_shared>>
      %dma_wait3A_288 = arith.constant 0 : i32
      %dma_wait3A_289 = tpu.memref_slice %arg11[%add3A_11, %dma_wait3A_288] : memref<10112x128xf32, #tpu.memory_space<vmem_shared>> -> memref<80x128xf32, #tpu.memory_space<vmem_shared>>
      tpu.wait_dma2 semaphore(%run_scoped3A : memref<!tpu.dma_semaphore, #tpu.memory_space<semaphore_mem>>) src(%arg8 : memref<80x128xf32, #tpu.memory_space<vmem>>) dst(%dma_wait3A_289 : memref<80x128xf32, #tpu.memory_space<vmem_shared>>)
      tpu.yield
    }) : () -> ()
    %add3A_12 = arith.constant 160 : i32
    %add3A_13 = arith.addi %mul3A_7, %add3A_12 : i32
    "tpu.region"() ({
      %run_scoped3A = tpu.sem_alloc : memref<!tpu.dma_semaphore, #tpu.memory_space<semaphore_mem>>
      %dma_start3A_282 = arith.constant 0 : i32
      %dma_start3A_283 = tpu.memref_slice %arg11[%add3A_13, %dma_start3A_282] : memref<10112x128xf32, #tpu.memory_space<vmem_shared>> -> memref<80x128xf32, #tpu.memory_space<vmem_shared>>
      %dma_start3A_284 = arith.constant 0 : i32
      %dma_start3A_285 = tpu.memref_slice %arg11[%add3A_13, %dma_start3A_284] : memref<10112x128xf32, #tpu.memory_space<vmem_shared>> -> memref<80x128xf32, #tpu.memory_space<vmem_shared>>
      tpu.enqueue_dma source(%arg8 : memref<80x128xf32, #tpu.memory_space<vmem>>) target(%dma_start3A_285 : memref<80x128xf32, #tpu.memory_space<vmem_shared>>) target_semaphore(%run_scoped3A : memref<!tpu.dma_semaphore, #tpu.memory_space<semaphore_mem>>)
      %dma_wait3A_286 = arith.constant 0 : i32
      %dma_wait3A_287 = tpu.memref_slice %arg11[%add3A_13, %dma_wait3A_286] : memref<10112x128xf32, #tpu.memory_space<vmem_shared>> -> memref<80x128xf32, #tpu.memory_space<vmem_shared>>
      %dma_wait3A_288 = arith.constant 0 : i32
      %dma_wait3A_289 = tpu.memref_slice %arg11[%add3A_13, %dma_wait3A_288] : memref<10112x128xf32, #tpu.memory_space<vmem_shared>> -> memref<80x128xf32, #tpu.memory_space<vmem_shared>>
      tpu.wait_dma2 semaphore(%run_scoped3A : memref<!tpu.dma_semaphore, #tpu.memory_space<semaphore_mem>>) src(%arg8 : memref<80x128xf32, #tpu.memory_space<vmem>>) dst(%dma_wait3A_289 : memref<80x128xf32, #tpu.memory_space<vmem_shared>>)
      tpu.yield
    }) : () -> ()
    %add3A_14 = arith.constant 240 : i32
    %add3A_15 = arith.addi %mul3A_7, %add3A_14 : i32
    "tpu.region"() ({
      %run_scoped3A = tpu.sem_alloc : memref<!tpu.dma_semaphore, #tpu.memory_space<semaphore_mem>>
      %dma_start3A_282 = arith.constant 0 : i32
      %dma_start3A_283 = tpu.memref_slice %arg11[%add3A_15, %dma_start3A_282] : memref<10112x128xf32, #tpu.memory_space<vmem_shared>> -> memref<80x128xf32, #tpu.memory_space<vmem_shared>>
      %dma_start3A_284 = arith.constant 0 : i32
      %dma_start3A_285 = tpu.memref_slice %arg11[%add3A_15, %dma_start3A_284] : memref<10112x128xf32, #tpu.memory_space<vmem_shared>> -> memref<80x128xf32, #tpu.memory_space<vmem_shared>>
      tpu.enqueue_dma source(%arg8 : memref<80x128xf32, #tpu.memory_space<vmem>>) target(%dma_start3A_285 : memref<80x128xf32, #tpu.memory_space<vmem_shared>>) target_semaphore(%run_scoped3A : memref<!tpu.dma_semaphore, #tpu.memory_space<semaphore_mem>>)
      %dma_wait3A_286 = arith.constant 0 : i32
      %dma_wait3A_287 = tpu.memref_slice %arg11[%add3A_15, %dma_wait3A_286] : memref<10112x128xf32, #tpu.memory_space<vmem_shared>> -> memref<80x128xf32, #tpu.memory_space<vmem_shared>>
      %dma_wait3A_288 = arith.constant 0 : i32
      %dma_wait3A_289 = tpu.memref_slice %arg11[%add3A_15, %dma_wait3A_288] : memref<10112x128xf32, #tpu.memory_space<vmem_shared>> -> memref<80x128xf32, #tpu.memory_space<vmem_shared>>
      tpu.wait_dma2 semaphore(%run_scoped3A : memref<!tpu.dma_semaphore, #tpu.memory_space<semaphore_mem>>) src(%arg8 : memref<80x128xf32, #tpu.memory_space<vmem>>) dst(%dma_wait3A_289 : memref<80x128xf32, #tpu.memory_space<vmem_shared>>)
      tpu.yield
    }) : () -> ()
    %add3A_16 = arith.constant 320 : i32
    %add3A_17 = arith.addi %mul3A_7, %add3A_16 : i32
    "tpu.region"() ({
      %run_scoped3A = tpu.sem_alloc : memref<!tpu.dma_semaphore, #tpu.memory_space<semaphore_mem>>
      %dma_start3A_282 = arith.constant 0 : i32
      %dma_start3A_283 = tpu.memref_slice %arg11[%add3A_17, %dma_start3A_282] : memref<10112x128xf32, #tpu.memory_space<vmem_shared>> -> memref<80x128xf32, #tpu.memory_space<vmem_shared>>
      %dma_start3A_284 = arith.constant 0 : i32
      %dma_start3A_285 = tpu.memref_slice %arg11[%add3A_17, %dma_start3A_284] : memref<10112x128xf32, #tpu.memory_space<vmem_shared>> -> memref<80x128xf32, #tpu.memory_space<vmem_shared>>
      tpu.enqueue_dma source(%arg8 : memref<80x128xf32, #tpu.memory_space<vmem>>) target(%dma_start3A_285 : memref<80x128xf32, #tpu.memory_space<vmem_shared>>) target_semaphore(%run_scoped3A : memref<!tpu.dma_semaphore, #tpu.memory_space<semaphore_mem>>)
      %dma_wait3A_286 = arith.constant 0 : i32
      %dma_wait3A_287 = tpu.memref_slice %arg11[%add3A_17, %dma_wait3A_286] : memref<10112x128xf32, #tpu.memory_space<vmem_shared>> -> memref<80x128xf32, #tpu.memory_space<vmem_shared>>
      %dma_wait3A_288 = arith.constant 0 : i32
      %dma_wait3A_289 = tpu.memref_slice %arg11[%add3A_17, %dma_wait3A_288] : memref<10112x128xf32, #tpu.memory_space<vmem_shared>> -> memref<80x128xf32, #tpu.memory_space<vmem_shared>>
      tpu.wait_dma2 semaphore(%run_scoped3A : memref<!tpu.dma_semaphore, #tpu.memory_space<semaphore_mem>>) src(%arg8 : memref<80x128xf32, #tpu.memory_space<vmem>>) dst(%dma_wait3A_289 : memref<80x128xf32, #tpu.memory_space<vmem_shared>>)
      tpu.yield
    }) : () -> ()
    %add3A_18 = arith.constant 400 : i32
    %add3A_19 = arith.addi %mul3A_7, %add3A_18 : i32
    "tpu.region"() ({
      %run_scoped3A = tpu.sem_alloc : memref<!tpu.dma_semaphore, #tpu.memory_space<semaphore_mem>>
      %dma_start3A_282 = arith.constant 0 : i32
      %dma_start3A_283 = tpu.memref_slice %arg11[%add3A_19, %dma_start3A_282] : memref<10112x128xf32, #tpu.memory_space<vmem_shared>> -> memref<80x128xf32, #tpu.memory_space<vmem_shared>>
      %dma_start3A_284 = arith.constant 0 : i32
      %dma_start3A_285 = tpu.memref_slice %arg11[%add3A_19, %dma_start3A_284] : memref<10112x128xf32, #tpu.memory_space<vmem_shared>> -> memref<80x128xf32, #tpu.memory_space<vmem_shared>>
      tpu.enqueue_dma source(%arg8 : memref<80x128xf32, #tpu.memory_space<vmem>>) target(%dma_start3A_285 : memref<80x128xf32, #tpu.memory_space<vmem_shared>>) target_semaphore(%run_scoped3A : memref<!tpu.dma_semaphore, #tpu.memory_space<semaphore_mem>>)
      %dma_wait3A_286 = arith.constant 0 : i32
      %dma_wait3A_287 = tpu.memref_slice %arg11[%add3A_19, %dma_wait3A_286] : memref<10112x128xf32, #tpu.memory_space<vmem_shared>> -> memref<80x128xf32, #tpu.memory_space<vmem_shared>>
      %dma_wait3A_288 = arith.constant 0 : i32
      %dma_wait3A_289 = tpu.memref_slice %arg11[%add3A_19, %dma_wait3A_288] : memref<10112x128xf32, #tpu.memory_space<vmem_shared>> -> memref<80x128xf32, #tpu.memory_space<vmem_shared>>
      tpu.wait_dma2 semaphore(%run_scoped3A : memref<!tpu.dma_semaphore, #tpu.memory_space<semaphore_mem>>) src(%arg8 : memref<80x128xf32, #tpu.memory_space<vmem>>) dst(%dma_wait3A_289 : memref<80x128xf32, #tpu.memory_space<vmem_shared>>)
      tpu.yield
    }) : () -> ()
    %add3A_20 = arith.constant 480 : i32
    %add3A_21 = arith.addi %mul3A_7, %add3A_20 : i32
    "tpu.region"() ({
      %run_scoped3A = tpu.sem_alloc : memref<!tpu.dma_semaphore, #tpu.memory_space<semaphore_mem>>
      %dma_start3A_282 = arith.constant 0 : i32
      %dma_start3A_283 = tpu.memref_slice %arg11[%add3A_21, %dma_start3A_282] : memref<10112x128xf32, #tpu.memory_space<vmem_shared>> -> memref<80x128xf32, #tpu.memory_space<vmem_shared>>
      %dma_start3A_284 = arith.constant 0 : i32
      %dma_start3A_285 = tpu.memref_slice %arg11[%add3A_21, %dma_start3A_284] : memref<10112x128xf32, #tpu.memory_space<vmem_shared>> -> memref<80x128xf32, #tpu.memory_space<vmem_shared>>
      tpu.enqueue_dma source(%arg8 : memref<80x128xf32, #tpu.memory_space<vmem>>) target(%dma_start3A_285 : memref<80x128xf32, #tpu.memory_space<vmem_shared>>) target_semaphore(%run_scoped3A : memref<!tpu.dma_semaphore, #tpu.memory_space<semaphore_mem>>)
      %dma_wait3A_286 = arith.constant 0 : i32
      %dma_wait3A_287 = tpu.memref_slice %arg11[%add3A_21, %dma_wait3A_286] : memref<10112x128xf32, #tpu.memory_space<vmem_shared>> -> memref<80x128xf32, #tpu.memory_space<vmem_shared>>
      %dma_wait3A_288 = arith.constant 0 : i32
      %dma_wait3A_289 = tpu.memref_slice %arg11[%add3A_21, %dma_wait3A_288] : memref<10112x128xf32, #tpu.memory_space<vmem_shared>> -> memref<80x128xf32, #tpu.memory_space<vmem_shared>>
      tpu.wait_dma2 semaphore(%run_scoped3A : memref<!tpu.dma_semaphore, #tpu.memory_space<semaphore_mem>>) src(%arg8 : memref<80x128xf32, #tpu.memory_space<vmem>>) dst(%dma_wait3A_289 : memref<80x128xf32, #tpu.memory_space<vmem_shared>>)
      tpu.yield
    }) : () -> ()
    %add3A_22 = arith.constant 560 : i32
    %add3A_23 = arith.addi %mul3A_7, %add3A_22 : i32
    "tpu.region"() ({
      %run_scoped3A = tpu.sem_alloc : memref<!tpu.dma_semaphore, #tpu.memory_space<semaphore_mem>>
      %dma_start3A_282 = arith.constant 0 : i32
      %dma_start3A_283 = arith.constant 0 : i32
      %dma_start3A_284 = tpu.memref_slice %arg8[%dma_start3A_282, %dma_start3A_283] : memref<80x128xf32, #tpu.memory_space<vmem>> -> memref<72x128xf32, #tpu.memory_space<vmem>>
      %dma_start3A_285 = arith.constant 0 : i32
      %dma_start3A_286 = tpu.memref_slice %arg11[%add3A_23, %dma_start3A_285] : memref<10112x128xf32, #tpu.memory_space<vmem_shared>> -> memref<72x128xf32, #tpu.memory_space<vmem_shared>>
      %dma_start3A_287 = arith.constant 0 : i32
      %dma_start3A_288 = tpu.memref_slice %arg11[%add3A_23, %dma_start3A_287] : memref<10112x128xf32, #tpu.memory_space<vmem_shared>> -> memref<72x128xf32, #tpu.memory_space<vmem_shared>>
      %dma_start3A_289 = arith.constant 0 : i32
      %dma_start3A_290 = arith.constant 0 : i32
      %dma_start3A_291 = tpu.memref_slice %arg8[%dma_start3A_289, %dma_start3A_290] : memref<80x128xf32, #tpu.memory_space<vmem>> -> memref<72x128xf32, #tpu.memory_space<vmem>>
      tpu.enqueue_dma source(%dma_start3A_291 : memref<72x128xf32, #tpu.memory_space<vmem>>) target(%dma_start3A_288 : memref<72x128xf32, #tpu.memory_space<vmem_shared>>) target_semaphore(%run_scoped3A : memref<!tpu.dma_semaphore, #tpu.memory_space<semaphore_mem>>)
      %dma_wait3A_292 = arith.constant 0 : i32
      %dma_wait3A_293 = arith.constant 0 : i32
      %dma_wait3A_294 = tpu.memref_slice %arg8[%dma_wait3A_292, %dma_wait3A_293] : memref<80x128xf32, #tpu.memory_space<vmem>> -> memref<72x128xf32, #tpu.memory_space<vmem>>
      %dma_wait3A_295 = arith.constant 0 : i32
      %dma_wait3A_296 = tpu.memref_slice %arg11[%add3A_23, %dma_wait3A_295] : memref<10112x128xf32, #tpu.memory_space<vmem_shared>> -> memref<72x128xf32, #tpu.memory_space<vmem_shared>>
      %dma_wait3A_297 = arith.constant 0 : i32
      %dma_wait3A_298 = tpu.memref_slice %arg11[%add3A_23, %dma_wait3A_297] : memref<10112x128xf32, #tpu.memory_space<vmem_shared>> -> memref<72x128xf32, #tpu.memory_space<vmem_shared>>
      %dma_wait3A_299 = arith.constant 0 : i32
      %dma_wait3A_300 = arith.constant 0 : i32
      %dma_wait3A_301 = tpu.memref_slice %arg8[%dma_wait3A_299, %dma_wait3A_300] : memref<80x128xf32, #tpu.memory_space<vmem>> -> memref<72x128xf32, #tpu.memory_space<vmem>>
      tpu.wait_dma2 semaphore(%run_scoped3A : memref<!tpu.dma_semaphore, #tpu.memory_space<semaphore_mem>>) src(%dma_wait3A_301 : memref<72x128xf32, #tpu.memory_space<vmem>>) dst(%dma_wait3A_298 : memref<72x128xf32, #tpu.memory_space<vmem_shared>>)
      tpu.yield
    }) : () -> ()
    %barrier3A = arith.constant 0 : index
    tpu.barrier barrier_id(%barrier3A)
    %get3A = arith.constant 0 : i32
    %get3A_24 = arith.index_cast %get3A : i32 to index
    %get3A_25 = arith.constant 0 : index
    %get3A_26 = tpu.vector_load %arg5[%get3A_24, %get3A_25] {strides = array<i32>} : memref<126x80xi32, #tpu.memory_space<vmem>>, vector<1x16xi32>,
    %get3A_27 = vector.shape_cast %get3A_26 : vector<1x16xi32> to vector<16xi32>
    %and3A = arith.constant 16383 : i32
    %and3A_28 = vector.broadcast %and3A : i32 to vector<16xi32>
    %and3A_29 = arith.andi %get3A_27, %and3A_28 : vector<16xi32>
    %swap3A = arith.constant 0 : i32
    %swap3A_30 = arith.index_cast %swap3A : i32 to index
    %swap3A_31 = arith.constant 0 : index
    %swap3A_32 = tpu.vector_load %arg7[%swap3A_30, %swap3A_31] {strides = array<i32>} : memref<3x80xi32, #tpu.memory_space<vmem>>, vector<1x16xi32>,
    %swap3A_33 = vector.shape_cast %swap3A_32 : vector<1x16xi32> to vector<16xi32>
    %swap3A_34 = vector.shape_cast %and3A_29 : vector<16xi32> to vector<1x16xi32>
    tpu.vector_store %arg7[%swap3A_30, %swap3A_31], %swap3A_34 {strides = array<i32>} : memref<3x80xi32, #tpu.memory_space<vmem>>, vector<1x16xi32>,
    %get3A_35 = arith.constant 0 : i32
    %get3A_36 = arith.index_cast %get3A_35 : i32 to index
    %get3A_37 = arith.constant 16 : index
    %get3A_38 = tpu.vector_load %arg5[%get3A_36, %get3A_37] {strides = array<i32>} : memref<126x80xi32, #tpu.memory_space<vmem>>, vector<1x16xi32>,
    %get3A_39 = vector.shape_cast %get3A_38 : vector<1x16xi32> to vector<16xi32>
    %and3A_40 = arith.constant 16383 : i32
    %and3A_41 = vector.broadcast %and3A_40 : i32 to vector<16xi32>
    %and3A_42 = arith.andi %get3A_39, %and3A_41 : vector<16xi32>
    %swap3A_43 = arith.constant 0 : i32
    %swap3A_44 = arith.index_cast %swap3A_43 : i32 to index
    %swap3A_45 = arith.constant 16 : index
    %swap3A_46 = tpu.vector_load %arg7[%swap3A_44, %swap3A_45] {strides = array<i32>} : memref<3x80xi32, #tpu.memory_space<vmem>>, vector<1x16xi32>,
    %swap3A_47 = vector.shape_cast %swap3A_46 : vector<1x16xi32> to vector<16xi32>
    %swap3A_48 = vector.shape_cast %and3A_42 : vector<16xi32> to vector<1x16xi32>
    tpu.vector_store %arg7[%swap3A_44, %swap3A_45], %swap3A_48 {strides = array<i32>} : memref<3x80xi32, #tpu.memory_space<vmem>>, vector<1x16xi32>,
    %get3A_49 = arith.constant 0 : i32
    %get3A_50 = arith.index_cast %get3A_49 : i32 to index
    %get3A_51 = arith.constant 32 : index
    %get3A_52 = tpu.vector_load %arg5[%get3A_50, %get3A_51] {strides = array<i32>} : memref<126x80xi32, #tpu.memory_space<vmem>>, vector<1x16xi32>,
    %get3A_53 = vector.shape_cast %get3A_52 : vector<1x16xi32> to vector<16xi32>
    %and3A_54 = arith.constant 16383 : i32
    %and3A_55 = vector.broadcast %and3A_54 : i32 to vector<16xi32>
    %and3A_56 = arith.andi %get3A_53, %and3A_55 : vector<16xi32>
    %swap3A_57 = arith.constant 0 : i32
    %swap3A_58 = arith.index_cast %swap3A_57 : i32 to index
    %swap3A_59 = arith.constant 32 : index
    %swap3A_60 = tpu.vector_load %arg7[%swap3A_58, %swap3A_59] {strides = array<i32>} : memref<3x80xi32, #tpu.memory_space<vmem>>, vector<1x16xi32>,
    %swap3A_61 = vector.shape_cast %swap3A_60 : vector<1x16xi32> to vector<16xi32>
    %swap3A_62 = vector.shape_cast %and3A_56 : vector<16xi32> to vector<1x16xi32>
    tpu.vector_store %arg7[%swap3A_58, %swap3A_59], %swap3A_62 {strides = array<i32>} : memref<3x80xi32, #tpu.memory_space<vmem>>, vector<1x16xi32>,
    %get3A_63 = arith.constant 0 : i32
    %get3A_64 = arith.index_cast %get3A_63 : i32 to index
    %get3A_65 = arith.constant 48 : index
    %get3A_66 = tpu.vector_load %arg5[%get3A_64, %get3A_65] {strides = array<i32>} : memref<126x80xi32, #tpu.memory_space<vmem>>, vector<1x16xi32>,
    %get3A_67 = vector.shape_cast %get3A_66 : vector<1x16xi32> to vector<16xi32>
    %and3A_68 = arith.constant 16383 : i32
    %and3A_69 = vector.broadcast %and3A_68 : i32 to vector<16xi32>
    %and3A_70 = arith.andi %get3A_67, %and3A_69 : vector<16xi32>
    %swap3A_71 = arith.constant 0 : i32
    %swap3A_72 = arith.index_cast %swap3A_71 : i32 to index
    %swap3A_73 = arith.constant 48 : index
    %swap3A_74 = tpu.vector_load %arg7[%swap3A_72, %swap3A_73] {strides = array<i32>} : memref<3x80xi32, #tpu.memory_space<vmem>>, vector<1x16xi32>,
    %swap3A_75 = vector.shape_cast %swap3A_74 : vector<1x16xi32> to vector<16xi32>
    %swap3A_76 = vector.shape_cast %and3A_70 : vector<16xi32> to vector<1x16xi32>
    tpu.vector_store %arg7[%swap3A_72, %swap3A_73], %swap3A_76 {strides = array<i32>} : memref<3x80xi32, #tpu.memory_space<vmem>>, vector<1x16xi32>,
    %get3A_77 = arith.constant 0 : i32
    %get3A_78 = arith.index_cast %get3A_77 : i32 to index
    %get3A_79 = arith.constant 64 : index
    %get3A_80 = tpu.vector_load %arg5[%get3A_78, %get3A_79] {strides = array<i32>} : memref<126x80xi32, #tpu.memory_space<vmem>>, vector<1x16xi32>,
    %get3A_81 = vector.shape_cast %get3A_80 : vector<1x16xi32> to vector<16xi32>
    %and3A_82 = arith.constant 16383 : i32
    %and3A_83 = vector.broadcast %and3A_82 : i32 to vector<16xi32>
    %and3A_84 = arith.andi %get3A_81, %and3A_83 : vector<16xi32>
    %swap3A_85 = arith.constant 0 : i32
    %swap3A_86 = arith.index_cast %swap3A_85 : i32 to index
    %swap3A_87 = arith.constant 64 : index
    %swap3A_88 = tpu.vector_load %arg7[%swap3A_86, %swap3A_87] {strides = array<i32>} : memref<3x80xi32, #tpu.memory_space<vmem>>, vector<1x16xi32>,
    %swap3A_89 = vector.shape_cast %swap3A_88 : vector<1x16xi32> to vector<16xi32>
    %swap3A_90 = vector.shape_cast %and3A_84 : vector<16xi32> to vector<1x16xi32>
    tpu.vector_store %arg7[%swap3A_86, %swap3A_87], %swap3A_90 {strides = array<i32>} : memref<3x80xi32, #tpu.memory_space<vmem>>, vector<1x16xi32>,
    %dma_start3A = arith.constant 0 : i32
    %dma_start3A_91 = arith.constant 0 : i32
    %dma_start3A_92 = tpu.memref_slice %arg7[%dma_start3A, %dma_start3A_91] : memref<3x80xi32, #tpu.memory_space<vmem>> -> memref<1x80xi32, #tpu.memory_space<vmem>>
    %dma_start3A_93 = tpu.memref_squeeze %dma_start3A_92 : memref<1x80xi32, #tpu.memory_space<vmem>> -> memref<80xi32, #tpu.memory_space<vmem>>
    %dma_start3A_94 = arith.constant 0 : i32
    %dma_start3A_95 = arith.constant 0 : i32
    %dma_start3A_96 = tpu.memref_slice %arg3[%dma_start3A_94, %dma_start3A_95] : memref<10240x128xf32, #tpu.memory_space<hbm>> -> memref<10240x128xf32, #tpu.memory_space<hbm>>
    tpu.enqueue_indirect_dma source(%dma_start3A_96 : memref<10240x128xf32, #tpu.memory_space<hbm>>) target(%arg8 : memref<80x128xf32, #tpu.memory_space<vmem>>) offsets(%dma_start3A_93 : memref<80xi32, #tpu.memory_space<vmem>>) semaphore(%arg12 : memref<!tpu.dma_semaphore, #tpu.memory_space<semaphore_mem>>)
    %get3A_97 = arith.constant 1 : i32
    %get3A_98 = arith.index_cast %get3A_97 : i32 to index
    %get3A_99 = arith.constant 0 : index
    %get3A_100 = tpu.vector_load %arg5[%get3A_98, %get3A_99] {strides = array<i32>} : memref<126x80xi32, #tpu.memory_space<vmem>>, vector<1x16xi32>,
    %get3A_101 = vector.shape_cast %get3A_100 : vector<1x16xi32> to vector<16xi32>
    %and3A_102 = arith.constant 16383 : i32
    %and3A_103 = vector.broadcast %and3A_102 : i32 to vector<16xi32>
    %and3A_104 = arith.andi %get3A_101, %and3A_103 : vector<16xi32>
    %swap3A_105 = arith.constant 1 : i32
    %swap3A_106 = arith.index_cast %swap3A_105 : i32 to index
    %swap3A_107 = arith.constant 0 : index
    %swap3A_108 = tpu.vector_load %arg7[%swap3A_106, %swap3A_107] {strides = array<i32>} : memref<3x80xi32, #tpu.memory_space<vmem>>, vector<1x16xi32>,
    %swap3A_109 = vector.shape_cast %swap3A_108 : vector<1x16xi32> to vector<16xi32>
    %swap3A_110 = vector.shape_cast %and3A_104 : vector<16xi32> to vector<1x16xi32>
    tpu.vector_store %arg7[%swap3A_106, %swap3A_107], %swap3A_110 {strides = array<i32>} : memref<3x80xi32, #tpu.memory_space<vmem>>, vector<1x16xi32>,
    %get3A_111 = arith.constant 1 : i32
    %get3A_112 = arith.index_cast %get3A_111 : i32 to index
    %get3A_113 = arith.constant 16 : index
    %get3A_114 = tpu.vector_load %arg5[%get3A_112, %get3A_113] {strides = array<i32>} : memref<126x80xi32, #tpu.memory_space<vmem>>, vector<1x16xi32>,
    %get3A_115 = vector.shape_cast %get3A_114 : vector<1x16xi32> to vector<16xi32>
    %and3A_116 = arith.constant 16383 : i32
    %and3A_117 = vector.broadcast %and3A_116 : i32 to vector<16xi32>
    %and3A_118 = arith.andi %get3A_115, %and3A_117 : vector<16xi32>
    %swap3A_119 = arith.constant 1 : i32
    %swap3A_120 = arith.index_cast %swap3A_119 : i32 to index
    %swap3A_121 = arith.constant 16 : index
    %swap3A_122 = tpu.vector_load %arg7[%swap3A_120, %swap3A_121] {strides = array<i32>} : memref<3x80xi32, #tpu.memory_space<vmem>>, vector<1x16xi32>,
    %swap3A_123 = vector.shape_cast %swap3A_122 : vector<1x16xi32> to vector<16xi32>
    %swap3A_124 = vector.shape_cast %and3A_118 : vector<16xi32> to vector<1x16xi32>
    tpu.vector_store %arg7[%swap3A_120, %swap3A_121], %swap3A_124 {strides = array<i32>} : memref<3x80xi32, #tpu.memory_space<vmem>>, vector<1x16xi32>,
    %get3A_125 = arith.constant 1 : i32
    %get3A_126 = arith.index_cast %get3A_125 : i32 to index
    %get3A_127 = arith.constant 32 : index
    %get3A_128 = tpu.vector_load %arg5[%get3A_126, %get3A_127] {strides = array<i32>} : memref<126x80xi32, #tpu.memory_space<vmem>>, vector<1x16xi32>,
    %get3A_129 = vector.shape_cast %get3A_128 : vector<1x16xi32> to vector<16xi32>
    %and3A_130 = arith.constant 16383 : i32
    %and3A_131 = vector.broadcast %and3A_130 : i32 to vector<16xi32>
    %and3A_132 = arith.andi %get3A_129, %and3A_131 : vector<16xi32>
    %swap3A_133 = arith.constant 1 : i32
    %swap3A_134 = arith.index_cast %swap3A_133 : i32 to index
    %swap3A_135 = arith.constant 32 : index
    %swap3A_136 = tpu.vector_load %arg7[%swap3A_134, %swap3A_135] {strides = array<i32>} : memref<3x80xi32, #tpu.memory_space<vmem>>, vector<1x16xi32>,
    %swap3A_137 = vector.shape_cast %swap3A_136 : vector<1x16xi32> to vector<16xi32>
    %swap3A_138 = vector.shape_cast %and3A_132 : vector<16xi32> to vector<1x16xi32>
    tpu.vector_store %arg7[%swap3A_134, %swap3A_135], %swap3A_138 {strides = array<i32>} : memref<3x80xi32, #tpu.memory_space<vmem>>, vector<1x16xi32>,
    %get3A_139 = arith.constant 1 : i32
    %get3A_140 = arith.index_cast %get3A_139 : i32 to index
    %get3A_141 = arith.constant 48 : index
    %get3A_142 = tpu.vector_load %arg5[%get3A_140, %get3A_141] {strides = array<i32>} : memref<126x80xi32, #tpu.memory_space<vmem>>, vector<1x16xi32>,
    %get3A_143 = vector.shape_cast %get3A_142 : vector<1x16xi32> to vector<16xi32>
    %and3A_144 = arith.constant 16383 : i32
    %and3A_145 = vector.broadcast %and3A_144 : i32 to vector<16xi32>
    %and3A_146 = arith.andi %get3A_143, %and3A_145 : vector<16xi32>
    %swap3A_147 = arith.constant 1 : i32
    %swap3A_148 = arith.index_cast %swap3A_147 : i32 to index
    %swap3A_149 = arith.constant 48 : index
    %swap3A_150 = tpu.vector_load %arg7[%swap3A_148, %swap3A_149] {strides = array<i32>} : memref<3x80xi32, #tpu.memory_space<vmem>>, vector<1x16xi32>,
    %swap3A_151 = vector.shape_cast %swap3A_150 : vector<1x16xi32> to vector<16xi32>
    %swap3A_152 = vector.shape_cast %and3A_146 : vector<16xi32> to vector<1x16xi32>
    tpu.vector_store %arg7[%swap3A_148, %swap3A_149], %swap3A_152 {strides = array<i32>} : memref<3x80xi32, #tpu.memory_space<vmem>>, vector<1x16xi32>,
    %get3A_153 = arith.constant 1 : i32
    %get3A_154 = arith.index_cast %get3A_153 : i32 to index
    %get3A_155 = arith.constant 64 : index
    %get3A_156 = tpu.vector_load %arg5[%get3A_154, %get3A_155] {strides = array<i32>} : memref<126x80xi32, #tpu.memory_space<vmem>>, vector<1x16xi32>,
    %get3A_157 = vector.shape_cast %get3A_156 : vector<1x16xi32> to vector<16xi32>
    %and3A_158 = arith.constant 16383 : i32
    %and3A_159 = vector.broadcast %and3A_158 : i32 to vector<16xi32>
    %and3A_160 = arith.andi %get3A_157, %and3A_159 : vector<16xi32>
    %swap3A_161 = arith.constant 1 : i32
    %swap3A_162 = arith.index_cast %swap3A_161 : i32 to index
    %swap3A_163 = arith.constant 64 : index
    %swap3A_164 = tpu.vector_load %arg7[%swap3A_162, %swap3A_163] {strides = array<i32>} : memref<3x80xi32, #tpu.memory_space<vmem>>, vector<1x16xi32>,
    %swap3A_165 = vector.shape_cast %swap3A_164 : vector<1x16xi32> to vector<16xi32>
    %swap3A_166 = vector.shape_cast %and3A_160 : vector<16xi32> to vector<1x16xi32>
    tpu.vector_store %arg7[%swap3A_162, %swap3A_163], %swap3A_166 {strides = array<i32>} : memref<3x80xi32, #tpu.memory_space<vmem>>, vector<1x16xi32>,
    %dma_start3A_167 = arith.constant 1 : i32
    %dma_start3A_168 = arith.constant 0 : i32
    %dma_start3A_169 = tpu.memref_slice %arg7[%dma_start3A_167, %dma_start3A_168] : memref<3x80xi32, #tpu.memory_space<vmem>> -> memref<1x80xi32, #tpu.memory_space<vmem>>
    %dma_start3A_170 = tpu.memref_squeeze %dma_start3A_169 : memref<1x80xi32, #tpu.memory_space<vmem>> -> memref<80xi32, #tpu.memory_space<vmem>>
    %dma_start3A_171 = arith.constant 0 : i32
    %dma_start3A_172 = arith.constant 0 : i32
    %dma_start3A_173 = tpu.memref_slice %arg3[%dma_start3A_171, %dma_start3A_172] : memref<10240x128xf32, #tpu.memory_space<hbm>> -> memref<10240x128xf32, #tpu.memory_space<hbm>>
    tpu.enqueue_indirect_dma source(%dma_start3A_173 : memref<10240x128xf32, #tpu.memory_space<hbm>>) target(%arg9 : memref<80x128xf32, #tpu.memory_space<vmem>>) offsets(%dma_start3A_170 : memref<80xi32, #tpu.memory_space<vmem>>) semaphore(%arg13 : memref<!tpu.dma_semaphore, #tpu.memory_space<semaphore_mem>>)
    %get3A_174 = arith.constant 2 : i32
    %get3A_175 = arith.index_cast %get3A_174 : i32 to index
    %get3A_176 = arith.constant 0 : index
    %get3A_177 = tpu.vector_load %arg5[%get3A_175, %get3A_176] {strides = array<i32>} : memref<126x80xi32, #tpu.memory_space<vmem>>, vector<1x16xi32>,
    %get3A_178 = vector.shape_cast %get3A_177 : vector<1x16xi32> to vector<16xi32>
    %and3A_179 = arith.constant 16383 : i32
    %and3A_180 = vector.broadcast %and3A_179 : i32 to vector<16xi32>
    %and3A_181 = arith.andi %get3A_178, %and3A_180 : vector<16xi32>
    %swap3A_182 = arith.constant 2 : i32
    %swap3A_183 = arith.index_cast %swap3A_182 : i32 to index
    %swap3A_184 = arith.constant 0 : index
    %swap3A_185 = tpu.vector_load %arg7[%swap3A_183, %swap3A_184] {strides = array<i32>} : memref<3x80xi32, #tpu.memory_space<vmem>>, vector<1x16xi32>,
    %swap3A_186 = vector.shape_cast %swap3A_185 : vector<1x16xi32> to vector<16xi32>
    %swap3A_187 = vector.shape_cast %and3A_181 : vector<16xi32> to vector<1x16xi32>
    tpu.vector_store %arg7[%swap3A_183, %swap3A_184], %swap3A_187 {strides = array<i32>} : memref<3x80xi32, #tpu.memory_space<vmem>>, vector<1x16xi32>,
    %get3A_188 = arith.constant 2 : i32
    %get3A_189 = arith.index_cast %get3A_188 : i32 to index
    %get3A_190 = arith.constant 16 : index
    %get3A_191 = tpu.vector_load %arg5[%get3A_189, %get3A_190] {strides = array<i32>} : memref<126x80xi32, #tpu.memory_space<vmem>>, vector<1x16xi32>,
    %get3A_192 = vector.shape_cast %get3A_191 : vector<1x16xi32> to vector<16xi32>
    %and3A_193 = arith.constant 16383 : i32
    %and3A_194 = vector.broadcast %and3A_193 : i32 to vector<16xi32>
    %and3A_195 = arith.andi %get3A_192, %and3A_194 : vector<16xi32>
    %swap3A_196 = arith.constant 2 : i32
    %swap3A_197 = arith.index_cast %swap3A_196 : i32 to index
    %swap3A_198 = arith.constant 16 : index
    %swap3A_199 = tpu.vector_load %arg7[%swap3A_197, %swap3A_198] {strides = array<i32>} : memref<3x80xi32, #tpu.memory_space<vmem>>, vector<1x16xi32>,
    %swap3A_200 = vector.shape_cast %swap3A_199 : vector<1x16xi32> to vector<16xi32>
    %swap3A_201 = vector.shape_cast %and3A_195 : vector<16xi32> to vector<1x16xi32>
    tpu.vector_store %arg7[%swap3A_197, %swap3A_198], %swap3A_201 {strides = array<i32>} : memref<3x80xi32, #tpu.memory_space<vmem>>, vector<1x16xi32>,
    %get3A_202 = arith.constant 2 : i32
    %get3A_203 = arith.index_cast %get3A_202 : i32 to index
    %get3A_204 = arith.constant 32 : index
    %get3A_205 = tpu.vector_load %arg5[%get3A_203, %get3A_204] {strides = array<i32>} : memref<126x80xi32, #tpu.memory_space<vmem>>, vector<1x16xi32>,
    %get3A_206 = vector.shape_cast %get3A_205 : vector<1x16xi32> to vector<16xi32>
    %and3A_207 = arith.constant 16383 : i32
    %and3A_208 = vector.broadcast %and3A_207 : i32 to vector<16xi32>
    %and3A_209 = arith.andi %get3A_206, %and3A_208 : vector<16xi32>
    %swap3A_210 = arith.constant 2 : i32
    %swap3A_211 = arith.index_cast %swap3A_210 : i32 to index
    %swap3A_212 = arith.constant 32 : index
    %swap3A_213 = tpu.vector_load %arg7[%swap3A_211, %swap3A_212] {strides = array<i32>} : memref<3x80xi32, #tpu.memory_space<vmem>>, vector<1x16xi32>,
    %swap3A_214 = vector.shape_cast %swap3A_213 : vector<1x16xi32> to vector<16xi32>
    %swap3A_215 = vector.shape_cast %and3A_209 : vector<16xi32> to vector<1x16xi32>
    tpu.vector_store %arg7[%swap3A_211, %swap3A_212], %swap3A_215 {strides = array<i32>} : memref<3x80xi32, #tpu.memory_space<vmem>>, vector<1x16xi32>,
    %get3A_216 = arith.constant 2 : i32
    %get3A_217 = arith.index_cast %get3A_216 : i32 to index
    %get3A_218 = arith.constant 48 : index
    %get3A_219 = tpu.vector_load %arg5[%get3A_217, %get3A_218] {strides = array<i32>} : memref<126x80xi32, #tpu.memory_space<vmem>>, vector<1x16xi32>,
    %get3A_220 = vector.shape_cast %get3A_219 : vector<1x16xi32> to vector<16xi32>
    %and3A_221 = arith.constant 16383 : i32
    %and3A_222 = vector.broadcast %and3A_221 : i32 to vector<16xi32>
    %and3A_223 = arith.andi %get3A_220, %and3A_222 : vector<16xi32>
    %swap3A_224 = arith.constant 2 : i32
    %swap3A_225 = arith.index_cast %swap3A_224 : i32 to index
    %swap3A_226 = arith.constant 48 : index
    %swap3A_227 = tpu.vector_load %arg7[%swap3A_225, %swap3A_226] {strides = array<i32>} : memref<3x80xi32, #tpu.memory_space<vmem>>, vector<1x16xi32>,
    %swap3A_228 = vector.shape_cast %swap3A_227 : vector<1x16xi32> to vector<16xi32>
    %swap3A_229 = vector.shape_cast %and3A_223 : vector<16xi32> to vector<1x16xi32>
    tpu.vector_store %arg7[%swap3A_225, %swap3A_226], %swap3A_229 {strides = array<i32>} : memref<3x80xi32, #tpu.memory_space<vmem>>, vector<1x16xi32>,
    %get3A_230 = arith.constant 2 : i32
    %get3A_231 = arith.index_cast %get3A_230 : i32 to index
    %get3A_232 = arith.constant 64 : index
    %get3A_233 = tpu.vector_load %arg5[%get3A_231, %get3A_232] {strides = array<i32>} : memref<126x80xi32, #tpu.memory_space<vmem>>, vector<1x16xi32>,
    %get3A_234 = vector.shape_cast %get3A_233 : vector<1x16xi32> to vector<16xi32>
    %and3A_235 = arith.constant 16383 : i32
    %and3A_236 = vector.broadcast %and3A_235 : i32 to vector<16xi32>
    %and3A_237 = arith.andi %get3A_234, %and3A_236 : vector<16xi32>
    %swap3A_238 = arith.constant 2 : i32
    %swap3A_239 = arith.index_cast %swap3A_238 : i32 to index
    %swap3A_240 = arith.constant 64 : index
    %swap3A_241 = tpu.vector_load %arg7[%swap3A_239, %swap3A_240] {strides = array<i32>} : memref<3x80xi32, #tpu.memory_space<vmem>>, vector<1x16xi32>,
    %swap3A_242 = vector.shape_cast %swap3A_241 : vector<1x16xi32> to vector<16xi32>
    %swap3A_243 = vector.shape_cast %and3A_237 : vector<16xi32> to vector<1x16xi32>
    tpu.vector_store %arg7[%swap3A_239, %swap3A_240], %swap3A_243 {strides = array<i32>} : memref<3x80xi32, #tpu.memory_space<vmem>>, vector<1x16xi32>,
    %dma_start3A_244 = arith.constant 2 : i32
    %dma_start3A_245 = arith.constant 0 : i32
    %dma_start3A_246 = tpu.memref_slice %arg7[%dma_start3A_244, %dma_start3A_245] : memref<3x80xi32, #tpu.memory_space<vmem>> -> memref<1x80xi32, #tpu.memory_space<vmem>>
    %dma_start3A_247 = tpu.memref_squeeze %dma_start3A_246 : memref<1x80xi32, #tpu.memory_space<vmem>> -> memref<80xi32, #tpu.memory_space<vmem>>
    %dma_start3A_248 = arith.constant 0 : i32
    %dma_start3A_249 = arith.constant 0 : i32
    %dma_start3A_250 = tpu.memref_slice %arg3[%dma_start3A_248, %dma_start3A_249] : memref<10240x128xf32, #tpu.memory_space<hbm>> -> memref<10240x128xf32, #tpu.memory_space<hbm>>
    tpu.enqueue_indirect_dma source(%dma_start3A_250 : memref<10240x128xf32, #tpu.memory_space<hbm>>) target(%arg10 : memref<80x128xf32, #tpu.memory_space<vmem>>) offsets(%dma_start3A_247 : memref<80xi32, #tpu.memory_space<vmem>>) semaphore(%arg14 : memref<!tpu.dma_semaphore, #tpu.memory_space<semaphore_mem>>)
    %scan3A_251 = arith.constant 0 : i32
    %scan3A_252 = arith.constant 0 : i32
    %scan3A_253 = arith.constant 42 : i32
    %scan3A_254 = arith.addi %scan3A_252, %scan3A_253 : i32
    %scan3A_255 = arith.constant 1 : i32
    scf.for %scan3A_282 = %scan3A_252 to %scan3A_254 step %scan3A_255  : i32 {
      %mul3A_283 = arith.constant 3 : i32
      %mul3A_284 = arith.muli %scan3A_282, %mul3A_283 : i32
      %add3A_285 = arith.constant 0 : i32
      %add3A_286 = arith.addi %mul3A_284, %add3A_285 : i32
      %dma_wait3A_287 = arith.constant 0 : i32
      %dma_wait3A_288 = arith.constant 0 : i32
      %dma_wait3A_289 = tpu.memref_slice %arg7[%dma_wait3A_287, %dma_wait3A_288] : memref<3x80xi32, #tpu.memory_space<vmem>> -> memref<1x80xi32, #tpu.memory_space<vmem>>
      %dma_wait3A_290 = tpu.memref_squeeze %dma_wait3A_289 : memref<1x80xi32, #tpu.memory_space<vmem>> -> memref<80xi32, #tpu.memory_space<vmem>>
      %dma_wait3A_291 = arith.constant 0 : i32
      %dma_wait3A_292 = arith.constant 0 : i32
      %dma_wait3A_293 = tpu.memref_slice %arg3[%dma_wait3A_291, %dma_wait3A_292] : memref<10240x128xf32, #tpu.memory_space<hbm>> -> memref<10240x128xf32, #tpu.memory_space<hbm>>
      tpu.wait_indirect_dma semaphore(%arg12 : memref<!tpu.dma_semaphore, #tpu.memory_space<semaphore_mem>>) src(%dma_wait3A_293 : memref<10240x128xf32, #tpu.memory_space<hbm>>) dst(%arg8 : memref<80x128xf32, #tpu.memory_space<vmem>>)
      %get3A_294 = arith.index_cast %add3A_286 : i32 to index
      %get3A_295 = arith.constant 0 : index
      %get3A_296 = tpu.vector_load %arg5[%get3A_294, %get3A_295] {strides = array<i32>} : memref<126x80xi32, #tpu.memory_space<vmem>>, vector<1x16xi32>,
      %get3A_297 = vector.shape_cast %get3A_296 : vector<1x16xi32> to vector<16xi32>
      %shift_right_logical3A = arith.constant 14 : i32
      %shift_right_logical3A_298 = vector.broadcast %shift_right_logical3A : i32 to vector<16xi32>
      %shift_right_logical3A_299 = arith.shrui %get3A_297, %shift_right_logical3A_298 : vector<16xi32>
      %swap3A_300 = arith.constant 0 : i32
      %swap3A_301 = arith.index_cast %swap3A_300 : i32 to index
      %swap3A_302 = arith.constant 0 : index
      %swap3A_303 = tpu.vector_load %arg6[%swap3A_301, %swap3A_302] {strides = array<i32>} : memref<3x80xi32, #tpu.memory_space<vmem>>, vector<1x16xi32>,
      %swap3A_304 = vector.shape_cast %swap3A_303 : vector<1x16xi32> to vector<16xi32>
      %swap3A_305 = vector.shape_cast %shift_right_logical3A_299 : vector<16xi32> to vector<1x16xi32>
      tpu.vector_store %arg6[%swap3A_301, %swap3A_302], %swap3A_305 {strides = array<i32>} : memref<3x80xi32, #tpu.memory_space<vmem>>, vector<1x16xi32>,
      %get3A_306 = arith.index_cast %add3A_286 : i32 to index
      %get3A_307 = arith.constant 16 : index
      %get3A_308 = tpu.vector_load %arg5[%get3A_306, %get3A_307] {strides = array<i32>} : memref<126x80xi32, #tpu.memory_space<vmem>>, vector<1x16xi32>,
      %get3A_309 = vector.shape_cast %get3A_308 : vector<1x16xi32> to vector<16xi32>
      %shift_right_logical3A_310 = arith.constant 14 : i32
      %shift_right_logical3A_311 = vector.broadcast %shift_right_logical3A_310 : i32 to vector<16xi32>
      %shift_right_logical3A_312 = arith.shrui %get3A_309, %shift_right_logical3A_311 : vector<16xi32>
      %swap3A_313 = arith.constant 0 : i32
      %swap3A_314 = arith.index_cast %swap3A_313 : i32 to index
      %swap3A_315 = arith.constant 16 : index
      %swap3A_316 = tpu.vector_load %arg6[%swap3A_314, %swap3A_315] {strides = array<i32>} : memref<3x80xi32, #tpu.memory_space<vmem>>, vector<1x16xi32>,
      %swap3A_317 = vector.shape_cast %swap3A_316 : vector<1x16xi32> to vector<16xi32>
      %swap3A_318 = vector.shape_cast %shift_right_logical3A_312 : vector<16xi32> to vector<1x16xi32>
      tpu.vector_store %arg6[%swap3A_314, %swap3A_315], %swap3A_318 {strides = array<i32>} : memref<3x80xi32, #tpu.memory_space<vmem>>, vector<1x16xi32>,
      %get3A_319 = arith.index_cast %add3A_286 : i32 to index
      %get3A_320 = arith.constant 32 : index
      %get3A_321 = tpu.vector_load %arg5[%get3A_319, %get3A_320] {strides = array<i32>} : memref<126x80xi32, #tpu.memory_space<vmem>>, vector<1x16xi32>,
      %get3A_322 = vector.shape_cast %get3A_321 : vector<1x16xi32> to vector<16xi32>
      %shift_right_logical3A_323 = arith.constant 14 : i32
      %shift_right_logical3A_324 = vector.broadcast %shift_right_logical3A_323 : i32 to vector<16xi32>
      %shift_right_logical3A_325 = arith.shrui %get3A_322, %shift_right_logical3A_324 : vector<16xi32>
      %swap3A_326 = arith.constant 0 : i32
      %swap3A_327 = arith.index_cast %swap3A_326 : i32 to index
      %swap3A_328 = arith.constant 32 : index
      %swap3A_329 = tpu.vector_load %arg6[%swap3A_327, %swap3A_328] {strides = array<i32>} : memref<3x80xi32, #tpu.memory_space<vmem>>, vector<1x16xi32>,
      %swap3A_330 = vector.shape_cast %swap3A_329 : vector<1x16xi32> to vector<16xi32>
      %swap3A_331 = vector.shape_cast %shift_right_logical3A_325 : vector<16xi32> to vector<1x16xi32>
      tpu.vector_store %arg6[%swap3A_327, %swap3A_328], %swap3A_331 {strides = array<i32>} : memref<3x80xi32, #tpu.memory_space<vmem>>, vector<1x16xi32>,
      %get3A_332 = arith.index_cast %add3A_286 : i32 to index
      %get3A_333 = arith.constant 48 : index
      %get3A_334 = tpu.vector_load %arg5[%get3A_332, %get3A_333] {strides = array<i32>} : memref<126x80xi32, #tpu.memory_space<vmem>>, vector<1x16xi32>,
      %get3A_335 = vector.shape_cast %get3A_334 : vector<1x16xi32> to vector<16xi32>
      %shift_right_logical3A_336 = arith.constant 14 : i32
      %shift_right_logical3A_337 = vector.broadcast %shift_right_logical3A_336 : i32 to vector<16xi32>
      %shift_right_logical3A_338 = arith.shrui %get3A_335, %shift_right_logical3A_337 : vector<16xi32>
      %swap3A_339 = arith.constant 0 : i32
      %swap3A_340 = arith.index_cast %swap3A_339 : i32 to index
      %swap3A_341 = arith.constant 48 : index
      %swap3A_342 = tpu.vector_load %arg6[%swap3A_340, %swap3A_341] {strides = array<i32>} : memref<3x80xi32, #tpu.memory_space<vmem>>, vector<1x16xi32>,
      %swap3A_343 = vector.shape_cast %swap3A_342 : vector<1x16xi32> to vector<16xi32>
      %swap3A_344 = vector.shape_cast %shift_right_logical3A_338 : vector<16xi32> to vector<1x16xi32>
      tpu.vector_store %arg6[%swap3A_340, %swap3A_341], %swap3A_344 {strides = array<i32>} : memref<3x80xi32, #tpu.memory_space<vmem>>, vector<1x16xi32>,
      %get3A_345 = arith.index_cast %add3A_286 : i32 to index
      %get3A_346 = arith.constant 64 : index
      %get3A_347 = tpu.vector_load %arg5[%get3A_345, %get3A_346] {strides = array<i32>} : memref<126x80xi32, #tpu.memory_space<vmem>>, vector<1x16xi32>,
      %get3A_348 = vector.shape_cast %get3A_347 : vector<1x16xi32> to vector<16xi32>
      %shift_right_logical3A_349 = arith.constant 14 : i32
      %shift_right_logical3A_350 = vector.broadcast %shift_right_logical3A_349 : i32 to vector<16xi32>
      %shift_right_logical3A_351 = arith.shrui %get3A_348, %shift_right_logical3A_350 : vector<16xi32>
      %swap3A_352 = arith.constant 0 : i32
      %swap3A_353 = arith.index_cast %swap3A_352 : i32 to index
      %swap3A_354 = arith.constant 64 : index
      %swap3A_355 = tpu.vector_load %arg6[%swap3A_353, %swap3A_354] {strides = array<i32>} : memref<3x80xi32, #tpu.memory_space<vmem>>, vector<1x16xi32>,
      %swap3A_356 = vector.shape_cast %swap3A_355 : vector<1x16xi32> to vector<16xi32>
      %swap3A_357 = vector.shape_cast %shift_right_logical3A_351 : vector<16xi32> to vector<1x16xi32>
      tpu.vector_store %arg6[%swap3A_353, %swap3A_354], %swap3A_357 {strides = array<i32>} : memref<3x80xi32, #tpu.memory_space<vmem>>, vector<1x16xi32>,
      %dma_start3A_358 = arith.constant 0 : i32
      %dma_start3A_359 = arith.constant 0 : i32
      %dma_start3A_360 = tpu.memref_slice %arg6[%dma_start3A_358, %dma_start3A_359] : memref<3x80xi32, #tpu.memory_space<vmem>> -> memref<1x80xi32, #tpu.memory_space<vmem>>
      %dma_start3A_361 = tpu.memref_squeeze %dma_start3A_360 : memref<1x80xi32, #tpu.memory_space<vmem>> -> memref<80xi32, #tpu.memory_space<vmem>>
      %dma_start3A_362 = arith.constant 0 : i32
      %dma_start3A_363 = arith.constant 0 : i32
      %dma_start3A_364 = tpu.memref_slice %arg11[%dma_start3A_362, %dma_start3A_363] : memref<10112x128xf32, #tpu.memory_space<vmem_shared>> -> memref<10112x128xf32, #tpu.memory_space<vmem_shared>>
      tpu.enqueue_indirect_dma source(%arg8 : memref<80x128xf32, #tpu.memory_space<vmem>>) target(%dma_start3A_364 : memref<10112x128xf32, #tpu.memory_space<vmem_shared>>) offsets(%dma_start3A_361 : memref<80xi32, #tpu.memory_space<vmem>>) semaphore(%arg15 : memref<!tpu.dma_semaphore, #tpu.memory_space<semaphore_mem>>) {add = true}
      %add3A_365 = arith.constant 3 : i32
      %add3A_366 = arith.addi %add3A_286, %add3A_365 : i32
      %sub3A = arith.constant 1 : i32
      %sub3A_367 = arith.subi %add3A_366, %sub3A : i32
      %lt3A = arith.constant 126 : i32
      %lt3A_368 = arith.cmpi slt, %sub3A_367, %lt3A : i32
      %ge3A = arith.constant 3 : i32
      %ge3A_369 = arith.cmpi sge, %sub3A_367, %ge3A : i32
      %and3A_370 = arith.andi %lt3A_368, %ge3A_369 : i1
      %convert_element_type3A = arith.extui %and3A_370 : i1 to i32
      %cond3A = arith.constant 0 : i32
      %cond3A_371 = arith.cmpi ne, %convert_element_type3A, %cond3A : i32
      scf.if %cond3A_371 {
        %dma_wait3A_558 = arith.constant 2 : i32
        %dma_wait3A_559 = arith.constant 0 : i32
        %dma_wait3A_560 = tpu.memref_slice %arg6[%dma_wait3A_558, %dma_wait3A_559] : memref<3x80xi32, #tpu.memory_space<vmem>> -> memref<1x80xi32, #tpu.memory_space<vmem>>
        %dma_wait3A_561 = tpu.memref_squeeze %dma_wait3A_560 : memref<1x80xi32, #tpu.memory_space<vmem>> -> memref<80xi32, #tpu.memory_space<vmem>>
        %dma_wait3A_562 = arith.constant 0 : i32
        %dma_wait3A_563 = arith.constant 0 : i32
        %dma_wait3A_564 = tpu.memref_slice %arg11[%dma_wait3A_562, %dma_wait3A_563] : memref<10112x128xf32, #tpu.memory_space<vmem_shared>> -> memref<10112x128xf32, #tpu.memory_space<vmem_shared>>
        tpu.wait_indirect_dma semaphore(%arg17 : memref<!tpu.dma_semaphore, #tpu.memory_space<semaphore_mem>>) src(%arg10 : memref<80x128xf32, #tpu.memory_space<vmem>>) dst(%dma_wait3A_564 : memref<10112x128xf32, #tpu.memory_space<vmem_shared>>)
        %get3A_565 = arith.index_cast %sub3A_367 : i32 to index
        %get3A_566 = arith.constant 0 : index
        %get3A_567 = tpu.vector_load %arg5[%get3A_565, %get3A_566] {strides = array<i32>} : memref<126x80xi32, #tpu.memory_space<vmem>>, vector<1x16xi32>,
        %get3A_568 = vector.shape_cast %get3A_567 : vector<1x16xi32> to vector<16xi32>
        %and3A_569 = arith.constant 16383 : i32
        %and3A_570 = vector.broadcast %and3A_569 : i32 to vector<16xi32>
        %and3A_571 = arith.andi %get3A_568, %and3A_570 : vector<16xi32>
        %swap3A_572 = arith.constant 2 : i32
        %swap3A_573 = arith.index_cast %swap3A_572 : i32 to index
        %swap3A_574 = arith.constant 0 : index
        %swap3A_575 = tpu.vector_load %arg7[%swap3A_573, %swap3A_574] {strides = array<i32>} : memref<3x80xi32, #tpu.memory_space<vmem>>, vector<1x16xi32>,
        %swap3A_576 = vector.shape_cast %swap3A_575 : vector<1x16xi32> to vector<16xi32>
        %swap3A_577 = vector.shape_cast %and3A_571 : vector<16xi32> to vector<1x16xi32>
        tpu.vector_store %arg7[%swap3A_573, %swap3A_574], %swap3A_577 {strides = array<i32>} : memref<3x80xi32, #tpu.memory_space<vmem>>, vector<1x16xi32>,
        %get3A_578 = arith.index_cast %sub3A_367 : i32 to index
        %get3A_579 = arith.constant 16 : index
        %get3A_580 = tpu.vector_load %arg5[%get3A_578, %get3A_579] {strides = array<i32>} : memref<126x80xi32, #tpu.memory_space<vmem>>, vector<1x16xi32>,
        %get3A_581 = vector.shape_cast %get3A_580 : vector<1x16xi32> to vector<16xi32>
        %and3A_582 = arith.constant 16383 : i32
        %and3A_583 = vector.broadcast %and3A_582 : i32 to vector<16xi32>
        %and3A_584 = arith.andi %get3A_581, %and3A_583 : vector<16xi32>
        %swap3A_585 = arith.constant 2 : i32
        %swap3A_586 = arith.index_cast %swap3A_585 : i32 to index
        %swap3A_587 = arith.constant 16 : index
        %swap3A_588 = tpu.vector_load %arg7[%swap3A_586, %swap3A_587] {strides = array<i32>} : memref<3x80xi32, #tpu.memory_space<vmem>>, vector<1x16xi32>,
        %swap3A_589 = vector.shape_cast %swap3A_588 : vector<1x16xi32> to vector<16xi32>
        %swap3A_590 = vector.shape_cast %and3A_584 : vector<16xi32> to vector<1x16xi32>
        tpu.vector_store %arg7[%swap3A_586, %swap3A_587], %swap3A_590 {strides = array<i32>} : memref<3x80xi32, #tpu.memory_space<vmem>>, vector<1x16xi32>,
        %get3A_591 = arith.index_cast %sub3A_367 : i32 to index
        %get3A_592 = arith.constant 32 : index
        %get3A_593 = tpu.vector_load %arg5[%get3A_591, %get3A_592] {strides = array<i32>} : memref<126x80xi32, #tpu.memory_space<vmem>>, vector<1x16xi32>,
        %get3A_594 = vector.shape_cast %get3A_593 : vector<1x16xi32> to vector<16xi32>
        %and3A_595 = arith.constant 16383 : i32
        %and3A_596 = vector.broadcast %and3A_595 : i32 to vector<16xi32>
        %and3A_597 = arith.andi %get3A_594, %and3A_596 : vector<16xi32>
        %swap3A_598 = arith.constant 2 : i32
        %swap3A_599 = arith.index_cast %swap3A_598 : i32 to index
        %swap3A_600 = arith.constant 32 : index
        %swap3A_601 = tpu.vector_load %arg7[%swap3A_599, %swap3A_600] {strides = array<i32>} : memref<3x80xi32, #tpu.memory_space<vmem>>, vector<1x16xi32>,
        %swap3A_602 = vector.shape_cast %swap3A_601 : vector<1x16xi32> to vector<16xi32>
        %swap3A_603 = vector.shape_cast %and3A_597 : vector<16xi32> to vector<1x16xi32>
        tpu.vector_store %arg7[%swap3A_599, %swap3A_600], %swap3A_603 {strides = array<i32>} : memref<3x80xi32, #tpu.memory_space<vmem>>, vector<1x16xi32>,
        %get3A_604 = arith.index_cast %sub3A_367 : i32 to index
        %get3A_605 = arith.constant 48 : index
        %get3A_606 = tpu.vector_load %arg5[%get3A_604, %get3A_605] {strides = array<i32>} : memref<126x80xi32, #tpu.memory_space<vmem>>, vector<1x16xi32>,
        %get3A_607 = vector.shape_cast %get3A_606 : vector<1x16xi32> to vector<16xi32>
        %and3A_608 = arith.constant 16383 : i32
        %and3A_609 = vector.broadcast %and3A_608 : i32 to vector<16xi32>
        %and3A_610 = arith.andi %get3A_607, %and3A_609 : vector<16xi32>
        %swap3A_611 = arith.constant 2 : i32
        %swap3A_612 = arith.index_cast %swap3A_611 : i32 to index
        %swap3A_613 = arith.constant 48 : index
        %swap3A_614 = tpu.vector_load %arg7[%swap3A_612, %swap3A_613] {strides = array<i32>} : memref<3x80xi32, #tpu.memory_space<vmem>>, vector<1x16xi32>,
        %swap3A_615 = vector.shape_cast %swap3A_614 : vector<1x16xi32> to vector<16xi32>
        %swap3A_616 = vector.shape_cast %and3A_610 : vector<16xi32> to vector<1x16xi32>
        tpu.vector_store %arg7[%swap3A_612, %swap3A_613], %swap3A_616 {strides = array<i32>} : memref<3x80xi32, #tpu.memory_space<vmem>>, vector<1x16xi32>,
        %get3A_617 = arith.index_cast %sub3A_367 : i32 to index
        %get3A_618 = arith.constant 64 : index
        %get3A_619 = tpu.vector_load %arg5[%get3A_617, %get3A_618] {strides = array<i32>} : memref<126x80xi32, #tpu.memory_space<vmem>>, vector<1x16xi32>,
        %get3A_620 = vector.shape_cast %get3A_619 : vector<1x16xi32> to vector<16xi32>
        %and3A_621 = arith.constant 16383 : i32
        %and3A_622 = vector.broadcast %and3A_621 : i32 to vector<16xi32>
        %and3A_623 = arith.andi %get3A_620, %and3A_622 : vector<16xi32>
        %swap3A_624 = arith.constant 2 : i32
        %swap3A_625 = arith.index_cast %swap3A_624 : i32 to index
        %swap3A_626 = arith.constant 64 : index
        %swap3A_627 = tpu.vector_load %arg7[%swap3A_625, %swap3A_626] {strides = array<i32>} : memref<3x80xi32, #tpu.memory_space<vmem>>, vector<1x16xi32>,
        %swap3A_628 = vector.shape_cast %swap3A_627 : vector<1x16xi32> to vector<16xi32>
        %swap3A_629 = vector.shape_cast %and3A_623 : vector<16xi32> to vector<1x16xi32>
        tpu.vector_store %arg7[%swap3A_625, %swap3A_626], %swap3A_629 {strides = array<i32>} : memref<3x80xi32, #tpu.memory_space<vmem>>, vector<1x16xi32>,
        %dma_start3A_630 = arith.constant 2 : i32
        %dma_start3A_631 = arith.constant 0 : i32
        %dma_start3A_632 = tpu.memref_slice %arg7[%dma_start3A_630, %dma_start3A_631] : memref<3x80xi32, #tpu.memory_space<vmem>> -> memref<1x80xi32, #tpu.memory_space<vmem>>
        %dma_start3A_633 = tpu.memref_squeeze %dma_start3A_632 : memref<1x80xi32, #tpu.memory_space<vmem>> -> memref<80xi32, #tpu.memory_space<vmem>>
        %dma_start3A_634 = arith.constant 0 : i32
        %dma_start3A_635 = arith.constant 0 : i32
        %dma_start3A_636 = tpu.memref_slice %arg3[%dma_start3A_634, %dma_start3A_635] : memref<10240x128xf32, #tpu.memory_space<hbm>> -> memref<10240x128xf32, #tpu.memory_space<hbm>>
        tpu.enqueue_indirect_dma source(%dma_start3A_636 : memref<10240x128xf32, #tpu.memory_space<hbm>>) target(%arg10 : memref<80x128xf32, #tpu.memory_space<vmem>>) offsets(%dma_start3A_633 : memref<80xi32, #tpu.memory_space<vmem>>) semaphore(%arg14 : memref<!tpu.dma_semaphore, #tpu.memory_space<semaphore_mem>>)
      } else {
      }
      %add3A_372 = arith.constant 1 : i32
      %add3A_373 = arith.addi %mul3A_284, %add3A_372 : i32
      %dma_wait3A_374 = arith.constant 1 : i32
      %dma_wait3A_375 = arith.constant 0 : i32
      %dma_wait3A_376 = tpu.memref_slice %arg7[%dma_wait3A_374, %dma_wait3A_375] : memref<3x80xi32, #tpu.memory_space<vmem>> -> memref<1x80xi32, #tpu.memory_space<vmem>>
      %dma_wait3A_377 = tpu.memref_squeeze %dma_wait3A_376 : memref<1x80xi32, #tpu.memory_space<vmem>> -> memref<80xi32, #tpu.memory_space<vmem>>
      %dma_wait3A_378 = arith.constant 0 : i32
      %dma_wait3A_379 = arith.constant 0 : i32
      %dma_wait3A_380 = tpu.memref_slice %arg3[%dma_wait3A_378, %dma_wait3A_379] : memref<10240x128xf32, #tpu.memory_space<hbm>> -> memref<10240x128xf32, #tpu.memory_space<hbm>>
      tpu.wait_indirect_dma semaphore(%arg13 : memref<!tpu.dma_semaphore, #tpu.memory_space<semaphore_mem>>) src(%dma_wait3A_380 : memref<10240x128xf32, #tpu.memory_space<hbm>>) dst(%arg9 : memref<80x128xf32, #tpu.memory_space<vmem>>)
      %get3A_381 = arith.index_cast %add3A_373 : i32 to index
      %get3A_382 = arith.constant 0 : index
      %get3A_383 = tpu.vector_load %arg5[%get3A_381, %get3A_382] {strides = array<i32>} : memref<126x80xi32, #tpu.memory_space<vmem>>, vector<1x16xi32>,
      %get3A_384 = vector.shape_cast %get3A_383 : vector<1x16xi32> to vector<16xi32>
      %shift_right_logical3A_385 = arith.constant 14 : i32
      %shift_right_logical3A_386 = vector.broadcast %shift_right_logical3A_385 : i32 to vector<16xi32>
      %shift_right_logical3A_387 = arith.shrui %get3A_384, %shift_right_logical3A_386 : vector<16xi32>
      %swap3A_388 = arith.constant 1 : i32
      %swap3A_389 = arith.index_cast %swap3A_388 : i32 to index
      %swap3A_390 = arith.constant 0 : index
      %swap3A_391 = tpu.vector_load %arg6[%swap3A_389, %swap3A_390] {strides = array<i32>} : memref<3x80xi32, #tpu.memory_space<vmem>>, vector<1x16xi32>,
      %swap3A_392 = vector.shape_cast %swap3A_391 : vector<1x16xi32> to vector<16xi32>
      %swap3A_393 = vector.shape_cast %shift_right_logical3A_387 : vector<16xi32> to vector<1x16xi32>
      tpu.vector_store %arg6[%swap3A_389, %swap3A_390], %swap3A_393 {strides = array<i32>} : memref<3x80xi32, #tpu.memory_space<vmem>>, vector<1x16xi32>,
      %get3A_394 = arith.index_cast %add3A_373 : i32 to index
      %get3A_395 = arith.constant 16 : index
      %get3A_396 = tpu.vector_load %arg5[%get3A_394, %get3A_395] {strides = array<i32>} : memref<126x80xi32, #tpu.memory_space<vmem>>, vector<1x16xi32>,
      %get3A_397 = vector.shape_cast %get3A_396 : vector<1x16xi32> to vector<16xi32>
      %shift_right_logical3A_398 = arith.constant 14 : i32
      %shift_right_logical3A_399 = vector.broadcast %shift_right_logical3A_398 : i32 to vector<16xi32>
      %shift_right_logical3A_400 = arith.shrui %get3A_397, %shift_right_logical3A_399 : vector<16xi32>
      %swap3A_401 = arith.constant 1 : i32
      %swap3A_402 = arith.index_cast %swap3A_401 : i32 to index
      %swap3A_403 = arith.constant 16 : index
      %swap3A_404 = tpu.vector_load %arg6[%swap3A_402, %swap3A_403] {strides = array<i32>} : memref<3x80xi32, #tpu.memory_space<vmem>>, vector<1x16xi32>,
      %swap3A_405 = vector.shape_cast %swap3A_404 : vector<1x16xi32> to vector<16xi32>
      %swap3A_406 = vector.shape_cast %shift_right_logical3A_400 : vector<16xi32> to vector<1x16xi32>
      tpu.vector_store %arg6[%swap3A_402, %swap3A_403], %swap3A_406 {strides = array<i32>} : memref<3x80xi32, #tpu.memory_space<vmem>>, vector<1x16xi32>,
      %get3A_407 = arith.index_cast %add3A_373 : i32 to index
      %get3A_408 = arith.constant 32 : index
      %get3A_409 = tpu.vector_load %arg5[%get3A_407, %get3A_408] {strides = array<i32>} : memref<126x80xi32, #tpu.memory_space<vmem>>, vector<1x16xi32>,
      %get3A_410 = vector.shape_cast %get3A_409 : vector<1x16xi32> to vector<16xi32>
      %shift_right_logical3A_411 = arith.constant 14 : i32
      %shift_right_logical3A_412 = vector.broadcast %shift_right_logical3A_411 : i32 to vector<16xi32>
      %shift_right_logical3A_413 = arith.shrui %get3A_410, %shift_right_logical3A_412 : vector<16xi32>
      %swap3A_414 = arith.constant 1 : i32
      %swap3A_415 = arith.index_cast %swap3A_414 : i32 to index
      %swap3A_416 = arith.constant 32 : index
      %swap3A_417 = tpu.vector_load %arg6[%swap3A_415, %swap3A_416] {strides = array<i32>} : memref<3x80xi32, #tpu.memory_space<vmem>>, vector<1x16xi32>,
      %swap3A_418 = vector.shape_cast %swap3A_417 : vector<1x16xi32> to vector<16xi32>
      %swap3A_419 = vector.shape_cast %shift_right_logical3A_413 : vector<16xi32> to vector<1x16xi32>
      tpu.vector_store %arg6[%swap3A_415, %swap3A_416], %swap3A_419 {strides = array<i32>} : memref<3x80xi32, #tpu.memory_space<vmem>>, vector<1x16xi32>,
      %get3A_420 = arith.index_cast %add3A_373 : i32 to index
      %get3A_421 = arith.constant 48 : index
      %get3A_422 = tpu.vector_load %arg5[%get3A_420, %get3A_421] {strides = array<i32>} : memref<126x80xi32, #tpu.memory_space<vmem>>, vector<1x16xi32>,
      %get3A_423 = vector.shape_cast %get3A_422 : vector<1x16xi32> to vector<16xi32>
      %shift_right_logical3A_424 = arith.constant 14 : i32
      %shift_right_logical3A_425 = vector.broadcast %shift_right_logical3A_424 : i32 to vector<16xi32>
      %shift_right_logical3A_426 = arith.shrui %get3A_423, %shift_right_logical3A_425 : vector<16xi32>
      %swap3A_427 = arith.constant 1 : i32
      %swap3A_428 = arith.index_cast %swap3A_427 : i32 to index
      %swap3A_429 = arith.constant 48 : index
      %swap3A_430 = tpu.vector_load %arg6[%swap3A_428, %swap3A_429] {strides = array<i32>} : memref<3x80xi32, #tpu.memory_space<vmem>>, vector<1x16xi32>,
      %swap3A_431 = vector.shape_cast %swap3A_430 : vector<1x16xi32> to vector<16xi32>
      %swap3A_432 = vector.shape_cast %shift_right_logical3A_426 : vector<16xi32> to vector<1x16xi32>
      tpu.vector_store %arg6[%swap3A_428, %swap3A_429], %swap3A_432 {strides = array<i32>} : memref<3x80xi32, #tpu.memory_space<vmem>>, vector<1x16xi32>,
      %get3A_433 = arith.index_cast %add3A_373 : i32 to index
      %get3A_434 = arith.constant 64 : index
      %get3A_435 = tpu.vector_load %arg5[%get3A_433, %get3A_434] {strides = array<i32>} : memref<126x80xi32, #tpu.memory_space<vmem>>, vector<1x16xi32>,
      %get3A_436 = vector.shape_cast %get3A_435 : vector<1x16xi32> to vector<16xi32>
      %shift_right_logical3A_437 = arith.constant 14 : i32
      %shift_right_logical3A_438 = vector.broadcast %shift_right_logical3A_437 : i32 to vector<16xi32>
      %shift_right_logical3A_439 = arith.shrui %get3A_436, %shift_right_logical3A_438 : vector<16xi32>
      %swap3A_440 = arith.constant 1 : i32
      %swap3A_441 = arith.index_cast %swap3A_440 : i32 to index
      %swap3A_442 = arith.constant 64 : index
      %swap3A_443 = tpu.vector_load %arg6[%swap3A_441, %swap3A_442] {strides = array<i32>} : memref<3x80xi32, #tpu.memory_space<vmem>>, vector<1x16xi32>,
      %swap3A_444 = vector.shape_cast %swap3A_443 : vector<1x16xi32> to vector<16xi32>
      %swap3A_445 = vector.shape_cast %shift_right_logical3A_439 : vector<16xi32> to vector<1x16xi32>
      tpu.vector_store %arg6[%swap3A_441, %swap3A_442], %swap3A_445 {strides = array<i32>} : memref<3x80xi32, #tpu.memory_space<vmem>>, vector<1x16xi32>,
      %dma_start3A_446 = arith.constant 1 : i32
      %dma_start3A_447 = arith.constant 0 : i32
      %dma_start3A_448 = tpu.memref_slice %arg6[%dma_start3A_446, %dma_start3A_447] : memref<3x80xi32, #tpu.memory_space<vmem>> -> memref<1x80xi32, #tpu.memory_space<vmem>>
      %dma_start3A_449 = tpu.memref_squeeze %dma_start3A_448 : memref<1x80xi32, #tpu.memory_space<vmem>> -> memref<80xi32, #tpu.memory_space<vmem>>
      %dma_start3A_450 = arith.constant 0 : i32
      %dma_start3A_451 = arith.constant 0 : i32
      %dma_start3A_452 = tpu.memref_slice %arg11[%dma_start3A_450, %dma_start3A_451] : memref<10112x128xf32, #tpu.memory_space<vmem_shared>> -> memref<10112x128xf32, #tpu.memory_space<vmem_shared>>
      tpu.enqueue_indirect_dma source(%arg9 : memref<80x128xf32, #tpu.memory_space<vmem>>) target(%dma_start3A_452 : memref<10112x128xf32, #tpu.memory_space<vmem_shared>>) offsets(%dma_start3A_449 : memref<80xi32, #tpu.memory_space<vmem>>) semaphore(%arg16 : memref<!tpu.dma_semaphore, #tpu.memory_space<semaphore_mem>>) {add = true}
      %add3A_453 = arith.constant 3 : i32
      %add3A_454 = arith.addi %add3A_373, %add3A_453 : i32
      %sub3A_455 = arith.constant 1 : i32
      %sub3A_456 = arith.subi %add3A_454, %sub3A_455 : i32
      %lt3A_457 = arith.constant 126 : i32
      %lt3A_458 = arith.cmpi slt, %sub3A_456, %lt3A_457 : i32
      %ge3A_459 = arith.constant 3 : i32
      %ge3A_460 = arith.cmpi sge, %sub3A_456, %ge3A_459 : i32
      %and3A_461 = arith.andi %lt3A_458, %ge3A_460 : i1
      %convert_element_type3A_462 = arith.extui %and3A_461 : i1 to i32
      %cond3A_463 = arith.constant 0 : i32
      %cond3A_464 = arith.cmpi ne, %convert_element_type3A_462, %cond3A_463 : i32
      scf.if %cond3A_464 {
        %dma_wait3A_558 = arith.constant 0 : i32
        %dma_wait3A_559 = arith.constant 0 : i32
        %dma_wait3A_560 = tpu.memref_slice %arg6[%dma_wait3A_558, %dma_wait3A_559] : memref<3x80xi32, #tpu.memory_space<vmem>> -> memref<1x80xi32, #tpu.memory_space<vmem>>
        %dma_wait3A_561 = tpu.memref_squeeze %dma_wait3A_560 : memref<1x80xi32, #tpu.memory_space<vmem>> -> memref<80xi32, #tpu.memory_space<vmem>>
        %dma_wait3A_562 = arith.constant 0 : i32
        %dma_wait3A_563 = arith.constant 0 : i32
        %dma_wait3A_564 = tpu.memref_slice %arg11[%dma_wait3A_562, %dma_wait3A_563] : memref<10112x128xf32, #tpu.memory_space<vmem_shared>> -> memref<10112x128xf32, #tpu.memory_space<vmem_shared>>
        tpu.wait_indirect_dma semaphore(%arg15 : memref<!tpu.dma_semaphore, #tpu.memory_space<semaphore_mem>>) src(%arg8 : memref<80x128xf32, #tpu.memory_space<vmem>>) dst(%dma_wait3A_564 : memref<10112x128xf32, #tpu.memory_space<vmem_shared>>)
        %get3A_565 = arith.index_cast %sub3A_456 : i32 to index
        %get3A_566 = arith.constant 0 : index
        %get3A_567 = tpu.vector_load %arg5[%get3A_565, %get3A_566] {strides = array<i32>} : memref<126x80xi32, #tpu.memory_space<vmem>>, vector<1x16xi32>,
        %get3A_568 = vector.shape_cast %get3A_567 : vector<1x16xi32> to vector<16xi32>
        %and3A_569 = arith.constant 16383 : i32
        %and3A_570 = vector.broadcast %and3A_569 : i32 to vector<16xi32>
        %and3A_571 = arith.andi %get3A_568, %and3A_570 : vector<16xi32>
        %swap3A_572 = arith.constant 0 : i32
        %swap3A_573 = arith.index_cast %swap3A_572 : i32 to index
        %swap3A_574 = arith.constant 0 : index
        %swap3A_575 = tpu.vector_load %arg7[%swap3A_573, %swap3A_574] {strides = array<i32>} : memref<3x80xi32, #tpu.memory_space<vmem>>, vector<1x16xi32>,
        %swap3A_576 = vector.shape_cast %swap3A_575 : vector<1x16xi32> to vector<16xi32>
        %swap3A_577 = vector.shape_cast %and3A_571 : vector<16xi32> to vector<1x16xi32>
        tpu.vector_store %arg7[%swap3A_573, %swap3A_574], %swap3A_577 {strides = array<i32>} : memref<3x80xi32, #tpu.memory_space<vmem>>, vector<1x16xi32>,
        %get3A_578 = arith.index_cast %sub3A_456 : i32 to index
        %get3A_579 = arith.constant 16 : index
        %get3A_580 = tpu.vector_load %arg5[%get3A_578, %get3A_579] {strides = array<i32>} : memref<126x80xi32, #tpu.memory_space<vmem>>, vector<1x16xi32>,
        %get3A_581 = vector.shape_cast %get3A_580 : vector<1x16xi32> to vector<16xi32>
        %and3A_582 = arith.constant 16383 : i32
        %and3A_583 = vector.broadcast %and3A_582 : i32 to vector<16xi32>
        %and3A_584 = arith.andi %get3A_581, %and3A_583 : vector<16xi32>
        %swap3A_585 = arith.constant 0 : i32
        %swap3A_586 = arith.index_cast %swap3A_585 : i32 to index
        %swap3A_587 = arith.constant 16 : index
        %swap3A_588 = tpu.vector_load %arg7[%swap3A_586, %swap3A_587] {strides = array<i32>} : memref<3x80xi32, #tpu.memory_space<vmem>>, vector<1x16xi32>,
        %swap3A_589 = vector.shape_cast %swap3A_588 : vector<1x16xi32> to vector<16xi32>
        %swap3A_590 = vector.shape_cast %and3A_584 : vector<16xi32> to vector<1x16xi32>
        tpu.vector_store %arg7[%swap3A_586, %swap3A_587], %swap3A_590 {strides = array<i32>} : memref<3x80xi32, #tpu.memory_space<vmem>>, vector<1x16xi32>,
        %get3A_591 = arith.index_cast %sub3A_456 : i32 to index
        %get3A_592 = arith.constant 32 : index
        %get3A_593 = tpu.vector_load %arg5[%get3A_591, %get3A_592] {strides = array<i32>} : memref<126x80xi32, #tpu.memory_space<vmem>>, vector<1x16xi32>,
        %get3A_594 = vector.shape_cast %get3A_593 : vector<1x16xi32> to vector<16xi32>
        %and3A_595 = arith.constant 16383 : i32
        %and3A_596 = vector.broadcast %and3A_595 : i32 to vector<16xi32>
        %and3A_597 = arith.andi %get3A_594, %and3A_596 : vector<16xi32>
        %swap3A_598 = arith.constant 0 : i32
        %swap3A_599 = arith.index_cast %swap3A_598 : i32 to index
        %swap3A_600 = arith.constant 32 : index
        %swap3A_601 = tpu.vector_load %arg7[%swap3A_599, %swap3A_600] {strides = array<i32>} : memref<3x80xi32, #tpu.memory_space<vmem>>, vector<1x16xi32>,
        %swap3A_602 = vector.shape_cast %swap3A_601 : vector<1x16xi32> to vector<16xi32>
        %swap3A_603 = vector.shape_cast %and3A_597 : vector<16xi32> to vector<1x16xi32>
        tpu.vector_store %arg7[%swap3A_599, %swap3A_600], %swap3A_603 {strides = array<i32>} : memref<3x80xi32, #tpu.memory_space<vmem>>, vector<1x16xi32>,
        %get3A_604 = arith.index_cast %sub3A_456 : i32 to index
        %get3A_605 = arith.constant 48 : index
        %get3A_606 = tpu.vector_load %arg5[%get3A_604, %get3A_605] {strides = array<i32>} : memref<126x80xi32, #tpu.memory_space<vmem>>, vector<1x16xi32>,
        %get3A_607 = vector.shape_cast %get3A_606 : vector<1x16xi32> to vector<16xi32>
        %and3A_608 = arith.constant 16383 : i32
        %and3A_609 = vector.broadcast %and3A_608 : i32 to vector<16xi32>
        %and3A_610 = arith.andi %get3A_607, %and3A_609 : vector<16xi32>
        %swap3A_611 = arith.constant 0 : i32
        %swap3A_612 = arith.index_cast %swap3A_611 : i32 to index
        %swap3A_613 = arith.constant 48 : index
        %swap3A_614 = tpu.vector_load %arg7[%swap3A_612, %swap3A_613] {strides = array<i32>} : memref<3x80xi32, #tpu.memory_space<vmem>>, vector<1x16xi32>,
        %swap3A_615 = vector.shape_cast %swap3A_614 : vector<1x16xi32> to vector<16xi32>
        %swap3A_616 = vector.shape_cast %and3A_610 : vector<16xi32> to vector<1x16xi32>
        tpu.vector_store %arg7[%swap3A_612, %swap3A_613], %swap3A_616 {strides = array<i32>} : memref<3x80xi32, #tpu.memory_space<vmem>>, vector<1x16xi32>,
        %get3A_617 = arith.index_cast %sub3A_456 : i32 to index
        %get3A_618 = arith.constant 64 : index
        %get3A_619 = tpu.vector_load %arg5[%get3A_617, %get3A_618] {strides = array<i32>} : memref<126x80xi32, #tpu.memory_space<vmem>>, vector<1x16xi32>,
        %get3A_620 = vector.shape_cast %get3A_619 : vector<1x16xi32> to vector<16xi32>
        %and3A_621 = arith.constant 16383 : i32
        %and3A_622 = vector.broadcast %and3A_621 : i32 to vector<16xi32>
        %and3A_623 = arith.andi %get3A_620, %and3A_622 : vector<16xi32>
        %swap3A_624 = arith.constant 0 : i32
        %swap3A_625 = arith.index_cast %swap3A_624 : i32 to index
        %swap3A_626 = arith.constant 64 : index
        %swap3A_627 = tpu.vector_load %arg7[%swap3A_625, %swap3A_626] {strides = array<i32>} : memref<3x80xi32, #tpu.memory_space<vmem>>, vector<1x16xi32>,
        %swap3A_628 = vector.shape_cast %swap3A_627 : vector<1x16xi32> to vector<16xi32>
        %swap3A_629 = vector.shape_cast %and3A_623 : vector<16xi32> to vector<1x16xi32>
        tpu.vector_store %arg7[%swap3A_625, %swap3A_626], %swap3A_629 {strides = array<i32>} : memref<3x80xi32, #tpu.memory_space<vmem>>, vector<1x16xi32>,
        %dma_start3A_630 = arith.constant 0 : i32
        %dma_start3A_631 = arith.constant 0 : i32
        %dma_start3A_632 = tpu.memref_slice %arg7[%dma_start3A_630, %dma_start3A_631] : memref<3x80xi32, #tpu.memory_space<vmem>> -> memref<1x80xi32, #tpu.memory_space<vmem>>
        %dma_start3A_633 = tpu.memref_squeeze %dma_start3A_632 : memref<1x80xi32, #tpu.memory_space<vmem>> -> memref<80xi32, #tpu.memory_space<vmem>>
        %dma_start3A_634 = arith.constant 0 : i32
        %dma_start3A_635 = arith.constant 0 : i32
        %dma_start3A_636 = tpu.memref_slice %arg3[%dma_start3A_634, %dma_start3A_635] : memref<10240x128xf32, #tpu.memory_space<hbm>> -> memref<10240x128xf32, #tpu.memory_space<hbm>>
        tpu.enqueue_indirect_dma source(%dma_start3A_636 : memref<10240x128xf32, #tpu.memory_space<hbm>>) target(%arg8 : memref<80x128xf32, #tpu.memory_space<vmem>>) offsets(%dma_start3A_633 : memref<80xi32, #tpu.memory_space<vmem>>) semaphore(%arg12 : memref<!tpu.dma_semaphore, #tpu.memory_space<semaphore_mem>>)
      } else {
      }
      %add3A_465 = arith.constant 2 : i32
      %add3A_466 = arith.addi %mul3A_284, %add3A_465 : i32
      %dma_wait3A_467 = arith.constant 2 : i32
      %dma_wait3A_468 = arith.constant 0 : i32
      %dma_wait3A_469 = tpu.memref_slice %arg7[%dma_wait3A_467, %dma_wait3A_468] : memref<3x80xi32, #tpu.memory_space<vmem>> -> memref<1x80xi32, #tpu.memory_space<vmem>>
      %dma_wait3A_470 = tpu.memref_squeeze %dma_wait3A_469 : memref<1x80xi32, #tpu.memory_space<vmem>> -> memref<80xi32, #tpu.memory_space<vmem>>
      %dma_wait3A_471 = arith.constant 0 : i32
      %dma_wait3A_472 = arith.constant 0 : i32
      %dma_wait3A_473 = tpu.memref_slice %arg3[%dma_wait3A_471, %dma_wait3A_472] : memref<10240x128xf32, #tpu.memory_space<hbm>> -> memref<10240x128xf32, #tpu.memory_space<hbm>>
      tpu.wait_indirect_dma semaphore(%arg14 : memref<!tpu.dma_semaphore, #tpu.memory_space<semaphore_mem>>) src(%dma_wait3A_473 : memref<10240x128xf32, #tpu.memory_space<hbm>>) dst(%arg10 : memref<80x128xf32, #tpu.memory_space<vmem>>)
      %get3A_474 = arith.index_cast %add3A_466 : i32 to index
      %get3A_475 = arith.constant 0 : index
      %get3A_476 = tpu.vector_load %arg5[%get3A_474, %get3A_475] {strides = array<i32>} : memref<126x80xi32, #tpu.memory_space<vmem>>, vector<1x16xi32>,
      %get3A_477 = vector.shape_cast %get3A_476 : vector<1x16xi32> to vector<16xi32>
      %shift_right_logical3A_478 = arith.constant 14 : i32
      %shift_right_logical3A_479 = vector.broadcast %shift_right_logical3A_478 : i32 to vector<16xi32>
      %shift_right_logical3A_480 = arith.shrui %get3A_477, %shift_right_logical3A_479 : vector<16xi32>
      %swap3A_481 = arith.constant 2 : i32
      %swap3A_482 = arith.index_cast %swap3A_481 : i32 to index
      %swap3A_483 = arith.constant 0 : index
      %swap3A_484 = tpu.vector_load %arg6[%swap3A_482, %swap3A_483] {strides = array<i32>} : memref<3x80xi32, #tpu.memory_space<vmem>>, vector<1x16xi32>,
      %swap3A_485 = vector.shape_cast %swap3A_484 : vector<1x16xi32> to vector<16xi32>
      %swap3A_486 = vector.shape_cast %shift_right_logical3A_480 : vector<16xi32> to vector<1x16xi32>
      tpu.vector_store %arg6[%swap3A_482, %swap3A_483], %swap3A_486 {strides = array<i32>} : memref<3x80xi32, #tpu.memory_space<vmem>>, vector<1x16xi32>,
      %get3A_487 = arith.index_cast %add3A_466 : i32 to index
      %get3A_488 = arith.constant 16 : index
      %get3A_489 = tpu.vector_load %arg5[%get3A_487, %get3A_488] {strides = array<i32>} : memref<126x80xi32, #tpu.memory_space<vmem>>, vector<1x16xi32>,
      %get3A_490 = vector.shape_cast %get3A_489 : vector<1x16xi32> to vector<16xi32>
      %shift_right_logical3A_491 = arith.constant 14 : i32
      %shift_right_logical3A_492 = vector.broadcast %shift_right_logical3A_491 : i32 to vector<16xi32>
      %shift_right_logical3A_493 = arith.shrui %get3A_490, %shift_right_logical3A_492 : vector<16xi32>
      %swap3A_494 = arith.constant 2 : i32
      %swap3A_495 = arith.index_cast %swap3A_494 : i32 to index
      %swap3A_496 = arith.constant 16 : index
      %swap3A_497 = tpu.vector_load %arg6[%swap3A_495, %swap3A_496] {strides = array<i32>} : memref<3x80xi32, #tpu.memory_space<vmem>>, vector<1x16xi32>,
      %swap3A_498 = vector.shape_cast %swap3A_497 : vector<1x16xi32> to vector<16xi32>
      %swap3A_499 = vector.shape_cast %shift_right_logical3A_493 : vector<16xi32> to vector<1x16xi32>
      tpu.vector_store %arg6[%swap3A_495, %swap3A_496], %swap3A_499 {strides = array<i32>} : memref<3x80xi32, #tpu.memory_space<vmem>>, vector<1x16xi32>,
      %get3A_500 = arith.index_cast %add3A_466 : i32 to index
      %get3A_501 = arith.constant 32 : index
      %get3A_502 = tpu.vector_load %arg5[%get3A_500, %get3A_501] {strides = array<i32>} : memref<126x80xi32, #tpu.memory_space<vmem>>, vector<1x16xi32>,
      %get3A_503 = vector.shape_cast %get3A_502 : vector<1x16xi32> to vector<16xi32>
      %shift_right_logical3A_504 = arith.constant 14 : i32
      %shift_right_logical3A_505 = vector.broadcast %shift_right_logical3A_504 : i32 to vector<16xi32>
      %shift_right_logical3A_506 = arith.shrui %get3A_503, %shift_right_logical3A_505 : vector<16xi32>
      %swap3A_507 = arith.constant 2 : i32
      %swap3A_508 = arith.index_cast %swap3A_507 : i32 to index
      %swap3A_509 = arith.constant 32 : index
      %swap3A_510 = tpu.vector_load %arg6[%swap3A_508, %swap3A_509] {strides = array<i32>} : memref<3x80xi32, #tpu.memory_space<vmem>>, vector<1x16xi32>,
      %swap3A_511 = vector.shape_cast %swap3A_510 : vector<1x16xi32> to vector<16xi32>
      %swap3A_512 = vector.shape_cast %shift_right_logical3A_506 : vector<16xi32> to vector<1x16xi32>
      tpu.vector_store %arg6[%swap3A_508, %swap3A_509], %swap3A_512 {strides = array<i32>} : memref<3x80xi32, #tpu.memory_space<vmem>>, vector<1x16xi32>,
      %get3A_513 = arith.index_cast %add3A_466 : i32 to index
      %get3A_514 = arith.constant 48 : index
      %get3A_515 = tpu.vector_load %arg5[%get3A_513, %get3A_514] {strides = array<i32>} : memref<126x80xi32, #tpu.memory_space<vmem>>, vector<1x16xi32>,
      %get3A_516 = vector.shape_cast %get3A_515 : vector<1x16xi32> to vector<16xi32>
      %shift_right_logical3A_517 = arith.constant 14 : i32
      %shift_right_logical3A_518 = vector.broadcast %shift_right_logical3A_517 : i32 to vector<16xi32>
      %shift_right_logical3A_519 = arith.shrui %get3A_516, %shift_right_logical3A_518 : vector<16xi32>
      %swap3A_520 = arith.constant 2 : i32
      %swap3A_521 = arith.index_cast %swap3A_520 : i32 to index
      %swap3A_522 = arith.constant 48 : index
      %swap3A_523 = tpu.vector_load %arg6[%swap3A_521, %swap3A_522] {strides = array<i32>} : memref<3x80xi32, #tpu.memory_space<vmem>>, vector<1x16xi32>,
      %swap3A_524 = vector.shape_cast %swap3A_523 : vector<1x16xi32> to vector<16xi32>
      %swap3A_525 = vector.shape_cast %shift_right_logical3A_519 : vector<16xi32> to vector<1x16xi32>
      tpu.vector_store %arg6[%swap3A_521, %swap3A_522], %swap3A_525 {strides = array<i32>} : memref<3x80xi32, #tpu.memory_space<vmem>>, vector<1x16xi32>,
      %get3A_526 = arith.index_cast %add3A_466 : i32 to index
      %get3A_527 = arith.constant 64 : index
      %get3A_528 = tpu.vector_load %arg5[%get3A_526, %get3A_527] {strides = array<i32>} : memref<126x80xi32, #tpu.memory_space<vmem>>, vector<1x16xi32>,
      %get3A_529 = vector.shape_cast %get3A_528 : vector<1x16xi32> to vector<16xi32>
      %shift_right_logical3A_530 = arith.constant 14 : i32
      %shift_right_logical3A_531 = vector.broadcast %shift_right_logical3A_530 : i32 to vector<16xi32>
      %shift_right_logical3A_532 = arith.shrui %get3A_529, %shift_right_logical3A_531 : vector<16xi32>
      %swap3A_533 = arith.constant 2 : i32
      %swap3A_534 = arith.index_cast %swap3A_533 : i32 to index
      %swap3A_535 = arith.constant 64 : index
      %swap3A_536 = tpu.vector_load %arg6[%swap3A_534, %swap3A_535] {strides = array<i32>} : memref<3x80xi32, #tpu.memory_space<vmem>>, vector<1x16xi32>,
      %swap3A_537 = vector.shape_cast %swap3A_536 : vector<1x16xi32> to vector<16xi32>
      %swap3A_538 = vector.shape_cast %shift_right_logical3A_532 : vector<16xi32> to vector<1x16xi32>
      tpu.vector_store %arg6[%swap3A_534, %swap3A_535], %swap3A_538 {strides = array<i32>} : memref<3x80xi32, #tpu.memory_space<vmem>>, vector<1x16xi32>,
      %dma_start3A_539 = arith.constant 2 : i32
      %dma_start3A_540 = arith.constant 0 : i32
      %dma_start3A_541 = tpu.memref_slice %arg6[%dma_start3A_539, %dma_start3A_540] : memref<3x80xi32, #tpu.memory_space<vmem>> -> memref<1x80xi32, #tpu.memory_space<vmem>>
      %dma_start3A_542 = tpu.memref_squeeze %dma_start3A_541 : memref<1x80xi32, #tpu.memory_space<vmem>> -> memref<80xi32, #tpu.memory_space<vmem>>
      %dma_start3A_543 = arith.constant 0 : i32
      %dma_start3A_544 = arith.constant 0 : i32
      %dma_start3A_545 = tpu.memref_slice %arg11[%dma_start3A_543, %dma_start3A_544] : memref<10112x128xf32, #tpu.memory_space<vmem_shared>> -> memref<10112x128xf32, #tpu.memory_space<vmem_shared>>
      tpu.enqueue_indirect_dma source(%arg10 : memref<80x128xf32, #tpu.memory_space<vmem>>) target(%dma_start3A_545 : memref<10112x128xf32, #tpu.memory_space<vmem_shared>>) offsets(%dma_start3A_542 : memref<80xi32, #tpu.memory_space<vmem>>) semaphore(%arg17 : memref<!tpu.dma_semaphore, #tpu.memory_space<semaphore_mem>>) {add = true}
      %add3A_546 = arith.constant 3 : i32
      %add3A_547 = arith.addi %add3A_466, %add3A_546 : i32
      %sub3A_548 = arith.constant 1 : i32
      %sub3A_549 = arith.subi %add3A_547, %sub3A_548 : i32
      %lt3A_550 = arith.constant 126 : i32
      %lt3A_551 = arith.cmpi slt, %sub3A_549, %lt3A_550 : i32
      %ge3A_552 = arith.constant 3 : i32
      %ge3A_553 = arith.cmpi sge, %sub3A_549, %ge3A_552 : i32
      %and3A_554 = arith.andi %lt3A_551, %ge3A_553 : i1
      %convert_element_type3A_555 = arith.extui %and3A_554 : i1 to i32
      %cond3A_556 = arith.constant 0 : i32
      %cond3A_557 = arith.cmpi ne, %convert_element_type3A_555, %cond3A_556 : i32
      scf.if %cond3A_557 {
        %dma_wait3A_558 = arith.constant 1 : i32
        %dma_wait3A_559 = arith.constant 0 : i32
        %dma_wait3A_560 = tpu.memref_slice %arg6[%dma_wait3A_558, %dma_wait3A_559] : memref<3x80xi32, #tpu.memory_space<vmem>> -> memref<1x80xi32, #tpu.memory_space<vmem>>
        %dma_wait3A_561 = tpu.memref_squeeze %dma_wait3A_560 : memref<1x80xi32, #tpu.memory_space<vmem>> -> memref<80xi32, #tpu.memory_space<vmem>>
        %dma_wait3A_562 = arith.constant 0 : i32
        %dma_wait3A_563 = arith.constant 0 : i32
        %dma_wait3A_564 = tpu.memref_slice %arg11[%dma_wait3A_562, %dma_wait3A_563] : memref<10112x128xf32, #tpu.memory_space<vmem_shared>> -> memref<10112x128xf32, #tpu.memory_space<vmem_shared>>
        tpu.wait_indirect_dma semaphore(%arg16 : memref<!tpu.dma_semaphore, #tpu.memory_space<semaphore_mem>>) src(%arg9 : memref<80x128xf32, #tpu.memory_space<vmem>>) dst(%dma_wait3A_564 : memref<10112x128xf32, #tpu.memory_space<vmem_shared>>)
        %get3A_565 = arith.index_cast %sub3A_549 : i32 to index
        %get3A_566 = arith.constant 0 : index
        %get3A_567 = tpu.vector_load %arg5[%get3A_565, %get3A_566] {strides = array<i32>} : memref<126x80xi32, #tpu.memory_space<vmem>>, vector<1x16xi32>,
        %get3A_568 = vector.shape_cast %get3A_567 : vector<1x16xi32> to vector<16xi32>
        %and3A_569 = arith.constant 16383 : i32
        %and3A_570 = vector.broadcast %and3A_569 : i32 to vector<16xi32>
        %and3A_571 = arith.andi %get3A_568, %and3A_570 : vector<16xi32>
        %swap3A_572 = arith.constant 1 : i32
        %swap3A_573 = arith.index_cast %swap3A_572 : i32 to index
        %swap3A_574 = arith.constant 0 : index
        %swap3A_575 = tpu.vector_load %arg7[%swap3A_573, %swap3A_574] {strides = array<i32>} : memref<3x80xi32, #tpu.memory_space<vmem>>, vector<1x16xi32>,
        %swap3A_576 = vector.shape_cast %swap3A_575 : vector<1x16xi32> to vector<16xi32>
        %swap3A_577 = vector.shape_cast %and3A_571 : vector<16xi32> to vector<1x16xi32>
        tpu.vector_store %arg7[%swap3A_573, %swap3A_574], %swap3A_577 {strides = array<i32>} : memref<3x80xi32, #tpu.memory_space<vmem>>, vector<1x16xi32>,
        %get3A_578 = arith.index_cast %sub3A_549 : i32 to index
        %get3A_579 = arith.constant 16 : index
        %get3A_580 = tpu.vector_load %arg5[%get3A_578, %get3A_579] {strides = array<i32>} : memref<126x80xi32, #tpu.memory_space<vmem>>, vector<1x16xi32>,
        %get3A_581 = vector.shape_cast %get3A_580 : vector<1x16xi32> to vector<16xi32>
        %and3A_582 = arith.constant 16383 : i32
        %and3A_583 = vector.broadcast %and3A_582 : i32 to vector<16xi32>
        %and3A_584 = arith.andi %get3A_581, %and3A_583 : vector<16xi32>
        %swap3A_585 = arith.constant 1 : i32
        %swap3A_586 = arith.index_cast %swap3A_585 : i32 to index
        %swap3A_587 = arith.constant 16 : index
        %swap3A_588 = tpu.vector_load %arg7[%swap3A_586, %swap3A_587] {strides = array<i32>} : memref<3x80xi32, #tpu.memory_space<vmem>>, vector<1x16xi32>,
        %swap3A_589 = vector.shape_cast %swap3A_588 : vector<1x16xi32> to vector<16xi32>
        %swap3A_590 = vector.shape_cast %and3A_584 : vector<16xi32> to vector<1x16xi32>
        tpu.vector_store %arg7[%swap3A_586, %swap3A_587], %swap3A_590 {strides = array<i32>} : memref<3x80xi32, #tpu.memory_space<vmem>>, vector<1x16xi32>,
        %get3A_591 = arith.index_cast %sub3A_549 : i32 to index
        %get3A_592 = arith.constant 32 : index
        %get3A_593 = tpu.vector_load %arg5[%get3A_591, %get3A_592] {strides = array<i32>} : memref<126x80xi32, #tpu.memory_space<vmem>>, vector<1x16xi32>,
        %get3A_594 = vector.shape_cast %get3A_593 : vector<1x16xi32> to vector<16xi32>
        %and3A_595 = arith.constant 16383 : i32
        %and3A_596 = vector.broadcast %and3A_595 : i32 to vector<16xi32>
        %and3A_597 = arith.andi %get3A_594, %and3A_596 : vector<16xi32>
        %swap3A_598 = arith.constant 1 : i32
        %swap3A_599 = arith.index_cast %swap3A_598 : i32 to index
        %swap3A_600 = arith.constant 32 : index
        %swap3A_601 = tpu.vector_load %arg7[%swap3A_599, %swap3A_600] {strides = array<i32>} : memref<3x80xi32, #tpu.memory_space<vmem>>, vector<1x16xi32>,
        %swap3A_602 = vector.shape_cast %swap3A_601 : vector<1x16xi32> to vector<16xi32>
        %swap3A_603 = vector.shape_cast %and3A_597 : vector<16xi32> to vector<1x16xi32>
        tpu.vector_store %arg7[%swap3A_599, %swap3A_600], %swap3A_603 {strides = array<i32>} : memref<3x80xi32, #tpu.memory_space<vmem>>, vector<1x16xi32>,
        %get3A_604 = arith.index_cast %sub3A_549 : i32 to index
        %get3A_605 = arith.constant 48 : index
        %get3A_606 = tpu.vector_load %arg5[%get3A_604, %get3A_605] {strides = array<i32>} : memref<126x80xi32, #tpu.memory_space<vmem>>, vector<1x16xi32>,
        %get3A_607 = vector.shape_cast %get3A_606 : vector<1x16xi32> to vector<16xi32>
        %and3A_608 = arith.constant 16383 : i32
        %and3A_609 = vector.broadcast %and3A_608 : i32 to vector<16xi32>
        %and3A_610 = arith.andi %get3A_607, %and3A_609 : vector<16xi32>
        %swap3A_611 = arith.constant 1 : i32
        %swap3A_612 = arith.index_cast %swap3A_611 : i32 to index
        %swap3A_613 = arith.constant 48 : index
        %swap3A_614 = tpu.vector_load %arg7[%swap3A_612, %swap3A_613] {strides = array<i32>} : memref<3x80xi32, #tpu.memory_space<vmem>>, vector<1x16xi32>,
        %swap3A_615 = vector.shape_cast %swap3A_614 : vector<1x16xi32> to vector<16xi32>
        %swap3A_616 = vector.shape_cast %and3A_610 : vector<16xi32> to vector<1x16xi32>
        tpu.vector_store %arg7[%swap3A_612, %swap3A_613], %swap3A_616 {strides = array<i32>} : memref<3x80xi32, #tpu.memory_space<vmem>>, vector<1x16xi32>,
        %get3A_617 = arith.index_cast %sub3A_549 : i32 to index
        %get3A_618 = arith.constant 64 : index
        %get3A_619 = tpu.vector_load %arg5[%get3A_617, %get3A_618] {strides = array<i32>} : memref<126x80xi32, #tpu.memory_space<vmem>>, vector<1x16xi32>,
        %get3A_620 = vector.shape_cast %get3A_619 : vector<1x16xi32> to vector<16xi32>
        %and3A_621 = arith.constant 16383 : i32
        %and3A_622 = vector.broadcast %and3A_621 : i32 to vector<16xi32>
        %and3A_623 = arith.andi %get3A_620, %and3A_622 : vector<16xi32>
        %swap3A_624 = arith.constant 1 : i32
        %swap3A_625 = arith.index_cast %swap3A_624 : i32 to index
        %swap3A_626 = arith.constant 64 : index
        %swap3A_627 = tpu.vector_load %arg7[%swap3A_625, %swap3A_626] {strides = array<i32>} : memref<3x80xi32, #tpu.memory_space<vmem>>, vector<1x16xi32>,
        %swap3A_628 = vector.shape_cast %swap3A_627 : vector<1x16xi32> to vector<16xi32>
        %swap3A_629 = vector.shape_cast %and3A_623 : vector<16xi32> to vector<1x16xi32>
        tpu.vector_store %arg7[%swap3A_625, %swap3A_626], %swap3A_629 {strides = array<i32>} : memref<3x80xi32, #tpu.memory_space<vmem>>, vector<1x16xi32>,
        %dma_start3A_630 = arith.constant 1 : i32
        %dma_start3A_631 = arith.constant 0 : i32
        %dma_start3A_632 = tpu.memref_slice %arg7[%dma_start3A_630, %dma_start3A_631] : memref<3x80xi32, #tpu.memory_space<vmem>> -> memref<1x80xi32, #tpu.memory_space<vmem>>
        %dma_start3A_633 = tpu.memref_squeeze %dma_start3A_632 : memref<1x80xi32, #tpu.memory_space<vmem>> -> memref<80xi32, #tpu.memory_space<vmem>>
        %dma_start3A_634 = arith.constant 0 : i32
        %dma_start3A_635 = arith.constant 0 : i32
        %dma_start3A_636 = tpu.memref_slice %arg3[%dma_start3A_634, %dma_start3A_635] : memref<10240x128xf32, #tpu.memory_space<hbm>> -> memref<10240x128xf32, #tpu.memory_space<hbm>>
        tpu.enqueue_indirect_dma source(%dma_start3A_636 : memref<10240x128xf32, #tpu.memory_space<hbm>>) target(%arg9 : memref<80x128xf32, #tpu.memory_space<vmem>>) offsets(%dma_start3A_633 : memref<80xi32, #tpu.memory_space<vmem>>) semaphore(%arg13 : memref<!tpu.dma_semaphore, #tpu.memory_space<semaphore_mem>>)
      } else {
      }
    }
    %scan3A_256 = arith.constant 42 : i32
    %dma_wait3A = arith.constant 0 : i32
    %dma_wait3A_257 = arith.constant 0 : i32
    %dma_wait3A_258 = tpu.memref_slice %arg6[%dma_wait3A, %dma_wait3A_257] : memref<3x80xi32, #tpu.memory_space<vmem>> -> memref<1x80xi32, #tpu.memory_space<vmem>>
    %dma_wait3A_259 = tpu.memref_squeeze %dma_wait3A_258 : memref<1x80xi32, #tpu.memory_space<vmem>> -> memref<80xi32, #tpu.memory_space<vmem>>
    %dma_wait3A_260 = arith.constant 0 : i32
    %dma_wait3A_261 = arith.constant 0 : i32
    %dma_wait3A_262 = tpu.memref_slice %arg11[%dma_wait3A_260, %dma_wait3A_261] : memref<10112x128xf32, #tpu.memory_space<vmem_shared>> -> memref<10112x128xf32, #tpu.memory_space<vmem_shared>>
    tpu.wait_indirect_dma semaphore(%arg15 : memref<!tpu.dma_semaphore, #tpu.memory_space<semaphore_mem>>) src(%arg8 : memref<80x128xf32, #tpu.memory_space<vmem>>) dst(%dma_wait3A_262 : memref<10112x128xf32, #tpu.memory_space<vmem_shared>>)
    %dma_wait3A_263 = arith.constant 1 : i32
    %dma_wait3A_264 = arith.constant 0 : i32
    %dma_wait3A_265 = tpu.memref_slice %arg6[%dma_wait3A_263, %dma_wait3A_264] : memref<3x80xi32, #tpu.memory_space<vmem>> -> memref<1x80xi32, #tpu.memory_space<vmem>>
    %dma_wait3A_266 = tpu.memref_squeeze %dma_wait3A_265 : memref<1x80xi32, #tpu.memory_space<vmem>> -> memref<80xi32, #tpu.memory_space<vmem>>
    %dma_wait3A_267 = arith.constant 0 : i32
    %dma_wait3A_268 = arith.constant 0 : i32
    %dma_wait3A_269 = tpu.memref_slice %arg11[%dma_wait3A_267, %dma_wait3A_268] : memref<10112x128xf32, #tpu.memory_space<vmem_shared>> -> memref<10112x128xf32, #tpu.memory_space<vmem_shared>>
    tpu.wait_indirect_dma semaphore(%arg16 : memref<!tpu.dma_semaphore, #tpu.memory_space<semaphore_mem>>) src(%arg9 : memref<80x128xf32, #tpu.memory_space<vmem>>) dst(%dma_wait3A_269 : memref<10112x128xf32, #tpu.memory_space<vmem_shared>>)
    %dma_wait3A_270 = arith.constant 2 : i32
    %dma_wait3A_271 = arith.constant 0 : i32
    %dma_wait3A_272 = tpu.memref_slice %arg6[%dma_wait3A_270, %dma_wait3A_271] : memref<3x80xi32, #tpu.memory_space<vmem>> -> memref<1x80xi32, #tpu.memory_space<vmem>>
    %dma_wait3A_273 = tpu.memref_squeeze %dma_wait3A_272 : memref<1x80xi32, #tpu.memory_space<vmem>> -> memref<80xi32, #tpu.memory_space<vmem>>
    %dma_wait3A_274 = arith.constant 0 : i32
    %dma_wait3A_275 = arith.constant 0 : i32
    %dma_wait3A_276 = tpu.memref_slice %arg11[%dma_wait3A_274, %dma_wait3A_275] : memref<10112x128xf32, #tpu.memory_space<vmem_shared>> -> memref<10112x128xf32, #tpu.memory_space<vmem_shared>>
    tpu.wait_indirect_dma semaphore(%arg17 : memref<!tpu.dma_semaphore, #tpu.memory_space<semaphore_mem>>) src(%arg10 : memref<80x128xf32, #tpu.memory_space<vmem>>) dst(%dma_wait3A_276 : memref<10112x128xf32, #tpu.memory_space<vmem_shared>>)
    %barrier3A_277 = arith.constant 0 : index
    tpu.barrier barrier_id(%barrier3A_277)
    %mul3A_278 = arith.constant 632 : i32
    %mul3A_279 = arith.muli %arg1, %mul3A_278 : i32
    %mul3A_280 = arith.constant 632 : i32
    %mul3A_281 = arith.muli %arg1, %mul3A_280 : i32
    "tpu.region"() ({
      %run_scoped3A = tpu.sem_alloc : memref<!tpu.dma_semaphore, #tpu.memory_space<semaphore_mem>>
      %dma_start3A_282 = arith.constant 0 : i32
      %dma_start3A_283 = tpu.memref_slice %arg4[%arg0, %mul3A_281, %dma_start3A_282] : memref<2x10240x128xf32, #tpu.memory_space<hbm>> -> memref<1x632x128xf32, #tpu.memory_space<hbm>>
      %dma_start3A_284 = tpu.memref_squeeze %dma_start3A_283 : memref<1x632x128xf32, #tpu.memory_space<hbm>> -> memref<632x128xf32, #tpu.memory_space<hbm>>
      %dma_start3A_285 = arith.constant 0 : i32
      %dma_start3A_286 = tpu.memref_slice %arg11[%mul3A_279, %dma_start3A_285] : memref<10112x128xf32, #tpu.memory_space<vmem_shared>> -> memref<632x128xf32, #tpu.memory_space<vmem_shared>>
      tpu.enqueue_dma source(%dma_start3A_286 : memref<632x128xf32, #tpu.memory_space<vmem_shared>>) target(%dma_start3A_284 : memref<632x128xf32, #tpu.memory_space<hbm>>) target_semaphore(%run_scoped3A : memref<!tpu.dma_semaphore, #tpu.memory_space<semaphore_mem>>)
      %dma_wait3A_287 = arith.constant 0 : i32
      %dma_wait3A_288 = tpu.memref_slice %arg4[%arg0, %mul3A_281, %dma_wait3A_287] : memref<2x10240x128xf32, #tpu.memory_space<hbm>> -> memref<1x632x128xf32, #tpu.memory_space<hbm>>
      %dma_wait3A_289 = tpu.memref_squeeze %dma_wait3A_288 : memref<1x632x128xf32, #tpu.memory_space<hbm>> -> memref<632x128xf32, #tpu.memory_space<hbm>>
      %dma_wait3A_290 = arith.constant 0 : i32
      %dma_wait3A_291 = tpu.memref_slice %arg11[%mul3A_279, %dma_wait3A_290] : memref<10112x128xf32, #tpu.memory_space<vmem_shared>> -> memref<632x128xf32, #tpu.memory_space<vmem_shared>>
      tpu.wait_dma2 semaphore(%run_scoped3A : memref<!tpu.dma_semaphore, #tpu.memory_space<semaphore_mem>>) src(%dma_wait3A_291 : memref<632x128xf32, #tpu.memory_space<vmem_shared>>) dst(%dma_wait3A_289 : memref<632x128xf32, #tpu.memory_space<hbm>>)
      tpu.yield
    }) : () -> ()
    return
  }
}

#map = affine_map<(d0, d1) -> (0, 0, 0)>
#map1 = affine_map<(d0, d1) -> (0, 0)>
module attributes {stable_mosaic.version = 14 : i64} {
  func.func @_hop_call(%arg0: i32, %arg1: i32, %arg2: memref<32x126x80xi32, #tpu.memory_space<hbm>>, %arg3: memref<10240x128xf32, #tpu.memory_space<hbm>>, %arg4: memref<2x10240x128xf32, #tpu.memory_space<hbm>>, %arg5: memref<126x80xi32, #tpu.memory_space<vmem>>, %arg6: memref<3x80xi32, #tpu.memory_space<vmem>>, %arg7: memref<3x80xi32, #tpu.memory_space<vmem>>, %arg8: memref<80x128xf32, #tpu.memory_space<vmem>>, %arg9: memref<80x128xf32, #tpu.memory_space<vmem>>, %arg10: memref<80x128xf32, #tpu.memory_space<vmem>>, %arg11: memref<10112x128xf32, #tpu.memory_space<vmem_shared>>, %arg12: memref<!tpu.dma_semaphore, #tpu.memory_space<semaphore_mem>>, %arg13: memref<!tpu.dma_semaphore, #tpu.memory_space<semaphore_mem>>, %arg14: memref<!tpu.dma_semaphore, #tpu.memory_space<semaphore_mem>>, %arg15: memref<!tpu.dma_semaphore, #tpu.memory_space<semaphore_mem>>, %arg16: memref<!tpu.dma_semaphore, #tpu.memory_space<semaphore_mem>>, %arg17: memref<!tpu.dma_semaphore, #tpu.memory_space<semaphore_mem>>) attributes {dimension_semantics = [#tpu.dimension_semantics<core_parallel>, #tpu.dimension_semantics<subcore_parallel>], iteration_bounds = array<i64: 2, 16>, scalar_prefetch = 0 : i64, scratch_operands = 13 : i64, tpu.core_type = #tpu.core_type<sc_vector_subcore>, window_params = [{transform_indices = #map}, {transform_indices = #map1}, {transform_indices = #map}]} {
    %mul3A = arith.constant 16 : i32
    %mul3A_0 = arith.muli %arg0, %mul3A : i32
    %add3A = arith.addi %mul3A_0, %arg1 : i32
    "tpu.region"() ({
      %run_scoped3A = tpu.sem_alloc : memref<!tpu.dma_semaphore, #tpu.memory_space<semaphore_mem>>
      %dma_start3A_282 = arith.constant 0 : i32
      %dma_start3A_283 = arith.constant 0 : i32
      %dma_start3A_284 = tpu.memref_slice %arg2[%add3A, %dma_start3A_282, %dma_start3A_283] : memref<32x126x80xi32, #tpu.memory_space<hbm>> -> memref<1x126x80xi32, #tpu.memory_space<hbm>>
      %dma_start3A_285 = tpu.memref_squeeze %dma_start3A_284 : memref<1x126x80xi32, #tpu.memory_space<hbm>> -> memref<126x80xi32, #tpu.memory_space<hbm>>
      %dma_start3A_286 = arith.constant 0 : i32
      %dma_start3A_287 = arith.constant 0 : i32
      %dma_start3A_288 = tpu.memref_slice %arg2[%add3A, %dma_start3A_286, %dma_start3A_287] : memref<32x126x80xi32, #tpu.memory_space<hbm>> -> memref<1x126x80xi32, #tpu.memory_space<hbm>>
      %dma_start3A_289 = tpu.memref_squeeze %dma_start3A_288 : memref<1x126x80xi32, #tpu.memory_space<hbm>> -> memref<126x80xi32, #tpu.memory_space<hbm>>
      tpu.enqueue_dma source(%dma_start3A_289 : memref<126x80xi32, #tpu.memory_space<hbm>>) target(%arg5 : memref<126x80xi32, #tpu.memory_space<vmem>>) target_semaphore(%run_scoped3A : memref<!tpu.dma_semaphore, #tpu.memory_space<semaphore_mem>>)
      %dma_wait3A_290 = arith.constant 0 : i32
      %dma_wait3A_291 = arith.constant 0 : i32
      %dma_wait3A_292 = tpu.memref_slice %arg2[%add3A, %dma_wait3A_290, %dma_wait3A_291] : memref<32x126x80xi32, #tpu.memory_space<hbm>> -> memref<1x126x80xi32, #tpu.memory_space<hbm>>
      %dma_wait3A_293 = tpu.memref_squeeze %dma_wait3A_292 : memref<1x126x80xi32, #tpu.memory_space<hbm>> -> memref<126x80xi32, #tpu.memory_space<hbm>>
      %dma_wait3A_294 = arith.constant 0 : i32
      %dma_wait3A_295 = arith.constant 0 : i32
      %dma_wait3A_296 = tpu.memref_slice %arg2[%add3A, %dma_wait3A_294, %dma_wait3A_295] : memref<32x126x80xi32, #tpu.memory_space<hbm>> -> memref<1x126x80xi32, #tpu.memory_space<hbm>>
      %dma_wait3A_297 = tpu.memref_squeeze %dma_wait3A_296 : memref<1x126x80xi32, #tpu.memory_space<hbm>> -> memref<126x80xi32, #tpu.memory_space<hbm>>
      tpu.wait_dma2 semaphore(%run_scoped3A : memref<!tpu.dma_semaphore, #tpu.memory_space<semaphore_mem>>) src(%dma_wait3A_297 : memref<126x80xi32, #tpu.memory_space<hbm>>) dst(%arg5 : memref<126x80xi32, #tpu.memory_space<vmem>>)
      tpu.yield
    }) : () -> ()
    %scan3A = arith.constant 0 : i32
    %scan3A_1 = arith.constant 0 : i32
    %scan3A_2 = arith.constant 80 : i32
    %scan3A_3 = arith.addi %scan3A_1, %scan3A_2 : i32
    %scan3A_4 = arith.constant 1 : i32
    scf.for %scan3A_282 = %scan3A_1 to %scan3A_3 step %scan3A_4  : i32 {
      %scan3A_283 = arith.constant 0 : i32
      %scan3A_284 = arith.constant 8 : i32
      %scan3A_285 = arith.addi %scan3A_283, %scan3A_284 : i32
      %scan3A_286 = arith.constant 1 : i32
      scf.for %scan3A_288 = %scan3A_283 to %scan3A_285 step %scan3A_286  : i32 {
        %broadcast_in_dim3A = arith.constant 0.000000e+00 : f32
        %broadcast_in_dim3A_289 = vector.broadcast %broadcast_in_dim3A : f32 to vector<16xf32>
        %mul3A_290 = arith.constant 16 : i32
        %mul3A_291 = arith.muli %scan3A_288, %mul3A_290 : i32
        %swap3A_292 = arith.index_cast %scan3A_282 : i32 to index
        %swap3A_293 = arith.index_cast %mul3A_291 : i32 to index
        %swap3A_294 = tpu.vector_load %arg8[%swap3A_292, %swap3A_293] {strides = array<i32>} : memref<80x128xf32, #tpu.memory_space<vmem>>, vector<1x16xf32>,
        %swap3A_295 = vector.shape_cast %swap3A_294 : vector<1x16xf32> to vector<16xf32>
        %swap3A_296 = vector.shape_cast %broadcast_in_dim3A_289 : vector<16xf32> to vector<1x16xf32>
        tpu.vector_store %arg8[%swap3A_292, %swap3A_293], %swap3A_296 {strides = array<i32>} : memref<80x128xf32, #tpu.memory_space<vmem>>, vector<1x16xf32>,
      }
      %scan3A_287 = arith.constant 8 : i32
    }
    %scan3A_5 = arith.constant 80 : i32
    %mul3A_6 = arith.constant 632 : i32
    %mul3A_7 = arith.muli %arg1, %mul3A_6 : i32
    %add3A_8 = arith.constant 0 : i32
    %add3A_9 = arith.addi %mul3A_7, %add3A_8 : i32
    "tpu.region"() ({
      %run_scoped3A = tpu.sem_alloc : memref<!tpu.dma_semaphore, #tpu.memory_space<semaphore_mem>>
      %dma_start3A_282 = arith.constant 0 : i32
      %dma_start3A_283 = tpu.memref_slice %arg11[%add3A_9, %dma_start3A_282] : memref<10112x128xf32, #tpu.memory_space<vmem_shared>> -> memref<80x128xf32, #tpu.memory_space<vmem_shared>>
      %dma_start3A_284 = arith.constant 0 : i32
      %dma_start3A_285 = tpu.memref_slice %arg11[%add3A_9, %dma_start3A_284] : memref<10112x128xf32, #tpu.memory_space<vmem_shared>> -> memref<80x128xf32, #tpu.memory_space<vmem_shared>>
      tpu.enqueue_dma source(%arg8 : memref<80x128xf32, #tpu.memory_space<vmem>>) target(%dma_start3A_285 : memref<80x128xf32, #tpu.memory_space<vmem_shared>>) target_semaphore(%run_scoped3A : memref<!tpu.dma_semaphore, #tpu.memory_space<semaphore_mem>>)
      %dma_wait3A_286 = arith.constant 0 : i32
      %dma_wait3A_287 = tpu.memref_slice %arg11[%add3A_9, %dma_wait3A_286] : memref<10112x128xf32, #tpu.memory_space<vmem_shared>> -> memref<80x128xf32, #tpu.memory_space<vmem_shared>>
      %dma_wait3A_288 = arith.constant 0 : i32
      %dma_wait3A_289 = tpu.memref_slice %arg11[%add3A_9, %dma_wait3A_288] : memref<10112x128xf32, #tpu.memory_space<vmem_shared>> -> memref<80x128xf32, #tpu.memory_space<vmem_shared>>
      tpu.wait_dma2 semaphore(%run_scoped3A : memref<!tpu.dma_semaphore, #tpu.memory_space<semaphore_mem>>) src(%arg8 : memref<80x128xf32, #tpu.memory_space<vmem>>) dst(%dma_wait3A_289 : memref<80x128xf32, #tpu.memory_space<vmem_shared>>)
      tpu.yield
    }) : () -> ()
    %add3A_10 = arith.constant 80 : i32
    %add3A_11 = arith.addi %mul3A_7, %add3A_10 : i32
    "tpu.region"() ({
      %run_scoped3A = tpu.sem_alloc : memref<!tpu.dma_semaphore, #tpu.memory_space<semaphore_mem>>
      %dma_start3A_282 = arith.constant 0 : i32
      %dma_start3A_283 = tpu.memref_slice %arg11[%add3A_11, %dma_start3A_282] : memref<10112x128xf32, #tpu.memory_space<vmem_shared>> -> memref<80x128xf32, #tpu.memory_space<vmem_shared>>
      %dma_start3A_284 = arith.constant 0 : i32
      %dma_start3A_285 = tpu.memref_slice %arg11[%add3A_11, %dma_start3A_284] : memref<10112x128xf32, #tpu.memory_space<vmem_shared>> -> memref<80x128xf32, #tpu.memory_space<vmem_shared>>
      tpu.enqueue_dma source(%arg8 : memref<80x128xf32, #tpu.memory_space<vmem>>) target(%dma_start3A_285 : memref<80x128xf32, #tpu.memory_space<vmem_shared>>) target_semaphore(%run_scoped3A : memref<!tpu.dma_semaphore, #tpu.memory_space<semaphore_mem>>)
      %dma_wait3A_286 = arith.constant 0 : i32
      %dma_wait3A_287 = tpu.memref_slice %arg11[%add3A_11, %dma_wait3A_286] : memref<10112x128xf32, #tpu.memory_space<vmem_shared>> -> memref<80x128xf32, #tpu.memory_space<vmem_shared>>
      %dma_wait3A_288 = arith.constant 0 : i32
      %dma_wait3A_289 = tpu.memref_slice %arg11[%add3A_11, %dma_wait3A_288] : memref<10112x128xf32, #tpu.memory_space<vmem_shared>> -> memref<80x128xf32, #tpu.memory_space<vmem_shared>>
      tpu.wait_dma2 semaphore(%run_scoped3A : memref<!tpu.dma_semaphore, #tpu.memory_space<semaphore_mem>>) src(%arg8 : memref<80x128xf32, #tpu.memory_space<vmem>>) dst(%dma_wait3A_289 : memref<80x128xf32, #tpu.memory_space<vmem_shared>>)
      tpu.yield
    }) : () -> ()
    %add3A_12 = arith.constant 160 : i32
    %add3A_13 = arith.addi %mul3A_7, %add3A_12 : i32
    "tpu.region"() ({
      %run_scoped3A = tpu.sem_alloc : memref<!tpu.dma_semaphore, #tpu.memory_space<semaphore_mem>>
      %dma_start3A_282 = arith.constant 0 : i32
      %dma_start3A_283 = tpu.memref_slice %arg11[%add3A_13, %dma_start3A_282] : memref<10112x128xf32, #tpu.memory_space<vmem_shared>> -> memref<80x128xf32, #tpu.memory_space<vmem_shared>>
      %dma_start3A_284 = arith.constant 0 : i32
      %dma_start3A_285 = tpu.memref_slice %arg11[%add3A_13, %dma_start3A_284] : memref<10112x128xf32, #tpu.memory_space<vmem_shared>> -> memref<80x128xf32, #tpu.memory_space<vmem_shared>>
      tpu.enqueue_dma source(%arg8 : memref<80x128xf32, #tpu.memory_space<vmem>>) target(%dma_start3A_285 : memref<80x128xf32, #tpu.memory_space<vmem_shared>>) target_semaphore(%run_scoped3A : memref<!tpu.dma_semaphore, #tpu.memory_space<semaphore_mem>>)
      %dma_wait3A_286 = arith.constant 0 : i32
      %dma_wait3A_287 = tpu.memref_slice %arg11[%add3A_13, %dma_wait3A_286] : memref<10112x128xf32, #tpu.memory_space<vmem_shared>> -> memref<80x128xf32, #tpu.memory_space<vmem_shared>>
      %dma_wait3A_288 = arith.constant 0 : i32
      %dma_wait3A_289 = tpu.memref_slice %arg11[%add3A_13, %dma_wait3A_288] : memref<10112x128xf32, #tpu.memory_space<vmem_shared>> -> memref<80x128xf32, #tpu.memory_space<vmem_shared>>
      tpu.wait_dma2 semaphore(%run_scoped3A : memref<!tpu.dma_semaphore, #tpu.memory_space<semaphore_mem>>) src(%arg8 : memref<80x128xf32, #tpu.memory_space<vmem>>) dst(%dma_wait3A_289 : memref<80x128xf32, #tpu.memory_space<vmem_shared>>)
      tpu.yield
    }) : () -> ()
    %add3A_14 = arith.constant 240 : i32
    %add3A_15 = arith.addi %mul3A_7, %add3A_14 : i32
    "tpu.region"() ({
      %run_scoped3A = tpu.sem_alloc : memref<!tpu.dma_semaphore, #tpu.memory_space<semaphore_mem>>
      %dma_start3A_282 = arith.constant 0 : i32
      %dma_start3A_283 = tpu.memref_slice %arg11[%add3A_15, %dma_start3A_282] : memref<10112x128xf32, #tpu.memory_space<vmem_shared>> -> memref<80x128xf32, #tpu.memory_space<vmem_shared>>
      %dma_start3A_284 = arith.constant 0 : i32
      %dma_start3A_285 = tpu.memref_slice %arg11[%add3A_15, %dma_start3A_284] : memref<10112x128xf32, #tpu.memory_space<vmem_shared>> -> memref<80x128xf32, #tpu.memory_space<vmem_shared>>
      tpu.enqueue_dma source(%arg8 : memref<80x128xf32, #tpu.memory_space<vmem>>) target(%dma_start3A_285 : memref<80x128xf32, #tpu.memory_space<vmem_shared>>) target_semaphore(%run_scoped3A : memref<!tpu.dma_semaphore, #tpu.memory_space<semaphore_mem>>)
      %dma_wait3A_286 = arith.constant 0 : i32
      %dma_wait3A_287 = tpu.memref_slice %arg11[%add3A_15, %dma_wait3A_286] : memref<10112x128xf32, #tpu.memory_space<vmem_shared>> -> memref<80x128xf32, #tpu.memory_space<vmem_shared>>
      %dma_wait3A_288 = arith.constant 0 : i32
      %dma_wait3A_289 = tpu.memref_slice %arg11[%add3A_15, %dma_wait3A_288] : memref<10112x128xf32, #tpu.memory_space<vmem_shared>> -> memref<80x128xf32, #tpu.memory_space<vmem_shared>>
      tpu.wait_dma2 semaphore(%run_scoped3A : memref<!tpu.dma_semaphore, #tpu.memory_space<semaphore_mem>>) src(%arg8 : memref<80x128xf32, #tpu.memory_space<vmem>>) dst(%dma_wait3A_289 : memref<80x128xf32, #tpu.memory_space<vmem_shared>>)
      tpu.yield
    }) : () -> ()
    %add3A_16 = arith.constant 320 : i32
    %add3A_17 = arith.addi %mul3A_7, %add3A_16 : i32
    "tpu.region"() ({
      %run_scoped3A = tpu.sem_alloc : memref<!tpu.dma_semaphore, #tpu.memory_space<semaphore_mem>>
      %dma_start3A_282 = arith.constant 0 : i32
      %dma_start3A_283 = tpu.memref_slice %arg11[%add3A_17, %dma_start3A_282] : memref<10112x128xf32, #tpu.memory_space<vmem_shared>> -> memref<80x128xf32, #tpu.memory_space<vmem_shared>>
      %dma_start3A_284 = arith.constant 0 : i32
      %dma_start3A_285 = tpu.memref_slice %arg11[%add3A_17, %dma_start3A_284] : memref<10112x128xf32, #tpu.memory_space<vmem_shared>> -> memref<80x128xf32, #tpu.memory_space<vmem_shared>>
      tpu.enqueue_dma source(%arg8 : memref<80x128xf32, #tpu.memory_space<vmem>>) target(%dma_start3A_285 : memref<80x128xf32, #tpu.memory_space<vmem_shared>>) target_semaphore(%run_scoped3A : memref<!tpu.dma_semaphore, #tpu.memory_space<semaphore_mem>>)
      %dma_wait3A_286 = arith.constant 0 : i32
      %dma_wait3A_287 = tpu.memref_slice %arg11[%add3A_17, %dma_wait3A_286] : memref<10112x128xf32, #tpu.memory_space<vmem_shared>> -> memref<80x128xf32, #tpu.memory_space<vmem_shared>>
      %dma_wait3A_288 = arith.constant 0 : i32
      %dma_wait3A_289 = tpu.memref_slice %arg11[%add3A_17, %dma_wait3A_288] : memref<10112x128xf32, #tpu.memory_space<vmem_shared>> -> memref<80x128xf32, #tpu.memory_space<vmem_shared>>
      tpu.wait_dma2 semaphore(%run_scoped3A : memref<!tpu.dma_semaphore, #tpu.memory_space<semaphore_mem>>) src(%arg8 : memref<80x128xf32, #tpu.memory_space<vmem>>) dst(%dma_wait3A_289 : memref<80x128xf32, #tpu.memory_space<vmem_shared>>)
      tpu.yield
    }) : () -> ()
    %add3A_18 = arith.constant 400 : i32
    %add3A_19 = arith.addi %mul3A_7, %add3A_18 : i32
    "tpu.region"() ({
      %run_scoped3A = tpu.sem_alloc : memref<!tpu.dma_semaphore, #tpu.memory_space<semaphore_mem>>
      %dma_start3A_282 = arith.constant 0 : i32
      %dma_start3A_283 = tpu.memref_slice %arg11[%add3A_19, %dma_start3A_282] : memref<10112x128xf32, #tpu.memory_space<vmem_shared>> -> memref<80x128xf32, #tpu.memory_space<vmem_shared>>
      %dma_start3A_284 = arith.constant 0 : i32
      %dma_start3A_285 = tpu.memref_slice %arg11[%add3A_19, %dma_start3A_284] : memref<10112x128xf32, #tpu.memory_space<vmem_shared>> -> memref<80x128xf32, #tpu.memory_space<vmem_shared>>
      tpu.enqueue_dma source(%arg8 : memref<80x128xf32, #tpu.memory_space<vmem>>) target(%dma_start3A_285 : memref<80x128xf32, #tpu.memory_space<vmem_shared>>) target_semaphore(%run_scoped3A : memref<!tpu.dma_semaphore, #tpu.memory_space<semaphore_mem>>)
      %dma_wait3A_286 = arith.constant 0 : i32
      %dma_wait3A_287 = tpu.memref_slice %arg11[%add3A_19, %dma_wait3A_286] : memref<10112x128xf32, #tpu.memory_space<vmem_shared>> -> memref<80x128xf32, #tpu.memory_space<vmem_shared>>
      %dma_wait3A_288 = arith.constant 0 : i32
      %dma_wait3A_289 = tpu.memref_slice %arg11[%add3A_19, %dma_wait3A_288] : memref<10112x128xf32, #tpu.memory_space<vmem_shared>> -> memref<80x128xf32, #tpu.memory_space<vmem_shared>>
      tpu.wait_dma2 semaphore(%run_scoped3A : memref<!tpu.dma_semaphore, #tpu.memory_space<semaphore_mem>>) src(%arg8 : memref<80x128xf32, #tpu.memory_space<vmem>>) dst(%dma_wait3A_289 : memref<80x128xf32, #tpu.memory_space<vmem_shared>>)
      tpu.yield
    }) : () -> ()
    %add3A_20 = arith.constant 480 : i32
    %add3A_21 = arith.addi %mul3A_7, %add3A_20 : i32
    "tpu.region"() ({
      %run_scoped3A = tpu.sem_alloc : memref<!tpu.dma_semaphore, #tpu.memory_space<semaphore_mem>>
      %dma_start3A_282 = arith.constant 0 : i32
      %dma_start3A_283 = tpu.memref_slice %arg11[%add3A_21, %dma_start3A_282] : memref<10112x128xf32, #tpu.memory_space<vmem_shared>> -> memref<80x128xf32, #tpu.memory_space<vmem_shared>>
      %dma_start3A_284 = arith.constant 0 : i32
      %dma_start3A_285 = tpu.memref_slice %arg11[%add3A_21, %dma_start3A_284] : memref<10112x128xf32, #tpu.memory_space<vmem_shared>> -> memref<80x128xf32, #tpu.memory_space<vmem_shared>>
      tpu.enqueue_dma source(%arg8 : memref<80x128xf32, #tpu.memory_space<vmem>>) target(%dma_start3A_285 : memref<80x128xf32, #tpu.memory_space<vmem_shared>>) target_semaphore(%run_scoped3A : memref<!tpu.dma_semaphore, #tpu.memory_space<semaphore_mem>>)
      %dma_wait3A_286 = arith.constant 0 : i32
      %dma_wait3A_287 = tpu.memref_slice %arg11[%add3A_21, %dma_wait3A_286] : memref<10112x128xf32, #tpu.memory_space<vmem_shared>> -> memref<80x128xf32, #tpu.memory_space<vmem_shared>>
      %dma_wait3A_288 = arith.constant 0 : i32
      %dma_wait3A_289 = tpu.memref_slice %arg11[%add3A_21, %dma_wait3A_288] : memref<10112x128xf32, #tpu.memory_space<vmem_shared>> -> memref<80x128xf32, #tpu.memory_space<vmem_shared>>
      tpu.wait_dma2 semaphore(%run_scoped3A : memref<!tpu.dma_semaphore, #tpu.memory_space<semaphore_mem>>) src(%arg8 : memref<80x128xf32, #tpu.memory_space<vmem>>) dst(%dma_wait3A_289 : memref<80x128xf32, #tpu.memory_space<vmem_shared>>)
      tpu.yield
    }) : () -> ()
    %add3A_22 = arith.constant 560 : i32
    %add3A_23 = arith.addi %mul3A_7, %add3A_22 : i32
    "tpu.region"() ({
      %run_scoped3A = tpu.sem_alloc : memref<!tpu.dma_semaphore, #tpu.memory_space<semaphore_mem>>
      %dma_start3A_282 = arith.constant 0 : i32
      %dma_start3A_283 = arith.constant 0 : i32
      %dma_start3A_284 = tpu.memref_slice %arg8[%dma_start3A_282, %dma_start3A_283] : memref<80x128xf32, #tpu.memory_space<vmem>> -> memref<72x128xf32, #tpu.memory_space<vmem>>
      %dma_start3A_285 = arith.constant 0 : i32
      %dma_start3A_286 = tpu.memref_slice %arg11[%add3A_23, %dma_start3A_285] : memref<10112x128xf32, #tpu.memory_space<vmem_shared>> -> memref<72x128xf32, #tpu.memory_space<vmem_shared>>
      %dma_start3A_287 = arith.constant 0 : i32
      %dma_start3A_288 = tpu.memref_slice %arg11[%add3A_23, %dma_start3A_287] : memref<10112x128xf32, #tpu.memory_space<vmem_shared>> -> memref<72x128xf32, #tpu.memory_space<vmem_shared>>
      %dma_start3A_289 = arith.constant 0 : i32
      %dma_start3A_290 = arith.constant 0 : i32
      %dma_start3A_291 = tpu.memref_slice %arg8[%dma_start3A_289, %dma_start3A_290] : memref<80x128xf32, #tpu.memory_space<vmem>> -> memref<72x128xf32, #tpu.memory_space<vmem>>
      tpu.enqueue_dma source(%dma_start3A_291 : memref<72x128xf32, #tpu.memory_space<vmem>>) target(%dma_start3A_288 : memref<72x128xf32, #tpu.memory_space<vmem_shared>>) target_semaphore(%run_scoped3A : memref<!tpu.dma_semaphore, #tpu.memory_space<semaphore_mem>>)
      %dma_wait3A_292 = arith.constant 0 : i32
      %dma_wait3A_293 = arith.constant 0 : i32
      %dma_wait3A_294 = tpu.memref_slice %arg8[%dma_wait3A_292, %dma_wait3A_293] : memref<80x128xf32, #tpu.memory_space<vmem>> -> memref<72x128xf32, #tpu.memory_space<vmem>>
      %dma_wait3A_295 = arith.constant 0 : i32
      %dma_wait3A_296 = tpu.memref_slice %arg11[%add3A_23, %dma_wait3A_295] : memref<10112x128xf32, #tpu.memory_space<vmem_shared>> -> memref<72x128xf32, #tpu.memory_space<vmem_shared>>
      %dma_wait3A_297 = arith.constant 0 : i32
      %dma_wait3A_298 = tpu.memref_slice %arg11[%add3A_23, %dma_wait3A_297] : memref<10112x128xf32, #tpu.memory_space<vmem_shared>> -> memref<72x128xf32, #tpu.memory_space<vmem_shared>>
      %dma_wait3A_299 = arith.constant 0 : i32
      %dma_wait3A_300 = arith.constant 0 : i32
      %dma_wait3A_301 = tpu.memref_slice %arg8[%dma_wait3A_299, %dma_wait3A_300] : memref<80x128xf32, #tpu.memory_space<vmem>> -> memref<72x128xf32, #tpu.memory_space<vmem>>
      tpu.wait_dma2 semaphore(%run_scoped3A : memref<!tpu.dma_semaphore, #tpu.memory_space<semaphore_mem>>) src(%dma_wait3A_301 : memref<72x128xf32, #tpu.memory_space<vmem>>) dst(%dma_wait3A_298 : memref<72x128xf32, #tpu.memory_space<vmem_shared>>)
      tpu.yield
    }) : () -> ()
    %barrier3A = arith.constant 0 : index
    tpu.barrier barrier_id(%barrier3A)
    %get3A = arith.constant 0 : i32
    %get3A_24 = arith.index_cast %get3A : i32 to index
    %get3A_25 = arith.constant 0 : index
    %get3A_26 = tpu.vector_load %arg5[%get3A_24, %get3A_25] {strides = array<i32>} : memref<126x80xi32, #tpu.memory_space<vmem>>, vector<1x16xi32>,
    %get3A_27 = vector.shape_cast %get3A_26 : vector<1x16xi32> to vector<16xi32>
    %and3A = arith.constant 16383 : i32
    %and3A_28 = vector.broadcast %and3A : i32 to vector<16xi32>
    %and3A_29 = arith.andi %get3A_27, %and3A_28 : vector<16xi32>
    %swap3A = arith.constant 0 : i32
    %swap3A_30 = arith.index_cast %swap3A : i32 to index
    %swap3A_31 = arith.constant 0 : index
    %swap3A_32 = tpu.vector_load %arg7[%swap3A_30, %swap3A_31] {strides = array<i32>} : memref<3x80xi32, #tpu.memory_space<vmem>>, vector<1x16xi32>,
    %swap3A_33 = vector.shape_cast %swap3A_32 : vector<1x16xi32> to vector<16xi32>
    %swap3A_34 = vector.shape_cast %and3A_29 : vector<16xi32> to vector<1x16xi32>
    tpu.vector_store %arg7[%swap3A_30, %swap3A_31], %swap3A_34 {strides = array<i32>} : memref<3x80xi32, #tpu.memory_space<vmem>>, vector<1x16xi32>,
    %get3A_35 = arith.constant 0 : i32
    %get3A_36 = arith.index_cast %get3A_35 : i32 to index
    %get3A_37 = arith.constant 16 : index
    %get3A_38 = tpu.vector_load %arg5[%get3A_36, %get3A_37] {strides = array<i32>} : memref<126x80xi32, #tpu.memory_space<vmem>>, vector<1x16xi32>,
    %get3A_39 = vector.shape_cast %get3A_38 : vector<1x16xi32> to vector<16xi32>
    %and3A_40 = arith.constant 16383 : i32
    %and3A_41 = vector.broadcast %and3A_40 : i32 to vector<16xi32>
    %and3A_42 = arith.andi %get3A_39, %and3A_41 : vector<16xi32>
    %swap3A_43 = arith.constant 0 : i32
    %swap3A_44 = arith.index_cast %swap3A_43 : i32 to index
    %swap3A_45 = arith.constant 16 : index
    %swap3A_46 = tpu.vector_load %arg7[%swap3A_44, %swap3A_45] {strides = array<i32>} : memref<3x80xi32, #tpu.memory_space<vmem>>, vector<1x16xi32>,
    %swap3A_47 = vector.shape_cast %swap3A_46 : vector<1x16xi32> to vector<16xi32>
    %swap3A_48 = vector.shape_cast %and3A_42 : vector<16xi32> to vector<1x16xi32>
    tpu.vector_store %arg7[%swap3A_44, %swap3A_45], %swap3A_48 {strides = array<i32>} : memref<3x80xi32, #tpu.memory_space<vmem>>, vector<1x16xi32>,
    %get3A_49 = arith.constant 0 : i32
    %get3A_50 = arith.index_cast %get3A_49 : i32 to index
    %get3A_51 = arith.constant 32 : index
    %get3A_52 = tpu.vector_load %arg5[%get3A_50, %get3A_51] {strides = array<i32>} : memref<126x80xi32, #tpu.memory_space<vmem>>, vector<1x16xi32>,
    %get3A_53 = vector.shape_cast %get3A_52 : vector<1x16xi32> to vector<16xi32>
    %and3A_54 = arith.constant 16383 : i32
    %and3A_55 = vector.broadcast %and3A_54 : i32 to vector<16xi32>
    %and3A_56 = arith.andi %get3A_53, %and3A_55 : vector<16xi32>
    %swap3A_57 = arith.constant 0 : i32
    %swap3A_58 = arith.index_cast %swap3A_57 : i32 to index
    %swap3A_59 = arith.constant 32 : index
    %swap3A_60 = tpu.vector_load %arg7[%swap3A_58, %swap3A_59] {strides = array<i32>} : memref<3x80xi32, #tpu.memory_space<vmem>>, vector<1x16xi32>,
    %swap3A_61 = vector.shape_cast %swap3A_60 : vector<1x16xi32> to vector<16xi32>
    %swap3A_62 = vector.shape_cast %and3A_56 : vector<16xi32> to vector<1x16xi32>
    tpu.vector_store %arg7[%swap3A_58, %swap3A_59], %swap3A_62 {strides = array<i32>} : memref<3x80xi32, #tpu.memory_space<vmem>>, vector<1x16xi32>,
    %get3A_63 = arith.constant 0 : i32
    %get3A_64 = arith.index_cast %get3A_63 : i32 to index
    %get3A_65 = arith.constant 48 : index
    %get3A_66 = tpu.vector_load %arg5[%get3A_64, %get3A_65] {strides = array<i32>} : memref<126x80xi32, #tpu.memory_space<vmem>>, vector<1x16xi32>,
    %get3A_67 = vector.shape_cast %get3A_66 : vector<1x16xi32> to vector<16xi32>
    %and3A_68 = arith.constant 16383 : i32
    %and3A_69 = vector.broadcast %and3A_68 : i32 to vector<16xi32>
    %and3A_70 = arith.andi %get3A_67, %and3A_69 : vector<16xi32>
    %swap3A_71 = arith.constant 0 : i32
    %swap3A_72 = arith.index_cast %swap3A_71 : i32 to index
    %swap3A_73 = arith.constant 48 : index
    %swap3A_74 = tpu.vector_load %arg7[%swap3A_72, %swap3A_73] {strides = array<i32>} : memref<3x80xi32, #tpu.memory_space<vmem>>, vector<1x16xi32>,
    %swap3A_75 = vector.shape_cast %swap3A_74 : vector<1x16xi32> to vector<16xi32>
    %swap3A_76 = vector.shape_cast %and3A_70 : vector<16xi32> to vector<1x16xi32>
    tpu.vector_store %arg7[%swap3A_72, %swap3A_73], %swap3A_76 {strides = array<i32>} : memref<3x80xi32, #tpu.memory_space<vmem>>, vector<1x16xi32>,
    %get3A_77 = arith.constant 0 : i32
    %get3A_78 = arith.index_cast %get3A_77 : i32 to index
    %get3A_79 = arith.constant 64 : index
    %get3A_80 = tpu.vector_load %arg5[%get3A_78, %get3A_79] {strides = array<i32>} : memref<126x80xi32, #tpu.memory_space<vmem>>, vector<1x16xi32>,
    %get3A_81 = vector.shape_cast %get3A_80 : vector<1x16xi32> to vector<16xi32>
    %and3A_82 = arith.constant 16383 : i32
    %and3A_83 = vector.broadcast %and3A_82 : i32 to vector<16xi32>
    %and3A_84 = arith.andi %get3A_81, %and3A_83 : vector<16xi32>
    %swap3A_85 = arith.constant 0 : i32
    %swap3A_86 = arith.index_cast %swap3A_85 : i32 to index
    %swap3A_87 = arith.constant 64 : index
    %swap3A_88 = tpu.vector_load %arg7[%swap3A_86, %swap3A_87] {strides = array<i32>} : memref<3x80xi32, #tpu.memory_space<vmem>>, vector<1x16xi32>,
    %swap3A_89 = vector.shape_cast %swap3A_88 : vector<1x16xi32> to vector<16xi32>
    %swap3A_90 = vector.shape_cast %and3A_84 : vector<16xi32> to vector<1x16xi32>
    tpu.vector_store %arg7[%swap3A_86, %swap3A_87], %swap3A_90 {strides = array<i32>} : memref<3x80xi32, #tpu.memory_space<vmem>>, vector<1x16xi32>,
    %dma_start3A = arith.constant 0 : i32
    %dma_start3A_91 = arith.constant 0 : i32
    %dma_start3A_92 = tpu.memref_slice %arg7[%dma_start3A, %dma_start3A_91] : memref<3x80xi32, #tpu.memory_space<vmem>> -> memref<1x80xi32, #tpu.memory_space<vmem>>
    %dma_start3A_93 = tpu.memref_squeeze %dma_start3A_92 : memref<1x80xi32, #tpu.memory_space<vmem>> -> memref<80xi32, #tpu.memory_space<vmem>>
    %dma_start3A_94 = arith.constant 0 : i32
    %dma_start3A_95 = arith.constant 0 : i32
    %dma_start3A_96 = tpu.memref_slice %arg3[%dma_start3A_94, %dma_start3A_95] : memref<10240x128xf32, #tpu.memory_space<hbm>> -> memref<10240x128xf32, #tpu.memory_space<hbm>>
    tpu.enqueue_indirect_dma source(%dma_start3A_96 : memref<10240x128xf32, #tpu.memory_space<hbm>>) target(%arg8 : memref<80x128xf32, #tpu.memory_space<vmem>>) offsets(%dma_start3A_93 : memref<80xi32, #tpu.memory_space<vmem>>) semaphore(%arg12 : memref<!tpu.dma_semaphore, #tpu.memory_space<semaphore_mem>>)
    %get3A_97 = arith.constant 1 : i32
    %get3A_98 = arith.index_cast %get3A_97 : i32 to index
    %get3A_99 = arith.constant 0 : index
    %get3A_100 = tpu.vector_load %arg5[%get3A_98, %get3A_99] {strides = array<i32>} : memref<126x80xi32, #tpu.memory_space<vmem>>, vector<1x16xi32>,
    %get3A_101 = vector.shape_cast %get3A_100 : vector<1x16xi32> to vector<16xi32>
    %and3A_102 = arith.constant 16383 : i32
    %and3A_103 = vector.broadcast %and3A_102 : i32 to vector<16xi32>
    %and3A_104 = arith.andi %get3A_101, %and3A_103 : vector<16xi32>
    %swap3A_105 = arith.constant 1 : i32
    %swap3A_106 = arith.index_cast %swap3A_105 : i32 to index
    %swap3A_107 = arith.constant 0 : index
    %swap3A_108 = tpu.vector_load %arg7[%swap3A_106, %swap3A_107] {strides = array<i32>} : memref<3x80xi32, #tpu.memory_space<vmem>>, vector<1x16xi32>,
    %swap3A_109 = vector.shape_cast %swap3A_108 : vector<1x16xi32> to vector<16xi32>
    %swap3A_110 = vector.shape_cast %and3A_104 : vector<16xi32> to vector<1x16xi32>
    tpu.vector_store %arg7[%swap3A_106, %swap3A_107], %swap3A_110 {strides = array<i32>} : memref<3x80xi32, #tpu.memory_space<vmem>>, vector<1x16xi32>,
    %get3A_111 = arith.constant 1 : i32
    %get3A_112 = arith.index_cast %get3A_111 : i32 to index
    %get3A_113 = arith.constant 16 : index
    %get3A_114 = tpu.vector_load %arg5[%get3A_112, %get3A_113] {strides = array<i32>} : memref<126x80xi32, #tpu.memory_space<vmem>>, vector<1x16xi32>,
    %get3A_115 = vector.shape_cast %get3A_114 : vector<1x16xi32> to vector<16xi32>
    %and3A_116 = arith.constant 16383 : i32
    %and3A_117 = vector.broadcast %and3A_116 : i32 to vector<16xi32>
    %and3A_118 = arith.andi %get3A_115, %and3A_117 : vector<16xi32>
    %swap3A_119 = arith.constant 1 : i32
    %swap3A_120 = arith.index_cast %swap3A_119 : i32 to index
    %swap3A_121 = arith.constant 16 : index
    %swap3A_122 = tpu.vector_load %arg7[%swap3A_120, %swap3A_121] {strides = array<i32>} : memref<3x80xi32, #tpu.memory_space<vmem>>, vector<1x16xi32>,
    %swap3A_123 = vector.shape_cast %swap3A_122 : vector<1x16xi32> to vector<16xi32>
    %swap3A_124 = vector.shape_cast %and3A_118 : vector<16xi32> to vector<1x16xi32>
    tpu.vector_store %arg7[%swap3A_120, %swap3A_121], %swap3A_124 {strides = array<i32>} : memref<3x80xi32, #tpu.memory_space<vmem>>, vector<1x16xi32>,
    %get3A_125 = arith.constant 1 : i32
    %get3A_126 = arith.index_cast %get3A_125 : i32 to index
    %get3A_127 = arith.constant 32 : index
    %get3A_128 = tpu.vector_load %arg5[%get3A_126, %get3A_127] {strides = array<i32>} : memref<126x80xi32, #tpu.memory_space<vmem>>, vector<1x16xi32>,
    %get3A_129 = vector.shape_cast %get3A_128 : vector<1x16xi32> to vector<16xi32>
    %and3A_130 = arith.constant 16383 : i32
    %and3A_131 = vector.broadcast %and3A_130 : i32 to vector<16xi32>
    %and3A_132 = arith.andi %get3A_129, %and3A_131 : vector<16xi32>
    %swap3A_133 = arith.constant 1 : i32
    %swap3A_134 = arith.index_cast %swap3A_133 : i32 to index
    %swap3A_135 = arith.constant 32 : index
    %swap3A_136 = tpu.vector_load %arg7[%swap3A_134, %swap3A_135] {strides = array<i32>} : memref<3x80xi32, #tpu.memory_space<vmem>>, vector<1x16xi32>,
    %swap3A_137 = vector.shape_cast %swap3A_136 : vector<1x16xi32> to vector<16xi32>
    %swap3A_138 = vector.shape_cast %and3A_132 : vector<16xi32> to vector<1x16xi32>
    tpu.vector_store %arg7[%swap3A_134, %swap3A_135], %swap3A_138 {strides = array<i32>} : memref<3x80xi32, #tpu.memory_space<vmem>>, vector<1x16xi32>,
    %get3A_139 = arith.constant 1 : i32
    %get3A_140 = arith.index_cast %get3A_139 : i32 to index
    %get3A_141 = arith.constant 48 : index
    %get3A_142 = tpu.vector_load %arg5[%get3A_140, %get3A_141] {strides = array<i32>} : memref<126x80xi32, #tpu.memory_space<vmem>>, vector<1x16xi32>,
    %get3A_143 = vector.shape_cast %get3A_142 : vector<1x16xi32> to vector<16xi32>
    %and3A_144 = arith.constant 16383 : i32
    %and3A_145 = vector.broadcast %and3A_144 : i32 to vector<16xi32>
    %and3A_146 = arith.andi %get3A_143, %and3A_145 : vector<16xi32>
    %swap3A_147 = arith.constant 1 : i32
    %swap3A_148 = arith.index_cast %swap3A_147 : i32 to index
    %swap3A_149 = arith.constant 48 : index
    %swap3A_150 = tpu.vector_load %arg7[%swap3A_148, %swap3A_149] {strides = array<i32>} : memref<3x80xi32, #tpu.memory_space<vmem>>, vector<1x16xi32>,
    %swap3A_151 = vector.shape_cast %swap3A_150 : vector<1x16xi32> to vector<16xi32>
    %swap3A_152 = vector.shape_cast %and3A_146 : vector<16xi32> to vector<1x16xi32>
    tpu.vector_store %arg7[%swap3A_148, %swap3A_149], %swap3A_152 {strides = array<i32>} : memref<3x80xi32, #tpu.memory_space<vmem>>, vector<1x16xi32>,
    %get3A_153 = arith.constant 1 : i32
    %get3A_154 = arith.index_cast %get3A_153 : i32 to index
    %get3A_155 = arith.constant 64 : index
    %get3A_156 = tpu.vector_load %arg5[%get3A_154, %get3A_155] {strides = array<i32>} : memref<126x80xi32, #tpu.memory_space<vmem>>, vector<1x16xi32>,
    %get3A_157 = vector.shape_cast %get3A_156 : vector<1x16xi32> to vector<16xi32>
    %and3A_158 = arith.constant 16383 : i32
    %and3A_159 = vector.broadcast %and3A_158 : i32 to vector<16xi32>
    %and3A_160 = arith.andi %get3A_157, %and3A_159 : vector<16xi32>
    %swap3A_161 = arith.constant 1 : i32
    %swap3A_162 = arith.index_cast %swap3A_161 : i32 to index
    %swap3A_163 = arith.constant 64 : index
    %swap3A_164 = tpu.vector_load %arg7[%swap3A_162, %swap3A_163] {strides = array<i32>} : memref<3x80xi32, #tpu.memory_space<vmem>>, vector<1x16xi32>,
    %swap3A_165 = vector.shape_cast %swap3A_164 : vector<1x16xi32> to vector<16xi32>
    %swap3A_166 = vector.shape_cast %and3A_160 : vector<16xi32> to vector<1x16xi32>
    tpu.vector_store %arg7[%swap3A_162, %swap3A_163], %swap3A_166 {strides = array<i32>} : memref<3x80xi32, #tpu.memory_space<vmem>>, vector<1x16xi32>,
    %dma_start3A_167 = arith.constant 1 : i32
    %dma_start3A_168 = arith.constant 0 : i32
    %dma_start3A_169 = tpu.memref_slice %arg7[%dma_start3A_167, %dma_start3A_168] : memref<3x80xi32, #tpu.memory_space<vmem>> -> memref<1x80xi32, #tpu.memory_space<vmem>>
    %dma_start3A_170 = tpu.memref_squeeze %dma_start3A_169 : memref<1x80xi32, #tpu.memory_space<vmem>> -> memref<80xi32, #tpu.memory_space<vmem>>
    %dma_start3A_171 = arith.constant 0 : i32
    %dma_start3A_172 = arith.constant 0 : i32
    %dma_start3A_173 = tpu.memref_slice %arg3[%dma_start3A_171, %dma_start3A_172] : memref<10240x128xf32, #tpu.memory_space<hbm>> -> memref<10240x128xf32, #tpu.memory_space<hbm>>
    tpu.enqueue_indirect_dma source(%dma_start3A_173 : memref<10240x128xf32, #tpu.memory_space<hbm>>) target(%arg9 : memref<80x128xf32, #tpu.memory_space<vmem>>) offsets(%dma_start3A_170 : memref<80xi32, #tpu.memory_space<vmem>>) semaphore(%arg13 : memref<!tpu.dma_semaphore, #tpu.memory_space<semaphore_mem>>)
    %get3A_174 = arith.constant 2 : i32
    %get3A_175 = arith.index_cast %get3A_174 : i32 to index
    %get3A_176 = arith.constant 0 : index
    %get3A_177 = tpu.vector_load %arg5[%get3A_175, %get3A_176] {strides = array<i32>} : memref<126x80xi32, #tpu.memory_space<vmem>>, vector<1x16xi32>,
    %get3A_178 = vector.shape_cast %get3A_177 : vector<1x16xi32> to vector<16xi32>
    %and3A_179 = arith.constant 16383 : i32
    %and3A_180 = vector.broadcast %and3A_179 : i32 to vector<16xi32>
    %and3A_181 = arith.andi %get3A_178, %and3A_180 : vector<16xi32>
    %swap3A_182 = arith.constant 2 : i32
    %swap3A_183 = arith.index_cast %swap3A_182 : i32 to index
    %swap3A_184 = arith.constant 0 : index
    %swap3A_185 = tpu.vector_load %arg7[%swap3A_183, %swap3A_184] {strides = array<i32>} : memref<3x80xi32, #tpu.memory_space<vmem>>, vector<1x16xi32>,
    %swap3A_186 = vector.shape_cast %swap3A_185 : vector<1x16xi32> to vector<16xi32>
    %swap3A_187 = vector.shape_cast %and3A_181 : vector<16xi32> to vector<1x16xi32>
    tpu.vector_store %arg7[%swap3A_183, %swap3A_184], %swap3A_187 {strides = array<i32>} : memref<3x80xi32, #tpu.memory_space<vmem>>, vector<1x16xi32>,
    %get3A_188 = arith.constant 2 : i32
    %get3A_189 = arith.index_cast %get3A_188 : i32 to index
    %get3A_190 = arith.constant 16 : index
    %get3A_191 = tpu.vector_load %arg5[%get3A_189, %get3A_190] {strides = array<i32>} : memref<126x80xi32, #tpu.memory_space<vmem>>, vector<1x16xi32>,
    %get3A_192 = vector.shape_cast %get3A_191 : vector<1x16xi32> to vector<16xi32>
    %and3A_193 = arith.constant 16383 : i32
    %and3A_194 = vector.broadcast %and3A_193 : i32 to vector<16xi32>
    %and3A_195 = arith.andi %get3A_192, %and3A_194 : vector<16xi32>
    %swap3A_196 = arith.constant 2 : i32
    %swap3A_197 = arith.index_cast %swap3A_196 : i32 to index
    %swap3A_198 = arith.constant 16 : index
    %swap3A_199 = tpu.vector_load %arg7[%swap3A_197, %swap3A_198] {strides = array<i32>} : memref<3x80xi32, #tpu.memory_space<vmem>>, vector<1x16xi32>,
    %swap3A_200 = vector.shape_cast %swap3A_199 : vector<1x16xi32> to vector<16xi32>
    %swap3A_201 = vector.shape_cast %and3A_195 : vector<16xi32> to vector<1x16xi32>
    tpu.vector_store %arg7[%swap3A_197, %swap3A_198], %swap3A_201 {strides = array<i32>} : memref<3x80xi32, #tpu.memory_space<vmem>>, vector<1x16xi32>,
    %get3A_202 = arith.constant 2 : i32
    %get3A_203 = arith.index_cast %get3A_202 : i32 to index
    %get3A_204 = arith.constant 32 : index
    %get3A_205 = tpu.vector_load %arg5[%get3A_203, %get3A_204] {strides = array<i32>} : memref<126x80xi32, #tpu.memory_space<vmem>>, vector<1x16xi32>,
    %get3A_206 = vector.shape_cast %get3A_205 : vector<1x16xi32> to vector<16xi32>
    %and3A_207 = arith.constant 16383 : i32
    %and3A_208 = vector.broadcast %and3A_207 : i32 to vector<16xi32>
    %and3A_209 = arith.andi %get3A_206, %and3A_208 : vector<16xi32>
    %swap3A_210 = arith.constant 2 : i32
    %swap3A_211 = arith.index_cast %swap3A_210 : i32 to index
    %swap3A_212 = arith.constant 32 : index
    %swap3A_213 = tpu.vector_load %arg7[%swap3A_211, %swap3A_212] {strides = array<i32>} : memref<3x80xi32, #tpu.memory_space<vmem>>, vector<1x16xi32>,
    %swap3A_214 = vector.shape_cast %swap3A_213 : vector<1x16xi32> to vector<16xi32>
    %swap3A_215 = vector.shape_cast %and3A_209 : vector<16xi32> to vector<1x16xi32>
    tpu.vector_store %arg7[%swap3A_211, %swap3A_212], %swap3A_215 {strides = array<i32>} : memref<3x80xi32, #tpu.memory_space<vmem>>, vector<1x16xi32>,
    %get3A_216 = arith.constant 2 : i32
    %get3A_217 = arith.index_cast %get3A_216 : i32 to index
    %get3A_218 = arith.constant 48 : index
    %get3A_219 = tpu.vector_load %arg5[%get3A_217, %get3A_218] {strides = array<i32>} : memref<126x80xi32, #tpu.memory_space<vmem>>, vector<1x16xi32>,
    %get3A_220 = vector.shape_cast %get3A_219 : vector<1x16xi32> to vector<16xi32>
    %and3A_221 = arith.constant 16383 : i32
    %and3A_222 = vector.broadcast %and3A_221 : i32 to vector<16xi32>
    %and3A_223 = arith.andi %get3A_220, %and3A_222 : vector<16xi32>
    %swap3A_224 = arith.constant 2 : i32
    %swap3A_225 = arith.index_cast %swap3A_224 : i32 to index
    %swap3A_226 = arith.constant 48 : index
    %swap3A_227 = tpu.vector_load %arg7[%swap3A_225, %swap3A_226] {strides = array<i32>} : memref<3x80xi32, #tpu.memory_space<vmem>>, vector<1x16xi32>,
    %swap3A_228 = vector.shape_cast %swap3A_227 : vector<1x16xi32> to vector<16xi32>
    %swap3A_229 = vector.shape_cast %and3A_223 : vector<16xi32> to vector<1x16xi32>
    tpu.vector_store %arg7[%swap3A_225, %swap3A_226], %swap3A_229 {strides = array<i32>} : memref<3x80xi32, #tpu.memory_space<vmem>>, vector<1x16xi32>,
    %get3A_230 = arith.constant 2 : i32
    %get3A_231 = arith.index_cast %get3A_230 : i32 to index
    %get3A_232 = arith.constant 64 : index
    %get3A_233 = tpu.vector_load %arg5[%get3A_231, %get3A_232] {strides = array<i32>} : memref<126x80xi32, #tpu.memory_space<vmem>>, vector<1x16xi32>,
    %get3A_234 = vector.shape_cast %get3A_233 : vector<1x16xi32> to vector<16xi32>
    %and3A_235 = arith.constant 16383 : i32
    %and3A_236 = vector.broadcast %and3A_235 : i32 to vector<16xi32>
    %and3A_237 = arith.andi %get3A_234, %and3A_236 : vector<16xi32>
    %swap3A_238 = arith.constant 2 : i32
    %swap3A_239 = arith.index_cast %swap3A_238 : i32 to index
    %swap3A_240 = arith.constant 64 : index
    %swap3A_241 = tpu.vector_load %arg7[%swap3A_239, %swap3A_240] {strides = array<i32>} : memref<3x80xi32, #tpu.memory_space<vmem>>, vector<1x16xi32>,
    %swap3A_242 = vector.shape_cast %swap3A_241 : vector<1x16xi32> to vector<16xi32>
    %swap3A_243 = vector.shape_cast %and3A_237 : vector<16xi32> to vector<1x16xi32>
    tpu.vector_store %arg7[%swap3A_239, %swap3A_240], %swap3A_243 {strides = array<i32>} : memref<3x80xi32, #tpu.memory_space<vmem>>, vector<1x16xi32>,
    %dma_start3A_244 = arith.constant 2 : i32
    %dma_start3A_245 = arith.constant 0 : i32
    %dma_start3A_246 = tpu.memref_slice %arg7[%dma_start3A_244, %dma_start3A_245] : memref<3x80xi32, #tpu.memory_space<vmem>> -> memref<1x80xi32, #tpu.memory_space<vmem>>
    %dma_start3A_247 = tpu.memref_squeeze %dma_start3A_246 : memref<1x80xi32, #tpu.memory_space<vmem>> -> memref<80xi32, #tpu.memory_space<vmem>>
    %dma_start3A_248 = arith.constant 0 : i32
    %dma_start3A_249 = arith.constant 0 : i32
    %dma_start3A_250 = tpu.memref_slice %arg3[%dma_start3A_248, %dma_start3A_249] : memref<10240x128xf32, #tpu.memory_space<hbm>> -> memref<10240x128xf32, #tpu.memory_space<hbm>>
    tpu.enqueue_indirect_dma source(%dma_start3A_250 : memref<10240x128xf32, #tpu.memory_space<hbm>>) target(%arg10 : memref<80x128xf32, #tpu.memory_space<vmem>>) offsets(%dma_start3A_247 : memref<80xi32, #tpu.memory_space<vmem>>) semaphore(%arg14 : memref<!tpu.dma_semaphore, #tpu.memory_space<semaphore_mem>>)
    %scan3A_251 = arith.constant 0 : i32
    %scan3A_252 = arith.constant 0 : i32
    %scan3A_253 = arith.constant 42 : i32
    %scan3A_254 = arith.addi %scan3A_252, %scan3A_253 : i32
    %scan3A_255 = arith.constant 1 : i32
    scf.for %scan3A_282 = %scan3A_252 to %scan3A_254 step %scan3A_255  : i32 {
      %mul3A_283 = arith.constant 3 : i32
      %mul3A_284 = arith.muli %scan3A_282, %mul3A_283 : i32
      %add3A_285 = arith.constant 0 : i32
      %add3A_286 = arith.addi %mul3A_284, %add3A_285 : i32
      %dma_wait3A_287 = arith.constant 0 : i32
      %dma_wait3A_288 = arith.constant 0 : i32
      %dma_wait3A_289 = tpu.memref_slice %arg7[%dma_wait3A_287, %dma_wait3A_288] : memref<3x80xi32, #tpu.memory_space<vmem>> -> memref<1x80xi32, #tpu.memory_space<vmem>>
      %dma_wait3A_290 = tpu.memref_squeeze %dma_wait3A_289 : memref<1x80xi32, #tpu.memory_space<vmem>> -> memref<80xi32, #tpu.memory_space<vmem>>
      %dma_wait3A_291 = arith.constant 0 : i32
      %dma_wait3A_292 = arith.constant 0 : i32
      %dma_wait3A_293 = tpu.memref_slice %arg3[%dma_wait3A_291, %dma_wait3A_292] : memref<10240x128xf32, #tpu.memory_space<hbm>> -> memref<10240x128xf32, #tpu.memory_space<hbm>>
      tpu.wait_indirect_dma semaphore(%arg12 : memref<!tpu.dma_semaphore, #tpu.memory_space<semaphore_mem>>) src(%dma_wait3A_293 : memref<10240x128xf32, #tpu.memory_space<hbm>>) dst(%arg8 : memref<80x128xf32, #tpu.memory_space<vmem>>)
      %get3A_294 = arith.index_cast %add3A_286 : i32 to index
      %get3A_295 = arith.constant 0 : index
      %get3A_296 = tpu.vector_load %arg5[%get3A_294, %get3A_295] {strides = array<i32>} : memref<126x80xi32, #tpu.memory_space<vmem>>, vector<1x16xi32>,
      %get3A_297 = vector.shape_cast %get3A_296 : vector<1x16xi32> to vector<16xi32>
      %shift_right_logical3A = arith.constant 14 : i32
      %shift_right_logical3A_298 = vector.broadcast %shift_right_logical3A : i32 to vector<16xi32>
      %shift_right_logical3A_299 = arith.shrui %get3A_297, %shift_right_logical3A_298 : vector<16xi32>
      %swap3A_300 = arith.constant 0 : i32
      %swap3A_301 = arith.index_cast %swap3A_300 : i32 to index
      %swap3A_302 = arith.constant 0 : index
      %swap3A_303 = tpu.vector_load %arg6[%swap3A_301, %swap3A_302] {strides = array<i32>} : memref<3x80xi32, #tpu.memory_space<vmem>>, vector<1x16xi32>,
      %swap3A_304 = vector.shape_cast %swap3A_303 : vector<1x16xi32> to vector<16xi32>
      %swap3A_305 = vector.shape_cast %shift_right_logical3A_299 : vector<16xi32> to vector<1x16xi32>
      tpu.vector_store %arg6[%swap3A_301, %swap3A_302], %swap3A_305 {strides = array<i32>} : memref<3x80xi32, #tpu.memory_space<vmem>>, vector<1x16xi32>,
      %get3A_306 = arith.index_cast %add3A_286 : i32 to index
      %get3A_307 = arith.constant 16 : index
      %get3A_308 = tpu.vector_load %arg5[%get3A_306, %get3A_307] {strides = array<i32>} : memref<126x80xi32, #tpu.memory_space<vmem>>, vector<1x16xi32>,
      %get3A_309 = vector.shape_cast %get3A_308 : vector<1x16xi32> to vector<16xi32>
      %shift_right_logical3A_310 = arith.constant 14 : i32
      %shift_right_logical3A_311 = vector.broadcast %shift_right_logical3A_310 : i32 to vector<16xi32>
      %shift_right_logical3A_312 = arith.shrui %get3A_309, %shift_right_logical3A_311 : vector<16xi32>
      %swap3A_313 = arith.constant 0 : i32
      %swap3A_314 = arith.index_cast %swap3A_313 : i32 to index
      %swap3A_315 = arith.constant 16 : index
      %swap3A_316 = tpu.vector_load %arg6[%swap3A_314, %swap3A_315] {strides = array<i32>} : memref<3x80xi32, #tpu.memory_space<vmem>>, vector<1x16xi32>,
      %swap3A_317 = vector.shape_cast %swap3A_316 : vector<1x16xi32> to vector<16xi32>
      %swap3A_318 = vector.shape_cast %shift_right_logical3A_312 : vector<16xi32> to vector<1x16xi32>
      tpu.vector_store %arg6[%swap3A_314, %swap3A_315], %swap3A_318 {strides = array<i32>} : memref<3x80xi32, #tpu.memory_space<vmem>>, vector<1x16xi32>,
      %get3A_319 = arith.index_cast %add3A_286 : i32 to index
      %get3A_320 = arith.constant 32 : index
      %get3A_321 = tpu.vector_load %arg5[%get3A_319, %get3A_320] {strides = array<i32>} : memref<126x80xi32, #tpu.memory_space<vmem>>, vector<1x16xi32>,
      %get3A_322 = vector.shape_cast %get3A_321 : vector<1x16xi32> to vector<16xi32>
      %shift_right_logical3A_323 = arith.constant 14 : i32
      %shift_right_logical3A_324 = vector.broadcast %shift_right_logical3A_323 : i32 to vector<16xi32>
      %shift_right_logical3A_325 = arith.shrui %get3A_322, %shift_right_logical3A_324 : vector<16xi32>
      %swap3A_326 = arith.constant 0 : i32
      %swap3A_327 = arith.index_cast %swap3A_326 : i32 to index
      %swap3A_328 = arith.constant 32 : index
      %swap3A_329 = tpu.vector_load %arg6[%swap3A_327, %swap3A_328] {strides = array<i32>} : memref<3x80xi32, #tpu.memory_space<vmem>>, vector<1x16xi32>,
      %swap3A_330 = vector.shape_cast %swap3A_329 : vector<1x16xi32> to vector<16xi32>
      %swap3A_331 = vector.shape_cast %shift_right_logical3A_325 : vector<16xi32> to vector<1x16xi32>
      tpu.vector_store %arg6[%swap3A_327, %swap3A_328], %swap3A_331 {strides = array<i32>} : memref<3x80xi32, #tpu.memory_space<vmem>>, vector<1x16xi32>,
      %get3A_332 = arith.index_cast %add3A_286 : i32 to index
      %get3A_333 = arith.constant 48 : index
      %get3A_334 = tpu.vector_load %arg5[%get3A_332, %get3A_333] {strides = array<i32>} : memref<126x80xi32, #tpu.memory_space<vmem>>, vector<1x16xi32>,
      %get3A_335 = vector.shape_cast %get3A_334 : vector<1x16xi32> to vector<16xi32>
      %shift_right_logical3A_336 = arith.constant 14 : i32
      %shift_right_logical3A_337 = vector.broadcast %shift_right_logical3A_336 : i32 to vector<16xi32>
      %shift_right_logical3A_338 = arith.shrui %get3A_335, %shift_right_logical3A_337 : vector<16xi32>
      %swap3A_339 = arith.constant 0 : i32
      %swap3A_340 = arith.index_cast %swap3A_339 : i32 to index
      %swap3A_341 = arith.constant 48 : index
      %swap3A_342 = tpu.vector_load %arg6[%swap3A_340, %swap3A_341] {strides = array<i32>} : memref<3x80xi32, #tpu.memory_space<vmem>>, vector<1x16xi32>,
      %swap3A_343 = vector.shape_cast %swap3A_342 : vector<1x16xi32> to vector<16xi32>
      %swap3A_344 = vector.shape_cast %shift_right_logical3A_338 : vector<16xi32> to vector<1x16xi32>
      tpu.vector_store %arg6[%swap3A_340, %swap3A_341], %swap3A_344 {strides = array<i32>} : memref<3x80xi32, #tpu.memory_space<vmem>>, vector<1x16xi32>,
      %get3A_345 = arith.index_cast %add3A_286 : i32 to index
      %get3A_346 = arith.constant 64 : index
      %get3A_347 = tpu.vector_load %arg5[%get3A_345, %get3A_346] {strides = array<i32>} : memref<126x80xi32, #tpu.memory_space<vmem>>, vector<1x16xi32>,
      %get3A_348 = vector.shape_cast %get3A_347 : vector<1x16xi32> to vector<16xi32>
      %shift_right_logical3A_349 = arith.constant 14 : i32
      %shift_right_logical3A_350 = vector.broadcast %shift_right_logical3A_349 : i32 to vector<16xi32>
      %shift_right_logical3A_351 = arith.shrui %get3A_348, %shift_right_logical3A_350 : vector<16xi32>
      %swap3A_352 = arith.constant 0 : i32
      %swap3A_353 = arith.index_cast %swap3A_352 : i32 to index
      %swap3A_354 = arith.constant 64 : index
      %swap3A_355 = tpu.vector_load %arg6[%swap3A_353, %swap3A_354] {strides = array<i32>} : memref<3x80xi32, #tpu.memory_space<vmem>>, vector<1x16xi32>,
      %swap3A_356 = vector.shape_cast %swap3A_355 : vector<1x16xi32> to vector<16xi32>
      %swap3A_357 = vector.shape_cast %shift_right_logical3A_351 : vector<16xi32> to vector<1x16xi32>
      tpu.vector_store %arg6[%swap3A_353, %swap3A_354], %swap3A_357 {strides = array<i32>} : memref<3x80xi32, #tpu.memory_space<vmem>>, vector<1x16xi32>,
      %dma_start3A_358 = arith.constant 0 : i32
      %dma_start3A_359 = arith.constant 0 : i32
      %dma_start3A_360 = tpu.memref_slice %arg6[%dma_start3A_358, %dma_start3A_359] : memref<3x80xi32, #tpu.memory_space<vmem>> -> memref<1x80xi32, #tpu.memory_space<vmem>>
      %dma_start3A_361 = tpu.memref_squeeze %dma_start3A_360 : memref<1x80xi32, #tpu.memory_space<vmem>> -> memref<80xi32, #tpu.memory_space<vmem>>
      %dma_start3A_362 = arith.constant 0 : i32
      %dma_start3A_363 = arith.constant 0 : i32
      %dma_start3A_364 = tpu.memref_slice %arg11[%dma_start3A_362, %dma_start3A_363] : memref<10112x128xf32, #tpu.memory_space<vmem_shared>> -> memref<10112x128xf32, #tpu.memory_space<vmem_shared>>
      tpu.enqueue_indirect_dma source(%arg8 : memref<80x128xf32, #tpu.memory_space<vmem>>) target(%dma_start3A_364 : memref<10112x128xf32, #tpu.memory_space<vmem_shared>>) offsets(%dma_start3A_361 : memref<80xi32, #tpu.memory_space<vmem>>) semaphore(%arg15 : memref<!tpu.dma_semaphore, #tpu.memory_space<semaphore_mem>>) {add = true}
      %add3A_365 = arith.constant 3 : i32
      %add3A_366 = arith.addi %add3A_286, %add3A_365 : i32
      %sub3A = arith.constant 1 : i32
      %sub3A_367 = arith.subi %add3A_366, %sub3A : i32
      %lt3A = arith.constant 126 : i32
      %lt3A_368 = arith.cmpi slt, %sub3A_367, %lt3A : i32
      %ge3A = arith.constant 3 : i32
      %ge3A_369 = arith.cmpi sge, %sub3A_367, %ge3A : i32
      %and3A_370 = arith.andi %lt3A_368, %ge3A_369 : i1
      %convert_element_type3A = arith.extui %and3A_370 : i1 to i32
      %cond3A = arith.constant 0 : i32
      %cond3A_371 = arith.cmpi ne, %convert_element_type3A, %cond3A : i32
      scf.if %cond3A_371 {
        %dma_wait3A_558 = arith.constant 2 : i32
        %dma_wait3A_559 = arith.constant 0 : i32
        %dma_wait3A_560 = tpu.memref_slice %arg6[%dma_wait3A_558, %dma_wait3A_559] : memref<3x80xi32, #tpu.memory_space<vmem>> -> memref<1x80xi32, #tpu.memory_space<vmem>>
        %dma_wait3A_561 = tpu.memref_squeeze %dma_wait3A_560 : memref<1x80xi32, #tpu.memory_space<vmem>> -> memref<80xi32, #tpu.memory_space<vmem>>
        %dma_wait3A_562 = arith.constant 0 : i32
        %dma_wait3A_563 = arith.constant 0 : i32
        %dma_wait3A_564 = tpu.memref_slice %arg11[%dma_wait3A_562, %dma_wait3A_563] : memref<10112x128xf32, #tpu.memory_space<vmem_shared>> -> memref<10112x128xf32, #tpu.memory_space<vmem_shared>>
        tpu.wait_indirect_dma semaphore(%arg17 : memref<!tpu.dma_semaphore, #tpu.memory_space<semaphore_mem>>) src(%arg10 : memref<80x128xf32, #tpu.memory_space<vmem>>) dst(%dma_wait3A_564 : memref<10112x128xf32, #tpu.memory_space<vmem_shared>>)
        %get3A_565 = arith.index_cast %sub3A_367 : i32 to index
        %get3A_566 = arith.constant 0 : index
        %get3A_567 = tpu.vector_load %arg5[%get3A_565, %get3A_566] {strides = array<i32>} : memref<126x80xi32, #tpu.memory_space<vmem>>, vector<1x16xi32>,
        %get3A_568 = vector.shape_cast %get3A_567 : vector<1x16xi32> to vector<16xi32>
        %and3A_569 = arith.constant 16383 : i32
        %and3A_570 = vector.broadcast %and3A_569 : i32 to vector<16xi32>
        %and3A_571 = arith.andi %get3A_568, %and3A_570 : vector<16xi32>
        %swap3A_572 = arith.constant 2 : i32
        %swap3A_573 = arith.index_cast %swap3A_572 : i32 to index
        %swap3A_574 = arith.constant 0 : index
        %swap3A_575 = tpu.vector_load %arg7[%swap3A_573, %swap3A_574] {strides = array<i32>} : memref<3x80xi32, #tpu.memory_space<vmem>>, vector<1x16xi32>,
        %swap3A_576 = vector.shape_cast %swap3A_575 : vector<1x16xi32> to vector<16xi32>
        %swap3A_577 = vector.shape_cast %and3A_571 : vector<16xi32> to vector<1x16xi32>
        tpu.vector_store %arg7[%swap3A_573, %swap3A_574], %swap3A_577 {strides = array<i32>} : memref<3x80xi32, #tpu.memory_space<vmem>>, vector<1x16xi32>,
        %get3A_578 = arith.index_cast %sub3A_367 : i32 to index
        %get3A_579 = arith.constant 16 : index
        %get3A_580 = tpu.vector_load %arg5[%get3A_578, %get3A_579] {strides = array<i32>} : memref<126x80xi32, #tpu.memory_space<vmem>>, vector<1x16xi32>,
        %get3A_581 = vector.shape_cast %get3A_580 : vector<1x16xi32> to vector<16xi32>
        %and3A_582 = arith.constant 16383 : i32
        %and3A_583 = vector.broadcast %and3A_582 : i32 to vector<16xi32>
        %and3A_584 = arith.andi %get3A_581, %and3A_583 : vector<16xi32>
        %swap3A_585 = arith.constant 2 : i32
        %swap3A_586 = arith.index_cast %swap3A_585 : i32 to index
        %swap3A_587 = arith.constant 16 : index
        %swap3A_588 = tpu.vector_load %arg7[%swap3A_586, %swap3A_587] {strides = array<i32>} : memref<3x80xi32, #tpu.memory_space<vmem>>, vector<1x16xi32>,
        %swap3A_589 = vector.shape_cast %swap3A_588 : vector<1x16xi32> to vector<16xi32>
        %swap3A_590 = vector.shape_cast %and3A_584 : vector<16xi32> to vector<1x16xi32>
        tpu.vector_store %arg7[%swap3A_586, %swap3A_587], %swap3A_590 {strides = array<i32>} : memref<3x80xi32, #tpu.memory_space<vmem>>, vector<1x16xi32>,
        %get3A_591 = arith.index_cast %sub3A_367 : i32 to index
        %get3A_592 = arith.constant 32 : index
        %get3A_593 = tpu.vector_load %arg5[%get3A_591, %get3A_592] {strides = array<i32>} : memref<126x80xi32, #tpu.memory_space<vmem>>, vector<1x16xi32>,
        %get3A_594 = vector.shape_cast %get3A_593 : vector<1x16xi32> to vector<16xi32>
        %and3A_595 = arith.constant 16383 : i32
        %and3A_596 = vector.broadcast %and3A_595 : i32 to vector<16xi32>
        %and3A_597 = arith.andi %get3A_594, %and3A_596 : vector<16xi32>
        %swap3A_598 = arith.constant 2 : i32
        %swap3A_599 = arith.index_cast %swap3A_598 : i32 to index
        %swap3A_600 = arith.constant 32 : index
        %swap3A_601 = tpu.vector_load %arg7[%swap3A_599, %swap3A_600] {strides = array<i32>} : memref<3x80xi32, #tpu.memory_space<vmem>>, vector<1x16xi32>,
        %swap3A_602 = vector.shape_cast %swap3A_601 : vector<1x16xi32> to vector<16xi32>
        %swap3A_603 = vector.shape_cast %and3A_597 : vector<16xi32> to vector<1x16xi32>
        tpu.vector_store %arg7[%swap3A_599, %swap3A_600], %swap3A_603 {strides = array<i32>} : memref<3x80xi32, #tpu.memory_space<vmem>>, vector<1x16xi32>,
        %get3A_604 = arith.index_cast %sub3A_367 : i32 to index
        %get3A_605 = arith.constant 48 : index
        %get3A_606 = tpu.vector_load %arg5[%get3A_604, %get3A_605] {strides = array<i32>} : memref<126x80xi32, #tpu.memory_space<vmem>>, vector<1x16xi32>,
        %get3A_607 = vector.shape_cast %get3A_606 : vector<1x16xi32> to vector<16xi32>
        %and3A_608 = arith.constant 16383 : i32
        %and3A_609 = vector.broadcast %and3A_608 : i32 to vector<16xi32>
        %and3A_610 = arith.andi %get3A_607, %and3A_609 : vector<16xi32>
        %swap3A_611 = arith.constant 2 : i32
        %swap3A_612 = arith.index_cast %swap3A_611 : i32 to index
        %swap3A_613 = arith.constant 48 : index
        %swap3A_614 = tpu.vector_load %arg7[%swap3A_612, %swap3A_613] {strides = array<i32>} : memref<3x80xi32, #tpu.memory_space<vmem>>, vector<1x16xi32>,
        %swap3A_615 = vector.shape_cast %swap3A_614 : vector<1x16xi32> to vector<16xi32>
        %swap3A_616 = vector.shape_cast %and3A_610 : vector<16xi32> to vector<1x16xi32>
        tpu.vector_store %arg7[%swap3A_612, %swap3A_613], %swap3A_616 {strides = array<i32>} : memref<3x80xi32, #tpu.memory_space<vmem>>, vector<1x16xi32>,
        %get3A_617 = arith.index_cast %sub3A_367 : i32 to index
        %get3A_618 = arith.constant 64 : index
        %get3A_619 = tpu.vector_load %arg5[%get3A_617, %get3A_618] {strides = array<i32>} : memref<126x80xi32, #tpu.memory_space<vmem>>, vector<1x16xi32>,
        %get3A_620 = vector.shape_cast %get3A_619 : vector<1x16xi32> to vector<16xi32>
        %and3A_621 = arith.constant 16383 : i32
        %and3A_622 = vector.broadcast %and3A_621 : i32 to vector<16xi32>
        %and3A_623 = arith.andi %get3A_620, %and3A_622 : vector<16xi32>
        %swap3A_624 = arith.constant 2 : i32
        %swap3A_625 = arith.index_cast %swap3A_624 : i32 to index
        %swap3A_626 = arith.constant 64 : index
        %swap3A_627 = tpu.vector_load %arg7[%swap3A_625, %swap3A_626] {strides = array<i32>} : memref<3x80xi32, #tpu.memory_space<vmem>>, vector<1x16xi32>,
        %swap3A_628 = vector.shape_cast %swap3A_627 : vector<1x16xi32> to vector<16xi32>
        %swap3A_629 = vector.shape_cast %and3A_623 : vector<16xi32> to vector<1x16xi32>
        tpu.vector_store %arg7[%swap3A_625, %swap3A_626], %swap3A_629 {strides = array<i32>} : memref<3x80xi32, #tpu.memory_space<vmem>>, vector<1x16xi32>,
        %dma_start3A_630 = arith.constant 2 : i32
        %dma_start3A_631 = arith.constant 0 : i32
        %dma_start3A_632 = tpu.memref_slice %arg7[%dma_start3A_630, %dma_start3A_631] : memref<3x80xi32, #tpu.memory_space<vmem>> -> memref<1x80xi32, #tpu.memory_space<vmem>>
        %dma_start3A_633 = tpu.memref_squeeze %dma_start3A_632 : memref<1x80xi32, #tpu.memory_space<vmem>> -> memref<80xi32, #tpu.memory_space<vmem>>
        %dma_start3A_634 = arith.constant 0 : i32
        %dma_start3A_635 = arith.constant 0 : i32
        %dma_start3A_636 = tpu.memref_slice %arg3[%dma_start3A_634, %dma_start3A_635] : memref<10240x128xf32, #tpu.memory_space<hbm>> -> memref<10240x128xf32, #tpu.memory_space<hbm>>
        tpu.enqueue_indirect_dma source(%dma_start3A_636 : memref<10240x128xf32, #tpu.memory_space<hbm>>) target(%arg10 : memref<80x128xf32, #tpu.memory_space<vmem>>) offsets(%dma_start3A_633 : memref<80xi32, #tpu.memory_space<vmem>>) semaphore(%arg14 : memref<!tpu.dma_semaphore, #tpu.memory_space<semaphore_mem>>)
      } else {
      }
      %add3A_372 = arith.constant 1 : i32
      %add3A_373 = arith.addi %mul3A_284, %add3A_372 : i32
      %dma_wait3A_374 = arith.constant 1 : i32
      %dma_wait3A_375 = arith.constant 0 : i32
      %dma_wait3A_376 = tpu.memref_slice %arg7[%dma_wait3A_374, %dma_wait3A_375] : memref<3x80xi32, #tpu.memory_space<vmem>> -> memref<1x80xi32, #tpu.memory_space<vmem>>
      %dma_wait3A_377 = tpu.memref_squeeze %dma_wait3A_376 : memref<1x80xi32, #tpu.memory_space<vmem>> -> memref<80xi32, #tpu.memory_space<vmem>>
      %dma_wait3A_378 = arith.constant 0 : i32
      %dma_wait3A_379 = arith.constant 0 : i32
      %dma_wait3A_380 = tpu.memref_slice %arg3[%dma_wait3A_378, %dma_wait3A_379] : memref<10240x128xf32, #tpu.memory_space<hbm>> -> memref<10240x128xf32, #tpu.memory_space<hbm>>
      tpu.wait_indirect_dma semaphore(%arg13 : memref<!tpu.dma_semaphore, #tpu.memory_space<semaphore_mem>>) src(%dma_wait3A_380 : memref<10240x128xf32, #tpu.memory_space<hbm>>) dst(%arg9 : memref<80x128xf32, #tpu.memory_space<vmem>>)
      %get3A_381 = arith.index_cast %add3A_373 : i32 to index
      %get3A_382 = arith.constant 0 : index
      %get3A_383 = tpu.vector_load %arg5[%get3A_381, %get3A_382] {strides = array<i32>} : memref<126x80xi32, #tpu.memory_space<vmem>>, vector<1x16xi32>,
      %get3A_384 = vector.shape_cast %get3A_383 : vector<1x16xi32> to vector<16xi32>
      %shift_right_logical3A_385 = arith.constant 14 : i32
      %shift_right_logical3A_386 = vector.broadcast %shift_right_logical3A_385 : i32 to vector<16xi32>
      %shift_right_logical3A_387 = arith.shrui %get3A_384, %shift_right_logical3A_386 : vector<16xi32>
      %swap3A_388 = arith.constant 1 : i32
      %swap3A_389 = arith.index_cast %swap3A_388 : i32 to index
      %swap3A_390 = arith.constant 0 : index
      %swap3A_391 = tpu.vector_load %arg6[%swap3A_389, %swap3A_390] {strides = array<i32>} : memref<3x80xi32, #tpu.memory_space<vmem>>, vector<1x16xi32>,
      %swap3A_392 = vector.shape_cast %swap3A_391 : vector<1x16xi32> to vector<16xi32>
      %swap3A_393 = vector.shape_cast %shift_right_logical3A_387 : vector<16xi32> to vector<1x16xi32>
      tpu.vector_store %arg6[%swap3A_389, %swap3A_390], %swap3A_393 {strides = array<i32>} : memref<3x80xi32, #tpu.memory_space<vmem>>, vector<1x16xi32>,
      %get3A_394 = arith.index_cast %add3A_373 : i32 to index
      %get3A_395 = arith.constant 16 : index
      %get3A_396 = tpu.vector_load %arg5[%get3A_394, %get3A_395] {strides = array<i32>} : memref<126x80xi32, #tpu.memory_space<vmem>>, vector<1x16xi32>,
      %get3A_397 = vector.shape_cast %get3A_396 : vector<1x16xi32> to vector<16xi32>
      %shift_right_logical3A_398 = arith.constant 14 : i32
      %shift_right_logical3A_399 = vector.broadcast %shift_right_logical3A_398 : i32 to vector<16xi32>
      %shift_right_logical3A_400 = arith.shrui %get3A_397, %shift_right_logical3A_399 : vector<16xi32>
      %swap3A_401 = arith.constant 1 : i32
      %swap3A_402 = arith.index_cast %swap3A_401 : i32 to index
      %swap3A_403 = arith.constant 16 : index
      %swap3A_404 = tpu.vector_load %arg6[%swap3A_402, %swap3A_403] {strides = array<i32>} : memref<3x80xi32, #tpu.memory_space<vmem>>, vector<1x16xi32>,
      %swap3A_405 = vector.shape_cast %swap3A_404 : vector<1x16xi32> to vector<16xi32>
      %swap3A_406 = vector.shape_cast %shift_right_logical3A_400 : vector<16xi32> to vector<1x16xi32>
      tpu.vector_store %arg6[%swap3A_402, %swap3A_403], %swap3A_406 {strides = array<i32>} : memref<3x80xi32, #tpu.memory_space<vmem>>, vector<1x16xi32>,
      %get3A_407 = arith.index_cast %add3A_373 : i32 to index
      %get3A_408 = arith.constant 32 : index
      %get3A_409 = tpu.vector_load %arg5[%get3A_407, %get3A_408] {strides = array<i32>} : memref<126x80xi32, #tpu.memory_space<vmem>>, vector<1x16xi32>,
      %get3A_410 = vector.shape_cast %get3A_409 : vector<1x16xi32> to vector<16xi32>
      %shift_right_logical3A_411 = arith.constant 14 : i32
      %shift_right_logical3A_412 = vector.broadcast %shift_right_logical3A_411 : i32 to vector<16xi32>
      %shift_right_logical3A_413 = arith.shrui %get3A_410, %shift_right_logical3A_412 : vector<16xi32>
      %swap3A_414 = arith.constant 1 : i32
      %swap3A_415 = arith.index_cast %swap3A_414 : i32 to index
      %swap3A_416 = arith.constant 32 : index
      %swap3A_417 = tpu.vector_load %arg6[%swap3A_415, %swap3A_416] {strides = array<i32>} : memref<3x80xi32, #tpu.memory_space<vmem>>, vector<1x16xi32>,
      %swap3A_418 = vector.shape_cast %swap3A_417 : vector<1x16xi32> to vector<16xi32>
      %swap3A_419 = vector.shape_cast %shift_right_logical3A_413 : vector<16xi32> to vector<1x16xi32>
      tpu.vector_store %arg6[%swap3A_415, %swap3A_416], %swap3A_419 {strides = array<i32>} : memref<3x80xi32, #tpu.memory_space<vmem>>, vector<1x16xi32>,
      %get3A_420 = arith.index_cast %add3A_373 : i32 to index
      %get3A_421 = arith.constant 48 : index
      %get3A_422 = tpu.vector_load %arg5[%get3A_420, %get3A_421] {strides = array<i32>} : memref<126x80xi32, #tpu.memory_space<vmem>>, vector<1x16xi32>,
      %get3A_423 = vector.shape_cast %get3A_422 : vector<1x16xi32> to vector<16xi32>
      %shift_right_logical3A_424 = arith.constant 14 : i32
      %shift_right_logical3A_425 = vector.broadcast %shift_right_logical3A_424 : i32 to vector<16xi32>
      %shift_right_logical3A_426 = arith.shrui %get3A_423, %shift_right_logical3A_425 : vector<16xi32>
      %swap3A_427 = arith.constant 1 : i32
      %swap3A_428 = arith.index_cast %swap3A_427 : i32 to index
      %swap3A_429 = arith.constant 48 : index
      %swap3A_430 = tpu.vector_load %arg6[%swap3A_428, %swap3A_429] {strides = array<i32>} : memref<3x80xi32, #tpu.memory_space<vmem>>, vector<1x16xi32>,
      %swap3A_431 = vector.shape_cast %swap3A_430 : vector<1x16xi32> to vector<16xi32>
      %swap3A_432 = vector.shape_cast %shift_right_logical3A_426 : vector<16xi32> to vector<1x16xi32>
      tpu.vector_store %arg6[%swap3A_428, %swap3A_429], %swap3A_432 {strides = array<i32>} : memref<3x80xi32, #tpu.memory_space<vmem>>, vector<1x16xi32>,
      %get3A_433 = arith.index_cast %add3A_373 : i32 to index
      %get3A_434 = arith.constant 64 : index
      %get3A_435 = tpu.vector_load %arg5[%get3A_433, %get3A_434] {strides = array<i32>} : memref<126x80xi32, #tpu.memory_space<vmem>>, vector<1x16xi32>,
      %get3A_436 = vector.shape_cast %get3A_435 : vector<1x16xi32> to vector<16xi32>
      %shift_right_logical3A_437 = arith.constant 14 : i32
      %shift_right_logical3A_438 = vector.broadcast %shift_right_logical3A_437 : i32 to vector<16xi32>
      %shift_right_logical3A_439 = arith.shrui %get3A_436, %shift_right_logical3A_438 : vector<16xi32>
      %swap3A_440 = arith.constant 1 : i32
      %swap3A_441 = arith.index_cast %swap3A_440 : i32 to index
      %swap3A_442 = arith.constant 64 : index
      %swap3A_443 = tpu.vector_load %arg6[%swap3A_441, %swap3A_442] {strides = array<i32>} : memref<3x80xi32, #tpu.memory_space<vmem>>, vector<1x16xi32>,
      %swap3A_444 = vector.shape_cast %swap3A_443 : vector<1x16xi32> to vector<16xi32>
      %swap3A_445 = vector.shape_cast %shift_right_logical3A_439 : vector<16xi32> to vector<1x16xi32>
      tpu.vector_store %arg6[%swap3A_441, %swap3A_442], %swap3A_445 {strides = array<i32>} : memref<3x80xi32, #tpu.memory_space<vmem>>, vector<1x16xi32>,
      %dma_start3A_446 = arith.constant 1 : i32
      %dma_start3A_447 = arith.constant 0 : i32
      %dma_start3A_448 = tpu.memref_slice %arg6[%dma_start3A_446, %dma_start3A_447] : memref<3x80xi32, #tpu.memory_space<vmem>> -> memref<1x80xi32, #tpu.memory_space<vmem>>
      %dma_start3A_449 = tpu.memref_squeeze %dma_start3A_448 : memref<1x80xi32, #tpu.memory_space<vmem>> -> memref<80xi32, #tpu.memory_space<vmem>>
      %dma_start3A_450 = arith.constant 0 : i32
      %dma_start3A_451 = arith.constant 0 : i32
      %dma_start3A_452 = tpu.memref_slice %arg11[%dma_start3A_450, %dma_start3A_451] : memref<10112x128xf32, #tpu.memory_space<vmem_shared>> -> memref<10112x128xf32, #tpu.memory_space<vmem_shared>>
      tpu.enqueue_indirect_dma source(%arg9 : memref<80x128xf32, #tpu.memory_space<vmem>>) target(%dma_start3A_452 : memref<10112x128xf32, #tpu.memory_space<vmem_shared>>) offsets(%dma_start3A_449 : memref<80xi32, #tpu.memory_space<vmem>>) semaphore(%arg16 : memref<!tpu.dma_semaphore, #tpu.memory_space<semaphore_mem>>) {add = true}
      %add3A_453 = arith.constant 3 : i32
      %add3A_454 = arith.addi %add3A_373, %add3A_453 : i32
      %sub3A_455 = arith.constant 1 : i32
      %sub3A_456 = arith.subi %add3A_454, %sub3A_455 : i32
      %lt3A_457 = arith.constant 126 : i32
      %lt3A_458 = arith.cmpi slt, %sub3A_456, %lt3A_457 : i32
      %ge3A_459 = arith.constant 3 : i32
      %ge3A_460 = arith.cmpi sge, %sub3A_456, %ge3A_459 : i32
      %and3A_461 = arith.andi %lt3A_458, %ge3A_460 : i1
      %convert_element_type3A_462 = arith.extui %and3A_461 : i1 to i32
      %cond3A_463 = arith.constant 0 : i32
      %cond3A_464 = arith.cmpi ne, %convert_element_type3A_462, %cond3A_463 : i32
      scf.if %cond3A_464 {
        %dma_wait3A_558 = arith.constant 0 : i32
        %dma_wait3A_559 = arith.constant 0 : i32
        %dma_wait3A_560 = tpu.memref_slice %arg6[%dma_wait3A_558, %dma_wait3A_559] : memref<3x80xi32, #tpu.memory_space<vmem>> -> memref<1x80xi32, #tpu.memory_space<vmem>>
        %dma_wait3A_561 = tpu.memref_squeeze %dma_wait3A_560 : memref<1x80xi32, #tpu.memory_space<vmem>> -> memref<80xi32, #tpu.memory_space<vmem>>
        %dma_wait3A_562 = arith.constant 0 : i32
        %dma_wait3A_563 = arith.constant 0 : i32
        %dma_wait3A_564 = tpu.memref_slice %arg11[%dma_wait3A_562, %dma_wait3A_563] : memref<10112x128xf32, #tpu.memory_space<vmem_shared>> -> memref<10112x128xf32, #tpu.memory_space<vmem_shared>>
        tpu.wait_indirect_dma semaphore(%arg15 : memref<!tpu.dma_semaphore, #tpu.memory_space<semaphore_mem>>) src(%arg8 : memref<80x128xf32, #tpu.memory_space<vmem>>) dst(%dma_wait3A_564 : memref<10112x128xf32, #tpu.memory_space<vmem_shared>>)
        %get3A_565 = arith.index_cast %sub3A_456 : i32 to index
        %get3A_566 = arith.constant 0 : index
        %get3A_567 = tpu.vector_load %arg5[%get3A_565, %get3A_566] {strides = array<i32>} : memref<126x80xi32, #tpu.memory_space<vmem>>, vector<1x16xi32>,
        %get3A_568 = vector.shape_cast %get3A_567 : vector<1x16xi32> to vector<16xi32>
        %and3A_569 = arith.constant 16383 : i32
        %and3A_570 = vector.broadcast %and3A_569 : i32 to vector<16xi32>
        %and3A_571 = arith.andi %get3A_568, %and3A_570 : vector<16xi32>
        %swap3A_572 = arith.constant 0 : i32
        %swap3A_573 = arith.index_cast %swap3A_572 : i32 to index
        %swap3A_574 = arith.constant 0 : index
        %swap3A_575 = tpu.vector_load %arg7[%swap3A_573, %swap3A_574] {strides = array<i32>} : memref<3x80xi32, #tpu.memory_space<vmem>>, vector<1x16xi32>,
        %swap3A_576 = vector.shape_cast %swap3A_575 : vector<1x16xi32> to vector<16xi32>
        %swap3A_577 = vector.shape_cast %and3A_571 : vector<16xi32> to vector<1x16xi32>
        tpu.vector_store %arg7[%swap3A_573, %swap3A_574], %swap3A_577 {strides = array<i32>} : memref<3x80xi32, #tpu.memory_space<vmem>>, vector<1x16xi32>,
        %get3A_578 = arith.index_cast %sub3A_456 : i32 to index
        %get3A_579 = arith.constant 16 : index
        %get3A_580 = tpu.vector_load %arg5[%get3A_578, %get3A_579] {strides = array<i32>} : memref<126x80xi32, #tpu.memory_space<vmem>>, vector<1x16xi32>,
        %get3A_581 = vector.shape_cast %get3A_580 : vector<1x16xi32> to vector<16xi32>
        %and3A_582 = arith.constant 16383 : i32
        %and3A_583 = vector.broadcast %and3A_582 : i32 to vector<16xi32>
        %and3A_584 = arith.andi %get3A_581, %and3A_583 : vector<16xi32>
        %swap3A_585 = arith.constant 0 : i32
        %swap3A_586 = arith.index_cast %swap3A_585 : i32 to index
        %swap3A_587 = arith.constant 16 : index
        %swap3A_588 = tpu.vector_load %arg7[%swap3A_586, %swap3A_587] {strides = array<i32>} : memref<3x80xi32, #tpu.memory_space<vmem>>, vector<1x16xi32>,
        %swap3A_589 = vector.shape_cast %swap3A_588 : vector<1x16xi32> to vector<16xi32>
        %swap3A_590 = vector.shape_cast %and3A_584 : vector<16xi32> to vector<1x16xi32>
        tpu.vector_store %arg7[%swap3A_586, %swap3A_587], %swap3A_590 {strides = array<i32>} : memref<3x80xi32, #tpu.memory_space<vmem>>, vector<1x16xi32>,
        %get3A_591 = arith.index_cast %sub3A_456 : i32 to index
        %get3A_592 = arith.constant 32 : index
        %get3A_593 = tpu.vector_load %arg5[%get3A_591, %get3A_592] {strides = array<i32>} : memref<126x80xi32, #tpu.memory_space<vmem>>, vector<1x16xi32>,
        %get3A_594 = vector.shape_cast %get3A_593 : vector<1x16xi32> to vector<16xi32>
        %and3A_595 = arith.constant 16383 : i32
        %and3A_596 = vector.broadcast %and3A_595 : i32 to vector<16xi32>
        %and3A_597 = arith.andi %get3A_594, %and3A_596 : vector<16xi32>
        %swap3A_598 = arith.constant 0 : i32
        %swap3A_599 = arith.index_cast %swap3A_598 : i32 to index
        %swap3A_600 = arith.constant 32 : index
        %swap3A_601 = tpu.vector_load %arg7[%swap3A_599, %swap3A_600] {strides = array<i32>} : memref<3x80xi32, #tpu.memory_space<vmem>>, vector<1x16xi32>,
        %swap3A_602 = vector.shape_cast %swap3A_601 : vector<1x16xi32> to vector<16xi32>
        %swap3A_603 = vector.shape_cast %and3A_597 : vector<16xi32> to vector<1x16xi32>
        tpu.vector_store %arg7[%swap3A_599, %swap3A_600], %swap3A_603 {strides = array<i32>} : memref<3x80xi32, #tpu.memory_space<vmem>>, vector<1x16xi32>,
        %get3A_604 = arith.index_cast %sub3A_456 : i32 to index
        %get3A_605 = arith.constant 48 : index
        %get3A_606 = tpu.vector_load %arg5[%get3A_604, %get3A_605] {strides = array<i32>} : memref<126x80xi32, #tpu.memory_space<vmem>>, vector<1x16xi32>,
        %get3A_607 = vector.shape_cast %get3A_606 : vector<1x16xi32> to vector<16xi32>
        %and3A_608 = arith.constant 16383 : i32
        %and3A_609 = vector.broadcast %and3A_608 : i32 to vector<16xi32>
        %and3A_610 = arith.andi %get3A_607, %and3A_609 : vector<16xi32>
        %swap3A_611 = arith.constant 0 : i32
        %swap3A_612 = arith.index_cast %swap3A_611 : i32 to index
        %swap3A_613 = arith.constant 48 : index
        %swap3A_614 = tpu.vector_load %arg7[%swap3A_612, %swap3A_613] {strides = array<i32>} : memref<3x80xi32, #tpu.memory_space<vmem>>, vector<1x16xi32>,
        %swap3A_615 = vector.shape_cast %swap3A_614 : vector<1x16xi32> to vector<16xi32>
        %swap3A_616 = vector.shape_cast %and3A_610 : vector<16xi32> to vector<1x16xi32>
        tpu.vector_store %arg7[%swap3A_612, %swap3A_613], %swap3A_616 {strides = array<i32>} : memref<3x80xi32, #tpu.memory_space<vmem>>, vector<1x16xi32>,
        %get3A_617 = arith.index_cast %sub3A_456 : i32 to index
        %get3A_618 = arith.constant 64 : index
        %get3A_619 = tpu.vector_load %arg5[%get3A_617, %get3A_618] {strides = array<i32>} : memref<126x80xi32, #tpu.memory_space<vmem>>, vector<1x16xi32>,
        %get3A_620 = vector.shape_cast %get3A_619 : vector<1x16xi32> to vector<16xi32>
        %and3A_621 = arith.constant 16383 : i32
        %and3A_622 = vector.broadcast %and3A_621 : i32 to vector<16xi32>
        %and3A_623 = arith.andi %get3A_620, %and3A_622 : vector<16xi32>
        %swap3A_624 = arith.constant 0 : i32
        %swap3A_625 = arith.index_cast %swap3A_624 : i32 to index
        %swap3A_626 = arith.constant 64 : index
        %swap3A_627 = tpu.vector_load %arg7[%swap3A_625, %swap3A_626] {strides = array<i32>} : memref<3x80xi32, #tpu.memory_space<vmem>>, vector<1x16xi32>,
        %swap3A_628 = vector.shape_cast %swap3A_627 : vector<1x16xi32> to vector<16xi32>
        %swap3A_629 = vector.shape_cast %and3A_623 : vector<16xi32> to vector<1x16xi32>
        tpu.vector_store %arg7[%swap3A_625, %swap3A_626], %swap3A_629 {strides = array<i32>} : memref<3x80xi32, #tpu.memory_space<vmem>>, vector<1x16xi32>,
        %dma_start3A_630 = arith.constant 0 : i32
        %dma_start3A_631 = arith.constant 0 : i32
        %dma_start3A_632 = tpu.memref_slice %arg7[%dma_start3A_630, %dma_start3A_631] : memref<3x80xi32, #tpu.memory_space<vmem>> -> memref<1x80xi32, #tpu.memory_space<vmem>>
        %dma_start3A_633 = tpu.memref_squeeze %dma_start3A_632 : memref<1x80xi32, #tpu.memory_space<vmem>> -> memref<80xi32, #tpu.memory_space<vmem>>
        %dma_start3A_634 = arith.constant 0 : i32
        %dma_start3A_635 = arith.constant 0 : i32
        %dma_start3A_636 = tpu.memref_slice %arg3[%dma_start3A_634, %dma_start3A_635] : memref<10240x128xf32, #tpu.memory_space<hbm>> -> memref<10240x128xf32, #tpu.memory_space<hbm>>
        tpu.enqueue_indirect_dma source(%dma_start3A_636 : memref<10240x128xf32, #tpu.memory_space<hbm>>) target(%arg8 : memref<80x128xf32, #tpu.memory_space<vmem>>) offsets(%dma_start3A_633 : memref<80xi32, #tpu.memory_space<vmem>>) semaphore(%arg12 : memref<!tpu.dma_semaphore, #tpu.memory_space<semaphore_mem>>)
      } else {
      }
      %add3A_465 = arith.constant 2 : i32
      %add3A_466 = arith.addi %mul3A_284, %add3A_465 : i32
      %dma_wait3A_467 = arith.constant 2 : i32
      %dma_wait3A_468 = arith.constant 0 : i32
      %dma_wait3A_469 = tpu.memref_slice %arg7[%dma_wait3A_467, %dma_wait3A_468] : memref<3x80xi32, #tpu.memory_space<vmem>> -> memref<1x80xi32, #tpu.memory_space<vmem>>
      %dma_wait3A_470 = tpu.memref_squeeze %dma_wait3A_469 : memref<1x80xi32, #tpu.memory_space<vmem>> -> memref<80xi32, #tpu.memory_space<vmem>>
      %dma_wait3A_471 = arith.constant 0 : i32
      %dma_wait3A_472 = arith.constant 0 : i32
      %dma_wait3A_473 = tpu.memref_slice %arg3[%dma_wait3A_471, %dma_wait3A_472] : memref<10240x128xf32, #tpu.memory_space<hbm>> -> memref<10240x128xf32, #tpu.memory_space<hbm>>
      tpu.wait_indirect_dma semaphore(%arg14 : memref<!tpu.dma_semaphore, #tpu.memory_space<semaphore_mem>>) src(%dma_wait3A_473 : memref<10240x128xf32, #tpu.memory_space<hbm>>) dst(%arg10 : memref<80x128xf32, #tpu.memory_space<vmem>>)
      %get3A_474 = arith.index_cast %add3A_466 : i32 to index
      %get3A_475 = arith.constant 0 : index
      %get3A_476 = tpu.vector_load %arg5[%get3A_474, %get3A_475] {strides = array<i32>} : memref<126x80xi32, #tpu.memory_space<vmem>>, vector<1x16xi32>,
      %get3A_477 = vector.shape_cast %get3A_476 : vector<1x16xi32> to vector<16xi32>
      %shift_right_logical3A_478 = arith.constant 14 : i32
      %shift_right_logical3A_479 = vector.broadcast %shift_right_logical3A_478 : i32 to vector<16xi32>
      %shift_right_logical3A_480 = arith.shrui %get3A_477, %shift_right_logical3A_479 : vector<16xi32>
      %swap3A_481 = arith.constant 2 : i32
      %swap3A_482 = arith.index_cast %swap3A_481 : i32 to index
      %swap3A_483 = arith.constant 0 : index
      %swap3A_484 = tpu.vector_load %arg6[%swap3A_482, %swap3A_483] {strides = array<i32>} : memref<3x80xi32, #tpu.memory_space<vmem>>, vector<1x16xi32>,
      %swap3A_485 = vector.shape_cast %swap3A_484 : vector<1x16xi32> to vector<16xi32>
      %swap3A_486 = vector.shape_cast %shift_right_logical3A_480 : vector<16xi32> to vector<1x16xi32>
      tpu.vector_store %arg6[%swap3A_482, %swap3A_483], %swap3A_486 {strides = array<i32>} : memref<3x80xi32, #tpu.memory_space<vmem>>, vector<1x16xi32>,
      %get3A_487 = arith.index_cast %add3A_466 : i32 to index
      %get3A_488 = arith.constant 16 : index
      %get3A_489 = tpu.vector_load %arg5[%get3A_487, %get3A_488] {strides = array<i32>} : memref<126x80xi32, #tpu.memory_space<vmem>>, vector<1x16xi32>,
      %get3A_490 = vector.shape_cast %get3A_489 : vector<1x16xi32> to vector<16xi32>
      %shift_right_logical3A_491 = arith.constant 14 : i32
      %shift_right_logical3A_492 = vector.broadcast %shift_right_logical3A_491 : i32 to vector<16xi32>
      %shift_right_logical3A_493 = arith.shrui %get3A_490, %shift_right_logical3A_492 : vector<16xi32>
      %swap3A_494 = arith.constant 2 : i32
      %swap3A_495 = arith.index_cast %swap3A_494 : i32 to index
      %swap3A_496 = arith.constant 16 : index
      %swap3A_497 = tpu.vector_load %arg6[%swap3A_495, %swap3A_496] {strides = array<i32>} : memref<3x80xi32, #tpu.memory_space<vmem>>, vector<1x16xi32>,
      %swap3A_498 = vector.shape_cast %swap3A_497 : vector<1x16xi32> to vector<16xi32>
      %swap3A_499 = vector.shape_cast %shift_right_logical3A_493 : vector<16xi32> to vector<1x16xi32>
      tpu.vector_store %arg6[%swap3A_495, %swap3A_496], %swap3A_499 {strides = array<i32>} : memref<3x80xi32, #tpu.memory_space<vmem>>, vector<1x16xi32>,
      %get3A_500 = arith.index_cast %add3A_466 : i32 to index
      %get3A_501 = arith.constant 32 : index
      %get3A_502 = tpu.vector_load %arg5[%get3A_500, %get3A_501] {strides = array<i32>} : memref<126x80xi32, #tpu.memory_space<vmem>>, vector<1x16xi32>,
      %get3A_503 = vector.shape_cast %get3A_502 : vector<1x16xi32> to vector<16xi32>
      %shift_right_logical3A_504 = arith.constant 14 : i32
      %shift_right_logical3A_505 = vector.broadcast %shift_right_logical3A_504 : i32 to vector<16xi32>
      %shift_right_logical3A_506 = arith.shrui %get3A_503, %shift_right_logical3A_505 : vector<16xi32>
      %swap3A_507 = arith.constant 2 : i32
      %swap3A_508 = arith.index_cast %swap3A_507 : i32 to index
      %swap3A_509 = arith.constant 32 : index
      %swap3A_510 = tpu.vector_load %arg6[%swap3A_508, %swap3A_509] {strides = array<i32>} : memref<3x80xi32, #tpu.memory_space<vmem>>, vector<1x16xi32>,
      %swap3A_511 = vector.shape_cast %swap3A_510 : vector<1x16xi32> to vector<16xi32>
      %swap3A_512 = vector.shape_cast %shift_right_logical3A_506 : vector<16xi32> to vector<1x16xi32>
      tpu.vector_store %arg6[%swap3A_508, %swap3A_509], %swap3A_512 {strides = array<i32>} : memref<3x80xi32, #tpu.memory_space<vmem>>, vector<1x16xi32>,
      %get3A_513 = arith.index_cast %add3A_466 : i32 to index
      %get3A_514 = arith.constant 48 : index
      %get3A_515 = tpu.vector_load %arg5[%get3A_513, %get3A_514] {strides = array<i32>} : memref<126x80xi32, #tpu.memory_space<vmem>>, vector<1x16xi32>,
      %get3A_516 = vector.shape_cast %get3A_515 : vector<1x16xi32> to vector<16xi32>
      %shift_right_logical3A_517 = arith.constant 14 : i32
      %shift_right_logical3A_518 = vector.broadcast %shift_right_logical3A_517 : i32 to vector<16xi32>
      %shift_right_logical3A_519 = arith.shrui %get3A_516, %shift_right_logical3A_518 : vector<16xi32>
      %swap3A_520 = arith.constant 2 : i32
      %swap3A_521 = arith.index_cast %swap3A_520 : i32 to index
      %swap3A_522 = arith.constant 48 : index
      %swap3A_523 = tpu.vector_load %arg6[%swap3A_521, %swap3A_522] {strides = array<i32>} : memref<3x80xi32, #tpu.memory_space<vmem>>, vector<1x16xi32>,
      %swap3A_524 = vector.shape_cast %swap3A_523 : vector<1x16xi32> to vector<16xi32>
      %swap3A_525 = vector.shape_cast %shift_right_logical3A_519 : vector<16xi32> to vector<1x16xi32>
      tpu.vector_store %arg6[%swap3A_521, %swap3A_522], %swap3A_525 {strides = array<i32>} : memref<3x80xi32, #tpu.memory_space<vmem>>, vector<1x16xi32>,
      %get3A_526 = arith.index_cast %add3A_466 : i32 to index
      %get3A_527 = arith.constant 64 : index
      %get3A_528 = tpu.vector_load %arg5[%get3A_526, %get3A_527] {strides = array<i32>} : memref<126x80xi32, #tpu.memory_space<vmem>>, vector<1x16xi32>,
      %get3A_529 = vector.shape_cast %get3A_528 : vector<1x16xi32> to vector<16xi32>
      %shift_right_logical3A_530 = arith.constant 14 : i32
      %shift_right_logical3A_531 = vector.broadcast %shift_right_logical3A_530 : i32 to vector<16xi32>
      %shift_right_logical3A_532 = arith.shrui %get3A_529, %shift_right_logical3A_531 : vector<16xi32>
      %swap3A_533 = arith.constant 2 : i32
      %swap3A_534 = arith.index_cast %swap3A_533 : i32 to index
      %swap3A_535 = arith.constant 64 : index
      %swap3A_536 = tpu.vector_load %arg6[%swap3A_534, %swap3A_535] {strides = array<i32>} : memref<3x80xi32, #tpu.memory_space<vmem>>, vector<1x16xi32>,
      %swap3A_537 = vector.shape_cast %swap3A_536 : vector<1x16xi32> to vector<16xi32>
      %swap3A_538 = vector.shape_cast %shift_right_logical3A_532 : vector<16xi32> to vector<1x16xi32>
      tpu.vector_store %arg6[%swap3A_534, %swap3A_535], %swap3A_538 {strides = array<i32>} : memref<3x80xi32, #tpu.memory_space<vmem>>, vector<1x16xi32>,
      %dma_start3A_539 = arith.constant 2 : i32
      %dma_start3A_540 = arith.constant 0 : i32
      %dma_start3A_541 = tpu.memref_slice %arg6[%dma_start3A_539, %dma_start3A_540] : memref<3x80xi32, #tpu.memory_space<vmem>> -> memref<1x80xi32, #tpu.memory_space<vmem>>
      %dma_start3A_542 = tpu.memref_squeeze %dma_start3A_541 : memref<1x80xi32, #tpu.memory_space<vmem>> -> memref<80xi32, #tpu.memory_space<vmem>>
      %dma_start3A_543 = arith.constant 0 : i32
      %dma_start3A_544 = arith.constant 0 : i32
      %dma_start3A_545 = tpu.memref_slice %arg11[%dma_start3A_543, %dma_start3A_544] : memref<10112x128xf32, #tpu.memory_space<vmem_shared>> -> memref<10112x128xf32, #tpu.memory_space<vmem_shared>>
      tpu.enqueue_indirect_dma source(%arg10 : memref<80x128xf32, #tpu.memory_space<vmem>>) target(%dma_start3A_545 : memref<10112x128xf32, #tpu.memory_space<vmem_shared>>) offsets(%dma_start3A_542 : memref<80xi32, #tpu.memory_space<vmem>>) semaphore(%arg17 : memref<!tpu.dma_semaphore, #tpu.memory_space<semaphore_mem>>) {add = true}
      %add3A_546 = arith.constant 3 : i32
      %add3A_547 = arith.addi %add3A_466, %add3A_546 : i32
      %sub3A_548 = arith.constant 1 : i32
      %sub3A_549 = arith.subi %add3A_547, %sub3A_548 : i32
      %lt3A_550 = arith.constant 126 : i32
      %lt3A_551 = arith.cmpi slt, %sub3A_549, %lt3A_550 : i32
      %ge3A_552 = arith.constant 3 : i32
      %ge3A_553 = arith.cmpi sge, %sub3A_549, %ge3A_552 : i32
      %and3A_554 = arith.andi %lt3A_551, %ge3A_553 : i1
      %convert_element_type3A_555 = arith.extui %and3A_554 : i1 to i32
      %cond3A_556 = arith.constant 0 : i32
      %cond3A_557 = arith.cmpi ne, %convert_element_type3A_555, %cond3A_556 : i32
      scf.if %cond3A_557 {
        %dma_wait3A_558 = arith.constant 1 : i32
        %dma_wait3A_559 = arith.constant 0 : i32
        %dma_wait3A_560 = tpu.memref_slice %arg6[%dma_wait3A_558, %dma_wait3A_559] : memref<3x80xi32, #tpu.memory_space<vmem>> -> memref<1x80xi32, #tpu.memory_space<vmem>>
        %dma_wait3A_561 = tpu.memref_squeeze %dma_wait3A_560 : memref<1x80xi32, #tpu.memory_space<vmem>> -> memref<80xi32, #tpu.memory_space<vmem>>
        %dma_wait3A_562 = arith.constant 0 : i32
        %dma_wait3A_563 = arith.constant 0 : i32
        %dma_wait3A_564 = tpu.memref_slice %arg11[%dma_wait3A_562, %dma_wait3A_563] : memref<10112x128xf32, #tpu.memory_space<vmem_shared>> -> memref<10112x128xf32, #tpu.memory_space<vmem_shared>>
        tpu.wait_indirect_dma semaphore(%arg16 : memref<!tpu.dma_semaphore, #tpu.memory_space<semaphore_mem>>) src(%arg9 : memref<80x128xf32, #tpu.memory_space<vmem>>) dst(%dma_wait3A_564 : memref<10112x128xf32, #tpu.memory_space<vmem_shared>>)
        %get3A_565 = arith.index_cast %sub3A_549 : i32 to index
        %get3A_566 = arith.constant 0 : index
        %get3A_567 = tpu.vector_load %arg5[%get3A_565, %get3A_566] {strides = array<i32>} : memref<126x80xi32, #tpu.memory_space<vmem>>, vector<1x16xi32>,
        %get3A_568 = vector.shape_cast %get3A_567 : vector<1x16xi32> to vector<16xi32>
        %and3A_569 = arith.constant 16383 : i32
        %and3A_570 = vector.broadcast %and3A_569 : i32 to vector<16xi32>
        %and3A_571 = arith.andi %get3A_568, %and3A_570 : vector<16xi32>
        %swap3A_572 = arith.constant 1 : i32
        %swap3A_573 = arith.index_cast %swap3A_572 : i32 to index
        %swap3A_574 = arith.constant 0 : index
        %swap3A_575 = tpu.vector_load %arg7[%swap3A_573, %swap3A_574] {strides = array<i32>} : memref<3x80xi32, #tpu.memory_space<vmem>>, vector<1x16xi32>,
        %swap3A_576 = vector.shape_cast %swap3A_575 : vector<1x16xi32> to vector<16xi32>
        %swap3A_577 = vector.shape_cast %and3A_571 : vector<16xi32> to vector<1x16xi32>
        tpu.vector_store %arg7[%swap3A_573, %swap3A_574], %swap3A_577 {strides = array<i32>} : memref<3x80xi32, #tpu.memory_space<vmem>>, vector<1x16xi32>,
        %get3A_578 = arith.index_cast %sub3A_549 : i32 to index
        %get3A_579 = arith.constant 16 : index
        %get3A_580 = tpu.vector_load %arg5[%get3A_578, %get3A_579] {strides = array<i32>} : memref<126x80xi32, #tpu.memory_space<vmem>>, vector<1x16xi32>,
        %get3A_581 = vector.shape_cast %get3A_580 : vector<1x16xi32> to vector<16xi32>
        %and3A_582 = arith.constant 16383 : i32
        %and3A_583 = vector.broadcast %and3A_582 : i32 to vector<16xi32>
        %and3A_584 = arith.andi %get3A_581, %and3A_583 : vector<16xi32>
        %swap3A_585 = arith.constant 1 : i32
        %swap3A_586 = arith.index_cast %swap3A_585 : i32 to index
        %swap3A_587 = arith.constant 16 : index
        %swap3A_588 = tpu.vector_load %arg7[%swap3A_586, %swap3A_587] {strides = array<i32>} : memref<3x80xi32, #tpu.memory_space<vmem>>, vector<1x16xi32>,
        %swap3A_589 = vector.shape_cast %swap3A_588 : vector<1x16xi32> to vector<16xi32>
        %swap3A_590 = vector.shape_cast %and3A_584 : vector<16xi32> to vector<1x16xi32>
        tpu.vector_store %arg7[%swap3A_586, %swap3A_587], %swap3A_590 {strides = array<i32>} : memref<3x80xi32, #tpu.memory_space<vmem>>, vector<1x16xi32>,
        %get3A_591 = arith.index_cast %sub3A_549 : i32 to index
        %get3A_592 = arith.constant 32 : index
        %get3A_593 = tpu.vector_load %arg5[%get3A_591, %get3A_592] {strides = array<i32>} : memref<126x80xi32, #tpu.memory_space<vmem>>, vector<1x16xi32>,
        %get3A_594 = vector.shape_cast %get3A_593 : vector<1x16xi32> to vector<16xi32>
        %and3A_595 = arith.constant 16383 : i32
        %and3A_596 = vector.broadcast %and3A_595 : i32 to vector<16xi32>
        %and3A_597 = arith.andi %get3A_594, %and3A_596 : vector<16xi32>
        %swap3A_598 = arith.constant 1 : i32
        %swap3A_599 = arith.index_cast %swap3A_598 : i32 to index
        %swap3A_600 = arith.constant 32 : index
        %swap3A_601 = tpu.vector_load %arg7[%swap3A_599, %swap3A_600] {strides = array<i32>} : memref<3x80xi32, #tpu.memory_space<vmem>>, vector<1x16xi32>,
        %swap3A_602 = vector.shape_cast %swap3A_601 : vector<1x16xi32> to vector<16xi32>
        %swap3A_603 = vector.shape_cast %and3A_597 : vector<16xi32> to vector<1x16xi32>
        tpu.vector_store %arg7[%swap3A_599, %swap3A_600], %swap3A_603 {strides = array<i32>} : memref<3x80xi32, #tpu.memory_space<vmem>>, vector<1x16xi32>,
        %get3A_604 = arith.index_cast %sub3A_549 : i32 to index
        %get3A_605 = arith.constant 48 : index
        %get3A_606 = tpu.vector_load %arg5[%get3A_604, %get3A_605] {strides = array<i32>} : memref<126x80xi32, #tpu.memory_space<vmem>>, vector<1x16xi32>,
        %get3A_607 = vector.shape_cast %get3A_606 : vector<1x16xi32> to vector<16xi32>
        %and3A_608 = arith.constant 16383 : i32
        %and3A_609 = vector.broadcast %and3A_608 : i32 to vector<16xi32>
        %and3A_610 = arith.andi %get3A_607, %and3A_609 : vector<16xi32>
        %swap3A_611 = arith.constant 1 : i32
        %swap3A_612 = arith.index_cast %swap3A_611 : i32 to index
        %swap3A_613 = arith.constant 48 : index
        %swap3A_614 = tpu.vector_load %arg7[%swap3A_612, %swap3A_613] {strides = array<i32>} : memref<3x80xi32, #tpu.memory_space<vmem>>, vector<1x16xi32>,
        %swap3A_615 = vector.shape_cast %swap3A_614 : vector<1x16xi32> to vector<16xi32>
        %swap3A_616 = vector.shape_cast %and3A_610 : vector<16xi32> to vector<1x16xi32>
        tpu.vector_store %arg7[%swap3A_612, %swap3A_613], %swap3A_616 {strides = array<i32>} : memref<3x80xi32, #tpu.memory_space<vmem>>, vector<1x16xi32>,
        %get3A_617 = arith.index_cast %sub3A_549 : i32 to index
        %get3A_618 = arith.constant 64 : index
        %get3A_619 = tpu.vector_load %arg5[%get3A_617, %get3A_618] {strides = array<i32>} : memref<126x80xi32, #tpu.memory_space<vmem>>, vector<1x16xi32>,
        %get3A_620 = vector.shape_cast %get3A_619 : vector<1x16xi32> to vector<16xi32>
        %and3A_621 = arith.constant 16383 : i32
        %and3A_622 = vector.broadcast %and3A_621 : i32 to vector<16xi32>
        %and3A_623 = arith.andi %get3A_620, %and3A_622 : vector<16xi32>
        %swap3A_624 = arith.constant 1 : i32
        %swap3A_625 = arith.index_cast %swap3A_624 : i32 to index
        %swap3A_626 = arith.constant 64 : index
        %swap3A_627 = tpu.vector_load %arg7[%swap3A_625, %swap3A_626] {strides = array<i32>} : memref<3x80xi32, #tpu.memory_space<vmem>>, vector<1x16xi32>,
        %swap3A_628 = vector.shape_cast %swap3A_627 : vector<1x16xi32> to vector<16xi32>
        %swap3A_629 = vector.shape_cast %and3A_623 : vector<16xi32> to vector<1x16xi32>
        tpu.vector_store %arg7[%swap3A_625, %swap3A_626], %swap3A_629 {strides = array<i32>} : memref<3x80xi32, #tpu.memory_space<vmem>>, vector<1x16xi32>,
        %dma_start3A_630 = arith.constant 1 : i32
        %dma_start3A_631 = arith.constant 0 : i32
        %dma_start3A_632 = tpu.memref_slice %arg7[%dma_start3A_630, %dma_start3A_631] : memref<3x80xi32, #tpu.memory_space<vmem>> -> memref<1x80xi32, #tpu.memory_space<vmem>>
        %dma_start3A_633 = tpu.memref_squeeze %dma_start3A_632 : memref<1x80xi32, #tpu.memory_space<vmem>> -> memref<80xi32, #tpu.memory_space<vmem>>
        %dma_start3A_634 = arith.constant 0 : i32
        %dma_start3A_635 = arith.constant 0 : i32
        %dma_start3A_636 = tpu.memref_slice %arg3[%dma_start3A_634, %dma_start3A_635] : memref<10240x128xf32, #tpu.memory_space<hbm>> -> memref<10240x128xf32, #tpu.memory_space<hbm>>
        tpu.enqueue_indirect_dma source(%dma_start3A_636 : memref<10240x128xf32, #tpu.memory_space<hbm>>) target(%arg9 : memref<80x128xf32, #tpu.memory_space<vmem>>) offsets(%dma_start3A_633 : memref<80xi32, #tpu.memory_space<vmem>>) semaphore(%arg13 : memref<!tpu.dma_semaphore, #tpu.memory_space<semaphore_mem>>)
      } else {
      }
    }
    %scan3A_256 = arith.constant 42 : i32
    %dma_wait3A = arith.constant 0 : i32
    %dma_wait3A_257 = arith.constant 0 : i32
    %dma_wait3A_258 = tpu.memref_slice %arg6[%dma_wait3A, %dma_wait3A_257] : memref<3x80xi32, #tpu.memory_space<vmem>> -> memref<1x80xi32, #tpu.memory_space<vmem>>
    %dma_wait3A_259 = tpu.memref_squeeze %dma_wait3A_258 : memref<1x80xi32, #tpu.memory_space<vmem>> -> memref<80xi32, #tpu.memory_space<vmem>>
    %dma_wait3A_260 = arith.constant 0 : i32
    %dma_wait3A_261 = arith.constant 0 : i32
    %dma_wait3A_262 = tpu.memref_slice %arg11[%dma_wait3A_260, %dma_wait3A_261] : memref<10112x128xf32, #tpu.memory_space<vmem_shared>> -> memref<10112x128xf32, #tpu.memory_space<vmem_shared>>
    tpu.wait_indirect_dma semaphore(%arg15 : memref<!tpu.dma_semaphore, #tpu.memory_space<semaphore_mem>>) src(%arg8 : memref<80x128xf32, #tpu.memory_space<vmem>>) dst(%dma_wait3A_262 : memref<10112x128xf32, #tpu.memory_space<vmem_shared>>)
    %dma_wait3A_263 = arith.constant 1 : i32
    %dma_wait3A_264 = arith.constant 0 : i32
    %dma_wait3A_265 = tpu.memref_slice %arg6[%dma_wait3A_263, %dma_wait3A_264] : memref<3x80xi32, #tpu.memory_space<vmem>> -> memref<1x80xi32, #tpu.memory_space<vmem>>
    %dma_wait3A_266 = tpu.memref_squeeze %dma_wait3A_265 : memref<1x80xi32, #tpu.memory_space<vmem>> -> memref<80xi32, #tpu.memory_space<vmem>>
    %dma_wait3A_267 = arith.constant 0 : i32
    %dma_wait3A_268 = arith.constant 0 : i32
    %dma_wait3A_269 = tpu.memref_slice %arg11[%dma_wait3A_267, %dma_wait3A_268] : memref<10112x128xf32, #tpu.memory_space<vmem_shared>> -> memref<10112x128xf32, #tpu.memory_space<vmem_shared>>
    tpu.wait_indirect_dma semaphore(%arg16 : memref<!tpu.dma_semaphore, #tpu.memory_space<semaphore_mem>>) src(%arg9 : memref<80x128xf32, #tpu.memory_space<vmem>>) dst(%dma_wait3A_269 : memref<10112x128xf32, #tpu.memory_space<vmem_shared>>)
    %dma_wait3A_270 = arith.constant 2 : i32
    %dma_wait3A_271 = arith.constant 0 : i32
    %dma_wait3A_272 = tpu.memref_slice %arg6[%dma_wait3A_270, %dma_wait3A_271] : memref<3x80xi32, #tpu.memory_space<vmem>> -> memref<1x80xi32, #tpu.memory_space<vmem>>
    %dma_wait3A_273 = tpu.memref_squeeze %dma_wait3A_272 : memref<1x80xi32, #tpu.memory_space<vmem>> -> memref<80xi32, #tpu.memory_space<vmem>>
    %dma_wait3A_274 = arith.constant 0 : i32
    %dma_wait3A_275 = arith.constant 0 : i32
    %dma_wait3A_276 = tpu.memref_slice %arg11[%dma_wait3A_274, %dma_wait3A_275] : memref<10112x128xf32, #tpu.memory_space<vmem_shared>> -> memref<10112x128xf32, #tpu.memory_space<vmem_shared>>
    tpu.wait_indirect_dma semaphore(%arg17 : memref<!tpu.dma_semaphore, #tpu.memory_space<semaphore_mem>>) src(%arg10 : memref<80x128xf32, #tpu.memory_space<vmem>>) dst(%dma_wait3A_276 : memref<10112x128xf32, #tpu.memory_space<vmem_shared>>)
    %barrier3A_277 = arith.constant 0 : index
    tpu.barrier barrier_id(%barrier3A_277)
    %mul3A_278 = arith.constant 632 : i32
    %mul3A_279 = arith.muli %arg1, %mul3A_278 : i32
    %mul3A_280 = arith.constant 632 : i32
    %mul3A_281 = arith.muli %arg1, %mul3A_280 : i32
    "tpu.region"() ({
      %run_scoped3A = tpu.sem_alloc : memref<!tpu.dma_semaphore, #tpu.memory_space<semaphore_mem>>
      %dma_start3A_282 = arith.constant 0 : i32
      %dma_start3A_283 = tpu.memref_slice %arg4[%arg0, %mul3A_281, %dma_start3A_282] : memref<2x10240x128xf32, #tpu.memory_space<hbm>> -> memref<1x632x128xf32, #tpu.memory_space<hbm>>
      %dma_start3A_284 = tpu.memref_squeeze %dma_start3A_283 : memref<1x632x128xf32, #tpu.memory_space<hbm>> -> memref<632x128xf32, #tpu.memory_space<hbm>>
      %dma_start3A_285 = arith.constant 0 : i32
      %dma_start3A_286 = tpu.memref_slice %arg11[%mul3A_279, %dma_start3A_285] : memref<10112x128xf32, #tpu.memory_space<vmem_shared>> -> memref<632x128xf32, #tpu.memory_space<vmem_shared>>
      tpu.enqueue_dma source(%dma_start3A_286 : memref<632x128xf32, #tpu.memory_space<vmem_shared>>) target(%dma_start3A_284 : memref<632x128xf32, #tpu.memory_space<hbm>>) target_semaphore(%run_scoped3A : memref<!tpu.dma_semaphore, #tpu.memory_space<semaphore_mem>>)
      %dma_wait3A_287 = arith.constant 0 : i32
      %dma_wait3A_288 = tpu.memref_slice %arg4[%arg0, %mul3A_281, %dma_wait3A_287] : memref<2x10240x128xf32, #tpu.memory_space<hbm>> -> memref<1x632x128xf32, #tpu.memory_space<hbm>>
      %dma_wait3A_289 = tpu.memref_squeeze %dma_wait3A_288 : memref<1x632x128xf32, #tpu.memory_space<hbm>> -> memref<632x128xf32, #tpu.memory_space<hbm>>
      %dma_wait3A_290 = arith.constant 0 : i32
      %dma_wait3A_291 = tpu.memref_slice %arg11[%mul3A_279, %dma_wait3A_290] : memref<10112x128xf32, #tpu.memory_space<vmem_shared>> -> memref<632x128xf32, #tpu.memory_space<vmem_shared>>
      tpu.wait_dma2 semaphore(%run_scoped3A : memref<!tpu.dma_semaphore, #tpu.memory_space<semaphore_mem>>) src(%dma_wait3A_291 : memref<632x128xf32, #tpu.memory_space<vmem_shared>>) dst(%dma_wait3A_289 : memref<632x128xf32, #tpu.memory_space<hbm>>)
      tpu.yield
    }) : () -> ()
    return
  }
}

#map = affine_map<(d0, d1) -> (0, 0, 0)>
module attributes {stable_mosaic.version = 14 : i64} {
  func.func @_deg_call(%arg0: i32, %arg1: i32, %arg2: memref<32x126x80xi32, #tpu.memory_space<hbm>>, %arg3: memref<2x10240x128xf32, #tpu.memory_space<hbm>>, %arg4: memref<126x80xi32, #tpu.memory_space<vmem>>, %arg5: memref<80x128xf32, #tpu.memory_space<vmem>>, %arg6: memref<10112x128xf32, #tpu.memory_space<vmem_shared>>, %arg7: memref<!tpu.dma_semaphore, #tpu.memory_space<semaphore_mem>>, %arg8: memref<!tpu.dma_semaphore, #tpu.memory_space<semaphore_mem>>, %arg9: memref<!tpu.dma_semaphore, #tpu.memory_space<semaphore_mem>>, %arg10: memref<!tpu.dma_semaphore, #tpu.memory_space<semaphore_mem>>) attributes {dimension_semantics = [#tpu.dimension_semantics<core_parallel>, #tpu.dimension_semantics<subcore_parallel>], iteration_bounds = array<i64: 2, 16>, scalar_prefetch = 0 : i64, scratch_operands = 7 : i64, tpu.core_type = #tpu.core_type<sc_vector_subcore>, window_params = [{transform_indices = #map}, {transform_indices = #map}]} {
    %mul3A = arith.constant 16 : i32
    %mul3A_0 = arith.muli %arg0, %mul3A : i32
    %add3A = arith.addi %mul3A_0, %arg1 : i32
    "tpu.region"() ({
      %run_scoped3A = tpu.sem_alloc : memref<!tpu.dma_semaphore, #tpu.memory_space<semaphore_mem>>
      %dma_start3A_81 = arith.constant 0 : i32
      %dma_start3A_82 = arith.constant 0 : i32
      %dma_start3A_83 = tpu.memref_slice %arg2[%add3A, %dma_start3A_81, %dma_start3A_82] : memref<32x126x80xi32, #tpu.memory_space<hbm>> -> memref<1x126x80xi32, #tpu.memory_space<hbm>>
      %dma_start3A_84 = tpu.memref_squeeze %dma_start3A_83 : memref<1x126x80xi32, #tpu.memory_space<hbm>> -> memref<126x80xi32, #tpu.memory_space<hbm>>
      %dma_start3A_85 = arith.constant 0 : i32
      %dma_start3A_86 = arith.constant 0 : i32
      %dma_start3A_87 = tpu.memref_slice %arg2[%add3A, %dma_start3A_85, %dma_start3A_86] : memref<32x126x80xi32, #tpu.memory_space<hbm>> -> memref<1x126x80xi32, #tpu.memory_space<hbm>>
      %dma_start3A_88 = tpu.memref_squeeze %dma_start3A_87 : memref<1x126x80xi32, #tpu.memory_space<hbm>> -> memref<126x80xi32, #tpu.memory_space<hbm>>
      tpu.enqueue_dma source(%dma_start3A_88 : memref<126x80xi32, #tpu.memory_space<hbm>>) target(%arg4 : memref<126x80xi32, #tpu.memory_space<vmem>>) target_semaphore(%run_scoped3A : memref<!tpu.dma_semaphore, #tpu.memory_space<semaphore_mem>>)
      %dma_wait3A_89 = arith.constant 0 : i32
      %dma_wait3A_90 = arith.constant 0 : i32
      %dma_wait3A_91 = tpu.memref_slice %arg2[%add3A, %dma_wait3A_89, %dma_wait3A_90] : memref<32x126x80xi32, #tpu.memory_space<hbm>> -> memref<1x126x80xi32, #tpu.memory_space<hbm>>
      %dma_wait3A_92 = tpu.memref_squeeze %dma_wait3A_91 : memref<1x126x80xi32, #tpu.memory_space<hbm>> -> memref<126x80xi32, #tpu.memory_space<hbm>>
      %dma_wait3A_93 = arith.constant 0 : i32
      %dma_wait3A_94 = arith.constant 0 : i32
      %dma_wait3A_95 = tpu.memref_slice %arg2[%add3A, %dma_wait3A_93, %dma_wait3A_94] : memref<32x126x80xi32, #tpu.memory_space<hbm>> -> memref<1x126x80xi32, #tpu.memory_space<hbm>>
      %dma_wait3A_96 = tpu.memref_squeeze %dma_wait3A_95 : memref<1x126x80xi32, #tpu.memory_space<hbm>> -> memref<126x80xi32, #tpu.memory_space<hbm>>
      tpu.wait_dma2 semaphore(%run_scoped3A : memref<!tpu.dma_semaphore, #tpu.memory_space<semaphore_mem>>) src(%dma_wait3A_96 : memref<126x80xi32, #tpu.memory_space<hbm>>) dst(%arg4 : memref<126x80xi32, #tpu.memory_space<vmem>>)
      tpu.yield
    }) : () -> ()
    %scan3A = arith.constant 0 : i32
    %scan3A_1 = arith.constant 0 : i32
    %scan3A_2 = arith.constant 80 : i32
    %scan3A_3 = arith.addi %scan3A_1, %scan3A_2 : i32
    %scan3A_4 = arith.constant 1 : i32
    scf.for %scan3A_81 = %scan3A_1 to %scan3A_3 step %scan3A_4  : i32 {
      %scan3A_82 = arith.constant 0 : i32
      %scan3A_83 = arith.constant 8 : i32
      %scan3A_84 = arith.addi %scan3A_82, %scan3A_83 : i32
      %scan3A_85 = arith.constant 1 : i32
      scf.for %scan3A_87 = %scan3A_82 to %scan3A_84 step %scan3A_85  : i32 {
        %broadcast_in_dim3A = arith.constant 0.000000e+00 : f32
        %broadcast_in_dim3A_88 = vector.broadcast %broadcast_in_dim3A : f32 to vector<16xf32>
        %mul3A_89 = arith.constant 16 : i32
        %mul3A_90 = arith.muli %scan3A_87, %mul3A_89 : i32
        %swap3A = arith.index_cast %scan3A_81 : i32 to index
        %swap3A_91 = arith.index_cast %mul3A_90 : i32 to index
        %swap3A_92 = tpu.vector_load %arg5[%swap3A, %swap3A_91] {strides = array<i32>} : memref<80x128xf32, #tpu.memory_space<vmem>>, vector<1x16xf32>,
        %swap3A_93 = vector.shape_cast %swap3A_92 : vector<1x16xf32> to vector<16xf32>
        %swap3A_94 = vector.shape_cast %broadcast_in_dim3A_88 : vector<16xf32> to vector<1x16xf32>
        tpu.vector_store %arg5[%swap3A, %swap3A_91], %swap3A_94 {strides = array<i32>} : memref<80x128xf32, #tpu.memory_space<vmem>>, vector<1x16xf32>,
      }
      %scan3A_86 = arith.constant 8 : i32
    }
    %scan3A_5 = arith.constant 80 : i32
    %mul3A_6 = arith.constant 632 : i32
    %mul3A_7 = arith.muli %arg1, %mul3A_6 : i32
    %add3A_8 = arith.constant 0 : i32
    %add3A_9 = arith.addi %mul3A_7, %add3A_8 : i32
    "tpu.region"() ({
      %run_scoped3A = tpu.sem_alloc : memref<!tpu.dma_semaphore, #tpu.memory_space<semaphore_mem>>
      %dma_start3A_81 = arith.constant 0 : i32
      %dma_start3A_82 = tpu.memref_slice %arg6[%add3A_9, %dma_start3A_81] : memref<10112x128xf32, #tpu.memory_space<vmem_shared>> -> memref<80x128xf32, #tpu.memory_space<vmem_shared>>
      %dma_start3A_83 = arith.constant 0 : i32
      %dma_start3A_84 = tpu.memref_slice %arg6[%add3A_9, %dma_start3A_83] : memref<10112x128xf32, #tpu.memory_space<vmem_shared>> -> memref<80x128xf32, #tpu.memory_space<vmem_shared>>
      tpu.enqueue_dma source(%arg5 : memref<80x128xf32, #tpu.memory_space<vmem>>) target(%dma_start3A_84 : memref<80x128xf32, #tpu.memory_space<vmem_shared>>) target_semaphore(%run_scoped3A : memref<!tpu.dma_semaphore, #tpu.memory_space<semaphore_mem>>)
      %dma_wait3A_85 = arith.constant 0 : i32
      %dma_wait3A_86 = tpu.memref_slice %arg6[%add3A_9, %dma_wait3A_85] : memref<10112x128xf32, #tpu.memory_space<vmem_shared>> -> memref<80x128xf32, #tpu.memory_space<vmem_shared>>
      %dma_wait3A_87 = arith.constant 0 : i32
      %dma_wait3A_88 = tpu.memref_slice %arg6[%add3A_9, %dma_wait3A_87] : memref<10112x128xf32, #tpu.memory_space<vmem_shared>> -> memref<80x128xf32, #tpu.memory_space<vmem_shared>>
      tpu.wait_dma2 semaphore(%run_scoped3A : memref<!tpu.dma_semaphore, #tpu.memory_space<semaphore_mem>>) src(%arg5 : memref<80x128xf32, #tpu.memory_space<vmem>>) dst(%dma_wait3A_88 : memref<80x128xf32, #tpu.memory_space<vmem_shared>>)
      tpu.yield
    }) : () -> ()
    %add3A_10 = arith.constant 80 : i32
    %add3A_11 = arith.addi %mul3A_7, %add3A_10 : i32
    "tpu.region"() ({
      %run_scoped3A = tpu.sem_alloc : memref<!tpu.dma_semaphore, #tpu.memory_space<semaphore_mem>>
      %dma_start3A_81 = arith.constant 0 : i32
      %dma_start3A_82 = tpu.memref_slice %arg6[%add3A_11, %dma_start3A_81] : memref<10112x128xf32, #tpu.memory_space<vmem_shared>> -> memref<80x128xf32, #tpu.memory_space<vmem_shared>>
      %dma_start3A_83 = arith.constant 0 : i32
      %dma_start3A_84 = tpu.memref_slice %arg6[%add3A_11, %dma_start3A_83] : memref<10112x128xf32, #tpu.memory_space<vmem_shared>> -> memref<80x128xf32, #tpu.memory_space<vmem_shared>>
      tpu.enqueue_dma source(%arg5 : memref<80x128xf32, #tpu.memory_space<vmem>>) target(%dma_start3A_84 : memref<80x128xf32, #tpu.memory_space<vmem_shared>>) target_semaphore(%run_scoped3A : memref<!tpu.dma_semaphore, #tpu.memory_space<semaphore_mem>>)
      %dma_wait3A_85 = arith.constant 0 : i32
      %dma_wait3A_86 = tpu.memref_slice %arg6[%add3A_11, %dma_wait3A_85] : memref<10112x128xf32, #tpu.memory_space<vmem_shared>> -> memref<80x128xf32, #tpu.memory_space<vmem_shared>>
      %dma_wait3A_87 = arith.constant 0 : i32
      %dma_wait3A_88 = tpu.memref_slice %arg6[%add3A_11, %dma_wait3A_87] : memref<10112x128xf32, #tpu.memory_space<vmem_shared>> -> memref<80x128xf32, #tpu.memory_space<vmem_shared>>
      tpu.wait_dma2 semaphore(%run_scoped3A : memref<!tpu.dma_semaphore, #tpu.memory_space<semaphore_mem>>) src(%arg5 : memref<80x128xf32, #tpu.memory_space<vmem>>) dst(%dma_wait3A_88 : memref<80x128xf32, #tpu.memory_space<vmem_shared>>)
      tpu.yield
    }) : () -> ()
    %add3A_12 = arith.constant 160 : i32
    %add3A_13 = arith.addi %mul3A_7, %add3A_12 : i32
    "tpu.region"() ({
      %run_scoped3A = tpu.sem_alloc : memref<!tpu.dma_semaphore, #tpu.memory_space<semaphore_mem>>
      %dma_start3A_81 = arith.constant 0 : i32
      %dma_start3A_82 = tpu.memref_slice %arg6[%add3A_13, %dma_start3A_81] : memref<10112x128xf32, #tpu.memory_space<vmem_shared>> -> memref<80x128xf32, #tpu.memory_space<vmem_shared>>
      %dma_start3A_83 = arith.constant 0 : i32
      %dma_start3A_84 = tpu.memref_slice %arg6[%add3A_13, %dma_start3A_83] : memref<10112x128xf32, #tpu.memory_space<vmem_shared>> -> memref<80x128xf32, #tpu.memory_space<vmem_shared>>
      tpu.enqueue_dma source(%arg5 : memref<80x128xf32, #tpu.memory_space<vmem>>) target(%dma_start3A_84 : memref<80x128xf32, #tpu.memory_space<vmem_shared>>) target_semaphore(%run_scoped3A : memref<!tpu.dma_semaphore, #tpu.memory_space<semaphore_mem>>)
      %dma_wait3A_85 = arith.constant 0 : i32
      %dma_wait3A_86 = tpu.memref_slice %arg6[%add3A_13, %dma_wait3A_85] : memref<10112x128xf32, #tpu.memory_space<vmem_shared>> -> memref<80x128xf32, #tpu.memory_space<vmem_shared>>
      %dma_wait3A_87 = arith.constant 0 : i32
      %dma_wait3A_88 = tpu.memref_slice %arg6[%add3A_13, %dma_wait3A_87] : memref<10112x128xf32, #tpu.memory_space<vmem_shared>> -> memref<80x128xf32, #tpu.memory_space<vmem_shared>>
      tpu.wait_dma2 semaphore(%run_scoped3A : memref<!tpu.dma_semaphore, #tpu.memory_space<semaphore_mem>>) src(%arg5 : memref<80x128xf32, #tpu.memory_space<vmem>>) dst(%dma_wait3A_88 : memref<80x128xf32, #tpu.memory_space<vmem_shared>>)
      tpu.yield
    }) : () -> ()
    %add3A_14 = arith.constant 240 : i32
    %add3A_15 = arith.addi %mul3A_7, %add3A_14 : i32
    "tpu.region"() ({
      %run_scoped3A = tpu.sem_alloc : memref<!tpu.dma_semaphore, #tpu.memory_space<semaphore_mem>>
      %dma_start3A_81 = arith.constant 0 : i32
      %dma_start3A_82 = tpu.memref_slice %arg6[%add3A_15, %dma_start3A_81] : memref<10112x128xf32, #tpu.memory_space<vmem_shared>> -> memref<80x128xf32, #tpu.memory_space<vmem_shared>>
      %dma_start3A_83 = arith.constant 0 : i32
      %dma_start3A_84 = tpu.memref_slice %arg6[%add3A_15, %dma_start3A_83] : memref<10112x128xf32, #tpu.memory_space<vmem_shared>> -> memref<80x128xf32, #tpu.memory_space<vmem_shared>>
      tpu.enqueue_dma source(%arg5 : memref<80x128xf32, #tpu.memory_space<vmem>>) target(%dma_start3A_84 : memref<80x128xf32, #tpu.memory_space<vmem_shared>>) target_semaphore(%run_scoped3A : memref<!tpu.dma_semaphore, #tpu.memory_space<semaphore_mem>>)
      %dma_wait3A_85 = arith.constant 0 : i32
      %dma_wait3A_86 = tpu.memref_slice %arg6[%add3A_15, %dma_wait3A_85] : memref<10112x128xf32, #tpu.memory_space<vmem_shared>> -> memref<80x128xf32, #tpu.memory_space<vmem_shared>>
      %dma_wait3A_87 = arith.constant 0 : i32
      %dma_wait3A_88 = tpu.memref_slice %arg6[%add3A_15, %dma_wait3A_87] : memref<10112x128xf32, #tpu.memory_space<vmem_shared>> -> memref<80x128xf32, #tpu.memory_space<vmem_shared>>
      tpu.wait_dma2 semaphore(%run_scoped3A : memref<!tpu.dma_semaphore, #tpu.memory_space<semaphore_mem>>) src(%arg5 : memref<80x128xf32, #tpu.memory_space<vmem>>) dst(%dma_wait3A_88 : memref<80x128xf32, #tpu.memory_space<vmem_shared>>)
      tpu.yield
    }) : () -> ()
    %add3A_16 = arith.constant 320 : i32
    %add3A_17 = arith.addi %mul3A_7, %add3A_16 : i32
    "tpu.region"() ({
      %run_scoped3A = tpu.sem_alloc : memref<!tpu.dma_semaphore, #tpu.memory_space<semaphore_mem>>
      %dma_start3A_81 = arith.constant 0 : i32
      %dma_start3A_82 = tpu.memref_slice %arg6[%add3A_17, %dma_start3A_81] : memref<10112x128xf32, #tpu.memory_space<vmem_shared>> -> memref<80x128xf32, #tpu.memory_space<vmem_shared>>
      %dma_start3A_83 = arith.constant 0 : i32
      %dma_start3A_84 = tpu.memref_slice %arg6[%add3A_17, %dma_start3A_83] : memref<10112x128xf32, #tpu.memory_space<vmem_shared>> -> memref<80x128xf32, #tpu.memory_space<vmem_shared>>
      tpu.enqueue_dma source(%arg5 : memref<80x128xf32, #tpu.memory_space<vmem>>) target(%dma_start3A_84 : memref<80x128xf32, #tpu.memory_space<vmem_shared>>) target_semaphore(%run_scoped3A : memref<!tpu.dma_semaphore, #tpu.memory_space<semaphore_mem>>)
      %dma_wait3A_85 = arith.constant 0 : i32
      %dma_wait3A_86 = tpu.memref_slice %arg6[%add3A_17, %dma_wait3A_85] : memref<10112x128xf32, #tpu.memory_space<vmem_shared>> -> memref<80x128xf32, #tpu.memory_space<vmem_shared>>
      %dma_wait3A_87 = arith.constant 0 : i32
      %dma_wait3A_88 = tpu.memref_slice %arg6[%add3A_17, %dma_wait3A_87] : memref<10112x128xf32, #tpu.memory_space<vmem_shared>> -> memref<80x128xf32, #tpu.memory_space<vmem_shared>>
      tpu.wait_dma2 semaphore(%run_scoped3A : memref<!tpu.dma_semaphore, #tpu.memory_space<semaphore_mem>>) src(%arg5 : memref<80x128xf32, #tpu.memory_space<vmem>>) dst(%dma_wait3A_88 : memref<80x128xf32, #tpu.memory_space<vmem_shared>>)
      tpu.yield
    }) : () -> ()
    %add3A_18 = arith.constant 400 : i32
    %add3A_19 = arith.addi %mul3A_7, %add3A_18 : i32
    "tpu.region"() ({
      %run_scoped3A = tpu.sem_alloc : memref<!tpu.dma_semaphore, #tpu.memory_space<semaphore_mem>>
      %dma_start3A_81 = arith.constant 0 : i32
      %dma_start3A_82 = tpu.memref_slice %arg6[%add3A_19, %dma_start3A_81] : memref<10112x128xf32, #tpu.memory_space<vmem_shared>> -> memref<80x128xf32, #tpu.memory_space<vmem_shared>>
      %dma_start3A_83 = arith.constant 0 : i32
      %dma_start3A_84 = tpu.memref_slice %arg6[%add3A_19, %dma_start3A_83] : memref<10112x128xf32, #tpu.memory_space<vmem_shared>> -> memref<80x128xf32, #tpu.memory_space<vmem_shared>>
      tpu.enqueue_dma source(%arg5 : memref<80x128xf32, #tpu.memory_space<vmem>>) target(%dma_start3A_84 : memref<80x128xf32, #tpu.memory_space<vmem_shared>>) target_semaphore(%run_scoped3A : memref<!tpu.dma_semaphore, #tpu.memory_space<semaphore_mem>>)
      %dma_wait3A_85 = arith.constant 0 : i32
      %dma_wait3A_86 = tpu.memref_slice %arg6[%add3A_19, %dma_wait3A_85] : memref<10112x128xf32, #tpu.memory_space<vmem_shared>> -> memref<80x128xf32, #tpu.memory_space<vmem_shared>>
      %dma_wait3A_87 = arith.constant 0 : i32
      %dma_wait3A_88 = tpu.memref_slice %arg6[%add3A_19, %dma_wait3A_87] : memref<10112x128xf32, #tpu.memory_space<vmem_shared>> -> memref<80x128xf32, #tpu.memory_space<vmem_shared>>
      tpu.wait_dma2 semaphore(%run_scoped3A : memref<!tpu.dma_semaphore, #tpu.memory_space<semaphore_mem>>) src(%arg5 : memref<80x128xf32, #tpu.memory_space<vmem>>) dst(%dma_wait3A_88 : memref<80x128xf32, #tpu.memory_space<vmem_shared>>)
      tpu.yield
    }) : () -> ()
    %add3A_20 = arith.constant 480 : i32
    %add3A_21 = arith.addi %mul3A_7, %add3A_20 : i32
    "tpu.region"() ({
      %run_scoped3A = tpu.sem_alloc : memref<!tpu.dma_semaphore, #tpu.memory_space<semaphore_mem>>
      %dma_start3A_81 = arith.constant 0 : i32
      %dma_start3A_82 = tpu.memref_slice %arg6[%add3A_21, %dma_start3A_81] : memref<10112x128xf32, #tpu.memory_space<vmem_shared>> -> memref<80x128xf32, #tpu.memory_space<vmem_shared>>
      %dma_start3A_83 = arith.constant 0 : i32
      %dma_start3A_84 = tpu.memref_slice %arg6[%add3A_21, %dma_start3A_83] : memref<10112x128xf32, #tpu.memory_space<vmem_shared>> -> memref<80x128xf32, #tpu.memory_space<vmem_shared>>
      tpu.enqueue_dma source(%arg5 : memref<80x128xf32, #tpu.memory_space<vmem>>) target(%dma_start3A_84 : memref<80x128xf32, #tpu.memory_space<vmem_shared>>) target_semaphore(%run_scoped3A : memref<!tpu.dma_semaphore, #tpu.memory_space<semaphore_mem>>)
      %dma_wait3A_85 = arith.constant 0 : i32
      %dma_wait3A_86 = tpu.memref_slice %arg6[%add3A_21, %dma_wait3A_85] : memref<10112x128xf32, #tpu.memory_space<vmem_shared>> -> memref<80x128xf32, #tpu.memory_space<vmem_shared>>
      %dma_wait3A_87 = arith.constant 0 : i32
      %dma_wait3A_88 = tpu.memref_slice %arg6[%add3A_21, %dma_wait3A_87] : memref<10112x128xf32, #tpu.memory_space<vmem_shared>> -> memref<80x128xf32, #tpu.memory_space<vmem_shared>>
      tpu.wait_dma2 semaphore(%run_scoped3A : memref<!tpu.dma_semaphore, #tpu.memory_space<semaphore_mem>>) src(%arg5 : memref<80x128xf32, #tpu.memory_space<vmem>>) dst(%dma_wait3A_88 : memref<80x128xf32, #tpu.memory_space<vmem_shared>>)
      tpu.yield
    }) : () -> ()
    %add3A_22 = arith.constant 560 : i32
    %add3A_23 = arith.addi %mul3A_7, %add3A_22 : i32
    "tpu.region"() ({
      %run_scoped3A = tpu.sem_alloc : memref<!tpu.dma_semaphore, #tpu.memory_space<semaphore_mem>>
      %dma_start3A_81 = arith.constant 0 : i32
      %dma_start3A_82 = arith.constant 0 : i32
      %dma_start3A_83 = tpu.memref_slice %arg5[%dma_start3A_81, %dma_start3A_82] : memref<80x128xf32, #tpu.memory_space<vmem>> -> memref<72x128xf32, #tpu.memory_space<vmem>>
      %dma_start3A_84 = arith.constant 0 : i32
      %dma_start3A_85 = tpu.memref_slice %arg6[%add3A_23, %dma_start3A_84] : memref<10112x128xf32, #tpu.memory_space<vmem_shared>> -> memref<72x128xf32, #tpu.memory_space<vmem_shared>>
      %dma_start3A_86 = arith.constant 0 : i32
      %dma_start3A_87 = tpu.memref_slice %arg6[%add3A_23, %dma_start3A_86] : memref<10112x128xf32, #tpu.memory_space<vmem_shared>> -> memref<72x128xf32, #tpu.memory_space<vmem_shared>>
      %dma_start3A_88 = arith.constant 0 : i32
      %dma_start3A_89 = arith.constant 0 : i32
      %dma_start3A_90 = tpu.memref_slice %arg5[%dma_start3A_88, %dma_start3A_89] : memref<80x128xf32, #tpu.memory_space<vmem>> -> memref<72x128xf32, #tpu.memory_space<vmem>>
      tpu.enqueue_dma source(%dma_start3A_90 : memref<72x128xf32, #tpu.memory_space<vmem>>) target(%dma_start3A_87 : memref<72x128xf32, #tpu.memory_space<vmem_shared>>) target_semaphore(%run_scoped3A : memref<!tpu.dma_semaphore, #tpu.memory_space<semaphore_mem>>)
      %dma_wait3A_91 = arith.constant 0 : i32
      %dma_wait3A_92 = arith.constant 0 : i32
      %dma_wait3A_93 = tpu.memref_slice %arg5[%dma_wait3A_91, %dma_wait3A_92] : memref<80x128xf32, #tpu.memory_space<vmem>> -> memref<72x128xf32, #tpu.memory_space<vmem>>
      %dma_wait3A_94 = arith.constant 0 : i32
      %dma_wait3A_95 = tpu.memref_slice %arg6[%add3A_23, %dma_wait3A_94] : memref<10112x128xf32, #tpu.memory_space<vmem_shared>> -> memref<72x128xf32, #tpu.memory_space<vmem_shared>>
      %dma_wait3A_96 = arith.constant 0 : i32
      %dma_wait3A_97 = tpu.memref_slice %arg6[%add3A_23, %dma_wait3A_96] : memref<10112x128xf32, #tpu.memory_space<vmem_shared>> -> memref<72x128xf32, #tpu.memory_space<vmem_shared>>
      %dma_wait3A_98 = arith.constant 0 : i32
      %dma_wait3A_99 = arith.constant 0 : i32
      %dma_wait3A_100 = tpu.memref_slice %arg5[%dma_wait3A_98, %dma_wait3A_99] : memref<80x128xf32, #tpu.memory_space<vmem>> -> memref<72x128xf32, #tpu.memory_space<vmem>>
      tpu.wait_dma2 semaphore(%run_scoped3A : memref<!tpu.dma_semaphore, #tpu.memory_space<semaphore_mem>>) src(%dma_wait3A_100 : memref<72x128xf32, #tpu.memory_space<vmem>>) dst(%dma_wait3A_97 : memref<72x128xf32, #tpu.memory_space<vmem_shared>>)
      tpu.yield
    }) : () -> ()
    %scan3A_24 = arith.constant 0 : i32
    %scan3A_25 = arith.constant 0 : i32
    %scan3A_26 = arith.constant 80 : i32
    %scan3A_27 = arith.addi %scan3A_25, %scan3A_26 : i32
    %scan3A_28 = arith.constant 1 : i32
    scf.for %scan3A_81 = %scan3A_25 to %scan3A_27 step %scan3A_28  : i32 {
      %broadcast_in_dim3A = arith.constant 1.000000e+00 : f32
      %broadcast_in_dim3A_82 = vector.broadcast %broadcast_in_dim3A : f32 to vector<16xf32>
      %swap3A = arith.index_cast %scan3A_81 : i32 to index
      %swap3A_83 = arith.constant 0 : index
      %swap3A_84 = tpu.vector_load %arg5[%swap3A, %swap3A_83] {strides = array<i32>} : memref<80x128xf32, #tpu.memory_space<vmem>>, vector<1x16xf32>,
      %swap3A_85 = vector.shape_cast %swap3A_84 : vector<1x16xf32> to vector<16xf32>
      %swap3A_86 = vector.shape_cast %broadcast_in_dim3A_82 : vector<16xf32> to vector<1x16xf32>
      tpu.vector_store %arg5[%swap3A, %swap3A_83], %swap3A_86 {strides = array<i32>} : memref<80x128xf32, #tpu.memory_space<vmem>>, vector<1x16xf32>,
    }
    %scan3A_29 = arith.constant 80 : i32
    %barrier3A = arith.constant 0 : index
    tpu.barrier barrier_id(%barrier3A)
    %dma_start3A = arith.constant 0 : i32
    %dma_start3A_30 = arith.constant 0 : i32
    %dma_start3A_31 = tpu.memref_slice %arg4[%dma_start3A, %dma_start3A_30] : memref<126x80xi32, #tpu.memory_space<vmem>> -> memref<1x80xi32, #tpu.memory_space<vmem>>
    %dma_start3A_32 = tpu.memref_squeeze %dma_start3A_31 : memref<1x80xi32, #tpu.memory_space<vmem>> -> memref<80xi32, #tpu.memory_space<vmem>>
    %dma_start3A_33 = arith.constant 0 : i32
    %dma_start3A_34 = arith.constant 0 : i32
    %dma_start3A_35 = tpu.memref_slice %arg6[%dma_start3A_33, %dma_start3A_34] : memref<10112x128xf32, #tpu.memory_space<vmem_shared>> -> memref<10112x128xf32, #tpu.memory_space<vmem_shared>>
    tpu.enqueue_indirect_dma source(%arg5 : memref<80x128xf32, #tpu.memory_space<vmem>>) target(%dma_start3A_35 : memref<10112x128xf32, #tpu.memory_space<vmem_shared>>) offsets(%dma_start3A_32 : memref<80xi32, #tpu.memory_space<vmem>>) semaphore(%arg7 : memref<!tpu.dma_semaphore, #tpu.memory_space<semaphore_mem>>) {add = true}
    %dma_start3A_36 = arith.constant 1 : i32
    %dma_start3A_37 = arith.constant 0 : i32
    %dma_start3A_38 = tpu.memref_slice %arg4[%dma_start3A_36, %dma_start3A_37] : memref<126x80xi32, #tpu.memory_space<vmem>> -> memref<1x80xi32, #tpu.memory_space<vmem>>
    %dma_start3A_39 = tpu.memref_squeeze %dma_start3A_38 : memref<1x80xi32, #tpu.memory_space<vmem>> -> memref<80xi32, #tpu.memory_space<vmem>>
    %dma_start3A_40 = arith.constant 0 : i32
    %dma_start3A_41 = arith.constant 0 : i32
    %dma_start3A_42 = tpu.memref_slice %arg6[%dma_start3A_40, %dma_start3A_41] : memref<10112x128xf32, #tpu.memory_space<vmem_shared>> -> memref<10112x128xf32, #tpu.memory_space<vmem_shared>>
    tpu.enqueue_indirect_dma source(%arg5 : memref<80x128xf32, #tpu.memory_space<vmem>>) target(%dma_start3A_42 : memref<10112x128xf32, #tpu.memory_space<vmem_shared>>) offsets(%dma_start3A_39 : memref<80xi32, #tpu.memory_space<vmem>>) semaphore(%arg8 : memref<!tpu.dma_semaphore, #tpu.memory_space<semaphore_mem>>) {add = true}
    %dma_start3A_43 = arith.constant 2 : i32
    %dma_start3A_44 = arith.constant 0 : i32
    %dma_start3A_45 = tpu.memref_slice %arg4[%dma_start3A_43, %dma_start3A_44] : memref<126x80xi32, #tpu.memory_space<vmem>> -> memref<1x80xi32, #tpu.memory_space<vmem>>
    %dma_start3A_46 = tpu.memref_squeeze %dma_start3A_45 : memref<1x80xi32, #tpu.memory_space<vmem>> -> memref<80xi32, #tpu.memory_space<vmem>>
    %dma_start3A_47 = arith.constant 0 : i32
    %dma_start3A_48 = arith.constant 0 : i32
    %dma_start3A_49 = tpu.memref_slice %arg6[%dma_start3A_47, %dma_start3A_48] : memref<10112x128xf32, #tpu.memory_space<vmem_shared>> -> memref<10112x128xf32, #tpu.memory_space<vmem_shared>>
    tpu.enqueue_indirect_dma source(%arg5 : memref<80x128xf32, #tpu.memory_space<vmem>>) target(%dma_start3A_49 : memref<10112x128xf32, #tpu.memory_space<vmem_shared>>) offsets(%dma_start3A_46 : memref<80xi32, #tpu.memory_space<vmem>>) semaphore(%arg9 : memref<!tpu.dma_semaphore, #tpu.memory_space<semaphore_mem>>) {add = true}
    %scan3A_50 = arith.constant 0 : i32
    %scan3A_51 = arith.constant 1 : i32
    %scan3A_52 = arith.constant 41 : i32
    %scan3A_53 = arith.addi %scan3A_51, %scan3A_52 : i32
    %scan3A_54 = arith.constant 1 : i32
    scf.for %scan3A_81 = %scan3A_51 to %scan3A_53 step %scan3A_54  : i32 {
      %mul3A_82 = arith.constant 3 : i32
      %mul3A_83 = arith.muli %scan3A_81, %mul3A_82 : i32
      %sub3A = arith.constant 3 : i32
      %sub3A_84 = arith.subi %mul3A_83, %sub3A : i32
      %add3A_85 = arith.constant 0 : i32
      %add3A_86 = arith.addi %sub3A_84, %add3A_85 : i32
      %dma_wait3A_87 = arith.constant 0 : i32
      %dma_wait3A_88 = tpu.memref_slice %arg4[%add3A_86, %dma_wait3A_87] : memref<126x80xi32, #tpu.memory_space<vmem>> -> memref<1x80xi32, #tpu.memory_space<vmem>>
      %dma_wait3A_89 = tpu.memref_squeeze %dma_wait3A_88 : memref<1x80xi32, #tpu.memory_space<vmem>> -> memref<80xi32, #tpu.memory_space<vmem>>
      %dma_wait3A_90 = arith.constant 0 : i32
      %dma_wait3A_91 = arith.constant 0 : i32
      %dma_wait3A_92 = tpu.memref_slice %arg6[%dma_wait3A_90, %dma_wait3A_91] : memref<10112x128xf32, #tpu.memory_space<vmem_shared>> -> memref<10112x128xf32, #tpu.memory_space<vmem_shared>>
      tpu.wait_indirect_dma semaphore(%arg7 : memref<!tpu.dma_semaphore, #tpu.memory_space<semaphore_mem>>) src(%arg5 : memref<80x128xf32, #tpu.memory_space<vmem>>) dst(%dma_wait3A_92 : memref<10112x128xf32, #tpu.memory_space<vmem_shared>>)
      %add3A_93 = arith.constant 0 : i32
      %add3A_94 = arith.addi %mul3A_83, %add3A_93 : i32
      %dma_start3A_95 = arith.constant 0 : i32
      %dma_start3A_96 = tpu.memref_slice %arg4[%add3A_94, %dma_start3A_95] : memref<126x80xi32, #tpu.memory_space<vmem>> -> memref<1x80xi32, #tpu.memory_space<vmem>>
      %dma_start3A_97 = tpu.memref_squeeze %dma_start3A_96 : memref<1x80xi32, #tpu.memory_space<vmem>> -> memref<80xi32, #tpu.memory_space<vmem>>
      %dma_start3A_98 = arith.constant 0 : i32
      %dma_start3A_99 = arith.constant 0 : i32
      %dma_start3A_100 = tpu.memref_slice %arg6[%dma_start3A_98, %dma_start3A_99] : memref<10112x128xf32, #tpu.memory_space<vmem_shared>> -> memref<10112x128xf32, #tpu.memory_space<vmem_shared>>
      tpu.enqueue_indirect_dma source(%arg5 : memref<80x128xf32, #tpu.memory_space<vmem>>) target(%dma_start3A_100 : memref<10112x128xf32, #tpu.memory_space<vmem_shared>>) offsets(%dma_start3A_97 : memref<80xi32, #tpu.memory_space<vmem>>) semaphore(%arg7 : memref<!tpu.dma_semaphore, #tpu.memory_space<semaphore_mem>>) {add = true}
      %sub3A_101 = arith.constant 3 : i32
      %sub3A_102 = arith.subi %mul3A_83, %sub3A_101 : i32
      %add3A_103 = arith.constant 1 : i32
      %add3A_104 = arith.addi %sub3A_102, %add3A_103 : i32
      %dma_wait3A_105 = arith.constant 0 : i32
      %dma_wait3A_106 = tpu.memref_slice %arg4[%add3A_104, %dma_wait3A_105] : memref<126x80xi32, #tpu.memory_space<vmem>> -> memref<1x80xi32, #tpu.memory_space<vmem>>
      %dma_wait3A_107 = tpu.memref_squeeze %dma_wait3A_106 : memref<1x80xi32, #tpu.memory_space<vmem>> -> memref<80xi32, #tpu.memory_space<vmem>>
      %dma_wait3A_108 = arith.constant 0 : i32
      %dma_wait3A_109 = arith.constant 0 : i32
      %dma_wait3A_110 = tpu.memref_slice %arg6[%dma_wait3A_108, %dma_wait3A_109] : memref<10112x128xf32, #tpu.memory_space<vmem_shared>> -> memref<10112x128xf32, #tpu.memory_space<vmem_shared>>
      tpu.wait_indirect_dma semaphore(%arg8 : memref<!tpu.dma_semaphore, #tpu.memory_space<semaphore_mem>>) src(%arg5 : memref<80x128xf32, #tpu.memory_space<vmem>>) dst(%dma_wait3A_110 : memref<10112x128xf32, #tpu.memory_space<vmem_shared>>)
      %add3A_111 = arith.constant 1 : i32
      %add3A_112 = arith.addi %mul3A_83, %add3A_111 : i32
      %dma_start3A_113 = arith.constant 0 : i32
      %dma_start3A_114 = tpu.memref_slice %arg4[%add3A_112, %dma_start3A_113] : memref<126x80xi32, #tpu.memory_space<vmem>> -> memref<1x80xi32, #tpu.memory_space<vmem>>
      %dma_start3A_115 = tpu.memref_squeeze %dma_start3A_114 : memref<1x80xi32, #tpu.memory_space<vmem>> -> memref<80xi32, #tpu.memory_space<vmem>>
      %dma_start3A_116 = arith.constant 0 : i32
      %dma_start3A_117 = arith.constant 0 : i32
      %dma_start3A_118 = tpu.memref_slice %arg6[%dma_start3A_116, %dma_start3A_117] : memref<10112x128xf32, #tpu.memory_space<vmem_shared>> -> memref<10112x128xf32, #tpu.memory_space<vmem_shared>>
      tpu.enqueue_indirect_dma source(%arg5 : memref<80x128xf32, #tpu.memory_space<vmem>>) target(%dma_start3A_118 : memref<10112x128xf32, #tpu.memory_space<vmem_shared>>) offsets(%dma_start3A_115 : memref<80xi32, #tpu.memory_space<vmem>>) semaphore(%arg8 : memref<!tpu.dma_semaphore, #tpu.memory_space<semaphore_mem>>) {add = true}
      %sub3A_119 = arith.constant 3 : i32
      %sub3A_120 = arith.subi %mul3A_83, %sub3A_119 : i32
      %add3A_121 = arith.constant 2 : i32
      %add3A_122 = arith.addi %sub3A_120, %add3A_121 : i32
      %dma_wait3A_123 = arith.constant 0 : i32
      %dma_wait3A_124 = tpu.memref_slice %arg4[%add3A_122, %dma_wait3A_123] : memref<126x80xi32, #tpu.memory_space<vmem>> -> memref<1x80xi32, #tpu.memory_space<vmem>>
      %dma_wait3A_125 = tpu.memref_squeeze %dma_wait3A_124 : memref<1x80xi32, #tpu.memory_space<vmem>> -> memref<80xi32, #tpu.memory_space<vmem>>
      %dma_wait3A_126 = arith.constant 0 : i32
      %dma_wait3A_127 = arith.constant 0 : i32
      %dma_wait3A_128 = tpu.memref_slice %arg6[%dma_wait3A_126, %dma_wait3A_127] : memref<10112x128xf32, #tpu.memory_space<vmem_shared>> -> memref<10112x128xf32, #tpu.memory_space<vmem_shared>>
      tpu.wait_indirect_dma semaphore(%arg9 : memref<!tpu.dma_semaphore, #tpu.memory_space<semaphore_mem>>) src(%arg5 : memref<80x128xf32, #tpu.memory_space<vmem>>) dst(%dma_wait3A_128 : memref<10112x128xf32, #tpu.memory_space<vmem_shared>>)
      %add3A_129 = arith.constant 2 : i32
      %add3A_130 = arith.addi %mul3A_83, %add3A_129 : i32
      %dma_start3A_131 = arith.constant 0 : i32
      %dma_start3A_132 = tpu.memref_slice %arg4[%add3A_130, %dma_start3A_131] : memref<126x80xi32, #tpu.memory_space<vmem>> -> memref<1x80xi32, #tpu.memory_space<vmem>>
      %dma_start3A_133 = tpu.memref_squeeze %dma_start3A_132 : memref<1x80xi32, #tpu.memory_space<vmem>> -> memref<80xi32, #tpu.memory_space<vmem>>
      %dma_start3A_134 = arith.constant 0 : i32
      %dma_start3A_135 = arith.constant 0 : i32
      %dma_start3A_136 = tpu.memref_slice %arg6[%dma_start3A_134, %dma_start3A_135] : memref<10112x128xf32, #tpu.memory_space<vmem_shared>> -> memref<10112x128xf32, #tpu.memory_space<vmem_shared>>
      tpu.enqueue_indirect_dma source(%arg5 : memref<80x128xf32, #tpu.memory_space<vmem>>) target(%dma_start3A_136 : memref<10112x128xf32, #tpu.memory_space<vmem_shared>>) offsets(%dma_start3A_133 : memref<80xi32, #tpu.memory_space<vmem>>) semaphore(%arg9 : memref<!tpu.dma_semaphore, #tpu.memory_space<semaphore_mem>>) {add = true}
    }
    %scan3A_55 = arith.constant 41 : i32
    %dma_wait3A = arith.constant 123 : i32
    %dma_wait3A_56 = arith.constant 0 : i32
    %dma_wait3A_57 = tpu.memref_slice %arg4[%dma_wait3A, %dma_wait3A_56] : memref<126x80xi32, #tpu.memory_space<vmem>> -> memref<1x80xi32, #tpu.memory_space<vmem>>
    %dma_wait3A_58 = tpu.memref_squeeze %dma_wait3A_57 : memref<1x80xi32, #tpu.memory_space<vmem>> -> memref<80xi32, #tpu.memory_space<vmem>>
    %dma_wait3A_59 = arith.constant 0 : i32
    %dma_wait3A_60 = arith.constant 0 : i32
    %dma_wait3A_61 = tpu.memref_slice %arg6[%dma_wait3A_59, %dma_wait3A_60] : memref<10112x128xf32, #tpu.memory_space<vmem_shared>> -> memref<10112x128xf32, #tpu.memory_space<vmem_shared>>
    tpu.wait_indirect_dma semaphore(%arg7 : memref<!tpu.dma_semaphore, #tpu.memory_space<semaphore_mem>>) src(%arg5 : memref<80x128xf32, #tpu.memory_space<vmem>>) dst(%dma_wait3A_61 : memref<10112x128xf32, #tpu.memory_space<vmem_shared>>)
    %dma_wait3A_62 = arith.constant 124 : i32
    %dma_wait3A_63 = arith.constant 0 : i32
    %dma_wait3A_64 = tpu.memref_slice %arg4[%dma_wait3A_62, %dma_wait3A_63] : memref<126x80xi32, #tpu.memory_space<vmem>> -> memref<1x80xi32, #tpu.memory_space<vmem>>
    %dma_wait3A_65 = tpu.memref_squeeze %dma_wait3A_64 : memref<1x80xi32, #tpu.memory_space<vmem>> -> memref<80xi32, #tpu.memory_space<vmem>>
    %dma_wait3A_66 = arith.constant 0 : i32
    %dma_wait3A_67 = arith.constant 0 : i32
    %dma_wait3A_68 = tpu.memref_slice %arg6[%dma_wait3A_66, %dma_wait3A_67] : memref<10112x128xf32, #tpu.memory_space<vmem_shared>> -> memref<10112x128xf32, #tpu.memory_space<vmem_shared>>
    tpu.wait_indirect_dma semaphore(%arg8 : memref<!tpu.dma_semaphore, #tpu.memory_space<semaphore_mem>>) src(%arg5 : memref<80x128xf32, #tpu.memory_space<vmem>>) dst(%dma_wait3A_68 : memref<10112x128xf32, #tpu.memory_space<vmem_shared>>)
    %dma_wait3A_69 = arith.constant 125 : i32
    %dma_wait3A_70 = arith.constant 0 : i32
    %dma_wait3A_71 = tpu.memref_slice %arg4[%dma_wait3A_69, %dma_wait3A_70] : memref<126x80xi32, #tpu.memory_space<vmem>> -> memref<1x80xi32, #tpu.memory_space<vmem>>
    %dma_wait3A_72 = tpu.memref_squeeze %dma_wait3A_71 : memref<1x80xi32, #tpu.memory_space<vmem>> -> memref<80xi32, #tpu.memory_space<vmem>>
    %dma_wait3A_73 = arith.constant 0 : i32
    %dma_wait3A_74 = arith.constant 0 : i32
    %dma_wait3A_75 = tpu.memref_slice %arg6[%dma_wait3A_73, %dma_wait3A_74] : memref<10112x128xf32, #tpu.memory_space<vmem_shared>> -> memref<10112x128xf32, #tpu.memory_space<vmem_shared>>
    tpu.wait_indirect_dma semaphore(%arg9 : memref<!tpu.dma_semaphore, #tpu.memory_space<semaphore_mem>>) src(%arg5 : memref<80x128xf32, #tpu.memory_space<vmem>>) dst(%dma_wait3A_75 : memref<10112x128xf32, #tpu.memory_space<vmem_shared>>)
    %barrier3A_76 = arith.constant 0 : index
    tpu.barrier barrier_id(%barrier3A_76)
    %mul3A_77 = arith.constant 632 : i32
    %mul3A_78 = arith.muli %arg1, %mul3A_77 : i32
    %mul3A_79 = arith.constant 632 : i32
    %mul3A_80 = arith.muli %arg1, %mul3A_79 : i32
    "tpu.region"() ({
      %run_scoped3A = tpu.sem_alloc : memref<!tpu.dma_semaphore, #tpu.memory_space<semaphore_mem>>
      %dma_start3A_81 = arith.constant 0 : i32
      %dma_start3A_82 = tpu.memref_slice %arg3[%arg0, %mul3A_80, %dma_start3A_81] : memref<2x10240x128xf32, #tpu.memory_space<hbm>> -> memref<1x632x128xf32, #tpu.memory_space<hbm>>
      %dma_start3A_83 = tpu.memref_squeeze %dma_start3A_82 : memref<1x632x128xf32, #tpu.memory_space<hbm>> -> memref<632x128xf32, #tpu.memory_space<hbm>>
      %dma_start3A_84 = arith.constant 0 : i32
      %dma_start3A_85 = tpu.memref_slice %arg6[%mul3A_78, %dma_start3A_84] : memref<10112x128xf32, #tpu.memory_space<vmem_shared>> -> memref<632x128xf32, #tpu.memory_space<vmem_shared>>
      tpu.enqueue_dma source(%dma_start3A_85 : memref<632x128xf32, #tpu.memory_space<vmem_shared>>) target(%dma_start3A_83 : memref<632x128xf32, #tpu.memory_space<hbm>>) target_semaphore(%run_scoped3A : memref<!tpu.dma_semaphore, #tpu.memory_space<semaphore_mem>>)
      %dma_wait3A_86 = arith.constant 0 : i32
      %dma_wait3A_87 = tpu.memref_slice %arg3[%arg0, %mul3A_80, %dma_wait3A_86] : memref<2x10240x128xf32, #tpu.memory_space<hbm>> -> memref<1x632x128xf32, #tpu.memory_space<hbm>>
      %dma_wait3A_88 = tpu.memref_squeeze %dma_wait3A_87 : memref<1x632x128xf32, #tpu.memory_space<hbm>> -> memref<632x128xf32, #tpu.memory_space<hbm>>
      %dma_wait3A_89 = arith.constant 0 : i32
      %dma_wait3A_90 = tpu.memref_slice %arg6[%mul3A_78, %dma_wait3A_89] : memref<10112x128xf32, #tpu.memory_space<vmem_shared>> -> memref<632x128xf32, #tpu.memory_space<vmem_shared>>
      tpu.wait_dma2 semaphore(%run_scoped3A : memref<!tpu.dma_semaphore, #tpu.memory_space<semaphore_mem>>) src(%dma_wait3A_90 : memref<632x128xf32, #tpu.memory_space<vmem_shared>>) dst(%dma_wait3A_88 : memref<632x128xf32, #tpu.memory_space<hbm>>)
      tpu.yield
    }) : () -> ()
    return
  }
}

#map = affine_map<(d0, d1) -> (0, 0, 0)>
#map1 = affine_map<(d0, d1) -> (0, 0)>
module attributes {stable_mosaic.version = 14 : i64} {
  func.func @_hop_call(%arg0: i32, %arg1: i32, %arg2: memref<32x126x80xi32, #tpu.memory_space<hbm>>, %arg3: memref<10240x128xf32, #tpu.memory_space<hbm>>, %arg4: memref<2x10240x128xf32, #tpu.memory_space<hbm>>, %arg5: memref<126x80xi32, #tpu.memory_space<vmem>>, %arg6: memref<3x80xi32, #tpu.memory_space<vmem>>, %arg7: memref<3x80xi32, #tpu.memory_space<vmem>>, %arg8: memref<80x128xf32, #tpu.memory_space<vmem>>, %arg9: memref<80x128xf32, #tpu.memory_space<vmem>>, %arg10: memref<80x128xf32, #tpu.memory_space<vmem>>, %arg11: memref<10112x128xf32, #tpu.memory_space<vmem_shared>>, %arg12: memref<!tpu.dma_semaphore, #tpu.memory_space<semaphore_mem>>, %arg13: memref<!tpu.dma_semaphore, #tpu.memory_space<semaphore_mem>>, %arg14: memref<!tpu.dma_semaphore, #tpu.memory_space<semaphore_mem>>, %arg15: memref<!tpu.dma_semaphore, #tpu.memory_space<semaphore_mem>>, %arg16: memref<!tpu.dma_semaphore, #tpu.memory_space<semaphore_mem>>, %arg17: memref<!tpu.dma_semaphore, #tpu.memory_space<semaphore_mem>>) attributes {dimension_semantics = [#tpu.dimension_semantics<core_parallel>, #tpu.dimension_semantics<subcore_parallel>], iteration_bounds = array<i64: 2, 16>, scalar_prefetch = 0 : i64, scratch_operands = 13 : i64, tpu.core_type = #tpu.core_type<sc_vector_subcore>, window_params = [{transform_indices = #map}, {transform_indices = #map1}, {transform_indices = #map}]} {
    %mul3A = arith.constant 16 : i32
    %mul3A_0 = arith.muli %arg0, %mul3A : i32
    %add3A = arith.addi %mul3A_0, %arg1 : i32
    "tpu.region"() ({
      %run_scoped3A = tpu.sem_alloc : memref<!tpu.dma_semaphore, #tpu.memory_space<semaphore_mem>>
      %dma_start3A_282 = arith.constant 0 : i32
      %dma_start3A_283 = arith.constant 0 : i32
      %dma_start3A_284 = tpu.memref_slice %arg2[%add3A, %dma_start3A_282, %dma_start3A_283] : memref<32x126x80xi32, #tpu.memory_space<hbm>> -> memref<1x126x80xi32, #tpu.memory_space<hbm>>
      %dma_start3A_285 = tpu.memref_squeeze %dma_start3A_284 : memref<1x126x80xi32, #tpu.memory_space<hbm>> -> memref<126x80xi32, #tpu.memory_space<hbm>>
      %dma_start3A_286 = arith.constant 0 : i32
      %dma_start3A_287 = arith.constant 0 : i32
      %dma_start3A_288 = tpu.memref_slice %arg2[%add3A, %dma_start3A_286, %dma_start3A_287] : memref<32x126x80xi32, #tpu.memory_space<hbm>> -> memref<1x126x80xi32, #tpu.memory_space<hbm>>
      %dma_start3A_289 = tpu.memref_squeeze %dma_start3A_288 : memref<1x126x80xi32, #tpu.memory_space<hbm>> -> memref<126x80xi32, #tpu.memory_space<hbm>>
      tpu.enqueue_dma source(%dma_start3A_289 : memref<126x80xi32, #tpu.memory_space<hbm>>) target(%arg5 : memref<126x80xi32, #tpu.memory_space<vmem>>) target_semaphore(%run_scoped3A : memref<!tpu.dma_semaphore, #tpu.memory_space<semaphore_mem>>)
      %dma_wait3A_290 = arith.constant 0 : i32
      %dma_wait3A_291 = arith.constant 0 : i32
      %dma_wait3A_292 = tpu.memref_slice %arg2[%add3A, %dma_wait3A_290, %dma_wait3A_291] : memref<32x126x80xi32, #tpu.memory_space<hbm>> -> memref<1x126x80xi32, #tpu.memory_space<hbm>>
      %dma_wait3A_293 = tpu.memref_squeeze %dma_wait3A_292 : memref<1x126x80xi32, #tpu.memory_space<hbm>> -> memref<126x80xi32, #tpu.memory_space<hbm>>
      %dma_wait3A_294 = arith.constant 0 : i32
      %dma_wait3A_295 = arith.constant 0 : i32
      %dma_wait3A_296 = tpu.memref_slice %arg2[%add3A, %dma_wait3A_294, %dma_wait3A_295] : memref<32x126x80xi32, #tpu.memory_space<hbm>> -> memref<1x126x80xi32, #tpu.memory_space<hbm>>
      %dma_wait3A_297 = tpu.memref_squeeze %dma_wait3A_296 : memref<1x126x80xi32, #tpu.memory_space<hbm>> -> memref<126x80xi32, #tpu.memory_space<hbm>>
      tpu.wait_dma2 semaphore(%run_scoped3A : memref<!tpu.dma_semaphore, #tpu.memory_space<semaphore_mem>>) src(%dma_wait3A_297 : memref<126x80xi32, #tpu.memory_space<hbm>>) dst(%arg5 : memref<126x80xi32, #tpu.memory_space<vmem>>)
      tpu.yield
    }) : () -> ()
    %scan3A = arith.constant 0 : i32
    %scan3A_1 = arith.constant 0 : i32
    %scan3A_2 = arith.constant 80 : i32
    %scan3A_3 = arith.addi %scan3A_1, %scan3A_2 : i32
    %scan3A_4 = arith.constant 1 : i32
    scf.for %scan3A_282 = %scan3A_1 to %scan3A_3 step %scan3A_4  : i32 {
      %scan3A_283 = arith.constant 0 : i32
      %scan3A_284 = arith.constant 8 : i32
      %scan3A_285 = arith.addi %scan3A_283, %scan3A_284 : i32
      %scan3A_286 = arith.constant 1 : i32
      scf.for %scan3A_288 = %scan3A_283 to %scan3A_285 step %scan3A_286  : i32 {
        %broadcast_in_dim3A = arith.constant 0.000000e+00 : f32
        %broadcast_in_dim3A_289 = vector.broadcast %broadcast_in_dim3A : f32 to vector<16xf32>
        %mul3A_290 = arith.constant 16 : i32
        %mul3A_291 = arith.muli %scan3A_288, %mul3A_290 : i32
        %swap3A_292 = arith.index_cast %scan3A_282 : i32 to index
        %swap3A_293 = arith.index_cast %mul3A_291 : i32 to index
        %swap3A_294 = tpu.vector_load %arg8[%swap3A_292, %swap3A_293] {strides = array<i32>} : memref<80x128xf32, #tpu.memory_space<vmem>>, vector<1x16xf32>,
        %swap3A_295 = vector.shape_cast %swap3A_294 : vector<1x16xf32> to vector<16xf32>
        %swap3A_296 = vector.shape_cast %broadcast_in_dim3A_289 : vector<16xf32> to vector<1x16xf32>
        tpu.vector_store %arg8[%swap3A_292, %swap3A_293], %swap3A_296 {strides = array<i32>} : memref<80x128xf32, #tpu.memory_space<vmem>>, vector<1x16xf32>,
      }
      %scan3A_287 = arith.constant 8 : i32
    }
    %scan3A_5 = arith.constant 80 : i32
    %mul3A_6 = arith.constant 632 : i32
    %mul3A_7 = arith.muli %arg1, %mul3A_6 : i32
    %add3A_8 = arith.constant 0 : i32
    %add3A_9 = arith.addi %mul3A_7, %add3A_8 : i32
    "tpu.region"() ({
      %run_scoped3A = tpu.sem_alloc : memref<!tpu.dma_semaphore, #tpu.memory_space<semaphore_mem>>
      %dma_start3A_282 = arith.constant 0 : i32
      %dma_start3A_283 = tpu.memref_slice %arg11[%add3A_9, %dma_start3A_282] : memref<10112x128xf32, #tpu.memory_space<vmem_shared>> -> memref<80x128xf32, #tpu.memory_space<vmem_shared>>
      %dma_start3A_284 = arith.constant 0 : i32
      %dma_start3A_285 = tpu.memref_slice %arg11[%add3A_9, %dma_start3A_284] : memref<10112x128xf32, #tpu.memory_space<vmem_shared>> -> memref<80x128xf32, #tpu.memory_space<vmem_shared>>
      tpu.enqueue_dma source(%arg8 : memref<80x128xf32, #tpu.memory_space<vmem>>) target(%dma_start3A_285 : memref<80x128xf32, #tpu.memory_space<vmem_shared>>) target_semaphore(%run_scoped3A : memref<!tpu.dma_semaphore, #tpu.memory_space<semaphore_mem>>)
      %dma_wait3A_286 = arith.constant 0 : i32
      %dma_wait3A_287 = tpu.memref_slice %arg11[%add3A_9, %dma_wait3A_286] : memref<10112x128xf32, #tpu.memory_space<vmem_shared>> -> memref<80x128xf32, #tpu.memory_space<vmem_shared>>
      %dma_wait3A_288 = arith.constant 0 : i32
      %dma_wait3A_289 = tpu.memref_slice %arg11[%add3A_9, %dma_wait3A_288] : memref<10112x128xf32, #tpu.memory_space<vmem_shared>> -> memref<80x128xf32, #tpu.memory_space<vmem_shared>>
      tpu.wait_dma2 semaphore(%run_scoped3A : memref<!tpu.dma_semaphore, #tpu.memory_space<semaphore_mem>>) src(%arg8 : memref<80x128xf32, #tpu.memory_space<vmem>>) dst(%dma_wait3A_289 : memref<80x128xf32, #tpu.memory_space<vmem_shared>>)
      tpu.yield
    }) : () -> ()
    %add3A_10 = arith.constant 80 : i32
    %add3A_11 = arith.addi %mul3A_7, %add3A_10 : i32
    "tpu.region"() ({
      %run_scoped3A = tpu.sem_alloc : memref<!tpu.dma_semaphore, #tpu.memory_space<semaphore_mem>>
      %dma_start3A_282 = arith.constant 0 : i32
      %dma_start3A_283 = tpu.memref_slice %arg11[%add3A_11, %dma_start3A_282] : memref<10112x128xf32, #tpu.memory_space<vmem_shared>> -> memref<80x128xf32, #tpu.memory_space<vmem_shared>>
      %dma_start3A_284 = arith.constant 0 : i32
      %dma_start3A_285 = tpu.memref_slice %arg11[%add3A_11, %dma_start3A_284] : memref<10112x128xf32, #tpu.memory_space<vmem_shared>> -> memref<80x128xf32, #tpu.memory_space<vmem_shared>>
      tpu.enqueue_dma source(%arg8 : memref<80x128xf32, #tpu.memory_space<vmem>>) target(%dma_start3A_285 : memref<80x128xf32, #tpu.memory_space<vmem_shared>>) target_semaphore(%run_scoped3A : memref<!tpu.dma_semaphore, #tpu.memory_space<semaphore_mem>>)
      %dma_wait3A_286 = arith.constant 0 : i32
      %dma_wait3A_287 = tpu.memref_slice %arg11[%add3A_11, %dma_wait3A_286] : memref<10112x128xf32, #tpu.memory_space<vmem_shared>> -> memref<80x128xf32, #tpu.memory_space<vmem_shared>>
      %dma_wait3A_288 = arith.constant 0 : i32
      %dma_wait3A_289 = tpu.memref_slice %arg11[%add3A_11, %dma_wait3A_288] : memref<10112x128xf32, #tpu.memory_space<vmem_shared>> -> memref<80x128xf32, #tpu.memory_space<vmem_shared>>
      tpu.wait_dma2 semaphore(%run_scoped3A : memref<!tpu.dma_semaphore, #tpu.memory_space<semaphore_mem>>) src(%arg8 : memref<80x128xf32, #tpu.memory_space<vmem>>) dst(%dma_wait3A_289 : memref<80x128xf32, #tpu.memory_space<vmem_shared>>)
      tpu.yield
    }) : () -> ()
    %add3A_12 = arith.constant 160 : i32
    %add3A_13 = arith.addi %mul3A_7, %add3A_12 : i32
    "tpu.region"() ({
      %run_scoped3A = tpu.sem_alloc : memref<!tpu.dma_semaphore, #tpu.memory_space<semaphore_mem>>
      %dma_start3A_282 = arith.constant 0 : i32
      %dma_start3A_283 = tpu.memref_slice %arg11[%add3A_13, %dma_start3A_282] : memref<10112x128xf32, #tpu.memory_space<vmem_shared>> -> memref<80x128xf32, #tpu.memory_space<vmem_shared>>
      %dma_start3A_284 = arith.constant 0 : i32
      %dma_start3A_285 = tpu.memref_slice %arg11[%add3A_13, %dma_start3A_284] : memref<10112x128xf32, #tpu.memory_space<vmem_shared>> -> memref<80x128xf32, #tpu.memory_space<vmem_shared>>
      tpu.enqueue_dma source(%arg8 : memref<80x128xf32, #tpu.memory_space<vmem>>) target(%dma_start3A_285 : memref<80x128xf32, #tpu.memory_space<vmem_shared>>) target_semaphore(%run_scoped3A : memref<!tpu.dma_semaphore, #tpu.memory_space<semaphore_mem>>)
      %dma_wait3A_286 = arith.constant 0 : i32
      %dma_wait3A_287 = tpu.memref_slice %arg11[%add3A_13, %dma_wait3A_286] : memref<10112x128xf32, #tpu.memory_space<vmem_shared>> -> memref<80x128xf32, #tpu.memory_space<vmem_shared>>
      %dma_wait3A_288 = arith.constant 0 : i32
      %dma_wait3A_289 = tpu.memref_slice %arg11[%add3A_13, %dma_wait3A_288] : memref<10112x128xf32, #tpu.memory_space<vmem_shared>> -> memref<80x128xf32, #tpu.memory_space<vmem_shared>>
      tpu.wait_dma2 semaphore(%run_scoped3A : memref<!tpu.dma_semaphore, #tpu.memory_space<semaphore_mem>>) src(%arg8 : memref<80x128xf32, #tpu.memory_space<vmem>>) dst(%dma_wait3A_289 : memref<80x128xf32, #tpu.memory_space<vmem_shared>>)
      tpu.yield
    }) : () -> ()
    %add3A_14 = arith.constant 240 : i32
    %add3A_15 = arith.addi %mul3A_7, %add3A_14 : i32
    "tpu.region"() ({
      %run_scoped3A = tpu.sem_alloc : memref<!tpu.dma_semaphore, #tpu.memory_space<semaphore_mem>>
      %dma_start3A_282 = arith.constant 0 : i32
      %dma_start3A_283 = tpu.memref_slice %arg11[%add3A_15, %dma_start3A_282] : memref<10112x128xf32, #tpu.memory_space<vmem_shared>> -> memref<80x128xf32, #tpu.memory_space<vmem_shared>>
      %dma_start3A_284 = arith.constant 0 : i32
      %dma_start3A_285 = tpu.memref_slice %arg11[%add3A_15, %dma_start3A_284] : memref<10112x128xf32, #tpu.memory_space<vmem_shared>> -> memref<80x128xf32, #tpu.memory_space<vmem_shared>>
      tpu.enqueue_dma source(%arg8 : memref<80x128xf32, #tpu.memory_space<vmem>>) target(%dma_start3A_285 : memref<80x128xf32, #tpu.memory_space<vmem_shared>>) target_semaphore(%run_scoped3A : memref<!tpu.dma_semaphore, #tpu.memory_space<semaphore_mem>>)
      %dma_wait3A_286 = arith.constant 0 : i32
      %dma_wait3A_287 = tpu.memref_slice %arg11[%add3A_15, %dma_wait3A_286] : memref<10112x128xf32, #tpu.memory_space<vmem_shared>> -> memref<80x128xf32, #tpu.memory_space<vmem_shared>>
      %dma_wait3A_288 = arith.constant 0 : i32
      %dma_wait3A_289 = tpu.memref_slice %arg11[%add3A_15, %dma_wait3A_288] : memref<10112x128xf32, #tpu.memory_space<vmem_shared>> -> memref<80x128xf32, #tpu.memory_space<vmem_shared>>
      tpu.wait_dma2 semaphore(%run_scoped3A : memref<!tpu.dma_semaphore, #tpu.memory_space<semaphore_mem>>) src(%arg8 : memref<80x128xf32, #tpu.memory_space<vmem>>) dst(%dma_wait3A_289 : memref<80x128xf32, #tpu.memory_space<vmem_shared>>)
      tpu.yield
    }) : () -> ()
    %add3A_16 = arith.constant 320 : i32
    %add3A_17 = arith.addi %mul3A_7, %add3A_16 : i32
    "tpu.region"() ({
      %run_scoped3A = tpu.sem_alloc : memref<!tpu.dma_semaphore, #tpu.memory_space<semaphore_mem>>
      %dma_start3A_282 = arith.constant 0 : i32
      %dma_start3A_283 = tpu.memref_slice %arg11[%add3A_17, %dma_start3A_282] : memref<10112x128xf32, #tpu.memory_space<vmem_shared>> -> memref<80x128xf32, #tpu.memory_space<vmem_shared>>
      %dma_start3A_284 = arith.constant 0 : i32
      %dma_start3A_285 = tpu.memref_slice %arg11[%add3A_17, %dma_start3A_284] : memref<10112x128xf32, #tpu.memory_space<vmem_shared>> -> memref<80x128xf32, #tpu.memory_space<vmem_shared>>
      tpu.enqueue_dma source(%arg8 : memref<80x128xf32, #tpu.memory_space<vmem>>) target(%dma_start3A_285 : memref<80x128xf32, #tpu.memory_space<vmem_shared>>) target_semaphore(%run_scoped3A : memref<!tpu.dma_semaphore, #tpu.memory_space<semaphore_mem>>)
      %dma_wait3A_286 = arith.constant 0 : i32
      %dma_wait3A_287 = tpu.memref_slice %arg11[%add3A_17, %dma_wait3A_286] : memref<10112x128xf32, #tpu.memory_space<vmem_shared>> -> memref<80x128xf32, #tpu.memory_space<vmem_shared>>
      %dma_wait3A_288 = arith.constant 0 : i32
      %dma_wait3A_289 = tpu.memref_slice %arg11[%add3A_17, %dma_wait3A_288] : memref<10112x128xf32, #tpu.memory_space<vmem_shared>> -> memref<80x128xf32, #tpu.memory_space<vmem_shared>>
      tpu.wait_dma2 semaphore(%run_scoped3A : memref<!tpu.dma_semaphore, #tpu.memory_space<semaphore_mem>>) src(%arg8 : memref<80x128xf32, #tpu.memory_space<vmem>>) dst(%dma_wait3A_289 : memref<80x128xf32, #tpu.memory_space<vmem_shared>>)
      tpu.yield
    }) : () -> ()
    %add3A_18 = arith.constant 400 : i32
    %add3A_19 = arith.addi %mul3A_7, %add3A_18 : i32
    "tpu.region"() ({
      %run_scoped3A = tpu.sem_alloc : memref<!tpu.dma_semaphore, #tpu.memory_space<semaphore_mem>>
      %dma_start3A_282 = arith.constant 0 : i32
      %dma_start3A_283 = tpu.memref_slice %arg11[%add3A_19, %dma_start3A_282] : memref<10112x128xf32, #tpu.memory_space<vmem_shared>> -> memref<80x128xf32, #tpu.memory_space<vmem_shared>>
      %dma_start3A_284 = arith.constant 0 : i32
      %dma_start3A_285 = tpu.memref_slice %arg11[%add3A_19, %dma_start3A_284] : memref<10112x128xf32, #tpu.memory_space<vmem_shared>> -> memref<80x128xf32, #tpu.memory_space<vmem_shared>>
      tpu.enqueue_dma source(%arg8 : memref<80x128xf32, #tpu.memory_space<vmem>>) target(%dma_start3A_285 : memref<80x128xf32, #tpu.memory_space<vmem_shared>>) target_semaphore(%run_scoped3A : memref<!tpu.dma_semaphore, #tpu.memory_space<semaphore_mem>>)
      %dma_wait3A_286 = arith.constant 0 : i32
      %dma_wait3A_287 = tpu.memref_slice %arg11[%add3A_19, %dma_wait3A_286] : memref<10112x128xf32, #tpu.memory_space<vmem_shared>> -> memref<80x128xf32, #tpu.memory_space<vmem_shared>>
      %dma_wait3A_288 = arith.constant 0 : i32
      %dma_wait3A_289 = tpu.memref_slice %arg11[%add3A_19, %dma_wait3A_288] : memref<10112x128xf32, #tpu.memory_space<vmem_shared>> -> memref<80x128xf32, #tpu.memory_space<vmem_shared>>
      tpu.wait_dma2 semaphore(%run_scoped3A : memref<!tpu.dma_semaphore, #tpu.memory_space<semaphore_mem>>) src(%arg8 : memref<80x128xf32, #tpu.memory_space<vmem>>) dst(%dma_wait3A_289 : memref<80x128xf32, #tpu.memory_space<vmem_shared>>)
      tpu.yield
    }) : () -> ()
    %add3A_20 = arith.constant 480 : i32
    %add3A_21 = arith.addi %mul3A_7, %add3A_20 : i32
    "tpu.region"() ({
      %run_scoped3A = tpu.sem_alloc : memref<!tpu.dma_semaphore, #tpu.memory_space<semaphore_mem>>
      %dma_start3A_282 = arith.constant 0 : i32
      %dma_start3A_283 = tpu.memref_slice %arg11[%add3A_21, %dma_start3A_282] : memref<10112x128xf32, #tpu.memory_space<vmem_shared>> -> memref<80x128xf32, #tpu.memory_space<vmem_shared>>
      %dma_start3A_284 = arith.constant 0 : i32
      %dma_start3A_285 = tpu.memref_slice %arg11[%add3A_21, %dma_start3A_284] : memref<10112x128xf32, #tpu.memory_space<vmem_shared>> -> memref<80x128xf32, #tpu.memory_space<vmem_shared>>
      tpu.enqueue_dma source(%arg8 : memref<80x128xf32, #tpu.memory_space<vmem>>) target(%dma_start3A_285 : memref<80x128xf32, #tpu.memory_space<vmem_shared>>) target_semaphore(%run_scoped3A : memref<!tpu.dma_semaphore, #tpu.memory_space<semaphore_mem>>)
      %dma_wait3A_286 = arith.constant 0 : i32
      %dma_wait3A_287 = tpu.memref_slice %arg11[%add3A_21, %dma_wait3A_286] : memref<10112x128xf32, #tpu.memory_space<vmem_shared>> -> memref<80x128xf32, #tpu.memory_space<vmem_shared>>
      %dma_wait3A_288 = arith.constant 0 : i32
      %dma_wait3A_289 = tpu.memref_slice %arg11[%add3A_21, %dma_wait3A_288] : memref<10112x128xf32, #tpu.memory_space<vmem_shared>> -> memref<80x128xf32, #tpu.memory_space<vmem_shared>>
      tpu.wait_dma2 semaphore(%run_scoped3A : memref<!tpu.dma_semaphore, #tpu.memory_space<semaphore_mem>>) src(%arg8 : memref<80x128xf32, #tpu.memory_space<vmem>>) dst(%dma_wait3A_289 : memref<80x128xf32, #tpu.memory_space<vmem_shared>>)
      tpu.yield
    }) : () -> ()
    %add3A_22 = arith.constant 560 : i32
    %add3A_23 = arith.addi %mul3A_7, %add3A_22 : i32
    "tpu.region"() ({
      %run_scoped3A = tpu.sem_alloc : memref<!tpu.dma_semaphore, #tpu.memory_space<semaphore_mem>>
      %dma_start3A_282 = arith.constant 0 : i32
      %dma_start3A_283 = arith.constant 0 : i32
      %dma_start3A_284 = tpu.memref_slice %arg8[%dma_start3A_282, %dma_start3A_283] : memref<80x128xf32, #tpu.memory_space<vmem>> -> memref<72x128xf32, #tpu.memory_space<vmem>>
      %dma_start3A_285 = arith.constant 0 : i32
      %dma_start3A_286 = tpu.memref_slice %arg11[%add3A_23, %dma_start3A_285] : memref<10112x128xf32, #tpu.memory_space<vmem_shared>> -> memref<72x128xf32, #tpu.memory_space<vmem_shared>>
      %dma_start3A_287 = arith.constant 0 : i32
      %dma_start3A_288 = tpu.memref_slice %arg11[%add3A_23, %dma_start3A_287] : memref<10112x128xf32, #tpu.memory_space<vmem_shared>> -> memref<72x128xf32, #tpu.memory_space<vmem_shared>>
      %dma_start3A_289 = arith.constant 0 : i32
      %dma_start3A_290 = arith.constant 0 : i32
      %dma_start3A_291 = tpu.memref_slice %arg8[%dma_start3A_289, %dma_start3A_290] : memref<80x128xf32, #tpu.memory_space<vmem>> -> memref<72x128xf32, #tpu.memory_space<vmem>>
      tpu.enqueue_dma source(%dma_start3A_291 : memref<72x128xf32, #tpu.memory_space<vmem>>) target(%dma_start3A_288 : memref<72x128xf32, #tpu.memory_space<vmem_shared>>) target_semaphore(%run_scoped3A : memref<!tpu.dma_semaphore, #tpu.memory_space<semaphore_mem>>)
      %dma_wait3A_292 = arith.constant 0 : i32
      %dma_wait3A_293 = arith.constant 0 : i32
      %dma_wait3A_294 = tpu.memref_slice %arg8[%dma_wait3A_292, %dma_wait3A_293] : memref<80x128xf32, #tpu.memory_space<vmem>> -> memref<72x128xf32, #tpu.memory_space<vmem>>
      %dma_wait3A_295 = arith.constant 0 : i32
      %dma_wait3A_296 = tpu.memref_slice %arg11[%add3A_23, %dma_wait3A_295] : memref<10112x128xf32, #tpu.memory_space<vmem_shared>> -> memref<72x128xf32, #tpu.memory_space<vmem_shared>>
      %dma_wait3A_297 = arith.constant 0 : i32
      %dma_wait3A_298 = tpu.memref_slice %arg11[%add3A_23, %dma_wait3A_297] : memref<10112x128xf32, #tpu.memory_space<vmem_shared>> -> memref<72x128xf32, #tpu.memory_space<vmem_shared>>
      %dma_wait3A_299 = arith.constant 0 : i32
      %dma_wait3A_300 = arith.constant 0 : i32
      %dma_wait3A_301 = tpu.memref_slice %arg8[%dma_wait3A_299, %dma_wait3A_300] : memref<80x128xf32, #tpu.memory_space<vmem>> -> memref<72x128xf32, #tpu.memory_space<vmem>>
      tpu.wait_dma2 semaphore(%run_scoped3A : memref<!tpu.dma_semaphore, #tpu.memory_space<semaphore_mem>>) src(%dma_wait3A_301 : memref<72x128xf32, #tpu.memory_space<vmem>>) dst(%dma_wait3A_298 : memref<72x128xf32, #tpu.memory_space<vmem_shared>>)
      tpu.yield
    }) : () -> ()
    %barrier3A = arith.constant 0 : index
    tpu.barrier barrier_id(%barrier3A)
    %get3A = arith.constant 0 : i32
    %get3A_24 = arith.index_cast %get3A : i32 to index
    %get3A_25 = arith.constant 0 : index
    %get3A_26 = tpu.vector_load %arg5[%get3A_24, %get3A_25] {strides = array<i32>} : memref<126x80xi32, #tpu.memory_space<vmem>>, vector<1x16xi32>,
    %get3A_27 = vector.shape_cast %get3A_26 : vector<1x16xi32> to vector<16xi32>
    %and3A = arith.constant 16383 : i32
    %and3A_28 = vector.broadcast %and3A : i32 to vector<16xi32>
    %and3A_29 = arith.andi %get3A_27, %and3A_28 : vector<16xi32>
    %swap3A = arith.constant 0 : i32
    %swap3A_30 = arith.index_cast %swap3A : i32 to index
    %swap3A_31 = arith.constant 0 : index
    %swap3A_32 = tpu.vector_load %arg7[%swap3A_30, %swap3A_31] {strides = array<i32>} : memref<3x80xi32, #tpu.memory_space<vmem>>, vector<1x16xi32>,
    %swap3A_33 = vector.shape_cast %swap3A_32 : vector<1x16xi32> to vector<16xi32>
    %swap3A_34 = vector.shape_cast %and3A_29 : vector<16xi32> to vector<1x16xi32>
    tpu.vector_store %arg7[%swap3A_30, %swap3A_31], %swap3A_34 {strides = array<i32>} : memref<3x80xi32, #tpu.memory_space<vmem>>, vector<1x16xi32>,
    %get3A_35 = arith.constant 0 : i32
    %get3A_36 = arith.index_cast %get3A_35 : i32 to index
    %get3A_37 = arith.constant 16 : index
    %get3A_38 = tpu.vector_load %arg5[%get3A_36, %get3A_37] {strides = array<i32>} : memref<126x80xi32, #tpu.memory_space<vmem>>, vector<1x16xi32>,
    %get3A_39 = vector.shape_cast %get3A_38 : vector<1x16xi32> to vector<16xi32>
    %and3A_40 = arith.constant 16383 : i32
    %and3A_41 = vector.broadcast %and3A_40 : i32 to vector<16xi32>
    %and3A_42 = arith.andi %get3A_39, %and3A_41 : vector<16xi32>
    %swap3A_43 = arith.constant 0 : i32
    %swap3A_44 = arith.index_cast %swap3A_43 : i32 to index
    %swap3A_45 = arith.constant 16 : index
    %swap3A_46 = tpu.vector_load %arg7[%swap3A_44, %swap3A_45] {strides = array<i32>} : memref<3x80xi32, #tpu.memory_space<vmem>>, vector<1x16xi32>,
    %swap3A_47 = vector.shape_cast %swap3A_46 : vector<1x16xi32> to vector<16xi32>
    %swap3A_48 = vector.shape_cast %and3A_42 : vector<16xi32> to vector<1x16xi32>
    tpu.vector_store %arg7[%swap3A_44, %swap3A_45], %swap3A_48 {strides = array<i32>} : memref<3x80xi32, #tpu.memory_space<vmem>>, vector<1x16xi32>,
    %get3A_49 = arith.constant 0 : i32
    %get3A_50 = arith.index_cast %get3A_49 : i32 to index
    %get3A_51 = arith.constant 32 : index
    %get3A_52 = tpu.vector_load %arg5[%get3A_50, %get3A_51] {strides = array<i32>} : memref<126x80xi32, #tpu.memory_space<vmem>>, vector<1x16xi32>,
    %get3A_53 = vector.shape_cast %get3A_52 : vector<1x16xi32> to vector<16xi32>
    %and3A_54 = arith.constant 16383 : i32
    %and3A_55 = vector.broadcast %and3A_54 : i32 to vector<16xi32>
    %and3A_56 = arith.andi %get3A_53, %and3A_55 : vector<16xi32>
    %swap3A_57 = arith.constant 0 : i32
    %swap3A_58 = arith.index_cast %swap3A_57 : i32 to index
    %swap3A_59 = arith.constant 32 : index
    %swap3A_60 = tpu.vector_load %arg7[%swap3A_58, %swap3A_59] {strides = array<i32>} : memref<3x80xi32, #tpu.memory_space<vmem>>, vector<1x16xi32>,
    %swap3A_61 = vector.shape_cast %swap3A_60 : vector<1x16xi32> to vector<16xi32>
    %swap3A_62 = vector.shape_cast %and3A_56 : vector<16xi32> to vector<1x16xi32>
    tpu.vector_store %arg7[%swap3A_58, %swap3A_59], %swap3A_62 {strides = array<i32>} : memref<3x80xi32, #tpu.memory_space<vmem>>, vector<1x16xi32>,
    %get3A_63 = arith.constant 0 : i32
    %get3A_64 = arith.index_cast %get3A_63 : i32 to index
    %get3A_65 = arith.constant 48 : index
    %get3A_66 = tpu.vector_load %arg5[%get3A_64, %get3A_65] {strides = array<i32>} : memref<126x80xi32, #tpu.memory_space<vmem>>, vector<1x16xi32>,
    %get3A_67 = vector.shape_cast %get3A_66 : vector<1x16xi32> to vector<16xi32>
    %and3A_68 = arith.constant 16383 : i32
    %and3A_69 = vector.broadcast %and3A_68 : i32 to vector<16xi32>
    %and3A_70 = arith.andi %get3A_67, %and3A_69 : vector<16xi32>
    %swap3A_71 = arith.constant 0 : i32
    %swap3A_72 = arith.index_cast %swap3A_71 : i32 to index
    %swap3A_73 = arith.constant 48 : index
    %swap3A_74 = tpu.vector_load %arg7[%swap3A_72, %swap3A_73] {strides = array<i32>} : memref<3x80xi32, #tpu.memory_space<vmem>>, vector<1x16xi32>,
    %swap3A_75 = vector.shape_cast %swap3A_74 : vector<1x16xi32> to vector<16xi32>
    %swap3A_76 = vector.shape_cast %and3A_70 : vector<16xi32> to vector<1x16xi32>
    tpu.vector_store %arg7[%swap3A_72, %swap3A_73], %swap3A_76 {strides = array<i32>} : memref<3x80xi32, #tpu.memory_space<vmem>>, vector<1x16xi32>,
    %get3A_77 = arith.constant 0 : i32
    %get3A_78 = arith.index_cast %get3A_77 : i32 to index
    %get3A_79 = arith.constant 64 : index
    %get3A_80 = tpu.vector_load %arg5[%get3A_78, %get3A_79] {strides = array<i32>} : memref<126x80xi32, #tpu.memory_space<vmem>>, vector<1x16xi32>,
    %get3A_81 = vector.shape_cast %get3A_80 : vector<1x16xi32> to vector<16xi32>
    %and3A_82 = arith.constant 16383 : i32
    %and3A_83 = vector.broadcast %and3A_82 : i32 to vector<16xi32>
    %and3A_84 = arith.andi %get3A_81, %and3A_83 : vector<16xi32>
    %swap3A_85 = arith.constant 0 : i32
    %swap3A_86 = arith.index_cast %swap3A_85 : i32 to index
    %swap3A_87 = arith.constant 64 : index
    %swap3A_88 = tpu.vector_load %arg7[%swap3A_86, %swap3A_87] {strides = array<i32>} : memref<3x80xi32, #tpu.memory_space<vmem>>, vector<1x16xi32>,
    %swap3A_89 = vector.shape_cast %swap3A_88 : vector<1x16xi32> to vector<16xi32>
    %swap3A_90 = vector.shape_cast %and3A_84 : vector<16xi32> to vector<1x16xi32>
    tpu.vector_store %arg7[%swap3A_86, %swap3A_87], %swap3A_90 {strides = array<i32>} : memref<3x80xi32, #tpu.memory_space<vmem>>, vector<1x16xi32>,
    %dma_start3A = arith.constant 0 : i32
    %dma_start3A_91 = arith.constant 0 : i32
    %dma_start3A_92 = tpu.memref_slice %arg7[%dma_start3A, %dma_start3A_91] : memref<3x80xi32, #tpu.memory_space<vmem>> -> memref<1x80xi32, #tpu.memory_space<vmem>>
    %dma_start3A_93 = tpu.memref_squeeze %dma_start3A_92 : memref<1x80xi32, #tpu.memory_space<vmem>> -> memref<80xi32, #tpu.memory_space<vmem>>
    %dma_start3A_94 = arith.constant 0 : i32
    %dma_start3A_95 = arith.constant 0 : i32
    %dma_start3A_96 = tpu.memref_slice %arg3[%dma_start3A_94, %dma_start3A_95] : memref<10240x128xf32, #tpu.memory_space<hbm>> -> memref<10240x128xf32, #tpu.memory_space<hbm>>
    tpu.enqueue_indirect_dma source(%dma_start3A_96 : memref<10240x128xf32, #tpu.memory_space<hbm>>) target(%arg8 : memref<80x128xf32, #tpu.memory_space<vmem>>) offsets(%dma_start3A_93 : memref<80xi32, #tpu.memory_space<vmem>>) semaphore(%arg12 : memref<!tpu.dma_semaphore, #tpu.memory_space<semaphore_mem>>)
    %get3A_97 = arith.constant 1 : i32
    %get3A_98 = arith.index_cast %get3A_97 : i32 to index
    %get3A_99 = arith.constant 0 : index
    %get3A_100 = tpu.vector_load %arg5[%get3A_98, %get3A_99] {strides = array<i32>} : memref<126x80xi32, #tpu.memory_space<vmem>>, vector<1x16xi32>,
    %get3A_101 = vector.shape_cast %get3A_100 : vector<1x16xi32> to vector<16xi32>
    %and3A_102 = arith.constant 16383 : i32
    %and3A_103 = vector.broadcast %and3A_102 : i32 to vector<16xi32>
    %and3A_104 = arith.andi %get3A_101, %and3A_103 : vector<16xi32>
    %swap3A_105 = arith.constant 1 : i32
    %swap3A_106 = arith.index_cast %swap3A_105 : i32 to index
    %swap3A_107 = arith.constant 0 : index
    %swap3A_108 = tpu.vector_load %arg7[%swap3A_106, %swap3A_107] {strides = array<i32>} : memref<3x80xi32, #tpu.memory_space<vmem>>, vector<1x16xi32>,
    %swap3A_109 = vector.shape_cast %swap3A_108 : vector<1x16xi32> to vector<16xi32>
    %swap3A_110 = vector.shape_cast %and3A_104 : vector<16xi32> to vector<1x16xi32>
    tpu.vector_store %arg7[%swap3A_106, %swap3A_107], %swap3A_110 {strides = array<i32>} : memref<3x80xi32, #tpu.memory_space<vmem>>, vector<1x16xi32>,
    %get3A_111 = arith.constant 1 : i32
    %get3A_112 = arith.index_cast %get3A_111 : i32 to index
    %get3A_113 = arith.constant 16 : index
    %get3A_114 = tpu.vector_load %arg5[%get3A_112, %get3A_113] {strides = array<i32>} : memref<126x80xi32, #tpu.memory_space<vmem>>, vector<1x16xi32>,
    %get3A_115 = vector.shape_cast %get3A_114 : vector<1x16xi32> to vector<16xi32>
    %and3A_116 = arith.constant 16383 : i32
    %and3A_117 = vector.broadcast %and3A_116 : i32 to vector<16xi32>
    %and3A_118 = arith.andi %get3A_115, %and3A_117 : vector<16xi32>
    %swap3A_119 = arith.constant 1 : i32
    %swap3A_120 = arith.index_cast %swap3A_119 : i32 to index
    %swap3A_121 = arith.constant 16 : index
    %swap3A_122 = tpu.vector_load %arg7[%swap3A_120, %swap3A_121] {strides = array<i32>} : memref<3x80xi32, #tpu.memory_space<vmem>>, vector<1x16xi32>,
    %swap3A_123 = vector.shape_cast %swap3A_122 : vector<1x16xi32> to vector<16xi32>
    %swap3A_124 = vector.shape_cast %and3A_118 : vector<16xi32> to vector<1x16xi32>
    tpu.vector_store %arg7[%swap3A_120, %swap3A_121], %swap3A_124 {strides = array<i32>} : memref<3x80xi32, #tpu.memory_space<vmem>>, vector<1x16xi32>,
    %get3A_125 = arith.constant 1 : i32
    %get3A_126 = arith.index_cast %get3A_125 : i32 to index
    %get3A_127 = arith.constant 32 : index
    %get3A_128 = tpu.vector_load %arg5[%get3A_126, %get3A_127] {strides = array<i32>} : memref<126x80xi32, #tpu.memory_space<vmem>>, vector<1x16xi32>,
    %get3A_129 = vector.shape_cast %get3A_128 : vector<1x16xi32> to vector<16xi32>
    %and3A_130 = arith.constant 16383 : i32
    %and3A_131 = vector.broadcast %and3A_130 : i32 to vector<16xi32>
    %and3A_132 = arith.andi %get3A_129, %and3A_131 : vector<16xi32>
    %swap3A_133 = arith.constant 1 : i32
    %swap3A_134 = arith.index_cast %swap3A_133 : i32 to index
    %swap3A_135 = arith.constant 32 : index
    %swap3A_136 = tpu.vector_load %arg7[%swap3A_134, %swap3A_135] {strides = array<i32>} : memref<3x80xi32, #tpu.memory_space<vmem>>, vector<1x16xi32>,
    %swap3A_137 = vector.shape_cast %swap3A_136 : vector<1x16xi32> to vector<16xi32>
    %swap3A_138 = vector.shape_cast %and3A_132 : vector<16xi32> to vector<1x16xi32>
    tpu.vector_store %arg7[%swap3A_134, %swap3A_135], %swap3A_138 {strides = array<i32>} : memref<3x80xi32, #tpu.memory_space<vmem>>, vector<1x16xi32>,
    %get3A_139 = arith.constant 1 : i32
    %get3A_140 = arith.index_cast %get3A_139 : i32 to index
    %get3A_141 = arith.constant 48 : index
    %get3A_142 = tpu.vector_load %arg5[%get3A_140, %get3A_141] {strides = array<i32>} : memref<126x80xi32, #tpu.memory_space<vmem>>, vector<1x16xi32>,
    %get3A_143 = vector.shape_cast %get3A_142 : vector<1x16xi32> to vector<16xi32>
    %and3A_144 = arith.constant 16383 : i32
    %and3A_145 = vector.broadcast %and3A_144 : i32 to vector<16xi32>
    %and3A_146 = arith.andi %get3A_143, %and3A_145 : vector<16xi32>
    %swap3A_147 = arith.constant 1 : i32
    %swap3A_148 = arith.index_cast %swap3A_147 : i32 to index
    %swap3A_149 = arith.constant 48 : index
    %swap3A_150 = tpu.vector_load %arg7[%swap3A_148, %swap3A_149] {strides = array<i32>} : memref<3x80xi32, #tpu.memory_space<vmem>>, vector<1x16xi32>,
    %swap3A_151 = vector.shape_cast %swap3A_150 : vector<1x16xi32> to vector<16xi32>
    %swap3A_152 = vector.shape_cast %and3A_146 : vector<16xi32> to vector<1x16xi32>
    tpu.vector_store %arg7[%swap3A_148, %swap3A_149], %swap3A_152 {strides = array<i32>} : memref<3x80xi32, #tpu.memory_space<vmem>>, vector<1x16xi32>,
    %get3A_153 = arith.constant 1 : i32
    %get3A_154 = arith.index_cast %get3A_153 : i32 to index
    %get3A_155 = arith.constant 64 : index
    %get3A_156 = tpu.vector_load %arg5[%get3A_154, %get3A_155] {strides = array<i32>} : memref<126x80xi32, #tpu.memory_space<vmem>>, vector<1x16xi32>,
    %get3A_157 = vector.shape_cast %get3A_156 : vector<1x16xi32> to vector<16xi32>
    %and3A_158 = arith.constant 16383 : i32
    %and3A_159 = vector.broadcast %and3A_158 : i32 to vector<16xi32>
    %and3A_160 = arith.andi %get3A_157, %and3A_159 : vector<16xi32>
    %swap3A_161 = arith.constant 1 : i32
    %swap3A_162 = arith.index_cast %swap3A_161 : i32 to index
    %swap3A_163 = arith.constant 64 : index
    %swap3A_164 = tpu.vector_load %arg7[%swap3A_162, %swap3A_163] {strides = array<i32>} : memref<3x80xi32, #tpu.memory_space<vmem>>, vector<1x16xi32>,
    %swap3A_165 = vector.shape_cast %swap3A_164 : vector<1x16xi32> to vector<16xi32>
    %swap3A_166 = vector.shape_cast %and3A_160 : vector<16xi32> to vector<1x16xi32>
    tpu.vector_store %arg7[%swap3A_162, %swap3A_163], %swap3A_166 {strides = array<i32>} : memref<3x80xi32, #tpu.memory_space<vmem>>, vector<1x16xi32>,
    %dma_start3A_167 = arith.constant 1 : i32
    %dma_start3A_168 = arith.constant 0 : i32
    %dma_start3A_169 = tpu.memref_slice %arg7[%dma_start3A_167, %dma_start3A_168] : memref<3x80xi32, #tpu.memory_space<vmem>> -> memref<1x80xi32, #tpu.memory_space<vmem>>
    %dma_start3A_170 = tpu.memref_squeeze %dma_start3A_169 : memref<1x80xi32, #tpu.memory_space<vmem>> -> memref<80xi32, #tpu.memory_space<vmem>>
    %dma_start3A_171 = arith.constant 0 : i32
    %dma_start3A_172 = arith.constant 0 : i32
    %dma_start3A_173 = tpu.memref_slice %arg3[%dma_start3A_171, %dma_start3A_172] : memref<10240x128xf32, #tpu.memory_space<hbm>> -> memref<10240x128xf32, #tpu.memory_space<hbm>>
    tpu.enqueue_indirect_dma source(%dma_start3A_173 : memref<10240x128xf32, #tpu.memory_space<hbm>>) target(%arg9 : memref<80x128xf32, #tpu.memory_space<vmem>>) offsets(%dma_start3A_170 : memref<80xi32, #tpu.memory_space<vmem>>) semaphore(%arg13 : memref<!tpu.dma_semaphore, #tpu.memory_space<semaphore_mem>>)
    %get3A_174 = arith.constant 2 : i32
    %get3A_175 = arith.index_cast %get3A_174 : i32 to index
    %get3A_176 = arith.constant 0 : index
    %get3A_177 = tpu.vector_load %arg5[%get3A_175, %get3A_176] {strides = array<i32>} : memref<126x80xi32, #tpu.memory_space<vmem>>, vector<1x16xi32>,
    %get3A_178 = vector.shape_cast %get3A_177 : vector<1x16xi32> to vector<16xi32>
    %and3A_179 = arith.constant 16383 : i32
    %and3A_180 = vector.broadcast %and3A_179 : i32 to vector<16xi32>
    %and3A_181 = arith.andi %get3A_178, %and3A_180 : vector<16xi32>
    %swap3A_182 = arith.constant 2 : i32
    %swap3A_183 = arith.index_cast %swap3A_182 : i32 to index
    %swap3A_184 = arith.constant 0 : index
    %swap3A_185 = tpu.vector_load %arg7[%swap3A_183, %swap3A_184] {strides = array<i32>} : memref<3x80xi32, #tpu.memory_space<vmem>>, vector<1x16xi32>,
    %swap3A_186 = vector.shape_cast %swap3A_185 : vector<1x16xi32> to vector<16xi32>
    %swap3A_187 = vector.shape_cast %and3A_181 : vector<16xi32> to vector<1x16xi32>
    tpu.vector_store %arg7[%swap3A_183, %swap3A_184], %swap3A_187 {strides = array<i32>} : memref<3x80xi32, #tpu.memory_space<vmem>>, vector<1x16xi32>,
    %get3A_188 = arith.constant 2 : i32
    %get3A_189 = arith.index_cast %get3A_188 : i32 to index
    %get3A_190 = arith.constant 16 : index
    %get3A_191 = tpu.vector_load %arg5[%get3A_189, %get3A_190] {strides = array<i32>} : memref<126x80xi32, #tpu.memory_space<vmem>>, vector<1x16xi32>,
    %get3A_192 = vector.shape_cast %get3A_191 : vector<1x16xi32> to vector<16xi32>
    %and3A_193 = arith.constant 16383 : i32
    %and3A_194 = vector.broadcast %and3A_193 : i32 to vector<16xi32>
    %and3A_195 = arith.andi %get3A_192, %and3A_194 : vector<16xi32>
    %swap3A_196 = arith.constant 2 : i32
    %swap3A_197 = arith.index_cast %swap3A_196 : i32 to index
    %swap3A_198 = arith.constant 16 : index
    %swap3A_199 = tpu.vector_load %arg7[%swap3A_197, %swap3A_198] {strides = array<i32>} : memref<3x80xi32, #tpu.memory_space<vmem>>, vector<1x16xi32>,
    %swap3A_200 = vector.shape_cast %swap3A_199 : vector<1x16xi32> to vector<16xi32>
    %swap3A_201 = vector.shape_cast %and3A_195 : vector<16xi32> to vector<1x16xi32>
    tpu.vector_store %arg7[%swap3A_197, %swap3A_198], %swap3A_201 {strides = array<i32>} : memref<3x80xi32, #tpu.memory_space<vmem>>, vector<1x16xi32>,
    %get3A_202 = arith.constant 2 : i32
    %get3A_203 = arith.index_cast %get3A_202 : i32 to index
    %get3A_204 = arith.constant 32 : index
    %get3A_205 = tpu.vector_load %arg5[%get3A_203, %get3A_204] {strides = array<i32>} : memref<126x80xi32, #tpu.memory_space<vmem>>, vector<1x16xi32>,
    %get3A_206 = vector.shape_cast %get3A_205 : vector<1x16xi32> to vector<16xi32>
    %and3A_207 = arith.constant 16383 : i32
    %and3A_208 = vector.broadcast %and3A_207 : i32 to vector<16xi32>
    %and3A_209 = arith.andi %get3A_206, %and3A_208 : vector<16xi32>
    %swap3A_210 = arith.constant 2 : i32
    %swap3A_211 = arith.index_cast %swap3A_210 : i32 to index
    %swap3A_212 = arith.constant 32 : index
    %swap3A_213 = tpu.vector_load %arg7[%swap3A_211, %swap3A_212] {strides = array<i32>} : memref<3x80xi32, #tpu.memory_space<vmem>>, vector<1x16xi32>,
    %swap3A_214 = vector.shape_cast %swap3A_213 : vector<1x16xi32> to vector<16xi32>
    %swap3A_215 = vector.shape_cast %and3A_209 : vector<16xi32> to vector<1x16xi32>
    tpu.vector_store %arg7[%swap3A_211, %swap3A_212], %swap3A_215 {strides = array<i32>} : memref<3x80xi32, #tpu.memory_space<vmem>>, vector<1x16xi32>,
    %get3A_216 = arith.constant 2 : i32
    %get3A_217 = arith.index_cast %get3A_216 : i32 to index
    %get3A_218 = arith.constant 48 : index
    %get3A_219 = tpu.vector_load %arg5[%get3A_217, %get3A_218] {strides = array<i32>} : memref<126x80xi32, #tpu.memory_space<vmem>>, vector<1x16xi32>,
    %get3A_220 = vector.shape_cast %get3A_219 : vector<1x16xi32> to vector<16xi32>
    %and3A_221 = arith.constant 16383 : i32
    %and3A_222 = vector.broadcast %and3A_221 : i32 to vector<16xi32>
    %and3A_223 = arith.andi %get3A_220, %and3A_222 : vector<16xi32>
    %swap3A_224 = arith.constant 2 : i32
    %swap3A_225 = arith.index_cast %swap3A_224 : i32 to index
    %swap3A_226 = arith.constant 48 : index
    %swap3A_227 = tpu.vector_load %arg7[%swap3A_225, %swap3A_226] {strides = array<i32>} : memref<3x80xi32, #tpu.memory_space<vmem>>, vector<1x16xi32>,
    %swap3A_228 = vector.shape_cast %swap3A_227 : vector<1x16xi32> to vector<16xi32>
    %swap3A_229 = vector.shape_cast %and3A_223 : vector<16xi32> to vector<1x16xi32>
    tpu.vector_store %arg7[%swap3A_225, %swap3A_226], %swap3A_229 {strides = array<i32>} : memref<3x80xi32, #tpu.memory_space<vmem>>, vector<1x16xi32>,
    %get3A_230 = arith.constant 2 : i32
    %get3A_231 = arith.index_cast %get3A_230 : i32 to index
    %get3A_232 = arith.constant 64 : index
    %get3A_233 = tpu.vector_load %arg5[%get3A_231, %get3A_232] {strides = array<i32>} : memref<126x80xi32, #tpu.memory_space<vmem>>, vector<1x16xi32>,
    %get3A_234 = vector.shape_cast %get3A_233 : vector<1x16xi32> to vector<16xi32>
    %and3A_235 = arith.constant 16383 : i32
    %and3A_236 = vector.broadcast %and3A_235 : i32 to vector<16xi32>
    %and3A_237 = arith.andi %get3A_234, %and3A_236 : vector<16xi32>
    %swap3A_238 = arith.constant 2 : i32
    %swap3A_239 = arith.index_cast %swap3A_238 : i32 to index
    %swap3A_240 = arith.constant 64 : index
    %swap3A_241 = tpu.vector_load %arg7[%swap3A_239, %swap3A_240] {strides = array<i32>} : memref<3x80xi32, #tpu.memory_space<vmem>>, vector<1x16xi32>,
    %swap3A_242 = vector.shape_cast %swap3A_241 : vector<1x16xi32> to vector<16xi32>
    %swap3A_243 = vector.shape_cast %and3A_237 : vector<16xi32> to vector<1x16xi32>
    tpu.vector_store %arg7[%swap3A_239, %swap3A_240], %swap3A_243 {strides = array<i32>} : memref<3x80xi32, #tpu.memory_space<vmem>>, vector<1x16xi32>,
    %dma_start3A_244 = arith.constant 2 : i32
    %dma_start3A_245 = arith.constant 0 : i32
    %dma_start3A_246 = tpu.memref_slice %arg7[%dma_start3A_244, %dma_start3A_245] : memref<3x80xi32, #tpu.memory_space<vmem>> -> memref<1x80xi32, #tpu.memory_space<vmem>>
    %dma_start3A_247 = tpu.memref_squeeze %dma_start3A_246 : memref<1x80xi32, #tpu.memory_space<vmem>> -> memref<80xi32, #tpu.memory_space<vmem>>
    %dma_start3A_248 = arith.constant 0 : i32
    %dma_start3A_249 = arith.constant 0 : i32
    %dma_start3A_250 = tpu.memref_slice %arg3[%dma_start3A_248, %dma_start3A_249] : memref<10240x128xf32, #tpu.memory_space<hbm>> -> memref<10240x128xf32, #tpu.memory_space<hbm>>
    tpu.enqueue_indirect_dma source(%dma_start3A_250 : memref<10240x128xf32, #tpu.memory_space<hbm>>) target(%arg10 : memref<80x128xf32, #tpu.memory_space<vmem>>) offsets(%dma_start3A_247 : memref<80xi32, #tpu.memory_space<vmem>>) semaphore(%arg14 : memref<!tpu.dma_semaphore, #tpu.memory_space<semaphore_mem>>)
    %scan3A_251 = arith.constant 0 : i32
    %scan3A_252 = arith.constant 0 : i32
    %scan3A_253 = arith.constant 42 : i32
    %scan3A_254 = arith.addi %scan3A_252, %scan3A_253 : i32
    %scan3A_255 = arith.constant 1 : i32
    scf.for %scan3A_282 = %scan3A_252 to %scan3A_254 step %scan3A_255  : i32 {
      %mul3A_283 = arith.constant 3 : i32
      %mul3A_284 = arith.muli %scan3A_282, %mul3A_283 : i32
      %add3A_285 = arith.constant 0 : i32
      %add3A_286 = arith.addi %mul3A_284, %add3A_285 : i32
      %dma_wait3A_287 = arith.constant 0 : i32
      %dma_wait3A_288 = arith.constant 0 : i32
      %dma_wait3A_289 = tpu.memref_slice %arg7[%dma_wait3A_287, %dma_wait3A_288] : memref<3x80xi32, #tpu.memory_space<vmem>> -> memref<1x80xi32, #tpu.memory_space<vmem>>
      %dma_wait3A_290 = tpu.memref_squeeze %dma_wait3A_289 : memref<1x80xi32, #tpu.memory_space<vmem>> -> memref<80xi32, #tpu.memory_space<vmem>>
      %dma_wait3A_291 = arith.constant 0 : i32
      %dma_wait3A_292 = arith.constant 0 : i32
      %dma_wait3A_293 = tpu.memref_slice %arg3[%dma_wait3A_291, %dma_wait3A_292] : memref<10240x128xf32, #tpu.memory_space<hbm>> -> memref<10240x128xf32, #tpu.memory_space<hbm>>
      tpu.wait_indirect_dma semaphore(%arg12 : memref<!tpu.dma_semaphore, #tpu.memory_space<semaphore_mem>>) src(%dma_wait3A_293 : memref<10240x128xf32, #tpu.memory_space<hbm>>) dst(%arg8 : memref<80x128xf32, #tpu.memory_space<vmem>>)
      %get3A_294 = arith.index_cast %add3A_286 : i32 to index
      %get3A_295 = arith.constant 0 : index
      %get3A_296 = tpu.vector_load %arg5[%get3A_294, %get3A_295] {strides = array<i32>} : memref<126x80xi32, #tpu.memory_space<vmem>>, vector<1x16xi32>,
      %get3A_297 = vector.shape_cast %get3A_296 : vector<1x16xi32> to vector<16xi32>
      %shift_right_logical3A = arith.constant 14 : i32
      %shift_right_logical3A_298 = vector.broadcast %shift_right_logical3A : i32 to vector<16xi32>
      %shift_right_logical3A_299 = arith.shrui %get3A_297, %shift_right_logical3A_298 : vector<16xi32>
      %swap3A_300 = arith.constant 0 : i32
      %swap3A_301 = arith.index_cast %swap3A_300 : i32 to index
      %swap3A_302 = arith.constant 0 : index
      %swap3A_303 = tpu.vector_load %arg6[%swap3A_301, %swap3A_302] {strides = array<i32>} : memref<3x80xi32, #tpu.memory_space<vmem>>, vector<1x16xi32>,
      %swap3A_304 = vector.shape_cast %swap3A_303 : vector<1x16xi32> to vector<16xi32>
      %swap3A_305 = vector.shape_cast %shift_right_logical3A_299 : vector<16xi32> to vector<1x16xi32>
      tpu.vector_store %arg6[%swap3A_301, %swap3A_302], %swap3A_305 {strides = array<i32>} : memref<3x80xi32, #tpu.memory_space<vmem>>, vector<1x16xi32>,
      %get3A_306 = arith.index_cast %add3A_286 : i32 to index
      %get3A_307 = arith.constant 16 : index
      %get3A_308 = tpu.vector_load %arg5[%get3A_306, %get3A_307] {strides = array<i32>} : memref<126x80xi32, #tpu.memory_space<vmem>>, vector<1x16xi32>,
      %get3A_309 = vector.shape_cast %get3A_308 : vector<1x16xi32> to vector<16xi32>
      %shift_right_logical3A_310 = arith.constant 14 : i32
      %shift_right_logical3A_311 = vector.broadcast %shift_right_logical3A_310 : i32 to vector<16xi32>
      %shift_right_logical3A_312 = arith.shrui %get3A_309, %shift_right_logical3A_311 : vector<16xi32>
      %swap3A_313 = arith.constant 0 : i32
      %swap3A_314 = arith.index_cast %swap3A_313 : i32 to index
      %swap3A_315 = arith.constant 16 : index
      %swap3A_316 = tpu.vector_load %arg6[%swap3A_314, %swap3A_315] {strides = array<i32>} : memref<3x80xi32, #tpu.memory_space<vmem>>, vector<1x16xi32>,
      %swap3A_317 = vector.shape_cast %swap3A_316 : vector<1x16xi32> to vector<16xi32>
      %swap3A_318 = vector.shape_cast %shift_right_logical3A_312 : vector<16xi32> to vector<1x16xi32>
      tpu.vector_store %arg6[%swap3A_314, %swap3A_315], %swap3A_318 {strides = array<i32>} : memref<3x80xi32, #tpu.memory_space<vmem>>, vector<1x16xi32>,
      %get3A_319 = arith.index_cast %add3A_286 : i32 to index
      %get3A_320 = arith.constant 32 : index
      %get3A_321 = tpu.vector_load %arg5[%get3A_319, %get3A_320] {strides = array<i32>} : memref<126x80xi32, #tpu.memory_space<vmem>>, vector<1x16xi32>,
      %get3A_322 = vector.shape_cast %get3A_321 : vector<1x16xi32> to vector<16xi32>
      %shift_right_logical3A_323 = arith.constant 14 : i32
      %shift_right_logical3A_324 = vector.broadcast %shift_right_logical3A_323 : i32 to vector<16xi32>
      %shift_right_logical3A_325 = arith.shrui %get3A_322, %shift_right_logical3A_324 : vector<16xi32>
      %swap3A_326 = arith.constant 0 : i32
      %swap3A_327 = arith.index_cast %swap3A_326 : i32 to index
      %swap3A_328 = arith.constant 32 : index
      %swap3A_329 = tpu.vector_load %arg6[%swap3A_327, %swap3A_328] {strides = array<i32>} : memref<3x80xi32, #tpu.memory_space<vmem>>, vector<1x16xi32>,
      %swap3A_330 = vector.shape_cast %swap3A_329 : vector<1x16xi32> to vector<16xi32>
      %swap3A_331 = vector.shape_cast %shift_right_logical3A_325 : vector<16xi32> to vector<1x16xi32>
      tpu.vector_store %arg6[%swap3A_327, %swap3A_328], %swap3A_331 {strides = array<i32>} : memref<3x80xi32, #tpu.memory_space<vmem>>, vector<1x16xi32>,
      %get3A_332 = arith.index_cast %add3A_286 : i32 to index
      %get3A_333 = arith.constant 48 : index
      %get3A_334 = tpu.vector_load %arg5[%get3A_332, %get3A_333] {strides = array<i32>} : memref<126x80xi32, #tpu.memory_space<vmem>>, vector<1x16xi32>,
      %get3A_335 = vector.shape_cast %get3A_334 : vector<1x16xi32> to vector<16xi32>
      %shift_right_logical3A_336 = arith.constant 14 : i32
      %shift_right_logical3A_337 = vector.broadcast %shift_right_logical3A_336 : i32 to vector<16xi32>
      %shift_right_logical3A_338 = arith.shrui %get3A_335, %shift_right_logical3A_337 : vector<16xi32>
      %swap3A_339 = arith.constant 0 : i32
      %swap3A_340 = arith.index_cast %swap3A_339 : i32 to index
      %swap3A_341 = arith.constant 48 : index
      %swap3A_342 = tpu.vector_load %arg6[%swap3A_340, %swap3A_341] {strides = array<i32>} : memref<3x80xi32, #tpu.memory_space<vmem>>, vector<1x16xi32>,
      %swap3A_343 = vector.shape_cast %swap3A_342 : vector<1x16xi32> to vector<16xi32>
      %swap3A_344 = vector.shape_cast %shift_right_logical3A_338 : vector<16xi32> to vector<1x16xi32>
      tpu.vector_store %arg6[%swap3A_340, %swap3A_341], %swap3A_344 {strides = array<i32>} : memref<3x80xi32, #tpu.memory_space<vmem>>, vector<1x16xi32>,
      %get3A_345 = arith.index_cast %add3A_286 : i32 to index
      %get3A_346 = arith.constant 64 : index
      %get3A_347 = tpu.vector_load %arg5[%get3A_345, %get3A_346] {strides = array<i32>} : memref<126x80xi32, #tpu.memory_space<vmem>>, vector<1x16xi32>,
      %get3A_348 = vector.shape_cast %get3A_347 : vector<1x16xi32> to vector<16xi32>
      %shift_right_logical3A_349 = arith.constant 14 : i32
      %shift_right_logical3A_350 = vector.broadcast %shift_right_logical3A_349 : i32 to vector<16xi32>
      %shift_right_logical3A_351 = arith.shrui %get3A_348, %shift_right_logical3A_350 : vector<16xi32>
      %swap3A_352 = arith.constant 0 : i32
      %swap3A_353 = arith.index_cast %swap3A_352 : i32 to index
      %swap3A_354 = arith.constant 64 : index
      %swap3A_355 = tpu.vector_load %arg6[%swap3A_353, %swap3A_354] {strides = array<i32>} : memref<3x80xi32, #tpu.memory_space<vmem>>, vector<1x16xi32>,
      %swap3A_356 = vector.shape_cast %swap3A_355 : vector<1x16xi32> to vector<16xi32>
      %swap3A_357 = vector.shape_cast %shift_right_logical3A_351 : vector<16xi32> to vector<1x16xi32>
      tpu.vector_store %arg6[%swap3A_353, %swap3A_354], %swap3A_357 {strides = array<i32>} : memref<3x80xi32, #tpu.memory_space<vmem>>, vector<1x16xi32>,
      %dma_start3A_358 = arith.constant 0 : i32
      %dma_start3A_359 = arith.constant 0 : i32
      %dma_start3A_360 = tpu.memref_slice %arg6[%dma_start3A_358, %dma_start3A_359] : memref<3x80xi32, #tpu.memory_space<vmem>> -> memref<1x80xi32, #tpu.memory_space<vmem>>
      %dma_start3A_361 = tpu.memref_squeeze %dma_start3A_360 : memref<1x80xi32, #tpu.memory_space<vmem>> -> memref<80xi32, #tpu.memory_space<vmem>>
      %dma_start3A_362 = arith.constant 0 : i32
      %dma_start3A_363 = arith.constant 0 : i32
      %dma_start3A_364 = tpu.memref_slice %arg11[%dma_start3A_362, %dma_start3A_363] : memref<10112x128xf32, #tpu.memory_space<vmem_shared>> -> memref<10112x128xf32, #tpu.memory_space<vmem_shared>>
      tpu.enqueue_indirect_dma source(%arg8 : memref<80x128xf32, #tpu.memory_space<vmem>>) target(%dma_start3A_364 : memref<10112x128xf32, #tpu.memory_space<vmem_shared>>) offsets(%dma_start3A_361 : memref<80xi32, #tpu.memory_space<vmem>>) semaphore(%arg15 : memref<!tpu.dma_semaphore, #tpu.memory_space<semaphore_mem>>) {add = true}
      %add3A_365 = arith.constant 3 : i32
      %add3A_366 = arith.addi %add3A_286, %add3A_365 : i32
      %sub3A = arith.constant 1 : i32
      %sub3A_367 = arith.subi %add3A_366, %sub3A : i32
      %lt3A = arith.constant 126 : i32
      %lt3A_368 = arith.cmpi slt, %sub3A_367, %lt3A : i32
      %ge3A = arith.constant 3 : i32
      %ge3A_369 = arith.cmpi sge, %sub3A_367, %ge3A : i32
      %and3A_370 = arith.andi %lt3A_368, %ge3A_369 : i1
      %convert_element_type3A = arith.extui %and3A_370 : i1 to i32
      %cond3A = arith.constant 0 : i32
      %cond3A_371 = arith.cmpi ne, %convert_element_type3A, %cond3A : i32
      scf.if %cond3A_371 {
        %dma_wait3A_558 = arith.constant 2 : i32
        %dma_wait3A_559 = arith.constant 0 : i32
        %dma_wait3A_560 = tpu.memref_slice %arg6[%dma_wait3A_558, %dma_wait3A_559] : memref<3x80xi32, #tpu.memory_space<vmem>> -> memref<1x80xi32, #tpu.memory_space<vmem>>
        %dma_wait3A_561 = tpu.memref_squeeze %dma_wait3A_560 : memref<1x80xi32, #tpu.memory_space<vmem>> -> memref<80xi32, #tpu.memory_space<vmem>>
        %dma_wait3A_562 = arith.constant 0 : i32
        %dma_wait3A_563 = arith.constant 0 : i32
        %dma_wait3A_564 = tpu.memref_slice %arg11[%dma_wait3A_562, %dma_wait3A_563] : memref<10112x128xf32, #tpu.memory_space<vmem_shared>> -> memref<10112x128xf32, #tpu.memory_space<vmem_shared>>
        tpu.wait_indirect_dma semaphore(%arg17 : memref<!tpu.dma_semaphore, #tpu.memory_space<semaphore_mem>>) src(%arg10 : memref<80x128xf32, #tpu.memory_space<vmem>>) dst(%dma_wait3A_564 : memref<10112x128xf32, #tpu.memory_space<vmem_shared>>)
        %get3A_565 = arith.index_cast %sub3A_367 : i32 to index
        %get3A_566 = arith.constant 0 : index
        %get3A_567 = tpu.vector_load %arg5[%get3A_565, %get3A_566] {strides = array<i32>} : memref<126x80xi32, #tpu.memory_space<vmem>>, vector<1x16xi32>,
        %get3A_568 = vector.shape_cast %get3A_567 : vector<1x16xi32> to vector<16xi32>
        %and3A_569 = arith.constant 16383 : i32
        %and3A_570 = vector.broadcast %and3A_569 : i32 to vector<16xi32>
        %and3A_571 = arith.andi %get3A_568, %and3A_570 : vector<16xi32>
        %swap3A_572 = arith.constant 2 : i32
        %swap3A_573 = arith.index_cast %swap3A_572 : i32 to index
        %swap3A_574 = arith.constant 0 : index
        %swap3A_575 = tpu.vector_load %arg7[%swap3A_573, %swap3A_574] {strides = array<i32>} : memref<3x80xi32, #tpu.memory_space<vmem>>, vector<1x16xi32>,
        %swap3A_576 = vector.shape_cast %swap3A_575 : vector<1x16xi32> to vector<16xi32>
        %swap3A_577 = vector.shape_cast %and3A_571 : vector<16xi32> to vector<1x16xi32>
        tpu.vector_store %arg7[%swap3A_573, %swap3A_574], %swap3A_577 {strides = array<i32>} : memref<3x80xi32, #tpu.memory_space<vmem>>, vector<1x16xi32>,
        %get3A_578 = arith.index_cast %sub3A_367 : i32 to index
        %get3A_579 = arith.constant 16 : index
        %get3A_580 = tpu.vector_load %arg5[%get3A_578, %get3A_579] {strides = array<i32>} : memref<126x80xi32, #tpu.memory_space<vmem>>, vector<1x16xi32>,
        %get3A_581 = vector.shape_cast %get3A_580 : vector<1x16xi32> to vector<16xi32>
        %and3A_582 = arith.constant 16383 : i32
        %and3A_583 = vector.broadcast %and3A_582 : i32 to vector<16xi32>
        %and3A_584 = arith.andi %get3A_581, %and3A_583 : vector<16xi32>
        %swap3A_585 = arith.constant 2 : i32
        %swap3A_586 = arith.index_cast %swap3A_585 : i32 to index
        %swap3A_587 = arith.constant 16 : index
        %swap3A_588 = tpu.vector_load %arg7[%swap3A_586, %swap3A_587] {strides = array<i32>} : memref<3x80xi32, #tpu.memory_space<vmem>>, vector<1x16xi32>,
        %swap3A_589 = vector.shape_cast %swap3A_588 : vector<1x16xi32> to vector<16xi32>
        %swap3A_590 = vector.shape_cast %and3A_584 : vector<16xi32> to vector<1x16xi32>
        tpu.vector_store %arg7[%swap3A_586, %swap3A_587], %swap3A_590 {strides = array<i32>} : memref<3x80xi32, #tpu.memory_space<vmem>>, vector<1x16xi32>,
        %get3A_591 = arith.index_cast %sub3A_367 : i32 to index
        %get3A_592 = arith.constant 32 : index
        %get3A_593 = tpu.vector_load %arg5[%get3A_591, %get3A_592] {strides = array<i32>} : memref<126x80xi32, #tpu.memory_space<vmem>>, vector<1x16xi32>,
        %get3A_594 = vector.shape_cast %get3A_593 : vector<1x16xi32> to vector<16xi32>
        %and3A_595 = arith.constant 16383 : i32
        %and3A_596 = vector.broadcast %and3A_595 : i32 to vector<16xi32>
        %and3A_597 = arith.andi %get3A_594, %and3A_596 : vector<16xi32>
        %swap3A_598 = arith.constant 2 : i32
        %swap3A_599 = arith.index_cast %swap3A_598 : i32 to index
        %swap3A_600 = arith.constant 32 : index
        %swap3A_601 = tpu.vector_load %arg7[%swap3A_599, %swap3A_600] {strides = array<i32>} : memref<3x80xi32, #tpu.memory_space<vmem>>, vector<1x16xi32>,
        %swap3A_602 = vector.shape_cast %swap3A_601 : vector<1x16xi32> to vector<16xi32>
        %swap3A_603 = vector.shape_cast %and3A_597 : vector<16xi32> to vector<1x16xi32>
        tpu.vector_store %arg7[%swap3A_599, %swap3A_600], %swap3A_603 {strides = array<i32>} : memref<3x80xi32, #tpu.memory_space<vmem>>, vector<1x16xi32>,
        %get3A_604 = arith.index_cast %sub3A_367 : i32 to index
        %get3A_605 = arith.constant 48 : index
        %get3A_606 = tpu.vector_load %arg5[%get3A_604, %get3A_605] {strides = array<i32>} : memref<126x80xi32, #tpu.memory_space<vmem>>, vector<1x16xi32>,
        %get3A_607 = vector.shape_cast %get3A_606 : vector<1x16xi32> to vector<16xi32>
        %and3A_608 = arith.constant 16383 : i32
        %and3A_609 = vector.broadcast %and3A_608 : i32 to vector<16xi32>
        %and3A_610 = arith.andi %get3A_607, %and3A_609 : vector<16xi32>
        %swap3A_611 = arith.constant 2 : i32
        %swap3A_612 = arith.index_cast %swap3A_611 : i32 to index
        %swap3A_613 = arith.constant 48 : index
        %swap3A_614 = tpu.vector_load %arg7[%swap3A_612, %swap3A_613] {strides = array<i32>} : memref<3x80xi32, #tpu.memory_space<vmem>>, vector<1x16xi32>,
        %swap3A_615 = vector.shape_cast %swap3A_614 : vector<1x16xi32> to vector<16xi32>
        %swap3A_616 = vector.shape_cast %and3A_610 : vector<16xi32> to vector<1x16xi32>
        tpu.vector_store %arg7[%swap3A_612, %swap3A_613], %swap3A_616 {strides = array<i32>} : memref<3x80xi32, #tpu.memory_space<vmem>>, vector<1x16xi32>,
        %get3A_617 = arith.index_cast %sub3A_367 : i32 to index
        %get3A_618 = arith.constant 64 : index
        %get3A_619 = tpu.vector_load %arg5[%get3A_617, %get3A_618] {strides = array<i32>} : memref<126x80xi32, #tpu.memory_space<vmem>>, vector<1x16xi32>,
        %get3A_620 = vector.shape_cast %get3A_619 : vector<1x16xi32> to vector<16xi32>
        %and3A_621 = arith.constant 16383 : i32
        %and3A_622 = vector.broadcast %and3A_621 : i32 to vector<16xi32>
        %and3A_623 = arith.andi %get3A_620, %and3A_622 : vector<16xi32>
        %swap3A_624 = arith.constant 2 : i32
        %swap3A_625 = arith.index_cast %swap3A_624 : i32 to index
        %swap3A_626 = arith.constant 64 : index
        %swap3A_627 = tpu.vector_load %arg7[%swap3A_625, %swap3A_626] {strides = array<i32>} : memref<3x80xi32, #tpu.memory_space<vmem>>, vector<1x16xi32>,
        %swap3A_628 = vector.shape_cast %swap3A_627 : vector<1x16xi32> to vector<16xi32>
        %swap3A_629 = vector.shape_cast %and3A_623 : vector<16xi32> to vector<1x16xi32>
        tpu.vector_store %arg7[%swap3A_625, %swap3A_626], %swap3A_629 {strides = array<i32>} : memref<3x80xi32, #tpu.memory_space<vmem>>, vector<1x16xi32>,
        %dma_start3A_630 = arith.constant 2 : i32
        %dma_start3A_631 = arith.constant 0 : i32
        %dma_start3A_632 = tpu.memref_slice %arg7[%dma_start3A_630, %dma_start3A_631] : memref<3x80xi32, #tpu.memory_space<vmem>> -> memref<1x80xi32, #tpu.memory_space<vmem>>
        %dma_start3A_633 = tpu.memref_squeeze %dma_start3A_632 : memref<1x80xi32, #tpu.memory_space<vmem>> -> memref<80xi32, #tpu.memory_space<vmem>>
        %dma_start3A_634 = arith.constant 0 : i32
        %dma_start3A_635 = arith.constant 0 : i32
        %dma_start3A_636 = tpu.memref_slice %arg3[%dma_start3A_634, %dma_start3A_635] : memref<10240x128xf32, #tpu.memory_space<hbm>> -> memref<10240x128xf32, #tpu.memory_space<hbm>>
        tpu.enqueue_indirect_dma source(%dma_start3A_636 : memref<10240x128xf32, #tpu.memory_space<hbm>>) target(%arg10 : memref<80x128xf32, #tpu.memory_space<vmem>>) offsets(%dma_start3A_633 : memref<80xi32, #tpu.memory_space<vmem>>) semaphore(%arg14 : memref<!tpu.dma_semaphore, #tpu.memory_space<semaphore_mem>>)
      } else {
      }
      %add3A_372 = arith.constant 1 : i32
      %add3A_373 = arith.addi %mul3A_284, %add3A_372 : i32
      %dma_wait3A_374 = arith.constant 1 : i32
      %dma_wait3A_375 = arith.constant 0 : i32
      %dma_wait3A_376 = tpu.memref_slice %arg7[%dma_wait3A_374, %dma_wait3A_375] : memref<3x80xi32, #tpu.memory_space<vmem>> -> memref<1x80xi32, #tpu.memory_space<vmem>>
      %dma_wait3A_377 = tpu.memref_squeeze %dma_wait3A_376 : memref<1x80xi32, #tpu.memory_space<vmem>> -> memref<80xi32, #tpu.memory_space<vmem>>
      %dma_wait3A_378 = arith.constant 0 : i32
      %dma_wait3A_379 = arith.constant 0 : i32
      %dma_wait3A_380 = tpu.memref_slice %arg3[%dma_wait3A_378, %dma_wait3A_379] : memref<10240x128xf32, #tpu.memory_space<hbm>> -> memref<10240x128xf32, #tpu.memory_space<hbm>>
      tpu.wait_indirect_dma semaphore(%arg13 : memref<!tpu.dma_semaphore, #tpu.memory_space<semaphore_mem>>) src(%dma_wait3A_380 : memref<10240x128xf32, #tpu.memory_space<hbm>>) dst(%arg9 : memref<80x128xf32, #tpu.memory_space<vmem>>)
      %get3A_381 = arith.index_cast %add3A_373 : i32 to index
      %get3A_382 = arith.constant 0 : index
      %get3A_383 = tpu.vector_load %arg5[%get3A_381, %get3A_382] {strides = array<i32>} : memref<126x80xi32, #tpu.memory_space<vmem>>, vector<1x16xi32>,
      %get3A_384 = vector.shape_cast %get3A_383 : vector<1x16xi32> to vector<16xi32>
      %shift_right_logical3A_385 = arith.constant 14 : i32
      %shift_right_logical3A_386 = vector.broadcast %shift_right_logical3A_385 : i32 to vector<16xi32>
      %shift_right_logical3A_387 = arith.shrui %get3A_384, %shift_right_logical3A_386 : vector<16xi32>
      %swap3A_388 = arith.constant 1 : i32
      %swap3A_389 = arith.index_cast %swap3A_388 : i32 to index
      %swap3A_390 = arith.constant 0 : index
      %swap3A_391 = tpu.vector_load %arg6[%swap3A_389, %swap3A_390] {strides = array<i32>} : memref<3x80xi32, #tpu.memory_space<vmem>>, vector<1x16xi32>,
      %swap3A_392 = vector.shape_cast %swap3A_391 : vector<1x16xi32> to vector<16xi32>
      %swap3A_393 = vector.shape_cast %shift_right_logical3A_387 : vector<16xi32> to vector<1x16xi32>
      tpu.vector_store %arg6[%swap3A_389, %swap3A_390], %swap3A_393 {strides = array<i32>} : memref<3x80xi32, #tpu.memory_space<vmem>>, vector<1x16xi32>,
      %get3A_394 = arith.index_cast %add3A_373 : i32 to index
      %get3A_395 = arith.constant 16 : index
      %get3A_396 = tpu.vector_load %arg5[%get3A_394, %get3A_395] {strides = array<i32>} : memref<126x80xi32, #tpu.memory_space<vmem>>, vector<1x16xi32>,
      %get3A_397 = vector.shape_cast %get3A_396 : vector<1x16xi32> to vector<16xi32>
      %shift_right_logical3A_398 = arith.constant 14 : i32
      %shift_right_logical3A_399 = vector.broadcast %shift_right_logical3A_398 : i32 to vector<16xi32>
      %shift_right_logical3A_400 = arith.shrui %get3A_397, %shift_right_logical3A_399 : vector<16xi32>
      %swap3A_401 = arith.constant 1 : i32
      %swap3A_402 = arith.index_cast %swap3A_401 : i32 to index
      %swap3A_403 = arith.constant 16 : index
      %swap3A_404 = tpu.vector_load %arg6[%swap3A_402, %swap3A_403] {strides = array<i32>} : memref<3x80xi32, #tpu.memory_space<vmem>>, vector<1x16xi32>,
      %swap3A_405 = vector.shape_cast %swap3A_404 : vector<1x16xi32> to vector<16xi32>
      %swap3A_406 = vector.shape_cast %shift_right_logical3A_400 : vector<16xi32> to vector<1x16xi32>
      tpu.vector_store %arg6[%swap3A_402, %swap3A_403], %swap3A_406 {strides = array<i32>} : memref<3x80xi32, #tpu.memory_space<vmem>>, vector<1x16xi32>,
      %get3A_407 = arith.index_cast %add3A_373 : i32 to index
      %get3A_408 = arith.constant 32 : index
      %get3A_409 = tpu.vector_load %arg5[%get3A_407, %get3A_408] {strides = array<i32>} : memref<126x80xi32, #tpu.memory_space<vmem>>, vector<1x16xi32>,
      %get3A_410 = vector.shape_cast %get3A_409 : vector<1x16xi32> to vector<16xi32>
      %shift_right_logical3A_411 = arith.constant 14 : i32
      %shift_right_logical3A_412 = vector.broadcast %shift_right_logical3A_411 : i32 to vector<16xi32>
      %shift_right_logical3A_413 = arith.shrui %get3A_410, %shift_right_logical3A_412 : vector<16xi32>
      %swap3A_414 = arith.constant 1 : i32
      %swap3A_415 = arith.index_cast %swap3A_414 : i32 to index
      %swap3A_416 = arith.constant 32 : index
      %swap3A_417 = tpu.vector_load %arg6[%swap3A_415, %swap3A_416] {strides = array<i32>} : memref<3x80xi32, #tpu.memory_space<vmem>>, vector<1x16xi32>,
      %swap3A_418 = vector.shape_cast %swap3A_417 : vector<1x16xi32> to vector<16xi32>
      %swap3A_419 = vector.shape_cast %shift_right_logical3A_413 : vector<16xi32> to vector<1x16xi32>
      tpu.vector_store %arg6[%swap3A_415, %swap3A_416], %swap3A_419 {strides = array<i32>} : memref<3x80xi32, #tpu.memory_space<vmem>>, vector<1x16xi32>,
      %get3A_420 = arith.index_cast %add3A_373 : i32 to index
      %get3A_421 = arith.constant 48 : index
      %get3A_422 = tpu.vector_load %arg5[%get3A_420, %get3A_421] {strides = array<i32>} : memref<126x80xi32, #tpu.memory_space<vmem>>, vector<1x16xi32>,
      %get3A_423 = vector.shape_cast %get3A_422 : vector<1x16xi32> to vector<16xi32>
      %shift_right_logical3A_424 = arith.constant 14 : i32
      %shift_right_logical3A_425 = vector.broadcast %shift_right_logical3A_424 : i32 to vector<16xi32>
      %shift_right_logical3A_426 = arith.shrui %get3A_423, %shift_right_logical3A_425 : vector<16xi32>
      %swap3A_427 = arith.constant 1 : i32
      %swap3A_428 = arith.index_cast %swap3A_427 : i32 to index
      %swap3A_429 = arith.constant 48 : index
      %swap3A_430 = tpu.vector_load %arg6[%swap3A_428, %swap3A_429] {strides = array<i32>} : memref<3x80xi32, #tpu.memory_space<vmem>>, vector<1x16xi32>,
      %swap3A_431 = vector.shape_cast %swap3A_430 : vector<1x16xi32> to vector<16xi32>
      %swap3A_432 = vector.shape_cast %shift_right_logical3A_426 : vector<16xi32> to vector<1x16xi32>
      tpu.vector_store %arg6[%swap3A_428, %swap3A_429], %swap3A_432 {strides = array<i32>} : memref<3x80xi32, #tpu.memory_space<vmem>>, vector<1x16xi32>,
      %get3A_433 = arith.index_cast %add3A_373 : i32 to index
      %get3A_434 = arith.constant 64 : index
      %get3A_435 = tpu.vector_load %arg5[%get3A_433, %get3A_434] {strides = array<i32>} : memref<126x80xi32, #tpu.memory_space<vmem>>, vector<1x16xi32>,
      %get3A_436 = vector.shape_cast %get3A_435 : vector<1x16xi32> to vector<16xi32>
      %shift_right_logical3A_437 = arith.constant 14 : i32
      %shift_right_logical3A_438 = vector.broadcast %shift_right_logical3A_437 : i32 to vector<16xi32>
      %shift_right_logical3A_439 = arith.shrui %get3A_436, %shift_right_logical3A_438 : vector<16xi32>
      %swap3A_440 = arith.constant 1 : i32
      %swap3A_441 = arith.index_cast %swap3A_440 : i32 to index
      %swap3A_442 = arith.constant 64 : index
      %swap3A_443 = tpu.vector_load %arg6[%swap3A_441, %swap3A_442] {strides = array<i32>} : memref<3x80xi32, #tpu.memory_space<vmem>>, vector<1x16xi32>,
      %swap3A_444 = vector.shape_cast %swap3A_443 : vector<1x16xi32> to vector<16xi32>
      %swap3A_445 = vector.shape_cast %shift_right_logical3A_439 : vector<16xi32> to vector<1x16xi32>
      tpu.vector_store %arg6[%swap3A_441, %swap3A_442], %swap3A_445 {strides = array<i32>} : memref<3x80xi32, #tpu.memory_space<vmem>>, vector<1x16xi32>,
      %dma_start3A_446 = arith.constant 1 : i32
      %dma_start3A_447 = arith.constant 0 : i32
      %dma_start3A_448 = tpu.memref_slice %arg6[%dma_start3A_446, %dma_start3A_447] : memref<3x80xi32, #tpu.memory_space<vmem>> -> memref<1x80xi32, #tpu.memory_space<vmem>>
      %dma_start3A_449 = tpu.memref_squeeze %dma_start3A_448 : memref<1x80xi32, #tpu.memory_space<vmem>> -> memref<80xi32, #tpu.memory_space<vmem>>
      %dma_start3A_450 = arith.constant 0 : i32
      %dma_start3A_451 = arith.constant 0 : i32
      %dma_start3A_452 = tpu.memref_slice %arg11[%dma_start3A_450, %dma_start3A_451] : memref<10112x128xf32, #tpu.memory_space<vmem_shared>> -> memref<10112x128xf32, #tpu.memory_space<vmem_shared>>
      tpu.enqueue_indirect_dma source(%arg9 : memref<80x128xf32, #tpu.memory_space<vmem>>) target(%dma_start3A_452 : memref<10112x128xf32, #tpu.memory_space<vmem_shared>>) offsets(%dma_start3A_449 : memref<80xi32, #tpu.memory_space<vmem>>) semaphore(%arg16 : memref<!tpu.dma_semaphore, #tpu.memory_space<semaphore_mem>>) {add = true}
      %add3A_453 = arith.constant 3 : i32
      %add3A_454 = arith.addi %add3A_373, %add3A_453 : i32
      %sub3A_455 = arith.constant 1 : i32
      %sub3A_456 = arith.subi %add3A_454, %sub3A_455 : i32
      %lt3A_457 = arith.constant 126 : i32
      %lt3A_458 = arith.cmpi slt, %sub3A_456, %lt3A_457 : i32
      %ge3A_459 = arith.constant 3 : i32
      %ge3A_460 = arith.cmpi sge, %sub3A_456, %ge3A_459 : i32
      %and3A_461 = arith.andi %lt3A_458, %ge3A_460 : i1
      %convert_element_type3A_462 = arith.extui %and3A_461 : i1 to i32
      %cond3A_463 = arith.constant 0 : i32
      %cond3A_464 = arith.cmpi ne, %convert_element_type3A_462, %cond3A_463 : i32
      scf.if %cond3A_464 {
        %dma_wait3A_558 = arith.constant 0 : i32
        %dma_wait3A_559 = arith.constant 0 : i32
        %dma_wait3A_560 = tpu.memref_slice %arg6[%dma_wait3A_558, %dma_wait3A_559] : memref<3x80xi32, #tpu.memory_space<vmem>> -> memref<1x80xi32, #tpu.memory_space<vmem>>
        %dma_wait3A_561 = tpu.memref_squeeze %dma_wait3A_560 : memref<1x80xi32, #tpu.memory_space<vmem>> -> memref<80xi32, #tpu.memory_space<vmem>>
        %dma_wait3A_562 = arith.constant 0 : i32
        %dma_wait3A_563 = arith.constant 0 : i32
        %dma_wait3A_564 = tpu.memref_slice %arg11[%dma_wait3A_562, %dma_wait3A_563] : memref<10112x128xf32, #tpu.memory_space<vmem_shared>> -> memref<10112x128xf32, #tpu.memory_space<vmem_shared>>
        tpu.wait_indirect_dma semaphore(%arg15 : memref<!tpu.dma_semaphore, #tpu.memory_space<semaphore_mem>>) src(%arg8 : memref<80x128xf32, #tpu.memory_space<vmem>>) dst(%dma_wait3A_564 : memref<10112x128xf32, #tpu.memory_space<vmem_shared>>)
        %get3A_565 = arith.index_cast %sub3A_456 : i32 to index
        %get3A_566 = arith.constant 0 : index
        %get3A_567 = tpu.vector_load %arg5[%get3A_565, %get3A_566] {strides = array<i32>} : memref<126x80xi32, #tpu.memory_space<vmem>>, vector<1x16xi32>,
        %get3A_568 = vector.shape_cast %get3A_567 : vector<1x16xi32> to vector<16xi32>
        %and3A_569 = arith.constant 16383 : i32
        %and3A_570 = vector.broadcast %and3A_569 : i32 to vector<16xi32>
        %and3A_571 = arith.andi %get3A_568, %and3A_570 : vector<16xi32>
        %swap3A_572 = arith.constant 0 : i32
        %swap3A_573 = arith.index_cast %swap3A_572 : i32 to index
        %swap3A_574 = arith.constant 0 : index
        %swap3A_575 = tpu.vector_load %arg7[%swap3A_573, %swap3A_574] {strides = array<i32>} : memref<3x80xi32, #tpu.memory_space<vmem>>, vector<1x16xi32>,
        %swap3A_576 = vector.shape_cast %swap3A_575 : vector<1x16xi32> to vector<16xi32>
        %swap3A_577 = vector.shape_cast %and3A_571 : vector<16xi32> to vector<1x16xi32>
        tpu.vector_store %arg7[%swap3A_573, %swap3A_574], %swap3A_577 {strides = array<i32>} : memref<3x80xi32, #tpu.memory_space<vmem>>, vector<1x16xi32>,
        %get3A_578 = arith.index_cast %sub3A_456 : i32 to index
        %get3A_579 = arith.constant 16 : index
        %get3A_580 = tpu.vector_load %arg5[%get3A_578, %get3A_579] {strides = array<i32>} : memref<126x80xi32, #tpu.memory_space<vmem>>, vector<1x16xi32>,
        %get3A_581 = vector.shape_cast %get3A_580 : vector<1x16xi32> to vector<16xi32>
        %and3A_582 = arith.constant 16383 : i32
        %and3A_583 = vector.broadcast %and3A_582 : i32 to vector<16xi32>
        %and3A_584 = arith.andi %get3A_581, %and3A_583 : vector<16xi32>
        %swap3A_585 = arith.constant 0 : i32
        %swap3A_586 = arith.index_cast %swap3A_585 : i32 to index
        %swap3A_587 = arith.constant 16 : index
        %swap3A_588 = tpu.vector_load %arg7[%swap3A_586, %swap3A_587] {strides = array<i32>} : memref<3x80xi32, #tpu.memory_space<vmem>>, vector<1x16xi32>,
        %swap3A_589 = vector.shape_cast %swap3A_588 : vector<1x16xi32> to vector<16xi32>
        %swap3A_590 = vector.shape_cast %and3A_584 : vector<16xi32> to vector<1x16xi32>
        tpu.vector_store %arg7[%swap3A_586, %swap3A_587], %swap3A_590 {strides = array<i32>} : memref<3x80xi32, #tpu.memory_space<vmem>>, vector<1x16xi32>,
        %get3A_591 = arith.index_cast %sub3A_456 : i32 to index
        %get3A_592 = arith.constant 32 : index
        %get3A_593 = tpu.vector_load %arg5[%get3A_591, %get3A_592] {strides = array<i32>} : memref<126x80xi32, #tpu.memory_space<vmem>>, vector<1x16xi32>,
        %get3A_594 = vector.shape_cast %get3A_593 : vector<1x16xi32> to vector<16xi32>
        %and3A_595 = arith.constant 16383 : i32
        %and3A_596 = vector.broadcast %and3A_595 : i32 to vector<16xi32>
        %and3A_597 = arith.andi %get3A_594, %and3A_596 : vector<16xi32>
        %swap3A_598 = arith.constant 0 : i32
        %swap3A_599 = arith.index_cast %swap3A_598 : i32 to index
        %swap3A_600 = arith.constant 32 : index
        %swap3A_601 = tpu.vector_load %arg7[%swap3A_599, %swap3A_600] {strides = array<i32>} : memref<3x80xi32, #tpu.memory_space<vmem>>, vector<1x16xi32>,
        %swap3A_602 = vector.shape_cast %swap3A_601 : vector<1x16xi32> to vector<16xi32>
        %swap3A_603 = vector.shape_cast %and3A_597 : vector<16xi32> to vector<1x16xi32>
        tpu.vector_store %arg7[%swap3A_599, %swap3A_600], %swap3A_603 {strides = array<i32>} : memref<3x80xi32, #tpu.memory_space<vmem>>, vector<1x16xi32>,
        %get3A_604 = arith.index_cast %sub3A_456 : i32 to index
        %get3A_605 = arith.constant 48 : index
        %get3A_606 = tpu.vector_load %arg5[%get3A_604, %get3A_605] {strides = array<i32>} : memref<126x80xi32, #tpu.memory_space<vmem>>, vector<1x16xi32>,
        %get3A_607 = vector.shape_cast %get3A_606 : vector<1x16xi32> to vector<16xi32>
        %and3A_608 = arith.constant 16383 : i32
        %and3A_609 = vector.broadcast %and3A_608 : i32 to vector<16xi32>
        %and3A_610 = arith.andi %get3A_607, %and3A_609 : vector<16xi32>
        %swap3A_611 = arith.constant 0 : i32
        %swap3A_612 = arith.index_cast %swap3A_611 : i32 to index
        %swap3A_613 = arith.constant 48 : index
        %swap3A_614 = tpu.vector_load %arg7[%swap3A_612, %swap3A_613] {strides = array<i32>} : memref<3x80xi32, #tpu.memory_space<vmem>>, vector<1x16xi32>,
        %swap3A_615 = vector.shape_cast %swap3A_614 : vector<1x16xi32> to vector<16xi32>
        %swap3A_616 = vector.shape_cast %and3A_610 : vector<16xi32> to vector<1x16xi32>
        tpu.vector_store %arg7[%swap3A_612, %swap3A_613], %swap3A_616 {strides = array<i32>} : memref<3x80xi32, #tpu.memory_space<vmem>>, vector<1x16xi32>,
        %get3A_617 = arith.index_cast %sub3A_456 : i32 to index
        %get3A_618 = arith.constant 64 : index
        %get3A_619 = tpu.vector_load %arg5[%get3A_617, %get3A_618] {strides = array<i32>} : memref<126x80xi32, #tpu.memory_space<vmem>>, vector<1x16xi32>,
        %get3A_620 = vector.shape_cast %get3A_619 : vector<1x16xi32> to vector<16xi32>
        %and3A_621 = arith.constant 16383 : i32
        %and3A_622 = vector.broadcast %and3A_621 : i32 to vector<16xi32>
        %and3A_623 = arith.andi %get3A_620, %and3A_622 : vector<16xi32>
        %swap3A_624 = arith.constant 0 : i32
        %swap3A_625 = arith.index_cast %swap3A_624 : i32 to index
        %swap3A_626 = arith.constant 64 : index
        %swap3A_627 = tpu.vector_load %arg7[%swap3A_625, %swap3A_626] {strides = array<i32>} : memref<3x80xi32, #tpu.memory_space<vmem>>, vector<1x16xi32>,
        %swap3A_628 = vector.shape_cast %swap3A_627 : vector<1x16xi32> to vector<16xi32>
        %swap3A_629 = vector.shape_cast %and3A_623 : vector<16xi32> to vector<1x16xi32>
        tpu.vector_store %arg7[%swap3A_625, %swap3A_626], %swap3A_629 {strides = array<i32>} : memref<3x80xi32, #tpu.memory_space<vmem>>, vector<1x16xi32>,
        %dma_start3A_630 = arith.constant 0 : i32
        %dma_start3A_631 = arith.constant 0 : i32
        %dma_start3A_632 = tpu.memref_slice %arg7[%dma_start3A_630, %dma_start3A_631] : memref<3x80xi32, #tpu.memory_space<vmem>> -> memref<1x80xi32, #tpu.memory_space<vmem>>
        %dma_start3A_633 = tpu.memref_squeeze %dma_start3A_632 : memref<1x80xi32, #tpu.memory_space<vmem>> -> memref<80xi32, #tpu.memory_space<vmem>>
        %dma_start3A_634 = arith.constant 0 : i32
        %dma_start3A_635 = arith.constant 0 : i32
        %dma_start3A_636 = tpu.memref_slice %arg3[%dma_start3A_634, %dma_start3A_635] : memref<10240x128xf32, #tpu.memory_space<hbm>> -> memref<10240x128xf32, #tpu.memory_space<hbm>>
        tpu.enqueue_indirect_dma source(%dma_start3A_636 : memref<10240x128xf32, #tpu.memory_space<hbm>>) target(%arg8 : memref<80x128xf32, #tpu.memory_space<vmem>>) offsets(%dma_start3A_633 : memref<80xi32, #tpu.memory_space<vmem>>) semaphore(%arg12 : memref<!tpu.dma_semaphore, #tpu.memory_space<semaphore_mem>>)
      } else {
      }
      %add3A_465 = arith.constant 2 : i32
      %add3A_466 = arith.addi %mul3A_284, %add3A_465 : i32
      %dma_wait3A_467 = arith.constant 2 : i32
      %dma_wait3A_468 = arith.constant 0 : i32
      %dma_wait3A_469 = tpu.memref_slice %arg7[%dma_wait3A_467, %dma_wait3A_468] : memref<3x80xi32, #tpu.memory_space<vmem>> -> memref<1x80xi32, #tpu.memory_space<vmem>>
      %dma_wait3A_470 = tpu.memref_squeeze %dma_wait3A_469 : memref<1x80xi32, #tpu.memory_space<vmem>> -> memref<80xi32, #tpu.memory_space<vmem>>
      %dma_wait3A_471 = arith.constant 0 : i32
      %dma_wait3A_472 = arith.constant 0 : i32
      %dma_wait3A_473 = tpu.memref_slice %arg3[%dma_wait3A_471, %dma_wait3A_472] : memref<10240x128xf32, #tpu.memory_space<hbm>> -> memref<10240x128xf32, #tpu.memory_space<hbm>>
      tpu.wait_indirect_dma semaphore(%arg14 : memref<!tpu.dma_semaphore, #tpu.memory_space<semaphore_mem>>) src(%dma_wait3A_473 : memref<10240x128xf32, #tpu.memory_space<hbm>>) dst(%arg10 : memref<80x128xf32, #tpu.memory_space<vmem>>)
      %get3A_474 = arith.index_cast %add3A_466 : i32 to index
      %get3A_475 = arith.constant 0 : index
      %get3A_476 = tpu.vector_load %arg5[%get3A_474, %get3A_475] {strides = array<i32>} : memref<126x80xi32, #tpu.memory_space<vmem>>, vector<1x16xi32>,
      %get3A_477 = vector.shape_cast %get3A_476 : vector<1x16xi32> to vector<16xi32>
      %shift_right_logical3A_478 = arith.constant 14 : i32
      %shift_right_logical3A_479 = vector.broadcast %shift_right_logical3A_478 : i32 to vector<16xi32>
      %shift_right_logical3A_480 = arith.shrui %get3A_477, %shift_right_logical3A_479 : vector<16xi32>
      %swap3A_481 = arith.constant 2 : i32
      %swap3A_482 = arith.index_cast %swap3A_481 : i32 to index
      %swap3A_483 = arith.constant 0 : index
      %swap3A_484 = tpu.vector_load %arg6[%swap3A_482, %swap3A_483] {strides = array<i32>} : memref<3x80xi32, #tpu.memory_space<vmem>>, vector<1x16xi32>,
      %swap3A_485 = vector.shape_cast %swap3A_484 : vector<1x16xi32> to vector<16xi32>
      %swap3A_486 = vector.shape_cast %shift_right_logical3A_480 : vector<16xi32> to vector<1x16xi32>
      tpu.vector_store %arg6[%swap3A_482, %swap3A_483], %swap3A_486 {strides = array<i32>} : memref<3x80xi32, #tpu.memory_space<vmem>>, vector<1x16xi32>,
      %get3A_487 = arith.index_cast %add3A_466 : i32 to index
      %get3A_488 = arith.constant 16 : index
      %get3A_489 = tpu.vector_load %arg5[%get3A_487, %get3A_488] {strides = array<i32>} : memref<126x80xi32, #tpu.memory_space<vmem>>, vector<1x16xi32>,
      %get3A_490 = vector.shape_cast %get3A_489 : vector<1x16xi32> to vector<16xi32>
      %shift_right_logical3A_491 = arith.constant 14 : i32
      %shift_right_logical3A_492 = vector.broadcast %shift_right_logical3A_491 : i32 to vector<16xi32>
      %shift_right_logical3A_493 = arith.shrui %get3A_490, %shift_right_logical3A_492 : vector<16xi32>
      %swap3A_494 = arith.constant 2 : i32
      %swap3A_495 = arith.index_cast %swap3A_494 : i32 to index
      %swap3A_496 = arith.constant 16 : index
      %swap3A_497 = tpu.vector_load %arg6[%swap3A_495, %swap3A_496] {strides = array<i32>} : memref<3x80xi32, #tpu.memory_space<vmem>>, vector<1x16xi32>,
      %swap3A_498 = vector.shape_cast %swap3A_497 : vector<1x16xi32> to vector<16xi32>
      %swap3A_499 = vector.shape_cast %shift_right_logical3A_493 : vector<16xi32> to vector<1x16xi32>
      tpu.vector_store %arg6[%swap3A_495, %swap3A_496], %swap3A_499 {strides = array<i32>} : memref<3x80xi32, #tpu.memory_space<vmem>>, vector<1x16xi32>,
      %get3A_500 = arith.index_cast %add3A_466 : i32 to index
      %get3A_501 = arith.constant 32 : index
      %get3A_502 = tpu.vector_load %arg5[%get3A_500, %get3A_501] {strides = array<i32>} : memref<126x80xi32, #tpu.memory_space<vmem>>, vector<1x16xi32>,
      %get3A_503 = vector.shape_cast %get3A_502 : vector<1x16xi32> to vector<16xi32>
      %shift_right_logical3A_504 = arith.constant 14 : i32
      %shift_right_logical3A_505 = vector.broadcast %shift_right_logical3A_504 : i32 to vector<16xi32>
      %shift_right_logical3A_506 = arith.shrui %get3A_503, %shift_right_logical3A_505 : vector<16xi32>
      %swap3A_507 = arith.constant 2 : i32
      %swap3A_508 = arith.index_cast %swap3A_507 : i32 to index
      %swap3A_509 = arith.constant 32 : index
      %swap3A_510 = tpu.vector_load %arg6[%swap3A_508, %swap3A_509] {strides = array<i32>} : memref<3x80xi32, #tpu.memory_space<vmem>>, vector<1x16xi32>,
      %swap3A_511 = vector.shape_cast %swap3A_510 : vector<1x16xi32> to vector<16xi32>
      %swap3A_512 = vector.shape_cast %shift_right_logical3A_506 : vector<16xi32> to vector<1x16xi32>
      tpu.vector_store %arg6[%swap3A_508, %swap3A_509], %swap3A_512 {strides = array<i32>} : memref<3x80xi32, #tpu.memory_space<vmem>>, vector<1x16xi32>,
      %get3A_513 = arith.index_cast %add3A_466 : i32 to index
      %get3A_514 = arith.constant 48 : index
      %get3A_515 = tpu.vector_load %arg5[%get3A_513, %get3A_514] {strides = array<i32>} : memref<126x80xi32, #tpu.memory_space<vmem>>, vector<1x16xi32>,
      %get3A_516 = vector.shape_cast %get3A_515 : vector<1x16xi32> to vector<16xi32>
      %shift_right_logical3A_517 = arith.constant 14 : i32
      %shift_right_logical3A_518 = vector.broadcast %shift_right_logical3A_517 : i32 to vector<16xi32>
      %shift_right_logical3A_519 = arith.shrui %get3A_516, %shift_right_logical3A_518 : vector<16xi32>
      %swap3A_520 = arith.constant 2 : i32
      %swap3A_521 = arith.index_cast %swap3A_520 : i32 to index
      %swap3A_522 = arith.constant 48 : index
      %swap3A_523 = tpu.vector_load %arg6[%swap3A_521, %swap3A_522] {strides = array<i32>} : memref<3x80xi32, #tpu.memory_space<vmem>>, vector<1x16xi32>,
      %swap3A_524 = vector.shape_cast %swap3A_523 : vector<1x16xi32> to vector<16xi32>
      %swap3A_525 = vector.shape_cast %shift_right_logical3A_519 : vector<16xi32> to vector<1x16xi32>
      tpu.vector_store %arg6[%swap3A_521, %swap3A_522], %swap3A_525 {strides = array<i32>} : memref<3x80xi32, #tpu.memory_space<vmem>>, vector<1x16xi32>,
      %get3A_526 = arith.index_cast %add3A_466 : i32 to index
      %get3A_527 = arith.constant 64 : index
      %get3A_528 = tpu.vector_load %arg5[%get3A_526, %get3A_527] {strides = array<i32>} : memref<126x80xi32, #tpu.memory_space<vmem>>, vector<1x16xi32>,
      %get3A_529 = vector.shape_cast %get3A_528 : vector<1x16xi32> to vector<16xi32>
      %shift_right_logical3A_530 = arith.constant 14 : i32
      %shift_right_logical3A_531 = vector.broadcast %shift_right_logical3A_530 : i32 to vector<16xi32>
      %shift_right_logical3A_532 = arith.shrui %get3A_529, %shift_right_logical3A_531 : vector<16xi32>
      %swap3A_533 = arith.constant 2 : i32
      %swap3A_534 = arith.index_cast %swap3A_533 : i32 to index
      %swap3A_535 = arith.constant 64 : index
      %swap3A_536 = tpu.vector_load %arg6[%swap3A_534, %swap3A_535] {strides = array<i32>} : memref<3x80xi32, #tpu.memory_space<vmem>>, vector<1x16xi32>,
      %swap3A_537 = vector.shape_cast %swap3A_536 : vector<1x16xi32> to vector<16xi32>
      %swap3A_538 = vector.shape_cast %shift_right_logical3A_532 : vector<16xi32> to vector<1x16xi32>
      tpu.vector_store %arg6[%swap3A_534, %swap3A_535], %swap3A_538 {strides = array<i32>} : memref<3x80xi32, #tpu.memory_space<vmem>>, vector<1x16xi32>,
      %dma_start3A_539 = arith.constant 2 : i32
      %dma_start3A_540 = arith.constant 0 : i32
      %dma_start3A_541 = tpu.memref_slice %arg6[%dma_start3A_539, %dma_start3A_540] : memref<3x80xi32, #tpu.memory_space<vmem>> -> memref<1x80xi32, #tpu.memory_space<vmem>>
      %dma_start3A_542 = tpu.memref_squeeze %dma_start3A_541 : memref<1x80xi32, #tpu.memory_space<vmem>> -> memref<80xi32, #tpu.memory_space<vmem>>
      %dma_start3A_543 = arith.constant 0 : i32
      %dma_start3A_544 = arith.constant 0 : i32
      %dma_start3A_545 = tpu.memref_slice %arg11[%dma_start3A_543, %dma_start3A_544] : memref<10112x128xf32, #tpu.memory_space<vmem_shared>> -> memref<10112x128xf32, #tpu.memory_space<vmem_shared>>
      tpu.enqueue_indirect_dma source(%arg10 : memref<80x128xf32, #tpu.memory_space<vmem>>) target(%dma_start3A_545 : memref<10112x128xf32, #tpu.memory_space<vmem_shared>>) offsets(%dma_start3A_542 : memref<80xi32, #tpu.memory_space<vmem>>) semaphore(%arg17 : memref<!tpu.dma_semaphore, #tpu.memory_space<semaphore_mem>>) {add = true}
      %add3A_546 = arith.constant 3 : i32
      %add3A_547 = arith.addi %add3A_466, %add3A_546 : i32
      %sub3A_548 = arith.constant 1 : i32
      %sub3A_549 = arith.subi %add3A_547, %sub3A_548 : i32
      %lt3A_550 = arith.constant 126 : i32
      %lt3A_551 = arith.cmpi slt, %sub3A_549, %lt3A_550 : i32
      %ge3A_552 = arith.constant 3 : i32
      %ge3A_553 = arith.cmpi sge, %sub3A_549, %ge3A_552 : i32
      %and3A_554 = arith.andi %lt3A_551, %ge3A_553 : i1
      %convert_element_type3A_555 = arith.extui %and3A_554 : i1 to i32
      %cond3A_556 = arith.constant 0 : i32
      %cond3A_557 = arith.cmpi ne, %convert_element_type3A_555, %cond3A_556 : i32
      scf.if %cond3A_557 {
        %dma_wait3A_558 = arith.constant 1 : i32
        %dma_wait3A_559 = arith.constant 0 : i32
        %dma_wait3A_560 = tpu.memref_slice %arg6[%dma_wait3A_558, %dma_wait3A_559] : memref<3x80xi32, #tpu.memory_space<vmem>> -> memref<1x80xi32, #tpu.memory_space<vmem>>
        %dma_wait3A_561 = tpu.memref_squeeze %dma_wait3A_560 : memref<1x80xi32, #tpu.memory_space<vmem>> -> memref<80xi32, #tpu.memory_space<vmem>>
        %dma_wait3A_562 = arith.constant 0 : i32
        %dma_wait3A_563 = arith.constant 0 : i32
        %dma_wait3A_564 = tpu.memref_slice %arg11[%dma_wait3A_562, %dma_wait3A_563] : memref<10112x128xf32, #tpu.memory_space<vmem_shared>> -> memref<10112x128xf32, #tpu.memory_space<vmem_shared>>
        tpu.wait_indirect_dma semaphore(%arg16 : memref<!tpu.dma_semaphore, #tpu.memory_space<semaphore_mem>>) src(%arg9 : memref<80x128xf32, #tpu.memory_space<vmem>>) dst(%dma_wait3A_564 : memref<10112x128xf32, #tpu.memory_space<vmem_shared>>)
        %get3A_565 = arith.index_cast %sub3A_549 : i32 to index
        %get3A_566 = arith.constant 0 : index
        %get3A_567 = tpu.vector_load %arg5[%get3A_565, %get3A_566] {strides = array<i32>} : memref<126x80xi32, #tpu.memory_space<vmem>>, vector<1x16xi32>,
        %get3A_568 = vector.shape_cast %get3A_567 : vector<1x16xi32> to vector<16xi32>
        %and3A_569 = arith.constant 16383 : i32
        %and3A_570 = vector.broadcast %and3A_569 : i32 to vector<16xi32>
        %and3A_571 = arith.andi %get3A_568, %and3A_570 : vector<16xi32>
        %swap3A_572 = arith.constant 1 : i32
        %swap3A_573 = arith.index_cast %swap3A_572 : i32 to index
        %swap3A_574 = arith.constant 0 : index
        %swap3A_575 = tpu.vector_load %arg7[%swap3A_573, %swap3A_574] {strides = array<i32>} : memref<3x80xi32, #tpu.memory_space<vmem>>, vector<1x16xi32>,
        %swap3A_576 = vector.shape_cast %swap3A_575 : vector<1x16xi32> to vector<16xi32>
        %swap3A_577 = vector.shape_cast %and3A_571 : vector<16xi32> to vector<1x16xi32>
        tpu.vector_store %arg7[%swap3A_573, %swap3A_574], %swap3A_577 {strides = array<i32>} : memref<3x80xi32, #tpu.memory_space<vmem>>, vector<1x16xi32>,
        %get3A_578 = arith.index_cast %sub3A_549 : i32 to index
        %get3A_579 = arith.constant 16 : index
        %get3A_580 = tpu.vector_load %arg5[%get3A_578, %get3A_579] {strides = array<i32>} : memref<126x80xi32, #tpu.memory_space<vmem>>, vector<1x16xi32>,
        %get3A_581 = vector.shape_cast %get3A_580 : vector<1x16xi32> to vector<16xi32>
        %and3A_582 = arith.constant 16383 : i32
        %and3A_583 = vector.broadcast %and3A_582 : i32 to vector<16xi32>
        %and3A_584 = arith.andi %get3A_581, %and3A_583 : vector<16xi32>
        %swap3A_585 = arith.constant 1 : i32
        %swap3A_586 = arith.index_cast %swap3A_585 : i32 to index
        %swap3A_587 = arith.constant 16 : index
        %swap3A_588 = tpu.vector_load %arg7[%swap3A_586, %swap3A_587] {strides = array<i32>} : memref<3x80xi32, #tpu.memory_space<vmem>>, vector<1x16xi32>,
        %swap3A_589 = vector.shape_cast %swap3A_588 : vector<1x16xi32> to vector<16xi32>
        %swap3A_590 = vector.shape_cast %and3A_584 : vector<16xi32> to vector<1x16xi32>
        tpu.vector_store %arg7[%swap3A_586, %swap3A_587], %swap3A_590 {strides = array<i32>} : memref<3x80xi32, #tpu.memory_space<vmem>>, vector<1x16xi32>,
        %get3A_591 = arith.index_cast %sub3A_549 : i32 to index
        %get3A_592 = arith.constant 32 : index
        %get3A_593 = tpu.vector_load %arg5[%get3A_591, %get3A_592] {strides = array<i32>} : memref<126x80xi32, #tpu.memory_space<vmem>>, vector<1x16xi32>,
        %get3A_594 = vector.shape_cast %get3A_593 : vector<1x16xi32> to vector<16xi32>
        %and3A_595 = arith.constant 16383 : i32
        %and3A_596 = vector.broadcast %and3A_595 : i32 to vector<16xi32>
        %and3A_597 = arith.andi %get3A_594, %and3A_596 : vector<16xi32>
        %swap3A_598 = arith.constant 1 : i32
        %swap3A_599 = arith.index_cast %swap3A_598 : i32 to index
        %swap3A_600 = arith.constant 32 : index
        %swap3A_601 = tpu.vector_load %arg7[%swap3A_599, %swap3A_600] {strides = array<i32>} : memref<3x80xi32, #tpu.memory_space<vmem>>, vector<1x16xi32>,
        %swap3A_602 = vector.shape_cast %swap3A_601 : vector<1x16xi32> to vector<16xi32>
        %swap3A_603 = vector.shape_cast %and3A_597 : vector<16xi32> to vector<1x16xi32>
        tpu.vector_store %arg7[%swap3A_599, %swap3A_600], %swap3A_603 {strides = array<i32>} : memref<3x80xi32, #tpu.memory_space<vmem>>, vector<1x16xi32>,
        %get3A_604 = arith.index_cast %sub3A_549 : i32 to index
        %get3A_605 = arith.constant 48 : index
        %get3A_606 = tpu.vector_load %arg5[%get3A_604, %get3A_605] {strides = array<i32>} : memref<126x80xi32, #tpu.memory_space<vmem>>, vector<1x16xi32>,
        %get3A_607 = vector.shape_cast %get3A_606 : vector<1x16xi32> to vector<16xi32>
        %and3A_608 = arith.constant 16383 : i32
        %and3A_609 = vector.broadcast %and3A_608 : i32 to vector<16xi32>
        %and3A_610 = arith.andi %get3A_607, %and3A_609 : vector<16xi32>
        %swap3A_611 = arith.constant 1 : i32
        %swap3A_612 = arith.index_cast %swap3A_611 : i32 to index
        %swap3A_613 = arith.constant 48 : index
        %swap3A_614 = tpu.vector_load %arg7[%swap3A_612, %swap3A_613] {strides = array<i32>} : memref<3x80xi32, #tpu.memory_space<vmem>>, vector<1x16xi32>,
        %swap3A_615 = vector.shape_cast %swap3A_614 : vector<1x16xi32> to vector<16xi32>
        %swap3A_616 = vector.shape_cast %and3A_610 : vector<16xi32> to vector<1x16xi32>
        tpu.vector_store %arg7[%swap3A_612, %swap3A_613], %swap3A_616 {strides = array<i32>} : memref<3x80xi32, #tpu.memory_space<vmem>>, vector<1x16xi32>,
        %get3A_617 = arith.index_cast %sub3A_549 : i32 to index
        %get3A_618 = arith.constant 64 : index
        %get3A_619 = tpu.vector_load %arg5[%get3A_617, %get3A_618] {strides = array<i32>} : memref<126x80xi32, #tpu.memory_space<vmem>>, vector<1x16xi32>,
        %get3A_620 = vector.shape_cast %get3A_619 : vector<1x16xi32> to vector<16xi32>
        %and3A_621 = arith.constant 16383 : i32
        %and3A_622 = vector.broadcast %and3A_621 : i32 to vector<16xi32>
        %and3A_623 = arith.andi %get3A_620, %and3A_622 : vector<16xi32>
        %swap3A_624 = arith.constant 1 : i32
        %swap3A_625 = arith.index_cast %swap3A_624 : i32 to index
        %swap3A_626 = arith.constant 64 : index
        %swap3A_627 = tpu.vector_load %arg7[%swap3A_625, %swap3A_626] {strides = array<i32>} : memref<3x80xi32, #tpu.memory_space<vmem>>, vector<1x16xi32>,
        %swap3A_628 = vector.shape_cast %swap3A_627 : vector<1x16xi32> to vector<16xi32>
        %swap3A_629 = vector.shape_cast %and3A_623 : vector<16xi32> to vector<1x16xi32>
        tpu.vector_store %arg7[%swap3A_625, %swap3A_626], %swap3A_629 {strides = array<i32>} : memref<3x80xi32, #tpu.memory_space<vmem>>, vector<1x16xi32>,
        %dma_start3A_630 = arith.constant 1 : i32
        %dma_start3A_631 = arith.constant 0 : i32
        %dma_start3A_632 = tpu.memref_slice %arg7[%dma_start3A_630, %dma_start3A_631] : memref<3x80xi32, #tpu.memory_space<vmem>> -> memref<1x80xi32, #tpu.memory_space<vmem>>
        %dma_start3A_633 = tpu.memref_squeeze %dma_start3A_632 : memref<1x80xi32, #tpu.memory_space<vmem>> -> memref<80xi32, #tpu.memory_space<vmem>>
        %dma_start3A_634 = arith.constant 0 : i32
        %dma_start3A_635 = arith.constant 0 : i32
        %dma_start3A_636 = tpu.memref_slice %arg3[%dma_start3A_634, %dma_start3A_635] : memref<10240x128xf32, #tpu.memory_space<hbm>> -> memref<10240x128xf32, #tpu.memory_space<hbm>>
        tpu.enqueue_indirect_dma source(%dma_start3A_636 : memref<10240x128xf32, #tpu.memory_space<hbm>>) target(%arg9 : memref<80x128xf32, #tpu.memory_space<vmem>>) offsets(%dma_start3A_633 : memref<80xi32, #tpu.memory_space<vmem>>) semaphore(%arg13 : memref<!tpu.dma_semaphore, #tpu.memory_space<semaphore_mem>>)
      } else {
      }
    }
    %scan3A_256 = arith.constant 42 : i32
    %dma_wait3A = arith.constant 0 : i32
    %dma_wait3A_257 = arith.constant 0 : i32
    %dma_wait3A_258 = tpu.memref_slice %arg6[%dma_wait3A, %dma_wait3A_257] : memref<3x80xi32, #tpu.memory_space<vmem>> -> memref<1x80xi32, #tpu.memory_space<vmem>>
    %dma_wait3A_259 = tpu.memref_squeeze %dma_wait3A_258 : memref<1x80xi32, #tpu.memory_space<vmem>> -> memref<80xi32, #tpu.memory_space<vmem>>
    %dma_wait3A_260 = arith.constant 0 : i32
    %dma_wait3A_261 = arith.constant 0 : i32
    %dma_wait3A_262 = tpu.memref_slice %arg11[%dma_wait3A_260, %dma_wait3A_261] : memref<10112x128xf32, #tpu.memory_space<vmem_shared>> -> memref<10112x128xf32, #tpu.memory_space<vmem_shared>>
    tpu.wait_indirect_dma semaphore(%arg15 : memref<!tpu.dma_semaphore, #tpu.memory_space<semaphore_mem>>) src(%arg8 : memref<80x128xf32, #tpu.memory_space<vmem>>) dst(%dma_wait3A_262 : memref<10112x128xf32, #tpu.memory_space<vmem_shared>>)
    %dma_wait3A_263 = arith.constant 1 : i32
    %dma_wait3A_264 = arith.constant 0 : i32
    %dma_wait3A_265 = tpu.memref_slice %arg6[%dma_wait3A_263, %dma_wait3A_264] : memref<3x80xi32, #tpu.memory_space<vmem>> -> memref<1x80xi32, #tpu.memory_space<vmem>>
    %dma_wait3A_266 = tpu.memref_squeeze %dma_wait3A_265 : memref<1x80xi32, #tpu.memory_space<vmem>> -> memref<80xi32, #tpu.memory_space<vmem>>
    %dma_wait3A_267 = arith.constant 0 : i32
    %dma_wait3A_268 = arith.constant 0 : i32
    %dma_wait3A_269 = tpu.memref_slice %arg11[%dma_wait3A_267, %dma_wait3A_268] : memref<10112x128xf32, #tpu.memory_space<vmem_shared>> -> memref<10112x128xf32, #tpu.memory_space<vmem_shared>>
    tpu.wait_indirect_dma semaphore(%arg16 : memref<!tpu.dma_semaphore, #tpu.memory_space<semaphore_mem>>) src(%arg9 : memref<80x128xf32, #tpu.memory_space<vmem>>) dst(%dma_wait3A_269 : memref<10112x128xf32, #tpu.memory_space<vmem_shared>>)
    %dma_wait3A_270 = arith.constant 2 : i32
    %dma_wait3A_271 = arith.constant 0 : i32
    %dma_wait3A_272 = tpu.memref_slice %arg6[%dma_wait3A_270, %dma_wait3A_271] : memref<3x80xi32, #tpu.memory_space<vmem>> -> memref<1x80xi32, #tpu.memory_space<vmem>>
    %dma_wait3A_273 = tpu.memref_squeeze %dma_wait3A_272 : memref<1x80xi32, #tpu.memory_space<vmem>> -> memref<80xi32, #tpu.memory_space<vmem>>
    %dma_wait3A_274 = arith.constant 0 : i32
    %dma_wait3A_275 = arith.constant 0 : i32
    %dma_wait3A_276 = tpu.memref_slice %arg11[%dma_wait3A_274, %dma_wait3A_275] : memref<10112x128xf32, #tpu.memory_space<vmem_shared>> -> memref<10112x128xf32, #tpu.memory_space<vmem_shared>>
    tpu.wait_indirect_dma semaphore(%arg17 : memref<!tpu.dma_semaphore, #tpu.memory_space<semaphore_mem>>) src(%arg10 : memref<80x128xf32, #tpu.memory_space<vmem>>) dst(%dma_wait3A_276 : memref<10112x128xf32, #tpu.memory_space<vmem_shared>>)
    %barrier3A_277 = arith.constant 0 : index
    tpu.barrier barrier_id(%barrier3A_277)
    %mul3A_278 = arith.constant 632 : i32
    %mul3A_279 = arith.muli %arg1, %mul3A_278 : i32
    %mul3A_280 = arith.constant 632 : i32
    %mul3A_281 = arith.muli %arg1, %mul3A_280 : i32
    "tpu.region"() ({
      %run_scoped3A = tpu.sem_alloc : memref<!tpu.dma_semaphore, #tpu.memory_space<semaphore_mem>>
      %dma_start3A_282 = arith.constant 0 : i32
      %dma_start3A_283 = tpu.memref_slice %arg4[%arg0, %mul3A_281, %dma_start3A_282] : memref<2x10240x128xf32, #tpu.memory_space<hbm>> -> memref<1x632x128xf32, #tpu.memory_space<hbm>>
      %dma_start3A_284 = tpu.memref_squeeze %dma_start3A_283 : memref<1x632x128xf32, #tpu.memory_space<hbm>> -> memref<632x128xf32, #tpu.memory_space<hbm>>
      %dma_start3A_285 = arith.constant 0 : i32
      %dma_start3A_286 = tpu.memref_slice %arg11[%mul3A_279, %dma_start3A_285] : memref<10112x128xf32, #tpu.memory_space<vmem_shared>> -> memref<632x128xf32, #tpu.memory_space<vmem_shared>>
      tpu.enqueue_dma source(%dma_start3A_286 : memref<632x128xf32, #tpu.memory_space<vmem_shared>>) target(%dma_start3A_284 : memref<632x128xf32, #tpu.memory_space<hbm>>) target_semaphore(%run_scoped3A : memref<!tpu.dma_semaphore, #tpu.memory_space<semaphore_mem>>)
      %dma_wait3A_287 = arith.constant 0 : i32
      %dma_wait3A_288 = tpu.memref_slice %arg4[%arg0, %mul3A_281, %dma_wait3A_287] : memref<2x10240x128xf32, #tpu.memory_space<hbm>> -> memref<1x632x128xf32, #tpu.memory_space<hbm>>
      %dma_wait3A_289 = tpu.memref_squeeze %dma_wait3A_288 : memref<1x632x128xf32, #tpu.memory_space<hbm>> -> memref<632x128xf32, #tpu.memory_space<hbm>>
      %dma_wait3A_290 = arith.constant 0 : i32
      %dma_wait3A_291 = tpu.memref_slice %arg11[%mul3A_279, %dma_wait3A_290] : memref<10112x128xf32, #tpu.memory_space<vmem_shared>> -> memref<632x128xf32, #tpu.memory_space<vmem_shared>>
      tpu.wait_dma2 semaphore(%run_scoped3A : memref<!tpu.dma_semaphore, #tpu.memory_space<semaphore_mem>>) src(%dma_wait3A_291 : memref<632x128xf32, #tpu.memory_space<vmem_shared>>) dst(%dma_wait3A_289 : memref<632x128xf32, #tpu.memory_space<hbm>>)
      tpu.yield
    }) : () -> ()
    return
  }
}

module attributes {stable_mosaic.version = 14 : i64} {
  func.func @_scale0_body(%arg0: i32, %arg1: memref<2x512x128xf32, #tpu.memory_space<vmem>>, %arg2: memref<512x128xf32, #tpu.memory_space<vmem>>, %arg3: memref<512x128xf32, #tpu.memory_space<vmem>>) attributes {dimension_semantics = [#tpu.dimension_semantics<arbitrary>], iteration_bounds = array<i64: 20>, scalar_prefetch = 0 : i64, scratch_operands = 0 : i64, tpu.core_type = #tpu.core_type<tc>, window_params = [{transform_indices = @transform_0, window_bounds = array<i64: 2, 512, 128>}, {transform_indices = @transform_1, window_bounds = array<i64: 512, 128>}, {transform_indices = @transform_2, window_bounds = array<i64: 512, 128>}]} {
    %get3A = arith.constant 0 : index
    %get3A_0 = arith.constant 0 : index
    %get3A_1 = vector.load %arg2[%get3A, %get3A_0] : memref<512x128xf32, #tpu.memory_space<vmem>>, vector<512x128xf32>
    %get3A_2 = arith.constant 0 : index
    %get3A_3 = arith.constant 0 : index
    %get3A_4 = arith.constant 0 : index
    %get3A_5 = vector.load %arg1[%get3A_2, %get3A_3, %get3A_4] : memref<2x512x128xf32, #tpu.memory_space<vmem>>, vector<2x512x128xf32>
    %slice3A = vector.extract_strided_slice %get3A_5 {offsets = [0, 0, 0], sizes = [1, 512, 128], strides = [1, 1, 1]} : vector<2x512x128xf32> to vector<1x512x128xf32>
    %squeeze3A = vector.shape_cast %slice3A : vector<1x512x128xf32> to vector<512x128xf32>
    %slice3A_6 = vector.extract_strided_slice %get3A_5 {offsets = [1, 0, 0], sizes = [1, 512, 128], strides = [1, 1, 1]} : vector<2x512x128xf32> to vector<1x512x128xf32>
    %squeeze3A_7 = vector.shape_cast %slice3A_6 : vector<1x512x128xf32> to vector<512x128xf32>
    %add3A = arith.addf %squeeze3A, %squeeze3A_7 : vector<512x128xf32>
    %gt3A = arith.constant 0.000000e+00 : f32
    %gt3A_8 = vector.broadcast %gt3A : f32 to vector<512x128xf32>
    %gt3A_9 = arith.cmpf ogt, %add3A, %gt3A_8 : vector<512x128xf32>
    %rsqrt3A = math.rsqrt %add3A : vector<512x128xf32>
    %jit3A = arith.constant 0.000000e+00 : f32
    %broadcast_in_dim3A = vector.broadcast %jit3A : f32 to vector<512x128xf32>
    %select_n3A = arith.select %gt3A_9, %rsqrt3A, %broadcast_in_dim3A : vector<512x128xi1>, vector<512x128xf32>
    %slice3A_10 = vector.extract_strided_slice %select_n3A {offsets = [0, 0], sizes = [512, 1], strides = [1, 1]} : vector<512x128xf32> to vector<512x1xf32>
    %mul3A = vector.broadcast %slice3A_10 : vector<512x1xf32> to vector<512x128xf32>
    %mul3A_11 = arith.mulf %get3A_1, %mul3A : vector<512x128xf32>
    %swap3A = arith.constant 0 : index
    %swap3A_12 = arith.constant 0 : index
    %swap3A_13 = vector.load %arg3[%swap3A, %swap3A_12] : memref<512x128xf32, #tpu.memory_space<vmem>>, vector<512x128xf32>
    tpu.vector_store %arg3[%swap3A, %swap3A_12], %mul3A_11 {strides = array<i32>} : memref<512x128xf32, #tpu.memory_space<vmem>>, vector<512x128xf32>,
    return
  }
  func.func @transform_0(%arg0: i32) -> (i32, i32, i32) {
    %c0_i32 = arith.constant 0 : i32
    %c0_i32_0 = arith.constant 0 : i32
    %c0_i32_1 = arith.constant 0 : i32
    return %c0_i32, %arg0, %c0_i32_0 : i32, i32, i32
  }
  func.func @transform_1(%arg0: i32) -> (i32, i32) {
    %c0_i32 = arith.constant 0 : i32
    %c0_i32_0 = arith.constant 0 : i32
    return %arg0, %c0_i32 : i32, i32
  }
  func.func @transform_2(%arg0: i32) -> (i32, i32) {
    %c0_i32 = arith.constant 0 : i32
    %c0_i32_0 = arith.constant 0 : i32
    return %arg0, %c0_i32 : i32, i32
  }
}

module attributes {stable_mosaic.version = 14 : i64} {
  func.func @_scaleh_body(%arg0: i32, %arg1: memref<2x512x128xf32, #tpu.memory_space<vmem>>, %arg2: memref<2x512x128xf32, #tpu.memory_space<vmem>>, %arg3: memref<512x128xf32, #tpu.memory_space<vmem>>, %arg4: memref<512x128xf32, #tpu.memory_space<vmem>>) attributes {dimension_semantics = [#tpu.dimension_semantics<arbitrary>], iteration_bounds = array<i64: 20>, scalar_prefetch = 0 : i64, scratch_operands = 0 : i64, tpu.core_type = #tpu.core_type<tc>, window_params = [{transform_indices = @transform_0, window_bounds = array<i64: 2, 512, 128>}, {transform_indices = @transform_1, window_bounds = array<i64: 2, 512, 128>}, {transform_indices = @transform_2, window_bounds = array<i64: 512, 128>}, {transform_indices = @transform_3, window_bounds = array<i64: 512, 128>}]} {
    %get3A = arith.constant 0 : index
    %get3A_0 = arith.constant 0 : index
    %get3A_1 = arith.constant 0 : index
    %get3A_2 = vector.load %arg1[%get3A, %get3A_0, %get3A_1] : memref<2x512x128xf32, #tpu.memory_space<vmem>>, vector<2x512x128xf32>
    %slice3A = vector.extract_strided_slice %get3A_2 {offsets = [0, 0, 0], sizes = [1, 512, 128], strides = [1, 1, 1]} : vector<2x512x128xf32> to vector<1x512x128xf32>
    %squeeze3A = vector.shape_cast %slice3A : vector<1x512x128xf32> to vector<512x128xf32>
    %slice3A_3 = vector.extract_strided_slice %get3A_2 {offsets = [1, 0, 0], sizes = [1, 512, 128], strides = [1, 1, 1]} : vector<2x512x128xf32> to vector<1x512x128xf32>
    %squeeze3A_4 = vector.shape_cast %slice3A_3 : vector<1x512x128xf32> to vector<512x128xf32>
    %add3A = arith.addf %squeeze3A, %squeeze3A_4 : vector<512x128xf32>
    %gt3A = arith.constant 0.000000e+00 : f32
    %gt3A_5 = vector.broadcast %gt3A : f32 to vector<512x128xf32>
    %gt3A_6 = arith.cmpf ogt, %add3A, %gt3A_5 : vector<512x128xf32>
    %rsqrt3A = math.rsqrt %add3A : vector<512x128xf32>
    %jit3A = arith.constant 0.000000e+00 : f32
    %broadcast_in_dim3A = vector.broadcast %jit3A : f32 to vector<512x128xf32>
    %select_n3A = arith.select %gt3A_6, %rsqrt3A, %broadcast_in_dim3A : vector<512x128xi1>, vector<512x128xf32>
    %slice3A_7 = vector.extract_strided_slice %select_n3A {offsets = [0, 0], sizes = [512, 1], strides = [1, 1]} : vector<512x128xf32> to vector<512x1xf32>
    %get3A_8 = arith.constant 0 : index
    %get3A_9 = arith.constant 0 : index
    %get3A_10 = arith.constant 0 : index
    %get3A_11 = vector.load %arg2[%get3A_8, %get3A_9, %get3A_10] : memref<2x512x128xf32, #tpu.memory_space<vmem>>, vector<1x512x128xf32>
    %get3A_12 = vector.shape_cast %get3A_11 : vector<1x512x128xf32> to vector<512x128xf32>
    %get3A_13 = arith.constant 1 : index
    %get3A_14 = arith.constant 0 : index
    %get3A_15 = arith.constant 0 : index
    %get3A_16 = vector.load %arg2[%get3A_13, %get3A_14, %get3A_15] : memref<2x512x128xf32, #tpu.memory_space<vmem>>, vector<1x512x128xf32>
    %get3A_17 = vector.shape_cast %get3A_16 : vector<1x512x128xf32> to vector<512x128xf32>
    %add3A_18 = arith.addf %get3A_12, %get3A_17 : vector<512x128xf32>
    %mul3A = vector.broadcast %slice3A_7 : vector<512x1xf32> to vector<512x128xf32>
    %mul3A_19 = arith.mulf %add3A_18, %mul3A : vector<512x128xf32>
    %swap3A = arith.constant 0 : index
    %swap3A_20 = arith.constant 0 : index
    %swap3A_21 = vector.load %arg3[%swap3A, %swap3A_20] : memref<512x128xf32, #tpu.memory_space<vmem>>, vector<512x128xf32>
    tpu.vector_store %arg3[%swap3A, %swap3A_20], %mul3A_19 {strides = array<i32>} : memref<512x128xf32, #tpu.memory_space<vmem>>, vector<512x128xf32>,
    %mul3A_22 = vector.broadcast %slice3A_7 : vector<512x1xf32> to vector<512x128xf32>
    %mul3A_23 = arith.mulf %mul3A_19, %mul3A_22 : vector<512x128xf32>
    %swap3A_24 = arith.constant 0 : index
    %swap3A_25 = arith.constant 0 : index
    %swap3A_26 = vector.load %arg4[%swap3A_24, %swap3A_25] : memref<512x128xf32, #tpu.memory_space<vmem>>, vector<512x128xf32>
    tpu.vector_store %arg4[%swap3A_24, %swap3A_25], %mul3A_23 {strides = array<i32>} : memref<512x128xf32, #tpu.memory_space<vmem>>, vector<512x128xf32>,
    return
  }
  func.func @transform_0(%arg0: i32) -> (i32, i32, i32) {
    %c0_i32 = arith.constant 0 : i32
    %c0_i32_0 = arith.constant 0 : i32
    %c0_i32_1 = arith.constant 0 : i32
    return %c0_i32, %arg0, %c0_i32_0 : i32, i32, i32
  }
  func.func @transform_1(%arg0: i32) -> (i32, i32, i32) {
    %c0_i32 = arith.constant 0 : i32
    %c0_i32_0 = arith.constant 0 : i32
    %c0_i32_1 = arith.constant 0 : i32
    return %c0_i32, %arg0, %c0_i32_0 : i32, i32, i32
  }
  func.func @transform_2(%arg0: i32) -> (i32, i32) {
    %c0_i32 = arith.constant 0 : i32
    %c0_i32_0 = arith.constant 0 : i32
    return %arg0, %c0_i32 : i32, i32
  }
  func.func @transform_3(%arg0: i32) -> (i32, i32) {
    %c0_i32 = arith.constant 0 : i32
    %c0_i32_0 = arith.constant 0 : i32
    return %arg0, %c0_i32 : i32, i32
  }
}

module attributes {stable_mosaic.version = 14 : i64} {
  func.func @_final_body(%arg0: i32, %arg1: memref<2x512x128xf32, #tpu.memory_space<vmem>>, %arg2: memref<512x128xf32, #tpu.memory_space<vmem>>, %arg3: memref<512x128xf32, #tpu.memory_space<vmem>>, %arg4: memref<512x128xf32, #tpu.memory_space<vmem>>, %arg5: memref<2x512x128xf32, #tpu.memory_space<vmem>>, %arg6: memref<4x128x128xf32, #tpu.memory_space<vmem>>, %arg7: memref<8x128xf32, #tpu.memory_space<vmem>>, %arg8: memref<128x128xf32, #tpu.memory_space<vmem>>, %arg9: memref<8x128xf32, #tpu.memory_space<vmem>>, %arg10: memref<512x128xf32, #tpu.memory_space<vmem>>) attributes {dimension_semantics = [#tpu.dimension_semantics<arbitrary>], iteration_bounds = array<i64: 20>, scalar_prefetch = 0 : i64, scratch_operands = 0 : i64, tpu.core_type = #tpu.core_type<tc>, window_params = [{transform_indices = @transform_0, window_bounds = array<i64: 2, 512, 128>}, {transform_indices = @transform_1, window_bounds = array<i64: 512, 128>}, {transform_indices = @transform_2, window_bounds = array<i64: 512, 128>}, {transform_indices = @transform_3, window_bounds = array<i64: 512, 128>}, {transform_indices = @transform_4, window_bounds = array<i64: 2, 512, 128>}, {pipeline_mode = #tpu.pipeline_mode<synchronous>, transform_indices = @transform_5, window_bounds = array<i64: 4, 128, 128>}, {pipeline_mode = #tpu.pipeline_mode<synchronous>, transform_indices = @transform_6, window_bounds = array<i64: 8, 128>}, {pipeline_mode = #tpu.pipeline_mode<synchronous>, transform_indices = @transform_7, window_bounds = array<i64: 128, 128>}, {pipeline_mode = #tpu.pipeline_mode<synchronous>, transform_indices = @transform_8, window_bounds = array<i64: 8, 128>}, {transform_indices = @transform_9, window_bounds = array<i64: 512, 128>}]} {
    %get3A = arith.constant 0 : index
    %get3A_0 = arith.constant 0 : index
    %get3A_1 = arith.constant 0 : index
    %get3A_2 = vector.load %arg1[%get3A, %get3A_0, %get3A_1] : memref<2x512x128xf32, #tpu.memory_space<vmem>>, vector<2x512x128xf32>
    %slice3A = vector.extract_strided_slice %get3A_2 {offsets = [0, 0, 0], sizes = [1, 512, 128], strides = [1, 1, 1]} : vector<2x512x128xf32> to vector<1x512x128xf32>
    %squeeze3A = vector.shape_cast %slice3A : vector<1x512x128xf32> to vector<512x128xf32>
    %slice3A_3 = vector.extract_strided_slice %get3A_2 {offsets = [1, 0, 0], sizes = [1, 512, 128], strides = [1, 1, 1]} : vector<2x512x128xf32> to vector<1x512x128xf32>
    %squeeze3A_4 = vector.shape_cast %slice3A_3 : vector<1x512x128xf32> to vector<512x128xf32>
    %add3A = arith.addf %squeeze3A, %squeeze3A_4 : vector<512x128xf32>
    %gt3A = arith.constant 0.000000e+00 : f32
    %gt3A_5 = vector.broadcast %gt3A : f32 to vector<512x128xf32>
    %gt3A_6 = arith.cmpf ogt, %add3A, %gt3A_5 : vector<512x128xf32>
    %rsqrt3A = math.rsqrt %add3A : vector<512x128xf32>
    %jit3A = arith.constant 0.000000e+00 : f32
    %broadcast_in_dim3A = vector.broadcast %jit3A : f32 to vector<512x128xf32>
    %select_n3A = arith.select %gt3A_6, %rsqrt3A, %broadcast_in_dim3A : vector<512x128xi1>, vector<512x128xf32>
    %slice3A_7 = vector.extract_strided_slice %select_n3A {offsets = [0, 0], sizes = [512, 1], strides = [1, 1]} : vector<512x128xf32> to vector<512x1xf32>
    %get3A_8 = arith.constant 0 : index
    %get3A_9 = arith.constant 0 : index
    %get3A_10 = arith.constant 0 : index
    %get3A_11 = vector.load %arg5[%get3A_8, %get3A_9, %get3A_10] : memref<2x512x128xf32, #tpu.memory_space<vmem>>, vector<1x512x128xf32>
    %get3A_12 = vector.shape_cast %get3A_11 : vector<1x512x128xf32> to vector<512x128xf32>
    %get3A_13 = arith.constant 1 : index
    %get3A_14 = arith.constant 0 : index
    %get3A_15 = arith.constant 0 : index
    %get3A_16 = vector.load %arg5[%get3A_13, %get3A_14, %get3A_15] : memref<2x512x128xf32, #tpu.memory_space<vmem>>, vector<1x512x128xf32>
    %get3A_17 = vector.shape_cast %get3A_16 : vector<1x512x128xf32> to vector<512x128xf32>
    %add3A_18 = arith.addf %get3A_12, %get3A_17 : vector<512x128xf32>
    %mul3A = vector.broadcast %slice3A_7 : vector<512x1xf32> to vector<512x128xf32>
    %mul3A_19 = arith.mulf %add3A_18, %mul3A : vector<512x128xf32>
    %get3A_20 = arith.constant 0 : index
    %get3A_21 = arith.constant 0 : index
    %get3A_22 = vector.load %arg2[%get3A_20, %get3A_21] : memref<512x128xf32, #tpu.memory_space<vmem>>, vector<512x128xf32>
    %get3A_23 = arith.constant 0 : index
    %get3A_24 = arith.constant 0 : index
    %get3A_25 = vector.load %arg3[%get3A_23, %get3A_24] : memref<512x128xf32, #tpu.memory_space<vmem>>, vector<512x128xf32>
    %get3A_26 = arith.constant 0 : index
    %get3A_27 = arith.constant 0 : index
    %get3A_28 = vector.load %arg4[%get3A_26, %get3A_27] : memref<512x128xf32, #tpu.memory_space<vmem>>, vector<512x128xf32>
    %broadcast_in_dim3A_29 = arith.constant 0.000000e+00 : f32
    %broadcast_in_dim3A_30 = vector.broadcast %broadcast_in_dim3A_29 : f32 to vector<512x128xf32>
    %get3A_31 = arith.constant 0 : index
    %get3A_32 = arith.constant 0 : index
    %get3A_33 = arith.constant 0 : index
    %get3A_34 = vector.load %arg6[%get3A_31, %get3A_32, %get3A_33] : memref<4x128x128xf32, #tpu.memory_space<vmem>>, vector<1x128x128xf32>
    %get3A_35 = vector.shape_cast %get3A_34 : vector<1x128x128xf32> to vector<128x128xf32>
    %dot_general3A = arith.constant dense<0.000000e+00> : vector<512x128xf32>
    %dot_general3A_36 = tpu.matmul %get3A_22, %get3A_35, %dot_general3A {dimension_numbers = #tpu.dot_dimension_numbers<[1], [0], [0], [1], [0, 0, 1, 1], [], []>, transpose_lhs_hint = false} : vector<512x128xf32>, vector<128x128xf32>, vector<512x128xf32> -> vector<512x128xf32>
    %get3A_37 = arith.constant 0 : index
    %get3A_38 = arith.constant 0 : index
    %get3A_39 = vector.load %arg7[%get3A_37, %get3A_38] : memref<8x128xf32, #tpu.memory_space<vmem>>, vector<1x128xf32>
    %get3A_40 = vector.shape_cast %get3A_39 : vector<1x128xf32> to vector<128xf32>
    %broadcast_in_dim3A_41 = vector.shape_cast %get3A_40 : vector<128xf32> to vector<1x128xf32>
    %add3A_42 = vector.broadcast %broadcast_in_dim3A_41 : vector<1x128xf32> to vector<512x128xf32>
    %add3A_43 = arith.addf %dot_general3A_36, %add3A_42 : vector<512x128xf32>
    %max3A = arith.constant 0.000000e+00 : f32
    %max3A_44 = vector.broadcast %max3A : f32 to vector<512x128xf32>
    %max3A_45 = arith.maximumf %add3A_43, %max3A_44 : vector<512x128xf32>
    %add3A_46 = arith.addf %broadcast_in_dim3A_30, %max3A_45 : vector<512x128xf32>
    %get3A_47 = arith.constant 1 : index
    %get3A_48 = arith.constant 0 : index
    %get3A_49 = arith.constant 0 : index
    %get3A_50 = vector.load %arg6[%get3A_47, %get3A_48, %get3A_49] : memref<4x128x128xf32, #tpu.memory_space<vmem>>, vector<1x128x128xf32>
    %get3A_51 = vector.shape_cast %get3A_50 : vector<1x128x128xf32> to vector<128x128xf32>
    %dot_general3A_52 = arith.constant dense<0.000000e+00> : vector<512x128xf32>
    %dot_general3A_53 = tpu.matmul %get3A_25, %get3A_51, %dot_general3A_52 {dimension_numbers = #tpu.dot_dimension_numbers<[1], [0], [0], [1], [0, 0, 1, 1], [], []>, transpose_lhs_hint = false} : vector<512x128xf32>, vector<128x128xf32>, vector<512x128xf32> -> vector<512x128xf32>
    %get3A_54 = arith.constant 1 : index
    %get3A_55 = arith.constant 0 : index
    %get3A_56 = vector.load %arg7[%get3A_54, %get3A_55] : memref<8x128xf32, #tpu.memory_space<vmem>>, vector<1x128xf32>
    %get3A_57 = vector.shape_cast %get3A_56 : vector<1x128xf32> to vector<128xf32>
    %broadcast_in_dim3A_58 = vector.shape_cast %get3A_57 : vector<128xf32> to vector<1x128xf32>
    %add3A_59 = vector.broadcast %broadcast_in_dim3A_58 : vector<1x128xf32> to vector<512x128xf32>
    %add3A_60 = arith.addf %dot_general3A_53, %add3A_59 : vector<512x128xf32>
    %max3A_61 = arith.constant 0.000000e+00 : f32
    %max3A_62 = vector.broadcast %max3A_61 : f32 to vector<512x128xf32>
    %max3A_63 = arith.maximumf %add3A_60, %max3A_62 : vector<512x128xf32>
    %add3A_64 = arith.addf %add3A_46, %max3A_63 : vector<512x128xf32>
    %get3A_65 = arith.constant 2 : index
    %get3A_66 = arith.constant 0 : index
    %get3A_67 = arith.constant 0 : index
    %get3A_68 = vector.load %arg6[%get3A_65, %get3A_66, %get3A_67] : memref<4x128x128xf32, #tpu.memory_space<vmem>>, vector<1x128x128xf32>
    %get3A_69 = vector.shape_cast %get3A_68 : vector<1x128x128xf32> to vector<128x128xf32>
    %dot_general3A_70 = arith.constant dense<0.000000e+00> : vector<512x128xf32>
    %dot_general3A_71 = tpu.matmul %get3A_28, %get3A_69, %dot_general3A_70 {dimension_numbers = #tpu.dot_dimension_numbers<[1], [0], [0], [1], [0, 0, 1, 1], [], []>, transpose_lhs_hint = false} : vector<512x128xf32>, vector<128x128xf32>, vector<512x128xf32> -> vector<512x128xf32>
    %get3A_72 = arith.constant 2 : index
    %get3A_73 = arith.constant 0 : index
    %get3A_74 = vector.load %arg7[%get3A_72, %get3A_73] : memref<8x128xf32, #tpu.memory_space<vmem>>, vector<1x128xf32>
    %get3A_75 = vector.shape_cast %get3A_74 : vector<1x128xf32> to vector<128xf32>
    %broadcast_in_dim3A_76 = vector.shape_cast %get3A_75 : vector<128xf32> to vector<1x128xf32>
    %add3A_77 = vector.broadcast %broadcast_in_dim3A_76 : vector<1x128xf32> to vector<512x128xf32>
    %add3A_78 = arith.addf %dot_general3A_71, %add3A_77 : vector<512x128xf32>
    %max3A_79 = arith.constant 0.000000e+00 : f32
    %max3A_80 = vector.broadcast %max3A_79 : f32 to vector<512x128xf32>
    %max3A_81 = arith.maximumf %add3A_78, %max3A_80 : vector<512x128xf32>
    %add3A_82 = arith.addf %add3A_64, %max3A_81 : vector<512x128xf32>
    %get3A_83 = arith.constant 3 : index
    %get3A_84 = arith.constant 0 : index
    %get3A_85 = arith.constant 0 : index
    %get3A_86 = vector.load %arg6[%get3A_83, %get3A_84, %get3A_85] : memref<4x128x128xf32, #tpu.memory_space<vmem>>, vector<1x128x128xf32>
    %get3A_87 = vector.shape_cast %get3A_86 : vector<1x128x128xf32> to vector<128x128xf32>
    %dot_general3A_88 = arith.constant dense<0.000000e+00> : vector<512x128xf32>
    %dot_general3A_89 = tpu.matmul %mul3A_19, %get3A_87, %dot_general3A_88 {dimension_numbers = #tpu.dot_dimension_numbers<[1], [0], [0], [1], [0, 0, 1, 1], [], []>, transpose_lhs_hint = false} : vector<512x128xf32>, vector<128x128xf32>, vector<512x128xf32> -> vector<512x128xf32>
    %get3A_90 = arith.constant 3 : index
    %get3A_91 = arith.constant 0 : index
    %get3A_92 = vector.load %arg7[%get3A_90, %get3A_91] : memref<8x128xf32, #tpu.memory_space<vmem>>, vector<1x128xf32>
    %get3A_93 = vector.shape_cast %get3A_92 : vector<1x128xf32> to vector<128xf32>
    %broadcast_in_dim3A_94 = vector.shape_cast %get3A_93 : vector<128xf32> to vector<1x128xf32>
    %add3A_95 = vector.broadcast %broadcast_in_dim3A_94 : vector<1x128xf32> to vector<512x128xf32>
    %add3A_96 = arith.addf %dot_general3A_89, %add3A_95 : vector<512x128xf32>
    %max3A_97 = arith.constant 0.000000e+00 : f32
    %max3A_98 = vector.broadcast %max3A_97 : f32 to vector<512x128xf32>
    %max3A_99 = arith.maximumf %add3A_96, %max3A_98 : vector<512x128xf32>
    %add3A_100 = arith.addf %add3A_82, %max3A_99 : vector<512x128xf32>
    %get3A_101 = arith.constant 0 : index
    %get3A_102 = arith.constant 0 : index
    %get3A_103 = vector.load %arg8[%get3A_101, %get3A_102] : memref<128x128xf32, #tpu.memory_space<vmem>>, vector<128x128xf32>
    %dot_general3A_104 = arith.constant dense<0.000000e+00> : vector<512x128xf32>
    %dot_general3A_105 = tpu.matmul %add3A_100, %get3A_103, %dot_general3A_104 {dimension_numbers = #tpu.dot_dimension_numbers<[1], [0], [0], [1], [0, 0, 1, 1], [], []>, transpose_lhs_hint = false} : vector<512x128xf32>, vector<128x128xf32>, vector<512x128xf32> -> vector<512x128xf32>
    %get3A_106 = arith.constant 0 : index
    %get3A_107 = arith.constant 0 : index
    %get3A_108 = vector.load %arg9[%get3A_106, %get3A_107] : memref<8x128xf32, #tpu.memory_space<vmem>>, vector<1x128xf32>
    %get3A_109 = vector.shape_cast %get3A_108 : vector<1x128xf32> to vector<128xf32>
    %broadcast_in_dim3A_110 = vector.shape_cast %get3A_109 : vector<128xf32> to vector<1x128xf32>
    %add3A_111 = vector.broadcast %broadcast_in_dim3A_110 : vector<1x128xf32> to vector<512x128xf32>
    %add3A_112 = arith.addf %dot_general3A_105, %add3A_111 : vector<512x128xf32>
    %max3A_113 = arith.constant 0.000000e+00 : f32
    %max3A_114 = vector.broadcast %max3A_113 : f32 to vector<512x128xf32>
    %max3A_115 = arith.maximumf %add3A_112, %max3A_114 : vector<512x128xf32>
    %swap3A = arith.constant 0 : index
    %swap3A_116 = arith.constant 0 : index
    %swap3A_117 = vector.load %arg10[%swap3A, %swap3A_116] : memref<512x128xf32, #tpu.memory_space<vmem>>, vector<512x128xf32>
    tpu.vector_store %arg10[%swap3A, %swap3A_116], %max3A_115 {strides = array<i32>} : memref<512x128xf32, #tpu.memory_space<vmem>>, vector<512x128xf32>,
    return
  }
  func.func @transform_0(%arg0: i32) -> (i32, i32, i32) {
    %c0_i32 = arith.constant 0 : i32
    %c0_i32_0 = arith.constant 0 : i32
    %c0_i32_1 = arith.constant 0 : i32
    return %c0_i32, %arg0, %c0_i32_0 : i32, i32, i32
  }
  func.func @transform_1(%arg0: i32) -> (i32, i32) {
    %c0_i32 = arith.constant 0 : i32
    %c0_i32_0 = arith.constant 0 : i32
    return %arg0, %c0_i32 : i32, i32
  }
  func.func @transform_2(%arg0: i32) -> (i32, i32) {
    %c0_i32 = arith.constant 0 : i32
    %c0_i32_0 = arith.constant 0 : i32
    return %arg0, %c0_i32 : i32, i32
  }
  func.func @transform_3(%arg0: i32) -> (i32, i32) {
    %c0_i32 = arith.constant 0 : i32
    %c0_i32_0 = arith.constant 0 : i32
    return %arg0, %c0_i32 : i32, i32
  }
  func.func @transform_4(%arg0: i32) -> (i32, i32, i32) {
    %c0_i32 = arith.constant 0 : i32
    %c0_i32_0 = arith.constant 0 : i32
    %c0_i32_1 = arith.constant 0 : i32
    return %c0_i32, %arg0, %c0_i32_0 : i32, i32, i32
  }
  func.func @transform_5(%arg0: i32) -> (i32, i32, i32) {
    %c0_i32 = arith.constant 0 : i32
    %c0_i32_0 = arith.constant 0 : i32
    %c0_i32_1 = arith.constant 0 : i32
    %c0_i32_2 = arith.constant 0 : i32
    return %c0_i32, %c0_i32_0, %c0_i32_1 : i32, i32, i32
  }
  func.func @transform_6(%arg0: i32) -> (i32, i32) {
    %c0_i32 = arith.constant 0 : i32
    %c0_i32_0 = arith.constant 0 : i32
    %c0_i32_1 = arith.constant 0 : i32
    return %c0_i32, %c0_i32_0 : i32, i32
  }
  func.func @transform_7(%arg0: i32) -> (i32, i32) {
    %c0_i32 = arith.constant 0 : i32
    %c0_i32_0 = arith.constant 0 : i32
    %c0_i32_1 = arith.constant 0 : i32
    return %c0_i32, %c0_i32_0 : i32, i32
  }
  func.func @transform_8(%arg0: i32) -> (i32, i32) {
    %c0_i32 = arith.constant 0 : i32
    %c0_i32_0 = arith.constant 0 : i32
    %c0_i32_1 = arith.constant 0 : i32
    return %c0_i32, %c0_i32_0 : i32, i32
  }
  func.func @transform_9(%arg0: i32) -> (i32, i32) {
    %c0_i32 = arith.constant 0 : i32
    %c0_i32_0 = arith.constant 0 : i32
    return %arg0, %c0_i32 : i32, i32
  }
}

</mosaic_0001>

<sc_bundles>
// kernel: kernel.10.cloned.1.call-start
scs
__scs_entry_jumppad:
0x0: {  	(pc) =	sbr.rel $0x88, $3  }
0x1: {  	(tag) =	ssettag $0x0;
	lr =	simm.s32 $0x1  }
0x2: {  	[smem:$0x3F9B] =	sst lr;
	_ =	strace $0xD0000000  }
0x3: {  	_ = 	snop  }
0x4: {  	_ = 	snop  }
0x5: {  	_ = 	snop  }
0x6: {  	_ = 	snop  }
0x7: {  	_ = 	snop  }
__scs_overlays_trampoline_lowered:
0x8: {  	[smem:$0x3FAA] =	sst s0  }
0x9: {  	[smem:$0x3FAB] =	sst s1  }
0xa: {  	[smem:$0x3FAC] =	sst s2  }
0xb: {  	[smem:$0x3FAD] =	sst s3  }
0xc: {  	[smem:$0x3FAE] =	sst s4  }
0xd: {  	[smem:$0x3FAF] =	sst s5  }
0xe: {  	[smem:$0x3FB0] =	sst s6  }
0xf: {  	[smem:$0x3FB1] =	sst s7  }
0x10: {  	[smem:$0x3FB2] =	sst s8  }
0x11: {  	[smem:$0x3FB3] =	sst s9;
	s0 =	simm.s32 @!p0 $0x0  }
0x12: {  	s1 =	sld [smem:$0x3F99];
	s0 =	simm.s32 @p0 $0x1  }
0x13: {  	[smem:$0x3FB4] =	sst s0;
	s0 =	simm.s32 @!p1 $0x0  }
0x14: {  	s2 =	sld [smem:$0x3F98];
	s0 =	simm.s32 @p1 $0x1  }
0x15: {  	[smem:$0x3FB5] =	sst s0;
	s0 =	simm.s32 @!p2 $0x0  }
0x16: {  	s3 =	sld [smem:$0x3FDB];
	s0 =	simm.s32 @p2 $0x1  }
0x17: {  	s4 =	simm.s32 $0x1BF5;
	[smem:$0x3FB7] =	sst s0  }
0x18: {  	s0 =	sld [smem:$0x3F9A];
	_ =	swait.ge [sflag:s4], $0x0  }
0x19: {  	s7 =	sld [smem:$0x3F9B]  }
0x1a: {  	s8 =	sadd.s32 $0xFFFFE003, lr  }
0x1b: {  	s9 =	sadd.s32 $0xFFFFFEF7, lr;
	s5 =	simm.s32 $0xFFFFFFFF;
	p2 =	slt.u32 s8, $0xFFFFF086  }
0x1c: {  	p1 =	slt.u32 s9, $0xF7A;
	s5 =	simm.s32 @!p2 $0x0  }
0x1d: {  	s5 =	simm.s32 @p1 $0x1;
	p0 =	seq.s32 s7, s2  }
0x1e: {  	s7 =	smul.u32 @!p0 $0xF7A, s2;
	p2 =	seq.s32 @!p0 s5, $0x0  }
0x1f: {  	s9 =	smul.u32 $0xF7A, s1;
	s8 =	simm.s32 @!p0 $0x1BF5;
	p2 =	por !p2, p0  }
0x20: {  	[sflag:s8] =	ssyncset.s32 @!p0 $0xFFFFF086;
	s6 =	sadd.s32 @!p0 s3, s7;
	s7 =	simm.s32 @!p0 $0x108  }
0x21: {  	s3 =	sadd.s32 s3, s9;
	s6 =	sadd.s32 @!p0 $0x88, s6;
	s7 =	simm.s32 @p2 $0x1082  }
0x22: {  	[simem:s7], [sflag:s8] =	dma.local @!p0 [hbm:s6], $0xF7A  }
0x23: {  	s9 =	sor.u32 $0xD0000000, s2;
	s6 =	simm.s32 $0x108;
	_ =	swait.ge @!p0 [sflag:s8], $0x0  }
0x24: {  	s3 =	sadd.s32 $0x88, s3;
	s6 =	simm.s32 @!p1 $0x1082;
	[sflag:s4] =	ssyncset.s32 $0xFFFFF086  }
0x25: {  	[simem:s6], [sflag:s4] =	dma.local [hbm:s3], $0xF7A  }
0x26: {  	[smem:$0x3F9B] =	sst s1;
	(tag) =	ssettag s2;
	_ =	strace s9  }
0x27: {  	s1 =	sld [smem:$0x3FAB]  }
0x28: {  	s2 =	sld [smem:$0x3FAC]  }
0x29: {  	s4 =	sld [smem:$0x3FAE]  }
0x2a: {  	p0 =	seq.s32 s5, $0x0;
	s5 =	sld [smem:$0x3FAF]  }
0x2b: {  	s6 =	sld [smem:$0x3FB0]  }
0x2c: {  	s7 =	sld [smem:$0x3FB1]  }
0x2d: {  	s3 =	simm.s32 $0x108;
	s8 =	sld [smem:$0x3FB2]  }
0x2e: {  	s3 =	simm.s32 @!p0 $0x1082;
	s9 =	sld [smem:$0x3FB3]  }
0x2f: {  	lr =	sadd.s32 s0, s3;
	s0 =	sld [smem:$0x3FAA]  }
0x30: {  	s3 =	sld [smem:$0x3FAD]  }
0x31: {  	[smem:$0x3FB6] =	sst s10  }
0x32: {  	s10 =	sld [smem:$0x3FB4];
	_ =	sdelay $0x3  }
0x33: {  	p0 =	seq.s32 s10, $0x1;
	s10 =	sld [smem:$0x3FB6];
	_ =	sdelay $0x3  }
0x34: {  	[smem:$0x3FB6] =	sst s10  }
0x35: {  	s10 =	sld [smem:$0x3FB5];
	_ =	sdelay $0x3  }
0x36: {  	p1 =	seq.s32 s10, $0x1;
	s10 =	sld [smem:$0x3FB6];
	_ =	sdelay $0x3  }
0x37: {  	[smem:$0x3FB6] =	sst s10  }
0x38: {  	s10 =	sld [smem:$0x3FB7]  }
0x39: {  	_ = 	snop;
	(pc) =	sbr.ind lr, $3  }
0x3a: {  	_ = 	snop  }
0x3b: {  	_ = 	snop  }
0x3c: {  	p2 =	seq.s32 s10, $0x1;
	s10 =	sld [smem:$0x3FB6]  }
0x3d: {  	_ =	shalt  }
0x3e: {  	_ =	shalt  }
0x3f: {  	_ =	shalt  }
0x40: {  	_ =	shalt  }
0x41: {  	_ =	shalt  }
0x42: {  	_ =	shalt  }
0x43: {  	_ =	shalt  }
0x44: {  	_ =	shalt  }
0x45: {  	_ =	shalt  }
0x46: {  	_ =	shalt  }
0x47: {  	_ =	shalt  }
0x48: {  	_ =	shalt  }
0x49: {  	_ =	shalt  }
0x4a: {  	_ =	shalt  }
0x4b: {  	_ =	shalt  }
0x4c: {  	_ =	shalt  }
0x4d: {  	_ =	shalt  }
0x4e: {  	_ =	shalt  }
0x4f: {  	_ =	shalt  }
0x50: {  	_ =	shalt  }
0x51: {  	_ =	shalt  }
0x52: {  	_ =	shalt  }
0x53: {  	_ =	shalt  }
0x54: {  	_ =	shalt  }
0x55: {  	_ =	shalt  }
0x56: {  	_ =	shalt  }
0x57: {  	_ =	shalt  }
0x58: {  	_ =	shalt  }
0x59: {  	_ =	shalt  }
0x5a: {  	_ =	shalt  }
0x5b: {  	_ =	shalt  }
0x5c: {  	_ =	shalt  }
0x5d: {  	_ =	shalt  }
0x5e: {  	_ =	shalt  }
0x5f: {  	_ =	shalt  }
0x60: {  	_ =	shalt  }
0x61: {  	_ =	shalt  }
0x62: {  	_ =	shalt  }
0x63: {  	_ =	shalt  }
0x64: {  	_ =	shalt  }
0x65: {  	_ =	shalt  }
0x66: {  	_ =	shalt  }
0x67: {  	_ =	shalt  }
0x68: {  	_ =	shalt  }
0x69: {  	_ =	shalt  }
0x6a: {  	_ =	shalt  }
0x6b: {  	_ =	shalt  }
0x6c: {  	_ =	shalt  }
0x6d: {  	_ =	shalt  }
0x6e: {  	_ =	shalt  }
0x6f: {  	_ =	shalt  }
0x70: {  	_ =	shalt  }
0x71: {  	_ =	shalt  }
0x72: {  	_ =	shalt  }
0x73: {  	_ =	shalt  }
0x74: {  	_ =	shalt  }
0x75: {  	_ =	shalt  }
0x76: {  	_ =	shalt  }
0x77: {  	_ =	shalt  }
0x78: {  	_ =	shalt  }
0x79: {  	_ =	shalt  }
0x7a: {  	_ =	shalt  }
0x7b: {  	_ =	shalt  }
0x7c: {  	_ =	shalt  }
0x7d: {  	_ =	shalt  }
0x7e: {  	_ =	shalt  }
0x7f: {  	_ =	shalt  }
0x80: {  	_ =	shalt  }
0x81: {  	_ =	shalt  }
0x82: {  	_ =	shalt  }
0x83: {  	_ =	shalt  }
0x84: {  	_ =	shalt  }
0x85: {  	_ =	shalt  }
0x86: {  	_ =	shalt  }
0x87: {  	_ =	shalt  }
.Lfunc_end0:
.L_simem_size_0:
called_computation_lowered:
.L_overlay_start_0:
0x88: {  	s2 =	sld [smem:$0x3FD9]  }
0x89: {  	s3 =	sld [smem:$0x3FFE];
	_ =	sdelay $0x1  }
0x8a: {  	s1 =	srdreg.scid  }
0x8b: {  	s0 =	sand.u32 $0x1, s1  }
0x8c: {  	s17 =	sshll.u32 s0, $0xA;
	s2 =	sadd.s32 s3, s2  }
0x8d: {  	s2 =	sadd.s32 s2, s17  }
0x8e: {  	[smem:$0x3FC2] =	sst s2  }
0x8f: {  	_ = 	snop  }
0x90: {  	s2 =	sld [smem:$0x3FD0];
	(tm) =	ssettm $0x1  }
0x91: {  	s18 =	sld [smem:$0x3FFB];
	_ =	sdelay $0x3  }
0x92: {  	_ =	strace s18  }
0x93: {  	s3 =	sld [smem:$0x3FFC];
	_ =	sdelay $0x3  }
0x94: {  	_ =	strace s3  }
0x95: {  	s3 =	sld [smem:$0x3FFD];
	_ =	sdelay $0x3  }
0x96: {  	_ =	strace s3  }
0x97: {  	_ =	strace $0x8FFFFFFF  }
0x98: {  	s19 =	sld [smem:$0x3FDB];
	_ =	sdelay $0x1  }
0x99: {  	s4 =	simm.s32 $_scs_section_size  }
0x9a: {  	s5 =	simm.s32 $_size__tile_overlayer_lowered;
	s6 =	simm.s32 $_tile_overlayer_lowered  }
0x9b: {  	s22 =	simm.s32 $0x1BFF;
	s21 =	sshll.u32 s6, $0x1;
	s3 =	sadd.s32 s4, s19  }
0x9c: {  	s7 =	simm.s32 $0x0;
	s20 =	sshll.u32 s5, $0x1;
	s5 =	sadd.s32 s21, s3  }
0x9d: {  	[timem:s7], [sflag:s22] =	dma.local [hbm:s5], s20  }
0x9e: {  	_ =	swait.ge [sflag:s22], s20  }
0x9f: {  	s4 =	ssub.s32 $0x0, s20;
	[sflag:s22] =	ssyncset.done $0x0  }
0xa0: {  	[sflag:s22] =	ssyncadd.s32 s4;
	_ =	sdelay $0x1  }
0xa1: {  	s23 =	simm.s32 $0x1B8B  }
0xa2: {  	_ =	swait.ge [sflag:s23], $0x1  }
0xa3: {  	[sflag:s23] =	ssyncset.done $0x0  }
0xa4: {  	s25 =	simm.s32 $0x1B8E;
	s24 =	sld [smem:$0x3FFE];
	[sflag:s23] =	ssyncadd.s32 $0xFFFFFFFF  }
0xa5: {  	s26 =	simm.s32 $execute0_lowered;
	[smem:$0x3FD2] =	sst s25  }
0xa6: {  	s5 =	sshll.u32 s26, $0x1;
	_ =	strace $0x80000046;
	[dreg:$0x1] =	wrdreg $0xFFFFFFFF  }
0xa7: {  	s28 =	simm.s32 $_size_execute0_lowered;
	s3 =	sadd.s32 s3, s5;
	[dreg:$0x0] =	wrdreg $0x0  }
0xa8: {  	s5 =	sshll.u32 s28, $0x1;
	[dreg:$0x2] =	wrdreg s3  }
0xa9: {  	[dreg:$0x3] =	wrdreg s5  }
0xaa: {  	[dreg:$0x4] =	wrdreg $0xC0  }
0xab: {  	_ =	task [dreg:s7], $0x5FFFF  }
0xac: {  	[dreg:$0x1] =	wrdreg $0xFFFFFFFF  }
0xad: {  	[dreg:$0x0] =	wrdreg $0x60  }
0xae: {  	[dreg:$0x2] =	wrdreg s2  }
0xaf: {  	[dreg:$0x3] =	wrdreg s24  }
0xb0: {  	[dreg:$0x4] =	wrdreg $0x68000  }
0xb1: {  	[dreg:$0x5] =	wrdreg $0x9  }
0xb2: {  	_ =	task.clear_ibuf [dreg:s7], $0x6FFFF;
	_ =	strace $0x90000046  }
0xb3: {  	s29 =	simm.s32 $0x9;
	_ =	strace $0x80000048  }
0xb4: {  	_ =	swait.ge [sflag:s29], $0x1  }
0xb5: {  	[sflag:s29] =	ssyncadd.s32 $0xFFFFFFFF  }
0xb6: {  	_ =	strace $0x90000048  }
0xb7: {  	_ =	sfence  }
0xb8: {  	s30 =	sld [smem:$0x0];
	_ =	sdelay $0x2  }
0xb9: {  	s31 =	sshll.u32 s1, $0xD;
	s1 =	sshrl.u32 s1, $0x2  }
0xba: {  	s3 =	sand.u32 $0x4000, s31;
	s1 =	sadd.s32 s1, s30  }
0xbb: {  	s0 =	sor.u32 s3, s0;
	s1 =	sshll.u32 s1, $0x11  }
0xbc: {  	s0 =	sor.u32 s1, s0  }
0xbd: {  	s0 =	sadd.s32 $0x8F2B, s0  }
0xbe: {  	[sflag:s0] =	ssyncadd.remote.s32 $0x1  }
0xbf: {  	_ =	sfence.sel $0xFFFF  }
0xc0: {  	[dreg:$0x0] =	wrdreg $0xFFFFFFFF;
	(pc) =	sbr.abs _section_cstart, $3  }
0xc1: {  	[dreg:$0x1] =	wrdreg $0xFFFFFFFF  }
0xc2: {  	_ =	task.clear_ibuf [dreg:s7], $0x2FFFF;
	_ =	strace $0x9FFFFFFF  }
0xc3: {  	(tm) =	ssettm $0x7FFFFFFF  }
tec
execute0_lowered:
.L_overlay_start_1:
0x0: {  	(tag) =	ssettag $0x1  }
0x1: {  	s4 =	rddreg [dreg:$0x0]  }
0x2: {  	s5 =	rddreg [dreg:$0x1]  }
0x3: {  	s0 =	srdreg.scid;
	s2 =	rddreg [dreg:$0x2]  }
0x4: {  	s1 =	stileid.u32;
	s3 =	simm.s32 $0x0;
	s15 =	simm.s32 $0x4  }
0x5: {  	s16 =	simm.s32 $0x4000;
	s17 =	simm.s32 $0x50;
	s18 =	simm.s32 $0x80  }
0x6: {  	s19 =	simm.s32 $0x100;
	s20 =	simm.s32 $0x1;
	s21 =	simm.s32 $0x2  }
0x7: {  	s22 =	simm.s32 $0x3;
	s6 =	sand.u32 $0x1, s0;
	s0 =	rddreg [dreg:$0x3]  }
0x8: {  	s25 =	simm.s32 $0x0;
	s8 =	smul.u32 $0x13C00, s1;
	[smem:$0x7FF] =	sst s3  }
0x9: {  	s9 =	smul.u32 $0x4F000, s1;
	s30 =	sshll.u32 s1, $0xB;
	s23 =	sshll.u32 s1, $0x6  }
0xa: {  	s7 =	smul.u32 $0x140000, s6;
	_ =	strace $0x80000047;
	s28 =	ssub.s32 $0x2, s6  }
0xb: {  	s6 =	sshll.u32 s6, $0xF;
	s4 =	sadd.s32 s4, s30;
	s23 =	sor.u32 $0x1C04, s23  }
0xc: {  	s29 =	sshrl.u32 s28, $0x1;
	s31 =	sshrl.u32 s9, $0x2;
	s7 =	sadd.s32 s8, s7  }
0xd: {  	s4 =	sadd.s32 s6, s4;
	s14 =	ssub.s32 s28, s29;
	s7 =	sshrl.u32 s7, $0x3  }
0xe: {  	s14 =	smax.u32 s14, $0x1;
	s13 =	sadd.s32 s7, s5;
	s5 =	sadd.s32 s31, s2  }
0xf: {  	s6 =	sadd.s32 $0x2800, s5;
	s7 =	sadd.s32 $0x5000, s5;
	s8 =	sadd.s32 $0x7800, s5  }
0x10: {  	s9 =	sadd.s32 $0xA000, s5;
	s10 =	sadd.s32 $0xC800, s5;
	s11 =	sadd.s32 $0xF000, s5  }
0x11: {  	v0 =	vimm.f32 $0.0e+00;
	v1 =	vimm.f32 $1.000000000e+00;
	s12 =	sadd.s32 $0x11800, s5;
	s13 =	sadd.s32 $0x2800, s13;
	s24 =	sshrl.u32 s5, $0x3  }
.LBB2_1:
0x12: {  	[tilespmem:s3], [sflag:$0x4] =	stream.linear.gather [hbm4b:s4+s3], $0x3F00, $0x38;
	[tilespmem:$0x1A400] =	vst v63  }
0x13: {  	_ =	swait.ge [sflag:s15], $0x3F00  }
0x14: {  	[sflag:s15] =	ssyncset.done $0x0  }
0x15: {  	s26 =	simm.s32 $0x70;
	s28 =	simm.s32 $0x3C0;
	[sflag:s15] =	ssyncadd.s32 $0xFFFFC100  }
.LBB2_2:
0x16: {  	p0 =	sne.s32 s28, $0x9FC0;
	[tilespmem:s26+$0x4000] =	vst v0  }
0x17: {  	[tilespmem:s26+$0x3F90] =	vst v0  }
0x18: {  	[tilespmem:s26+$0x3FA0] =	vst v0  }
.Ltmp0:
0x19: {  	[tilespmem:s26+$0x3FB0] =	vst v0;
	(pc) =	sbr.rel @p0 .LBB2_2-.Ltmp0, $4  }
0x1a: {  	[tilespmem:s26+$0x3FC0] =	vst v0  }
0x1b: {  	[tilespmem:s26+$0x3FD0] =	vst v0  }
0x1c: {  	[tilespmem:s26+$0x3FE0] =	vst v0  }
0x1d: {  	[tilespmem:s26+$0x3FF0] =	vst v0;
	s26 =	sshra.s32 s28, $0x2;
	s28 =	sadd.s32 $0x200, s28  }
0x1e: {  	[tilespmem:s26+$0x4000] =	vst v0  }
0x1f: {  	[tilespmem:s26+$0x3F90] =	vst v0  }
0x20: {  	[tilespmem:s26+$0x3FA0] =	vst v0  }
0x21: {  	[tilespmem:s26+$0x3FB0] =	vst v0  }
0x22: {  	[tilespmem:s26+$0x3FC0] =	vst v0  }
0x23: {  	[tilespmem:s26+$0x3FD0] =	vst v0  }
0x24: {  	[tilespmem:s26+$0x3FE0] =	vst v0  }
0x25: {  	[tilespmem:s26+$0x3FF0] =	vst v0  }
0x26: {  	[spmem:s5] =	stream.linear.scatter [tilespmem:s16], [sflag:$0x4], $0x2800, $0x38;
	[tilespmem:$0x1A400] =	vst v63  }
0x27: {  	_ =	swait.ge [sflag:s15], $0x2800  }
0x28: {  	[sflag:s15] =	ssyncset.done $0x0  }
0x29: {  	[sflag:s15] =	ssyncadd.s32 $0xFFFFD800  }
0x2a: {  	[spmem:s6] =	stream.linear.scatter [tilespmem:s16], [sflag:$0x4], $0x2800, $0x38;
	[tilespmem:$0x1A400] =	vst v63  }
0x2b: {  	_ =	swait.ge [sflag:s15], $0x2800  }
0x2c: {  	[sflag:s15] =	ssyncset.done $0x0  }
0x2d: {  	[sflag:s15] =	ssyncadd.s32 $0xFFFFD800  }
0x2e: {  	[spmem:s7] =	stream.linear.scatter [tilespmem:s16], [sflag:$0x4], $0x2800, $0x38;
	[tilespmem:$0x1A400] =	vst v63  }
0x2f: {  	_ =	swait.ge [sflag:s15], $0x2800  }
0x30: {  	[sflag:s15] =	ssyncset.done $0x0  }
0x31: {  	[sflag:s15] =	ssyncadd.s32 $0xFFFFD800  }
0x32: {  	[spmem:s8] =	stream.linear.scatter [tilespmem:s16], [sflag:$0x4], $0x2800, $0x38;
	[tilespmem:$0x1A400] =	vst v63  }
0x33: {  	_ =	swait.ge [sflag:s15], $0x2800  }
0x34: {  	[sflag:s15] =	ssyncset.done $0x0  }
0x35: {  	[sflag:s15] =	ssyncadd.s32 $0xFFFFD800  }
0x36: {  	[spmem:s9] =	stream.linear.scatter [tilespmem:s16], [sflag:$0x4], $0x2800, $0x38;
	[tilespmem:$0x1A400] =	vst v63  }
0x37: {  	_ =	swait.ge [sflag:s15], $0x2800  }
0x38: {  	[sflag:s15] =	ssyncset.done $0x0  }
0x39: {  	[sflag:s15] =	ssyncadd.s32 $0xFFFFD800  }
0x3a: {  	[spmem:s10] =	stream.linear.scatter [tilespmem:s16], [sflag:$0x4], $0x2800, $0x38;
	[tilespmem:$0x1A400] =	vst v63  }
0x3b: {  	_ =	swait.ge [sflag:s15], $0x2800  }
0x3c: {  	[sflag:s15] =	ssyncset.done $0x0  }
0x3d: {  	[sflag:s15] =	ssyncadd.s32 $0xFFFFD800  }
0x3e: {  	[spmem:s11] =	stream.linear.scatter [tilespmem:s16], [sflag:$0x4], $0x2800, $0x38;
	[tilespmem:$0x1A400] =	vst v63  }
0x3f: {  	_ =	swait.ge [sflag:s15], $0x2800  }
0x40: {  	[sflag:s15] =	ssyncset.done $0x0  }
0x41: {  	[sflag:s15] =	ssyncadd.s32 $0xFFFFD800  }
0x42: {  	[spmem:s12] =	stream.linear.scatter [tilespmem:s16], [sflag:$0x4], $0x2400, $0x38;
	[tilespmem:$0x1A400] =	vst v63  }
0x43: {  	_ =	swait.ge [sflag:s15], $0x2400  }
0x44: {  	[sflag:s15] =	ssyncset.done $0x0  }
0x45: {  	s26 =	simm.s32 $0x200;
	s28 =	simm.s32 $0x0;
	[sflag:s15] =	ssyncadd.s32 $0xFFFFDC00  }
.LBB2_4:
0x46: {  	p0 =	sne.s32 s26, $0x9E00;
	[tilespmem:s28+$0x4000] =	vst v1;
	s28 =	smov.u32 s26;
	s26 =	sadd.s32 $0x200, s26  }
.Ltmp1:
0x47: {  	(pc) =	sbr.rel @p0 .LBB2_4-.Ltmp1, $2  }
0x48: {  	_ =	sdelay $0x2  }
0x49: {  	s28 =	sshra.s32 s28, $0x2  }
0x4a: {  	[tilespmem:s28+$0x4000] =	vst v1  }
0x4b: {  	[bflag:$0x0] =	sbarrier.arrive $0xFFFF  }
0x4c: {  	[spmem:s2] =	stream.indirect.scatter.add.f32 [tilespmem:s16], [sflag:$0x1], $0x80, s3, s17, $0xb8;
	[tilespmem:$0x1A400] =	vst v63  }
0x4d: {  	_ = 	snop  }
0x4e: {  	[spmem:s2] =	stream.indirect.scatter.add.f32 [tilespmem:s16], [sflag:$0x2], $0x80, s18, s17, $0xb8;
	[tilespmem:$0x1A400] =	vst v63  }
0x4f: {  	_ = 	snop  }
0x50: {  	[spmem:s2] =	stream.indirect.scatter.add.f32 [tilespmem:s16], [sflag:$0x3], $0x80, s19, s17, $0xb8;
	[tilespmem:$0x1A400] =	vst v63  }
0x51: {  	_ =	swait.ge [sflag:s20], $0x2800  }
0x52: {  	[sflag:s20] =	ssyncset.done $0x0  }
0x53: {  	s26 =	simm.s32 $0x180;
	[sflag:s20] =	ssyncadd.s32 $0xFFFFD800  }
0x54: {  	[spmem:s2] =	stream.indirect.scatter.add.f32 [tilespmem:s16], [sflag:$0x1], $0x80, s26, s17, $0xb8;
	[tilespmem:$0x1A400] =	vst v63  }
0x55: {  	_ =	swait.ge [sflag:s21], $0x2800  }
0x56: {  	[sflag:s21] =	ssyncset.done $0x0  }
0x57: {  	s31 =	simm.s32 $0x200;
	[sflag:s21] =	ssyncadd.s32 $0xFFFFD800  }
0x58: {  	[spmem:s2] =	stream.indirect.scatter.add.f32 [tilespmem:s16], [sflag:$0x2], $0x80, s31, s17, $0xb8;
	[tilespmem:$0x1A400] =	vst v63  }
0x59: {  	_ =	swait.ge [sflag:s22], $0x2800  }
0x5a: {  	[sflag:s22] =	ssyncset.done $0x0  }
0x5b: {  	s28 =	simm.s32 $0x280;
	s26 =	simm.s32 $0xFFFF1000;
	[sflag:s22] =	ssyncadd.s32 $0xFFFFD800  }
.LBB2_6:
0x5c: {  	[spmem:s2] =	stream.indirect.scatter.add.f32 [tilespmem:s16], [sflag:$0x3], $0x80, s28, s17, $0xb8;
	[tilespmem:$0x1A400] =	vst v63  }
0x5d: {  	s28 =	smov.u32 s26  }
0x5e: {  	p0 =	sne.s32 s26, $0xFFFFFA00;
	s26 =	sadd.s32 $0x600, s26;
	_ =	swait.ge [sflag:s20], $0x2800  }
0x5f: {  	s28 =	sshra.s32 s28, $0x2;
	[sflag:s20] =	ssyncset.done $0x0  }
0x60: {  	s29 =	sadd.s32 $0x3F00, s28;
	[sflag:s20] =	ssyncadd.s32 $0xFFFFD800  }
0x61: {  	[spmem:s2] =	stream.indirect.scatter.add.f32 [tilespmem:s16], [sflag:$0x1], $0x80, s29, s17, $0xb8;
	[tilespmem:$0x1A400] =	vst v63  }
0x62: {  	_ =	swait.ge [sflag:s21], $0x2800  }
0x63: {  	[sflag:s21] =	ssyncset.done $0x0  }
.Ltmp2:
0x64: {  	s29 =	sadd.s32 $0x3F80, s28;
	[sflag:s21] =	ssyncadd.s32 $0xFFFFD800;
	(pc) =	sbr.rel @p0 .LBB2_6-.Ltmp2, $4  }
0x65: {  	[spmem:s2] =	stream.indirect.scatter.add.f32 [tilespmem:s16], [sflag:$0x2], $0x80, s29, s17, $0xb8;
	[tilespmem:$0x1A400] =	vst v63  }
0x66: {  	_ =	swait.ge [sflag:s22], $0x2800  }
0x67: {  	[sflag:s22] =	ssyncset.done $0x0  }
0x68: {  	s28 =	sadd.s32 $0x4000, s28;
	[sflag:s22] =	ssyncadd.s32 $0xFFFFD800  }
0x69: {  	[spmem:s2] =	stream.indirect.scatter.add.f32 [tilespmem:s16], [sflag:$0x3], $0x80, s28, s17, $0xb8;
	[tilespmem:$0x1A400] =	vst v63  }
0x6a: {  	_ =	swait.ge [sflag:s20], $0x2800  }
0x6b: {  	[sflag:s20] =	ssyncset.done $0x0  }
0x6c: {  	[sflag:s20] =	ssyncadd.s32 $0xFFFFD800  }
0x6d: {  	_ =	swait.ge [sflag:s21], $0x2800  }
0x6e: {  	[sflag:s21] =	ssyncset.done $0x0  }
0x6f: {  	[sflag:s21] =	ssyncadd.s32 $0xFFFFD800  }
0x70: {  	_ =	swait.ge [sflag:s22], $0x2800  }
0x71: {  	s25 =	sadd.s32 $0x1, s25;
	[sflag:s22] =	ssyncset.done $0x0  }
0x72: {  	p0 =	sne.s32 s25, s14;
	[sflag:s22] =	ssyncadd.s32 $0xFFFFD800  }
.Ltmp3:
0x73: {  	[bflag:$0x0] =	sbarrier.arrive $0xFFFF;
	(pc) =	sbr.rel @p0 .LBB2_1-.Ltmp3, $4  }
0x74: {  	[hbm:s13], [sflag:s23] =	dma.local [spmem:s24], $0x2780  }
0x75: {  	_ =	swait.ge [sflag:s15], $0x2780  }
0x76: {  	[sflag:s15] =	ssyncset.done $0x0  }
0x77: {  	[sflag:s15] =	ssyncadd.s32 $0xFFFFD880  }
0x78: {  	_ =	sfence.sel $0x180000  }
0x79: {  	[bflag:$0x0] =	sbarrier.arrive $0xFFFF  }
0x7a: {  	p0 =	sne.s32 s1, $0x0;
	_ =	strace $0x90000047  }
0x7b: {  	s0 =	sadd.s32 @!p0 $0x100000, s0;
	[bflag:$0x2] =	sbarrier.arrive $0xFFFF  }
0x7c: {  	[sflag:s0] =	ssyncadd.tile.s32 @!p0 $0x1;
	_ =	shalt  }
.Lfunc_end2:
_tile_overlayer_lowered:
.L_overlay_start_2:
0x7d: {  	(tag) =	ssettag $0x2  }
0x7e: {  	s0 =	rddreg [dreg:$0x0];
	s2 =	stileid.u32  }
0x7f: {  	s1 =	rddreg [dreg:$0x1];
	p0 =	sne.s32 s2, $0x0  }
0x80: {  	s3 =	rddreg [dreg:$0x2];
	[bflag:$0x3] =	sbarrier.arrive $0xFFFF;
	s2 =	simm.s32 @!p0 $0x1C04  }
0x81: {  	[timem:s3], [sflag:s2] =	dma.local @!p0 [hbm:s0], s1  }
0x82: {  	s0 =	simm.s32 @!p0 $0x4  }
0x83: {  	_ =	swait.ge @!p0 [sflag:s0], s1  }
0x84: {  	s1 =	ssub.s32 @!p0 $0x0, s1;
	[sflag:s0] =	ssyncset.done @!p0 $0x0  }
0x85: {  	[sflag:s0] =	ssyncadd.s32 @!p0 s1  }
0x86: {  	[bflag:$0x3] =	sbarrier.arrive $0xFFFF  }
0x87: {  	_ =	shalt  }

// kernel: kernel.13.cloned.1.call-start
scs
__scs_entry_jumppad:
0x0: {  	(pc) =	sbr.rel $0x88, $3  }
0x1: {  	(tag) =	ssettag $0x0;
	lr =	simm.s32 $0x1  }
0x2: {  	[smem:$0x3F9B] =	sst lr;
	_ =	strace $0xD0000000  }
0x3: {  	_ = 	snop  }
0x4: {  	_ = 	snop  }
0x5: {  	_ = 	snop  }
0x6: {  	_ = 	snop  }
0x7: {  	_ = 	snop  }
__scs_overlays_trampoline_lowered:
0x8: {  	[smem:$0x3FAA] =	sst s0  }
0x9: {  	[smem:$0x3FAB] =	sst s1  }
0xa: {  	[smem:$0x3FAC] =	sst s2  }
0xb: {  	[smem:$0x3FAD] =	sst s3  }
0xc: {  	[smem:$0x3FAE] =	sst s4  }
0xd: {  	[smem:$0x3FAF] =	sst s5  }
0xe: {  	[smem:$0x3FB0] =	sst s6  }
0xf: {  	[smem:$0x3FB1] =	sst s7  }
0x10: {  	[smem:$0x3FB2] =	sst s8  }
0x11: {  	[smem:$0x3FB3] =	sst s9;
	s0 =	simm.s32 @!p0 $0x0  }
0x12: {  	s1 =	sld [smem:$0x3F99];
	s0 =	simm.s32 @p0 $0x1  }
0x13: {  	[smem:$0x3FB4] =	sst s0;
	s0 =	simm.s32 @!p1 $0x0  }
0x14: {  	s2 =	sld [smem:$0x3F98];
	s0 =	simm.s32 @p1 $0x1  }
0x15: {  	[smem:$0x3FB5] =	sst s0;
	s0 =	simm.s32 @!p2 $0x0  }
0x16: {  	s3 =	sld [smem:$0x3FDB];
	s0 =	simm.s32 @p2 $0x1  }
0x17: {  	s4 =	simm.s32 $0x1BF5;
	[smem:$0x3FB7] =	sst s0  }
0x18: {  	s0 =	sld [smem:$0x3F9A];
	_ =	swait.ge [sflag:s4], $0x0  }
0x19: {  	s7 =	sld [smem:$0x3F9B]  }
0x1a: {  	s8 =	sadd.s32 $0xFFFFE003, lr  }
0x1b: {  	s9 =	sadd.s32 $0xFFFFFEF7, lr;
	s5 =	simm.s32 $0xFFFFFFFF;
	p2 =	slt.u32 s8, $0xFFFFF086  }
0x1c: {  	p1 =	slt.u32 s9, $0xF7A;
	s5 =	simm.s32 @!p2 $0x0  }
0x1d: {  	s5 =	simm.s32 @p1 $0x1;
	p0 =	seq.s32 s7, s2  }
0x1e: {  	s7 =	smul.u32 @!p0 $0xF7A, s2;
	p2 =	seq.s32 @!p0 s5, $0x0  }
0x1f: {  	s9 =	smul.u32 $0xF7A, s1;
	s8 =	simm.s32 @!p0 $0x1BF5;
	p2 =	por !p2, p0  }
0x20: {  	[sflag:s8] =	ssyncset.s32 @!p0 $0xFFFFF086;
	s6 =	sadd.s32 @!p0 s3, s7;
	s7 =	simm.s32 @!p0 $0x108  }
0x21: {  	s3 =	sadd.s32 s3, s9;
	s6 =	sadd.s32 @!p0 $0x88, s6;
	s7 =	simm.s32 @p2 $0x1082  }
0x22: {  	[simem:s7], [sflag:s8] =	dma.local @!p0 [hbm:s6], $0xF7A  }
0x23: {  	s9 =	sor.u32 $0xD0000000, s2;
	s6 =	simm.s32 $0x108;
	_ =	swait.ge @!p0 [sflag:s8], $0x0  }
0x24: {  	s3 =	sadd.s32 $0x88, s3;
	s6 =	simm.s32 @!p1 $0x1082;
	[sflag:s4] =	ssyncset.s32 $0xFFFFF086  }
0x25: {  	[simem:s6], [sflag:s4] =	dma.local [hbm:s3], $0xF7A  }
0x26: {  	[smem:$0x3F9B] =	sst s1;
	(tag) =	ssettag s2;
	_ =	strace s9  }
0x27: {  	s1 =	sld [smem:$0x3FAB]  }
0x28: {  	s2 =	sld [smem:$0x3FAC]  }
0x29: {  	s4 =	sld [smem:$0x3FAE]  }
0x2a: {  	p0 =	seq.s32 s5, $0x0;
	s5 =	sld [smem:$0x3FAF]  }
0x2b: {  	s6 =	sld [smem:$0x3FB0]  }
0x2c: {  	s7 =	sld [smem:$0x3FB1]  }
0x2d: {  	s3 =	simm.s32 $0x108;
	s8 =	sld [smem:$0x3FB2]  }
0x2e: {  	s3 =	simm.s32 @!p0 $0x1082;
	s9 =	sld [smem:$0x3FB3]  }
0x2f: {  	lr =	sadd.s32 s0, s3;
	s0 =	sld [smem:$0x3FAA]  }
0x30: {  	s3 =	sld [smem:$0x3FAD]  }
0x31: {  	[smem:$0x3FB6] =	sst s10  }
0x32: {  	s10 =	sld [smem:$0x3FB4];
	_ =	sdelay $0x3  }
0x33: {  	p0 =	seq.s32 s10, $0x1;
	s10 =	sld [smem:$0x3FB6];
	_ =	sdelay $0x3  }
0x34: {  	[smem:$0x3FB6] =	sst s10  }
0x35: {  	s10 =	sld [smem:$0x3FB5];
	_ =	sdelay $0x3  }
0x36: {  	p1 =	seq.s32 s10, $0x1;
	s10 =	sld [smem:$0x3FB6];
	_ =	sdelay $0x3  }
0x37: {  	[smem:$0x3FB6] =	sst s10  }
0x38: {  	s10 =	sld [smem:$0x3FB7]  }
0x39: {  	_ = 	snop;
	(pc) =	sbr.ind lr, $3  }
0x3a: {  	_ = 	snop  }
0x3b: {  	_ = 	snop  }
0x3c: {  	p2 =	seq.s32 s10, $0x1;
	s10 =	sld [smem:$0x3FB6]  }
0x3d: {  	_ =	shalt  }
0x3e: {  	_ =	shalt  }
0x3f: {  	_ =	shalt  }
0x40: {  	_ =	shalt  }
0x41: {  	_ =	shalt  }
0x42: {  	_ =	shalt  }
0x43: {  	_ =	shalt  }
0x44: {  	_ =	shalt  }
0x45: {  	_ =	shalt  }
0x46: {  	_ =	shalt  }
0x47: {  	_ =	shalt  }
0x48: {  	_ =	shalt  }
0x49: {  	_ =	shalt  }
0x4a: {  	_ =	shalt  }
0x4b: {  	_ =	shalt  }
0x4c: {  	_ =	shalt  }
0x4d: {  	_ =	shalt  }
0x4e: {  	_ =	shalt  }
0x4f: {  	_ =	shalt  }
0x50: {  	_ =	shalt  }
0x51: {  	_ =	shalt  }
0x52: {  	_ =	shalt  }
0x53: {  	_ =	shalt  }
0x54: {  	_ =	shalt  }
0x55: {  	_ =	shalt  }
0x56: {  	_ =	shalt  }
0x57: {  	_ =	shalt  }
0x58: {  	_ =	shalt  }
0x59: {  	_ =	shalt  }
0x5a: {  	_ =	shalt  }
0x5b: {  	_ =	shalt  }
0x5c: {  	_ =	shalt  }
0x5d: {  	_ =	shalt  }
0x5e: {  	_ =	shalt  }
0x5f: {  	_ =	shalt  }
0x60: {  	_ =	shalt  }
0x61: {  	_ =	shalt  }
0x62: {  	_ =	shalt  }
0x63: {  	_ =	shalt  }
0x64: {  	_ =	shalt  }
0x65: {  	_ =	shalt  }
0x66: {  	_ =	shalt  }
0x67: {  	_ =	shalt  }
0x68: {  	_ =	shalt  }
0x69: {  	_ =	shalt  }
0x6a: {  	_ =	shalt  }
0x6b: {  	_ =	shalt  }
0x6c: {  	_ =	shalt  }
0x6d: {  	_ =	shalt  }
0x6e: {  	_ =	shalt  }
0x6f: {  	_ =	shalt  }
0x70: {  	_ =	shalt  }
0x71: {  	_ =	shalt  }
0x72: {  	_ =	shalt  }
0x73: {  	_ =	shalt  }
0x74: {  	_ =	shalt  }
0x75: {  	_ =	shalt  }
0x76: {  	_ =	shalt  }
0x77: {  	_ =	shalt  }
0x78: {  	_ =	shalt  }
0x79: {  	_ =	shalt  }
0x7a: {  	_ =	shalt  }
0x7b: {  	_ =	shalt  }
0x7c: {  	_ =	shalt  }
0x7d: {  	_ =	shalt  }
0x7e: {  	_ =	shalt  }
0x7f: {  	_ =	shalt  }
0x80: {  	_ =	shalt  }
0x81: {  	_ =	shalt  }
0x82: {  	_ =	shalt  }
0x83: {  	_ =	shalt  }
0x84: {  	_ =	shalt  }
0x85: {  	_ =	shalt  }
0x86: {  	_ =	shalt  }
0x87: {  	_ =	shalt  }
.Lfunc_end0:
.L_simem_size_0:
called_computation.1_lowered:
.L_overlay_start_0:
0x88: {  	s2 =	sld [smem:$0x3FD9]  }
0x89: {  	s3 =	sld [smem:$0x3FFE];
	_ =	sdelay $0x1  }
0x8a: {  	s1 =	srdreg.scid  }
0x8b: {  	s0 =	sand.u32 $0x1, s1  }
0x8c: {  	s16 =	sshll.u32 s0, $0xA;
	s2 =	sadd.s32 s3, s2  }
0x8d: {  	s2 =	sadd.s32 s2, s16  }
0x8e: {  	[smem:$0x3FC2] =	sst s2  }
0x8f: {  	_ = 	snop  }
0x90: {  	(tm) =	ssettm $0x1  }
0x91: {  	s17 =	sld [smem:$0x3FFB];
	_ =	sdelay $0x3  }
0x92: {  	_ =	strace s17  }
0x93: {  	s2 =	sld [smem:$0x3FFC];
	_ =	sdelay $0x3  }
0x94: {  	_ =	strace s2  }
0x95: {  	s2 =	sld [smem:$0x3FFD];
	_ =	sdelay $0x3  }
0x96: {  	_ =	strace s2  }
0x97: {  	_ =	strace $0x8FFFFFFF  }
0x98: {  	s18 =	sld [smem:$0x3FDB];
	_ =	sdelay $0x1  }
0x99: {  	s19 =	simm.s32 $_scs_section_size  }
0x9a: {  	s4 =	simm.s32 $_size__tile_overlayer_lowered;
	s5 =	simm.s32 $_tile_overlayer_lowered  }
0x9b: {  	s22 =	simm.s32 $0x1BFF;
	s21 =	sshll.u32 s5, $0x1;
	s2 =	sadd.s32 s19, s18  }
0x9c: {  	s6 =	simm.s32 $0x0;
	s20 =	sshll.u32 s4, $0x1;
	s4 =	sadd.s32 s21, s2  }
0x9d: {  	[timem:s6], [sflag:s22] =	dma.local [hbm:s4], s20  }
0x9e: {  	_ =	swait.ge [sflag:s22], s20  }
0x9f: {  	s3 =	ssub.s32 $0x0, s20;
	[sflag:s22] =	ssyncset.done $0x0  }
0xa0: {  	[sflag:s22] =	ssyncadd.s32 s3;
	_ =	sdelay $0x1  }
0xa1: {  	s23 =	simm.s32 $0x1B8B  }
0xa2: {  	_ =	swait.ge [sflag:s23], $0x1  }
0xa3: {  	[sflag:s23] =	ssyncset.done $0x0  }
0xa4: {  	s25 =	simm.s32 $0x1B8E;
	s24 =	sld [smem:$0x3FFE];
	[sflag:s23] =	ssyncadd.s32 $0xFFFFFFFF  }
0xa5: {  	s26 =	simm.s32 $execute0_lowered;
	[smem:$0x3FD2] =	sst s25  }
0xa6: {  	s4 =	sshll.u32 s26, $0x1;
	_ =	strace $0x80000049;
	[dreg:$0x1] =	wrdreg $0xFFFFFFFF  }
0xa7: {  	s28 =	simm.s32 $_size_execute0_lowered;
	s2 =	sadd.s32 s2, s4;
	[dreg:$0x0] =	wrdreg $0x0  }
0xa8: {  	s4 =	sshll.u32 s28, $0x1;
	[dreg:$0x2] =	wrdreg s2  }
0xa9: {  	[dreg:$0x3] =	wrdreg s4  }
0xaa: {  	[dreg:$0x4] =	wrdreg $0xC0  }
0xab: {  	_ =	task [dreg:s6], $0x5FFFF  }
0xac: {  	[dreg:$0x1] =	wrdreg $0xFFFFFFFF  }
0xad: {  	[dreg:$0x0] =	wrdreg $0x60  }
0xae: {  	[dreg:$0x2] =	wrdreg s24  }
0xaf: {  	[dreg:$0x3] =	wrdreg $0xBC000  }
0xb0: {  	[dreg:$0x4] =	wrdreg $0x9  }
0xb1: {  	_ =	task.clear_ibuf [dreg:s6], $0x5FFFF;
	_ =	strace $0x90000049  }
0xb2: {  	s29 =	simm.s32 $0x9;
	_ =	strace $0x8000004B  }
0xb3: {  	_ =	swait.ge [sflag:s29], $0x1  }
0xb4: {  	[sflag:s29] =	ssyncadd.s32 $0xFFFFFFFF  }
0xb5: {  	_ =	strace $0x9000004B  }
0xb6: {  	_ =	sfence  }
0xb7: {  	s30 =	sld [smem:$0x0];
	_ =	sdelay $0x2  }
0xb8: {  	s31 =	sshll.u32 s1, $0xD;
	s1 =	sshrl.u32 s1, $0x2  }
0xb9: {  	s3 =	sand.u32 $0x4000, s31;
	s1 =	sadd.s32 s1, s30  }
0xba: {  	s0 =	sor.u32 s3, s0;
	s1 =	sshll.u32 s1, $0x11  }
0xbb: {  	s0 =	sor.u32 s1, s0  }
0xbc: {  	s0 =	sadd.s32 $0x8F2B, s0  }
0xbd: {  	[sflag:s0] =	ssyncadd.remote.s32 $0x1  }
0xbe: {  	_ =	sfence.sel $0xFFFF  }
0xbf: {  	[dreg:$0x0] =	wrdreg $0xFFFFFFFF;
	(pc) =	sbr.abs _section_cstart, $3  }
0xc0: {  	[dreg:$0x1] =	wrdreg $0xFFFFFFFF  }
0xc1: {  	_ =	task.clear_ibuf [dreg:s6], $0x2FFFF;
	_ =	strace $0x9FFFFFFF  }
0xc2: {  	(tm) =	ssettm $0x7FFFFFFF  }
0xc3: {  	_ =	shalt  }
tec
execute0_lowered:
.L_overlay_start_1:
0x0: {  	(tag) =	ssettag $0x1  }
0x1: {  	s0 =	rddreg [dreg:$0x0]  }
0x2: {  	s1 =	srdreg.scid;
	s2 =	rddreg [dreg:$0x1]  }
0x3: {  	s6 =	stileid.u32;
	s5 =	simm.s32 $0x0;
	s16 =	simm.s32 $0x7  }
0x4: {  	s17 =	simm.s32 $0x4400;
	s18 =	simm.s32 $0x50;
	s20 =	simm.s32 $0x4280  }
0x5: {  	s21 =	simm.s32 $0x6C00;
	s28 =	simm.s32 $0x4080;
	s29 =	simm.s32 $0x3  }
0x6: {  	s30 =	simm.s32 $0x4100;
	s31 =	simm.s32 $0x4;
	s4 =	smul.u32 $0x13C00, s6  }
0x7: {  	s1 =	sand.u32 $0x1, s1;
	s23 =	sshll.u32 s6, $0xB;
	s6 =	smul.u32 $0x4F000, s6  }
0x8: {  	s19 =	simm.s32 $0x0;
	[smem:$0x7FF] =	sst s5;
	s3 =	smul.u32 $0x140000, s1  }
0x9: {  	_ =	strace $0x8000004A;
	s5 =	sadd.s32 s23, s0;
	s24 =	ssub.s32 $0x2, s1  }
0xa: {  	s1 =	sshll.u32 s1, $0xF;
	s23 =	simm.s32 $0x9400;
	s7 =	sshrl.u32 s24, $0x1  }
0xb: {  	s1 =	sadd.s32 s1, s5;
	s6 =	sshrl.u32 s6, $0x2;
	s3 =	sadd.s32 s4, s3  }
0xc: {  	s4 =	sadd.s32 $0x62800, s0;
	s1 =	sadd.s32 $0x52800, s1;
	s6 =	sadd.s32 s6, s2  }
0xd: {  	s3 =	sshrl.u32 s3, $0x3;
	[dreg:$0x3] =	wrdreg s1;
	s25 =	sadd.s32 $0x2800, s6  }
0xe: {  	s26 =	sadd.s32 $0x5000, s6;
	s9 =	sadd.s32 $0x7800, s6;
	s10 =	sadd.s32 $0xA000, s6  }
.Ltmp0:
0xf: {  	s11 =	sadd.s32 $0xC800, s6;
	s12 =	sadd.s32 $0xF000, s6;
	(pc) =	sbr.rel .LBB2_1-.Ltmp0, $4  }
0x10: {  	s13 =	sadd.s32 $0x11800, s6;
	s0 =	sadd.s32 s3, s0;
	[dreg:$0x4] =	wrdreg s25  }
0x11: {  	s3 =	ssub.s32 s24, s7;
	[dreg:$0x5] =	wrdreg s26;
	s24 =	simm.s32 $0x1  }
0x12: {  	s25 =	simm.s32 $0x4000;
	s26 =	simm.s32 $0x2;
	s14 =	sadd.s32 $0x8A800, s0  }
0x13: {  	v0 =	vimm.f32 $0.0e+00;
	s15 =	smax.u32 s3, $0x1;
	s0 =	simm.s32 $0x5;
	s3 =	simm.s32 $0x6  }
.LBB2_6:
0x14: {  	_ =	swait.ge [sflag:s31], $0x2800  }
0x15: {  	[sflag:s31] =	ssyncset.done $0x0  }
0x16: {  	[sflag:s31] =	ssyncadd.s32 $0xFFFFD800  }
0x17: {  	_ =	swait.ge [sflag:s0], $0x2800  }
0x18: {  	[sflag:s0] =	ssyncset.done $0x0  }
0x19: {  	[sflag:s0] =	ssyncadd.s32 $0xFFFFD800  }
0x1a: {  	s1 =	stileid.u32;
	_ =	swait.ge [sflag:s3], $0x2800  }
0x1b: {  	s5 =	sshrl.u32 s6, $0x3;
	s19 =	sadd.s32 $0x1, s19;
	[sflag:s3] =	ssyncset.done $0x0  }
0x1c: {  	s1 =	sshll.u32 s1, $0x6;
	p0 =	sne.s32 s19, s15;
	[sflag:s3] =	ssyncadd.s32 $0xFFFFD800  }
.Ltmp1:
0x1d: {  	s1 =	sor.u32 $0x1C07, s1;
	[bflag:$0x0] =	sbarrier.arrive $0xFFFF;
	(pc) =	sbr.rel @!p0 .LBB2_7-.Ltmp1, $4  }
0x1e: {  	[hbm:s14], [sflag:s1] =	dma.local [spmem:s5], $0x2780  }
0x1f: {  	_ =	swait.ge [sflag:s16], $0x2780  }
0x20: {  	[sflag:s16] =	ssyncset.done $0x0  }
0x21: {  	[sflag:s16] =	ssyncadd.s32 $0xFFFFD880  }
.LBB2_1:
0x22: {  	s1 =	simm.s32 $0x0;
	s5 =	rddreg [dreg:$0x3]  }
0x23: {  	[tilespmem:s1], [sflag:$0x7] =	stream.linear.gather [hbm4b:s5+s1], $0x3F00, $0x38;
	[tilespmem:$0x1F800] =	vst v63  }
0x24: {  	_ =	swait.ge [sflag:s16], $0x3F00  }
0x25: {  	[sflag:s16] =	ssyncset.done $0x0  }
0x26: {  	s22 =	simm.s32 $0x3C0;
	s1 =	simm.s32 $0x70;
	[sflag:s16] =	ssyncadd.s32 $0xFFFFC100  }
.LBB2_2:
0x27: {  	p0 =	sne.s32 s22, $0x9FC0;
	[tilespmem:s1+$0x4400] =	vst v0  }
0x28: {  	[tilespmem:s1+$0x4390] =	vst v0  }
0x29: {  	[tilespmem:s1+$0x43A0] =	vst v0  }
.Ltmp2:
0x2a: {  	[tilespmem:s1+$0x43B0] =	vst v0;
	(pc) =	sbr.rel @p0 .LBB2_2-.Ltmp2, $4  }
0x2b: {  	[tilespmem:s1+$0x43C0] =	vst v0  }
0x2c: {  	[tilespmem:s1+$0x43D0] =	vst v0  }
0x2d: {  	[tilespmem:s1+$0x43E0] =	vst v0  }
0x2e: {  	[tilespmem:s1+$0x43F0] =	vst v0;
	s1 =	sshra.s32 s22, $0x2;
	s22 =	sadd.s32 $0x200, s22  }
0x2f: {  	[tilespmem:s1+$0x4400] =	vst v0  }
0x30: {  	[tilespmem:s1+$0x4390] =	vst v0  }
0x31: {  	[tilespmem:s1+$0x43A0] =	vst v0  }
0x32: {  	[tilespmem:s1+$0x43B0] =	vst v0  }
0x33: {  	[tilespmem:s1+$0x43C0] =	vst v0  }
0x34: {  	[tilespmem:s1+$0x43D0] =	vst v0  }
0x35: {  	[tilespmem:s1+$0x43E0] =	vst v0  }
0x36: {  	[tilespmem:s1+$0x43F0] =	vst v0  }
0x37: {  	[spmem:s6] =	stream.linear.scatter [tilespmem:s17], [sflag:$0x7], $0x2800, $0x38;
	[tilespmem:$0x1F800] =	vst v63  }
0x38: {  	_ =	swait.ge [sflag:s16], $0x2800  }
0x39: {  	[sflag:s16] =	ssyncset.done $0x0  }
0x3a: {  	s5 =	rddreg [dreg:$0x4];
	[sflag:s16] =	ssyncadd.s32 $0xFFFFD800  }
0x3b: {  	[spmem:s5] =	stream.linear.scatter [tilespmem:s17], [sflag:$0x7], $0x2800, $0x38;
	[tilespmem:$0x1F800] =	vst v63  }
0x3c: {  	_ =	swait.ge [sflag:s16], $0x2800  }
0x3d: {  	[sflag:s16] =	ssyncset.done $0x0  }
0x3e: {  	s7 =	rddreg [dreg:$0x5];
	[sflag:s16] =	ssyncadd.s32 $0xFFFFD800  }
0x3f: {  	[spmem:s7] =	stream.linear.scatter [tilespmem:s17], [sflag:$0x7], $0x2800, $0x38;
	[tilespmem:$0x1F800] =	vst v63  }
0x40: {  	_ =	swait.ge [sflag:s16], $0x2800  }
0x41: {  	[sflag:s16] =	ssyncset.done $0x0  }
0x42: {  	[sflag:s16] =	ssyncadd.s32 $0xFFFFD800  }
0x43: {  	[spmem:s9] =	stream.linear.scatter [tilespmem:s17], [sflag:$0x7], $0x2800, $0x38;
	[tilespmem:$0x1F800] =	vst v63  }
0x44: {  	_ =	swait.ge [sflag:s16], $0x2800  }
0x45: {  	[sflag:s16] =	ssyncset.done $0x0  }
0x46: {  	[sflag:s16] =	ssyncadd.s32 $0xFFFFD800  }
0x47: {  	[spmem:s10] =	stream.linear.scatter [tilespmem:s17], [sflag:$0x7], $0x2800, $0x38;
	[tilespmem:$0x1F800] =	vst v63  }
0x48: {  	_ =	swait.ge [sflag:s16], $0x2800  }
0x49: {  	[sflag:s16] =	ssyncset.done $0x0  }
0x4a: {  	[sflag:s16] =	ssyncadd.s32 $0xFFFFD800  }
0x4b: {  	[spmem:s11] =	stream.linear.scatter [tilespmem:s17], [sflag:$0x7], $0x2800, $0x38;
	[tilespmem:$0x1F800] =	vst v63  }
0x4c: {  	_ =	swait.ge [sflag:s16], $0x2800  }
0x4d: {  	[sflag:s16] =	ssyncset.done $0x0  }
0x4e: {  	[sflag:s16] =	ssyncadd.s32 $0xFFFFD800  }
0x4f: {  	[spmem:s12] =	stream.linear.scatter [tilespmem:s17], [sflag:$0x7], $0x2800, $0x38;
	[tilespmem:$0x1F800] =	vst v63  }
0x50: {  	_ =	swait.ge [sflag:s16], $0x2800  }
0x51: {  	[sflag:s16] =	ssyncset.done $0x0  }
0x52: {  	[sflag:s16] =	ssyncadd.s32 $0xFFFFD800  }
0x53: {  	[spmem:s13] =	stream.linear.scatter [tilespmem:s17], [sflag:$0x7], $0x2400, $0x38;
	[tilespmem:$0x1F800] =	vst v63  }
0x54: {  	_ =	swait.ge [sflag:s16], $0x2400  }
0x55: {  	[sflag:s16] =	ssyncset.done $0x0  }
0x56: {  	[sflag:s16] =	ssyncadd.s32 $0xFFFFDC00  }
0x57: {  	[bflag:$0x0] =	sbarrier.arrive $0xFFFF  }
0x58: {  	v1 =	vld [tilespmem:$0x0]  }
0x59: {  	v2 =	vld [tilespmem:$0x10]  }
0x5a: {  	v3 =	vld [tilespmem:$0x20]  }
0x5b: {  	v4 =	vld [tilespmem:$0x30]  }
0x5c: {  	v5 =	vld [tilespmem:$0x40]  }
0x5d: {  	v1 =	vand.u32 $0x3FFF, v1  }
0x5e: {  	[tilespmem:$0x4200] =	vst v1;
	v1 =	vand.u32 $0x3FFF, v2  }
0x5f: {  	[tilespmem:$0x4210] =	vst v1;
	v1 =	vand.u32 $0x3FFF, v3  }
0x60: {  	[tilespmem:$0x4220] =	vst v1;
	v1 =	vand.u32 $0x3FFF, v4  }
0x61: {  	[tilespmem:$0x4230] =	vst v1;
	v1 =	vand.u32 $0x3FFF, v5  }
0x62: {  	s8 =	simm.s32 $0x4200;
	[tilespmem:$0x4240] =	vst v1  }
0x63: {  	[tilespmem:s17], [sflag:$0x1] =	stream.indirect.gather [hbm4b:s4+s18], $0x80, s8, s18, $0xb8;
	[tilespmem:$0x1F800] =	vst v63  }
0x64: {  	v1 =	vld [tilespmem:$0x80]  }
0x65: {  	v2 =	vld [tilespmem:$0x90]  }
0x66: {  	v3 =	vld [tilespmem:$0xA0]  }
0x67: {  	v60 =	vld [tilespmem:$0xB0]  }
0x68: {  	v61 =	vld [tilespmem:$0xC0]  }
0x69: {  	v1 =	vand.u32 $0x3FFF, v1  }
0x6a: {  	[tilespmem:$0x4280] =	vst v1;
	v1 =	vand.u32 $0x3FFF, v2  }
0x6b: {  	[tilespmem:$0x4290] =	vst v1;
	v1 =	vand.u32 $0x3FFF, v3  }
0x6c: {  	[tilespmem:$0x42A0] =	vst v1;
	v1 =	vand.u32 $0x3FFF, v60  }
0x6d: {  	[tilespmem:$0x42B0] =	vst v1;
	v1 =	vand.u32 $0x3FFF, v61  }
0x6e: {  	[tilespmem:$0x42C0] =	vst v1  }
0x6f: {  	[tilespmem:s21], [sflag:$0x2] =	stream.indirect.gather [hbm4b:s4+s18], $0x80, s20, s18, $0xb8;
	[tilespmem:$0x1F800] =	vst v63  }
0x70: {  	v1 =	vld [tilespmem:$0x100]  }
0x71: {  	v2 =	vld [tilespmem:$0x110]  }
0x72: {  	v3 =	vld [tilespmem:$0x120]  }
0x73: {  	v62 =	vld [tilespmem:$0x130]  }
0x74: {  	v63 =	vld [tilespmem:$0x140]  }
0x75: {  	v1 =	vand.u32 $0x3FFF, v1  }
0x76: {  	[tilespmem:$0x4300] =	vst v1;
	v1 =	vand.u32 $0x3FFF, v2  }
0x77: {  	[tilespmem:$0x4310] =	vst v1;
	v1 =	vand.u32 $0x3FFF, v3  }
0x78: {  	[tilespmem:$0x4320] =	vst v1;
	v1 =	vand.u32 $0x3FFF, v62  }
0x79: {  	[tilespmem:$0x4330] =	vst v1;
	v1 =	vand.u32 $0x3FFF, v63  }
0x7a: {  	s22 =	simm.s32 $0x4300;
	[tilespmem:$0x4340] =	vst v1  }
0x7b: {  	[tilespmem:s23], [sflag:$0x3] =	stream.indirect.gather [hbm4b:s4+s18], $0x80, s22, s18, $0xb8;
	[tilespmem:$0x1F800] =	vst v63  }
0x7c: {  	s1 =	simm.s32 $0xFFFFFFFF;
	s22 =	simm.s32 $0x120  }
.LBB2_4:
0x7d: {  	_ =	swait.ge [sflag:s24], $0x2800  }
0x7e: {  	[sflag:s24] =	ssyncset.done $0x0  }
0x7f: {  	[sflag:s24] =	ssyncadd.s32 $0xFFFFD800  }
0x80: {  	v1 =	vld [tilespmem:s22+$0xFFFFFEE0];
	_ =	sdelay $0x4  }
0x81: {  	v1 =	vshrl.u32 v1, $0xE  }
0x82: {  	[tilespmem:$0x4000] =	vst v1  }
0x83: {  	v1 =	vld [tilespmem:s22+$0xFFFFFEF0];
	_ =	sdelay $0x4  }
0x84: {  	v1 =	vshrl.u32 v1, $0xE  }
0x85: {  	[tilespmem:$0x4010] =	vst v1  }
0x86: {  	v1 =	vld [tilespmem:s22+$0xFFFFFF00];
	_ =	sdelay $0x4  }
0x87: {  	v1 =	vshrl.u32 v1, $0xE  }
0x88: {  	[tilespmem:$0x4020] =	vst v1  }
0x89: {  	v1 =	vld [tilespmem:s22+$0xFFFFFF10];
	_ =	sdelay $0x4  }
0x8a: {  	v1 =	vshrl.u32 v1, $0xE  }
0x8b: {  	[tilespmem:$0x4030] =	vst v1  }
0x8c: {  	v1 =	vld [tilespmem:s22+$0xFFFFFF20];
	_ =	sdelay $0x4  }
0x8d: {  	p0 =	sgt.u32 s1, $0x7A;
	v1 =	vshrl.u32 v1, $0xE  }
0x8e: {  	s5 =	simm.s32 @!p0 $0x6;
	[tilespmem:$0x4040] =	vst v1  }
0x8f: {  	[spmem:s2] =	stream.indirect.scatter.add.f32 [tilespmem:s17], [sflag:$0x4], $0x80, s25, s18, $0xb8;
	[tilespmem:$0x1F800] =	vst v63  }
0x90: {  	_ =	swait.ge @!p0 [sflag:s5], $0x2800  }
0x91: {  	[sflag:s5] =	ssyncset.done @!p0 $0x0  }
0x92: {  	[sflag:s5] =	ssyncadd.s32 @!p0 $0xFFFFD800  }
0x93: {  	v1 =	vld @!p0 [tilespmem:s22+$0xFFFFFFE0];
	_ =	sdelay $0x4  }
0x94: {  	v1 =	vand.u32 @!p0 $0x3FFF, v1  }
0x95: {  	[tilespmem:$0x4300] =	vst @!p0 v1  }
0x96: {  	v1 =	vld @!p0 [tilespmem:s22+$0xFFFFFFF0];
	_ =	sdelay $0x4  }
0x97: {  	v1 =	vand.u32 @!p0 $0x3FFF, v1  }
0x98: {  	[tilespmem:$0x4310] =	vst @!p0 v1  }
0x99: {  	v1 =	vld @!p0 [tilespmem:s22+$0x0];
	_ =	sdelay $0x4  }
0x9a: {  	v1 =	vand.u32 @!p0 $0x3FFF, v1  }
0x9b: {  	[tilespmem:$0x4320] =	vst @!p0 v1  }
0x9c: {  	v1 =	vld @!p0 [tilespmem:s22+$0x10];
	_ =	sdelay $0x4  }
0x9d: {  	v1 =	vand.u32 @!p0 $0x3FFF, v1  }
0x9e: {  	[tilespmem:$0x4330] =	vst @!p0 v1  }
0x9f: {  	v1 =	vld @!p0 [tilespmem:s22+$0x20];
	_ =	sdelay $0x4  }
0xa0: {  	v1 =	vand.u32 @!p0 $0x3FFF, v1  }
0xa1: {  	s7 =	simm.s32 @!p0 $0x4300;
	s8 =	simm.s32 @!p0 $0x9400;
	s5 =	simm.s32 @!p0 $0x50;
	[tilespmem:$0x4340] =	vst @!p0 v1  }
0xa2: {  	[tilespmem:s8], [sflag:$0x3] =	stream.indirect.gather @!p0 [hbm4b:s4+s5], $0x80, s7, s5, $0xb8;
	[tilespmem:$0x1F800] =	vst v63  }
0xa3: {  	_ =	swait.ge [sflag:s26], $0x2800  }
0xa4: {  	[sflag:s26] =	ssyncset.done $0x0  }
0xa5: {  	[sflag:s26] =	ssyncadd.s32 $0xFFFFD800  }
0xa6: {  	v1 =	vld [tilespmem:s22+$0xFFFFFF60];
	_ =	sdelay $0x4  }
0xa7: {  	v1 =	vshrl.u32 v1, $0xE  }
0xa8: {  	[tilespmem:$0x4080] =	vst v1  }
0xa9: {  	v1 =	vld [tilespmem:s22+$0xFFFFFF70];
	_ =	sdelay $0x4  }
0xaa: {  	v1 =	vshrl.u32 v1, $0xE  }
0xab: {  	[tilespmem:$0x4090] =	vst v1  }
0xac: {  	v1 =	vld [tilespmem:s22+$0xFFFFFF80];
	_ =	sdelay $0x4  }
0xad: {  	v1 =	vshrl.u32 v1, $0xE  }
0xae: {  	[tilespmem:$0x40A0] =	vst v1  }
0xaf: {  	v1 =	vld [tilespmem:s22+$0xFFFFFF90];
	_ =	sdelay $0x4  }
0xb0: {  	v1 =	vshrl.u32 v1, $0xE  }
0xb1: {  	[tilespmem:$0x40B0] =	vst v1  }
0xb2: {  	v1 =	vld [tilespmem:s22+$0xFFFFFFA0];
	_ =	sdelay $0x4  }
0xb3: {  	p0 =	seq.s32 s1, $0x7A;
	v1 =	vshrl.u32 v1, $0xE  }
0xb4: {  	s5 =	simm.s32 @!p0 $0x4;
	[tilespmem:$0x40C0] =	vst v1  }
0xb5: {  	[spmem:s2] =	stream.indirect.scatter.add.f32 [tilespmem:s21], [sflag:$0x5], $0x80, s28, s18, $0xb8;
	[tilespmem:$0x1F800] =	vst v63  }
0xb6: {  	_ =	swait.ge @!p0 [sflag:s5], $0x2800  }
0xb7: {  	[sflag:s5] =	ssyncset.done @!p0 $0x0  }
0xb8: {  	[sflag:s5] =	ssyncadd.s32 @!p0 $0xFFFFD800  }
0xb9: {  	v1 =	vld @!p0 [tilespmem:s22+$0x60];
	_ =	sdelay $0x4  }
0xba: {  	v1 =	vand.u32 @!p0 $0x3FFF, v1  }
0xbb: {  	[tilespmem:$0x4200] =	vst @!p0 v1  }
0xbc: {  	v1 =	vld @!p0 [tilespmem:s22+$0x70];
	_ =	sdelay $0x4  }
0xbd: {  	v1 =	vand.u32 @!p0 $0x3FFF, v1  }
0xbe: {  	[tilespmem:$0x4210] =	vst @!p0 v1  }
0xbf: {  	v1 =	vld @!p0 [tilespmem:s22+$0x80];
	_ =	sdelay $0x4  }
0xc0: {  	v1 =	vand.u32 @!p0 $0x3FFF, v1  }
0xc1: {  	[tilespmem:$0x4220] =	vst @!p0 v1  }
0xc2: {  	v1 =	vld @!p0 [tilespmem:s22+$0x90];
	_ =	sdelay $0x4  }
0xc3: {  	v1 =	vand.u32 @!p0 $0x3FFF, v1  }
0xc4: {  	[tilespmem:$0x4230] =	vst @!p0 v1  }
0xc5: {  	v1 =	vld @!p0 [tilespmem:s22+$0xA0];
	_ =	sdelay $0x4  }
0xc6: {  	v1 =	vand.u32 @!p0 $0x3FFF, v1  }
0xc7: {  	s7 =	simm.s32 @!p0 $0x4200;
	s8 =	simm.s32 @!p0 $0x4400;
	s5 =	simm.s32 @!p0 $0x50;
	[tilespmem:$0x4240] =	vst @!p0 v1  }
0xc8: {  	[tilespmem:s8], [sflag:$0x1] =	stream.indirect.gather @!p0 [hbm4b:s4+s5], $0x80, s7, s5, $0xb8;
	[tilespmem:$0x1F800] =	vst v63  }
0xc9: {  	_ =	swait.ge [sflag:s29], $0x2800  }
0xca: {  	[sflag:s29] =	ssyncset.done $0x0  }
0xcb: {  	[sflag:s29] =	ssyncadd.s32 $0xFFFFD800  }
0xcc: {  	v1 =	vld [tilespmem:s22+$0xFFFFFFE0];
	_ =	sdelay $0x4  }
0xcd: {  	v1 =	vshrl.u32 v1, $0xE  }
0xce: {  	[tilespmem:$0x4100] =	vst v1  }
0xcf: {  	v1 =	vld [tilespmem:s22+$0xFFFFFFF0];
	_ =	sdelay $0x4  }
0xd0: {  	v1 =	vshrl.u32 v1, $0xE  }
0xd1: {  	[tilespmem:$0x4110] =	vst v1  }
0xd2: {  	v1 =	vld [tilespmem:s22+$0x0];
	_ =	sdelay $0x4  }
0xd3: {  	v1 =	vshrl.u32 v1, $0xE  }
0xd4: {  	[tilespmem:$0x4120] =	vst v1  }
0xd5: {  	v1 =	vld [tilespmem:s22+$0x10];
	_ =	sdelay $0x4  }
0xd6: {  	v1 =	vshrl.u32 v1, $0xE  }
0xd7: {  	[tilespmem:$0x4130] =	vst v1  }
0xd8: {  	v1 =	vld [tilespmem:s22+$0x20];
	_ =	sdelay $0x2  }
.Ltmp3:
0xd9: {  	_ = 	snop;
	(pc) =	sbr.rel @p0 .LBB2_6-.Ltmp3, $4  }
0xda: {  	_ = 	snop  }
0xdb: {  	v1 =	vshrl.u32 v1, $0xE  }
0xdc: {  	[tilespmem:$0x4140] =	vst v1  }
0xdd: {  	[spmem:s2] =	stream.indirect.scatter.add.f32 [tilespmem:s23], [sflag:$0x6], $0x80, s30, s18, $0xb8;
	[tilespmem:$0x1F800] =	vst v63  }
0xde: {  	_ =	swait.ge [sflag:s0], $0x2800  }
0xdf: {  	[sflag:s0] =	ssyncset.done $0x0  }
0xe0: {  	[sflag:s0] =	ssyncadd.s32 $0xFFFFD800  }
0xe1: {  	v1 =	vld [tilespmem:s22+$0xE0];
	_ =	sdelay $0x4  }
0xe2: {  	v1 =	vand.u32 $0x3FFF, v1  }
0xe3: {  	[tilespmem:$0x4280] =	vst v1  }
0xe4: {  	v1 =	vld [tilespmem:s22+$0xF0];
	_ =	sdelay $0x4  }
0xe5: {  	v1 =	vand.u32 $0x3FFF, v1  }
0xe6: {  	[tilespmem:$0x4290] =	vst v1  }
0xe7: {  	v1 =	vld [tilespmem:s22+$0x100];
	_ =	sdelay $0x4  }
0xe8: {  	v1 =	vand.u32 $0x3FFF, v1  }
0xe9: {  	[tilespmem:$0x42A0] =	vst v1  }
0xea: {  	v1 =	vld [tilespmem:s22+$0x110];
	_ =	sdelay $0x4  }
0xeb: {  	v1 =	vand.u32 $0x3FFF, v1  }
0xec: {  	[tilespmem:$0x42B0] =	vst v1  }
0xed: {  	v1 =	vld [tilespmem:s22+$0x120];
	_ =	sdelay $0x2  }
.Ltmp4:
0xee: {  	_ = 	snop;
	(pc) =	sbr.rel .LBB2_4-.Ltmp4, $4  }
0xef: {  	_ = 	snop  }
0xf0: {  	v1 =	vand.u32 $0x3FFF, v1  }
0xf1: {  	s1 =	sadd.s32 $0x3, s1;
	s22 =	sadd.s32 $0x180, s22;
	[tilespmem:$0x42C0] =	vst v1  }
0xf2: {  	[tilespmem:s21], [sflag:$0x2] =	stream.indirect.gather [hbm4b:s4+s18], $0x80, s20, s18, $0xb8;
	[tilespmem:$0x1F800] =	vst v63  }
.LBB2_7:
0xf3: {  	_ =	sfence.sel $0x180000  }
0xf4: {  	[bflag:$0x0] =	sbarrier.arrive $0xFFFF  }
0xf5: {  	_ =	strace $0x9000004A  }
0xf6: {  	s0 =	stileid.u32;
	[bflag:$0x2] =	sbarrier.arrive $0xFFFF  }
0xf7: {  	p0 =	sne.s32 s0, $0x0;
	s0 =	rddreg [dreg:$0x2]  }
0xf8: {  	s0 =	sadd.s32 @!p0 $0x100000, s0  }
0xf9: {  	[sflag:s0] =	ssyncadd.tile.s32 @!p0 $0x1;
	_ =	shalt  }
.Lfunc_end2:
_tile_overlayer_lowered:
.L_overlay_start_2:
0xfa: {  	(tag) =	ssettag $0x2  }
0xfb: {  	s0 =	rddreg [dreg:$0x0];
	s2 =	stileid.u32  }
0xfc: {  	s1 =	rddreg [dreg:$0x1];
	p0 =	sne.s32 s2, $0x0  }
0xfd: {  	s3 =	rddreg [dreg:$0x2];
	[bflag:$0x3] =	sbarrier.arrive $0xFFFF;
	s2 =	simm.s32 @!p0 $0x1C07  }
0xfe: {  	[timem:s3], [sflag:s2] =	dma.local @!p0 [hbm:s0], s1  }
0xff: {  	s0 =	simm.s32 @!p0 $0x7  }
0x100: {  	_ =	swait.ge @!p0 [sflag:s0], s1  }
0x101: {  	s1 =	ssub.s32 @!p0 $0x0, s1;
	[sflag:s0] =	ssyncset.done @!p0 $0x0  }
0x102: {  	[sflag:s0] =	ssyncadd.s32 @!p0 s1  }
0x103: {  	[bflag:$0x3] =	sbarrier.arrive $0xFFFF  }
0x104: {  	_ =	shalt  }

// kernel: kernel.16.cloned.1.call-start
scs
__scs_entry_jumppad:
0x0: {  	(pc) =	sbr.rel $0x88, $3  }
0x1: {  	(tag) =	ssettag $0x0;
	lr =	simm.s32 $0x1  }
0x2: {  	[smem:$0x3F9B] =	sst lr;
	_ =	strace $0xD0000000  }
0x3: {  	_ = 	snop  }
0x4: {  	_ = 	snop  }
0x5: {  	_ = 	snop  }
0x6: {  	_ = 	snop  }
0x7: {  	_ = 	snop  }
__scs_overlays_trampoline_lowered:
0x8: {  	[smem:$0x3FAA] =	sst s0  }
0x9: {  	[smem:$0x3FAB] =	sst s1  }
0xa: {  	[smem:$0x3FAC] =	sst s2  }
0xb: {  	[smem:$0x3FAD] =	sst s3  }
0xc: {  	[smem:$0x3FAE] =	sst s4  }
0xd: {  	[smem:$0x3FAF] =	sst s5  }
0xe: {  	[smem:$0x3FB0] =	sst s6  }
0xf: {  	[smem:$0x3FB1] =	sst s7  }
0x10: {  	[smem:$0x3FB2] =	sst s8  }
0x11: {  	[smem:$0x3FB3] =	sst s9;
	s0 =	simm.s32 @!p0 $0x0  }
0x12: {  	s1 =	sld [smem:$0x3F99];
	s0 =	simm.s32 @p0 $0x1  }
0x13: {  	[smem:$0x3FB4] =	sst s0;
	s0 =	simm.s32 @!p1 $0x0  }
0x14: {  	s2 =	sld [smem:$0x3F98];
	s0 =	simm.s32 @p1 $0x1  }
0x15: {  	[smem:$0x3FB5] =	sst s0;
	s0 =	simm.s32 @!p2 $0x0  }
0x16: {  	s3 =	sld [smem:$0x3FDB];
	s0 =	simm.s32 @p2 $0x1  }
0x17: {  	s4 =	simm.s32 $0x1BF5;
	[smem:$0x3FB7] =	sst s0  }
0x18: {  	s0 =	sld [smem:$0x3F9A];
	_ =	swait.ge [sflag:s4], $0x0  }
0x19: {  	s7 =	sld [smem:$0x3F9B]  }
0x1a: {  	s8 =	sadd.s32 $0xFFFFE003, lr  }
0x1b: {  	s9 =	sadd.s32 $0xFFFFFEF7, lr;
	s5 =	simm.s32 $0xFFFFFFFF;
	p2 =	slt.u32 s8, $0xFFFFF086  }
0x1c: {  	p1 =	slt.u32 s9, $0xF7A;
	s5 =	simm.s32 @!p2 $0x0  }
0x1d: {  	s5 =	simm.s32 @p1 $0x1;
	p0 =	seq.s32 s7, s2  }
0x1e: {  	s7 =	smul.u32 @!p0 $0xF7A, s2;
	p2 =	seq.s32 @!p0 s5, $0x0  }
0x1f: {  	s9 =	smul.u32 $0xF7A, s1;
	s8 =	simm.s32 @!p0 $0x1BF5;
	p2 =	por !p2, p0  }
0x20: {  	[sflag:s8] =	ssyncset.s32 @!p0 $0xFFFFF086;
	s6 =	sadd.s32 @!p0 s3, s7;
	s7 =	simm.s32 @!p0 $0x108  }
0x21: {  	s3 =	sadd.s32 s3, s9;
	s6 =	sadd.s32 @!p0 $0x88, s6;
	s7 =	simm.s32 @p2 $0x1082  }
0x22: {  	[simem:s7], [sflag:s8] =	dma.local @!p0 [hbm:s6], $0xF7A  }
0x23: {  	s9 =	sor.u32 $0xD0000000, s2;
	s6 =	simm.s32 $0x108;
	_ =	swait.ge @!p0 [sflag:s8], $0x0  }
0x24: {  	s3 =	sadd.s32 $0x88, s3;
	s6 =	simm.s32 @!p1 $0x1082;
	[sflag:s4] =	ssyncset.s32 $0xFFFFF086  }
0x25: {  	[simem:s6], [sflag:s4] =	dma.local [hbm:s3], $0xF7A  }
0x26: {  	[smem:$0x3F9B] =	sst s1;
	(tag) =	ssettag s2;
	_ =	strace s9  }
0x27: {  	s1 =	sld [smem:$0x3FAB]  }
0x28: {  	s2 =	sld [smem:$0x3FAC]  }
0x29: {  	s4 =	sld [smem:$0x3FAE]  }
0x2a: {  	p0 =	seq.s32 s5, $0x0;
	s5 =	sld [smem:$0x3FAF]  }
0x2b: {  	s6 =	sld [smem:$0x3FB0]  }
0x2c: {  	s7 =	sld [smem:$0x3FB1]  }
0x2d: {  	s3 =	simm.s32 $0x108;
	s8 =	sld [smem:$0x3FB2]  }
0x2e: {  	s3 =	simm.s32 @!p0 $0x1082;
	s9 =	sld [smem:$0x3FB3]  }
0x2f: {  	lr =	sadd.s32 s0, s3;
	s0 =	sld [smem:$0x3FAA]  }
0x30: {  	s3 =	sld [smem:$0x3FAD]  }
0x31: {  	[smem:$0x3FB6] =	sst s10  }
0x32: {  	s10 =	sld [smem:$0x3FB4];
	_ =	sdelay $0x3  }
0x33: {  	p0 =	seq.s32 s10, $0x1;
	s10 =	sld [smem:$0x3FB6];
	_ =	sdelay $0x3  }
0x34: {  	[smem:$0x3FB6] =	sst s10  }
0x35: {  	s10 =	sld [smem:$0x3FB5];
	_ =	sdelay $0x3  }
0x36: {  	p1 =	seq.s32 s10, $0x1;
	s10 =	sld [smem:$0x3FB6];
	_ =	sdelay $0x3  }
0x37: {  	[smem:$0x3FB6] =	sst s10  }
0x38: {  	s10 =	sld [smem:$0x3FB7]  }
0x39: {  	_ = 	snop;
	(pc) =	sbr.ind lr, $3  }
0x3a: {  	_ = 	snop  }
0x3b: {  	_ = 	snop  }
0x3c: {  	p2 =	seq.s32 s10, $0x1;
	s10 =	sld [smem:$0x3FB6]  }
0x3d: {  	_ =	shalt  }
0x3e: {  	_ =	shalt  }
0x3f: {  	_ =	shalt  }
0x40: {  	_ =	shalt  }
0x41: {  	_ =	shalt  }
0x42: {  	_ =	shalt  }
0x43: {  	_ =	shalt  }
0x44: {  	_ =	shalt  }
0x45: {  	_ =	shalt  }
0x46: {  	_ =	shalt  }
0x47: {  	_ =	shalt  }
0x48: {  	_ =	shalt  }
0x49: {  	_ =	shalt  }
0x4a: {  	_ =	shalt  }
0x4b: {  	_ =	shalt  }
0x4c: {  	_ =	shalt  }
0x4d: {  	_ =	shalt  }
0x4e: {  	_ =	shalt  }
0x4f: {  	_ =	shalt  }
0x50: {  	_ =	shalt  }
0x51: {  	_ =	shalt  }
0x52: {  	_ =	shalt  }
0x53: {  	_ =	shalt  }
0x54: {  	_ =	shalt  }
0x55: {  	_ =	shalt  }
0x56: {  	_ =	shalt  }
0x57: {  	_ =	shalt  }
0x58: {  	_ =	shalt  }
0x59: {  	_ =	shalt  }
0x5a: {  	_ =	shalt  }
0x5b: {  	_ =	shalt  }
0x5c: {  	_ =	shalt  }
0x5d: {  	_ =	shalt  }
0x5e: {  	_ =	shalt  }
0x5f: {  	_ =	shalt  }
0x60: {  	_ =	shalt  }
0x61: {  	_ =	shalt  }
0x62: {  	_ =	shalt  }
0x63: {  	_ =	shalt  }
0x64: {  	_ =	shalt  }
0x65: {  	_ =	shalt  }
0x66: {  	_ =	shalt  }
0x67: {  	_ =	shalt  }
0x68: {  	_ =	shalt  }
0x69: {  	_ =	shalt  }
0x6a: {  	_ =	shalt  }
0x6b: {  	_ =	shalt  }
0x6c: {  	_ =	shalt  }
0x6d: {  	_ =	shalt  }
0x6e: {  	_ =	shalt  }
0x6f: {  	_ =	shalt  }
0x70: {  	_ =	shalt  }
0x71: {  	_ =	shalt  }
0x72: {  	_ =	shalt  }
0x73: {  	_ =	shalt  }
0x74: {  	_ =	shalt  }
0x75: {  	_ =	shalt  }
0x76: {  	_ =	shalt  }
0x77: {  	_ =	shalt  }
0x78: {  	_ =	shalt  }
0x79: {  	_ =	shalt  }
0x7a: {  	_ =	shalt  }
0x7b: {  	_ =	shalt  }
0x7c: {  	_ =	shalt  }
0x7d: {  	_ =	shalt  }
0x7e: {  	_ =	shalt  }
0x7f: {  	_ =	shalt  }
0x80: {  	_ =	shalt  }
0x81: {  	_ =	shalt  }
0x82: {  	_ =	shalt  }
0x83: {  	_ =	shalt  }
0x84: {  	_ =	shalt  }
0x85: {  	_ =	shalt  }
0x86: {  	_ =	shalt  }
0x87: {  	_ =	shalt  }
.Lfunc_end0:
.L_simem_size_0:
called_computation.2_lowered:
.L_overlay_start_0:
0x88: {  	s2 =	sld [smem:$0x3FD9]  }
0x89: {  	s3 =	sld [smem:$0x3FFE];
	_ =	sdelay $0x1  }
0x8a: {  	s1 =	srdreg.scid  }
0x8b: {  	s0 =	sand.u32 $0x1, s1  }
0x8c: {  	s16 =	sshll.u32 s0, $0xA;
	s2 =	sadd.s32 s3, s2  }
0x8d: {  	s2 =	sadd.s32 s2, s16  }
0x8e: {  	[smem:$0x3FC2] =	sst s2  }
0x8f: {  	_ = 	snop  }
0x90: {  	(tm) =	ssettm $0x1  }
0x91: {  	s17 =	sld [smem:$0x3FFB];
	_ =	sdelay $0x3  }
0x92: {  	_ =	strace s17  }
0x93: {  	s2 =	sld [smem:$0x3FFC];
	_ =	sdelay $0x3  }
0x94: {  	_ =	strace s2  }
0x95: {  	s2 =	sld [smem:$0x3FFD];
	_ =	sdelay $0x3  }
0x96: {  	_ =	strace s2  }
0x97: {  	_ =	strace $0x8FFFFFFF  }
0x98: {  	s18 =	sld [smem:$0x3FDB];
	_ =	sdelay $0x1  }
0x99: {  	s19 =	simm.s32 $_scs_section_size  }
0x9a: {  	s4 =	simm.s32 $_size__tile_overlayer_lowered;
	s5 =	simm.s32 $_tile_overlayer_lowered  }
0x9b: {  	s22 =	simm.s32 $0x1BFF;
	s21 =	sshll.u32 s5, $0x1;
	s2 =	sadd.s32 s19, s18  }
0x9c: {  	s6 =	simm.s32 $0x0;
	s20 =	sshll.u32 s4, $0x1;
	s4 =	sadd.s32 s21, s2  }
0x9d: {  	[timem:s6], [sflag:s22] =	dma.local [hbm:s4], s20  }
0x9e: {  	_ =	swait.ge [sflag:s22], s20  }
0x9f: {  	s3 =	ssub.s32 $0x0, s20;
	[sflag:s22] =	ssyncset.done $0x0  }
0xa0: {  	[sflag:s22] =	ssyncadd.s32 s3;
	_ =	sdelay $0x1  }
0xa1: {  	s23 =	simm.s32 $0x1B8B  }
0xa2: {  	_ =	swait.ge [sflag:s23], $0x1  }
0xa3: {  	[sflag:s23] =	ssyncset.done $0x0  }
0xa4: {  	s25 =	simm.s32 $0x1B8E;
	s24 =	sld [smem:$0x3FFE];
	[sflag:s23] =	ssyncadd.s32 $0xFFFFFFFF  }
0xa5: {  	s26 =	simm.s32 $execute0_lowered;
	[smem:$0x3FD2] =	sst s25  }
0xa6: {  	s4 =	sshll.u32 s26, $0x1;
	_ =	strace $0x8000004C;
	[dreg:$0x1] =	wrdreg $0xFFFFFFFF  }
0xa7: {  	s28 =	simm.s32 $_size_execute0_lowered;
	s2 =	sadd.s32 s2, s4;
	[dreg:$0x0] =	wrdreg $0x0  }
0xa8: {  	s4 =	sshll.u32 s28, $0x1;
	[dreg:$0x2] =	wrdreg s2  }
0xa9: {  	[dreg:$0x3] =	wrdreg s4  }
0xaa: {  	[dreg:$0x4] =	wrdreg $0xC0  }
0xab: {  	_ =	task [dreg:s6], $0x5FFFF  }
0xac: {  	[dreg:$0x1] =	wrdreg $0xFFFFFFFF  }
0xad: {  	[dreg:$0x0] =	wrdreg $0x60  }
0xae: {  	[dreg:$0x2] =	wrdreg s24  }
0xaf: {  	[dreg:$0x3] =	wrdreg $0xBC000  }
0xb0: {  	[dreg:$0x4] =	wrdreg $0x9  }
0xb1: {  	_ =	task.clear_ibuf [dreg:s6], $0x5FFFF;
	_ =	strace $0x9000004C  }
0xb2: {  	s29 =	simm.s32 $0x9;
	_ =	strace $0x8000004E  }
0xb3: {  	_ =	swait.ge [sflag:s29], $0x1  }
0xb4: {  	[sflag:s29] =	ssyncadd.s32 $0xFFFFFFFF  }
0xb5: {  	_ =	strace $0x9000004E  }
0xb6: {  	_ =	sfence  }
0xb7: {  	s30 =	sld [smem:$0x0];
	_ =	sdelay $0x2  }
0xb8: {  	s31 =	sshll.u32 s1, $0xD;
	s1 =	sshrl.u32 s1, $0x2  }
0xb9: {  	s3 =	sand.u32 $0x4000, s31;
	s1 =	sadd.s32 s1, s30  }
0xba: {  	s0 =	sor.u32 s3, s0;
	s1 =	sshll.u32 s1, $0x11  }
0xbb: {  	s0 =	sor.u32 s1, s0  }
0xbc: {  	s0 =	sadd.s32 $0x8F2B, s0  }
0xbd: {  	[sflag:s0] =	ssyncadd.remote.s32 $0x1  }
0xbe: {  	_ =	sfence.sel $0xFFFF  }
0xbf: {  	[dreg:$0x0] =	wrdreg $0xFFFFFFFF;
	(pc) =	sbr.abs _section_cstart, $3  }
0xc0: {  	[dreg:$0x1] =	wrdreg $0xFFFFFFFF  }
0xc1: {  	_ =	task.clear_ibuf [dreg:s6], $0x2FFFF;
	_ =	strace $0x9FFFFFFF  }
0xc2: {  	(tm) =	ssettm $0x7FFFFFFF  }
0xc3: {  	_ =	shalt  }
tec
execute0_lowered:
.L_overlay_start_1:
0x0: {  	(tag) =	ssettag $0x1  }
0x1: {  	s0 =	rddreg [dreg:$0x0]  }
0x2: {  	s1 =	srdreg.scid;
	s2 =	rddreg [dreg:$0x1]  }
0x3: {  	s6 =	stileid.u32;
	s5 =	simm.s32 $0x0;
	s16 =	simm.s32 $0x7  }
0x4: {  	s17 =	simm.s32 $0x4400;
	s18 =	simm.s32 $0x50;
	s20 =	simm.s32 $0x4280  }
0x5: {  	s21 =	simm.s32 $0x6C00;
	s28 =	simm.s32 $0x4080;
	s29 =	simm.s32 $0x3  }
0x6: {  	s30 =	simm.s32 $0x4100;
	s31 =	simm.s32 $0x4;
	s4 =	smul.u32 $0x13C00, s6  }
0x7: {  	s1 =	sand.u32 $0x1, s1;
	s23 =	sshll.u32 s6, $0xB;
	s6 =	smul.u32 $0x4F000, s6  }
0x8: {  	s19 =	simm.s32 $0x0;
	[smem:$0x7FF] =	sst s5;
	s3 =	smul.u32 $0x140000, s1  }
0x9: {  	_ =	strace $0x8000004D;
	s5 =	sadd.s32 s23, s0;
	s24 =	ssub.s32 $0x2, s1  }
0xa: {  	s1 =	sshll.u32 s1, $0xF;
	s23 =	simm.s32 $0x9400;
	s7 =	sshrl.u32 s24, $0x1  }
0xb: {  	s1 =	sadd.s32 s1, s5;
	s6 =	sshrl.u32 s6, $0x2;
	s3 =	sadd.s32 s4, s3  }
0xc: {  	s4 =	sadd.s32 $0x62800, s0;
	s1 =	sadd.s32 $0x52800, s1;
	s6 =	sadd.s32 s6, s2  }
0xd: {  	s3 =	sshrl.u32 s3, $0x3;
	[dreg:$0x3] =	wrdreg s1;
	s25 =	sadd.s32 $0x2800, s6  }
0xe: {  	s26 =	sadd.s32 $0x5000, s6;
	s9 =	sadd.s32 $0x7800, s6;
	s10 =	sadd.s32 $0xA000, s6  }
.Ltmp0:
0xf: {  	s11 =	sadd.s32 $0xC800, s6;
	s12 =	sadd.s32 $0xF000, s6;
	(pc) =	sbr.rel .LBB2_1-.Ltmp0, $4  }
0x10: {  	s13 =	sadd.s32 $0x11800, s6;
	s0 =	sadd.s32 s3, s0;
	[dreg:$0x4] =	wrdreg s25  }
0x11: {  	s3 =	ssub.s32 s24, s7;
	[dreg:$0x5] =	wrdreg s26;
	s24 =	simm.s32 $0x1  }
0x12: {  	s25 =	simm.s32 $0x4000;
	s26 =	simm.s32 $0x2;
	s14 =	sadd.s32 $0x8A800, s0  }
0x13: {  	v0 =	vimm.f32 $0.0e+00;
	s15 =	smax.u32 s3, $0x1;
	s0 =	simm.s32 $0x5;
	s3 =	simm.s32 $0x6  }
.LBB2_6:
0x14: {  	_ =	swait.ge [sflag:s31], $0x2800  }
0x15: {  	[sflag:s31] =	ssyncset.done $0x0  }
0x16: {  	[sflag:s31] =	ssyncadd.s32 $0xFFFFD800  }
0x17: {  	_ =	swait.ge [sflag:s0], $0x2800  }
0x18: {  	[sflag:s0] =	ssyncset.done $0x0  }
0x19: {  	[sflag:s0] =	ssyncadd.s32 $0xFFFFD800  }
0x1a: {  	s1 =	stileid.u32;
	_ =	swait.ge [sflag:s3], $0x2800  }
0x1b: {  	s5 =	sshrl.u32 s6, $0x3;
	s19 =	sadd.s32 $0x1, s19;
	[sflag:s3] =	ssyncset.done $0x0  }
0x1c: {  	s1 =	sshll.u32 s1, $0x6;
	p0 =	sne.s32 s19, s15;
	[sflag:s3] =	ssyncadd.s32 $0xFFFFD800  }
.Ltmp1:
0x1d: {  	s1 =	sor.u32 $0x1C07, s1;
	[bflag:$0x0] =	sbarrier.arrive $0xFFFF;
	(pc) =	sbr.rel @!p0 .LBB2_7-.Ltmp1, $4  }
0x1e: {  	[hbm:s14], [sflag:s1] =	dma.local [spmem:s5], $0x2780  }
0x1f: {  	_ =	swait.ge [sflag:s16], $0x2780  }
0x20: {  	[sflag:s16] =	ssyncset.done $0x0  }
0x21: {  	[sflag:s16] =	ssyncadd.s32 $0xFFFFD880  }
.LBB2_1:
0x22: {  	s1 =	simm.s32 $0x0;
	s5 =	rddreg [dreg:$0x3]  }
0x23: {  	[tilespmem:s1], [sflag:$0x7] =	stream.linear.gather [hbm4b:s5+s1], $0x3F00, $0x38;
	[tilespmem:$0x1F800] =	vst v63  }
0x24: {  	_ =	swait.ge [sflag:s16], $0x3F00  }
0x25: {  	[sflag:s16] =	ssyncset.done $0x0  }
0x26: {  	s22 =	simm.s32 $0x3C0;
	s1 =	simm.s32 $0x70;
	[sflag:s16] =	ssyncadd.s32 $0xFFFFC100  }
.LBB2_2:
0x27: {  	p0 =	sne.s32 s22, $0x9FC0;
	[tilespmem:s1+$0x4400] =	vst v0  }
0x28: {  	[tilespmem:s1+$0x4390] =	vst v0  }
0x29: {  	[tilespmem:s1+$0x43A0] =	vst v0  }
.Ltmp2:
0x2a: {  	[tilespmem:s1+$0x43B0] =	vst v0;
	(pc) =	sbr.rel @p0 .LBB2_2-.Ltmp2, $4  }
0x2b: {  	[tilespmem:s1+$0x43C0] =	vst v0  }
0x2c: {  	[tilespmem:s1+$0x43D0] =	vst v0  }
0x2d: {  	[tilespmem:s1+$0x43E0] =	vst v0  }
0x2e: {  	[tilespmem:s1+$0x43F0] =	vst v0;
	s1 =	sshra.s32 s22, $0x2;
	s22 =	sadd.s32 $0x200, s22  }
0x2f: {  	[tilespmem:s1+$0x4400] =	vst v0  }
0x30: {  	[tilespmem:s1+$0x4390] =	vst v0  }
0x31: {  	[tilespmem:s1+$0x43A0] =	vst v0  }
0x32: {  	[tilespmem:s1+$0x43B0] =	vst v0  }
0x33: {  	[tilespmem:s1+$0x43C0] =	vst v0  }
0x34: {  	[tilespmem:s1+$0x43D0] =	vst v0  }
0x35: {  	[tilespmem:s1+$0x43E0] =	vst v0  }
0x36: {  	[tilespmem:s1+$0x43F0] =	vst v0  }
0x37: {  	[spmem:s6] =	stream.linear.scatter [tilespmem:s17], [sflag:$0x7], $0x2800, $0x38;
	[tilespmem:$0x1F800] =	vst v63  }
0x38: {  	_ =	swait.ge [sflag:s16], $0x2800  }
0x39: {  	[sflag:s16] =	ssyncset.done $0x0  }
0x3a: {  	s5 =	rddreg [dreg:$0x4];
	[sflag:s16] =	ssyncadd.s32 $0xFFFFD800  }
0x3b: {  	[spmem:s5] =	stream.linear.scatter [tilespmem:s17], [sflag:$0x7], $0x2800, $0x38;
	[tilespmem:$0x1F800] =	vst v63  }
0x3c: {  	_ =	swait.ge [sflag:s16], $0x2800  }
0x3d: {  	[sflag:s16] =	ssyncset.done $0x0  }
0x3e: {  	s7 =	rddreg [dreg:$0x5];
	[sflag:s16] =	ssyncadd.s32 $0xFFFFD800  }
0x3f: {  	[spmem:s7] =	stream.linear.scatter [tilespmem:s17], [sflag:$0x7], $0x2800, $0x38;
	[tilespmem:$0x1F800] =	vst v63  }
0x40: {  	_ =	swait.ge [sflag:s16], $0x2800  }
0x41: {  	[sflag:s16] =	ssyncset.done $0x0  }
0x42: {  	[sflag:s16] =	ssyncadd.s32 $0xFFFFD800  }
0x43: {  	[spmem:s9] =	stream.linear.scatter [tilespmem:s17], [sflag:$0x7], $0x2800, $0x38;
	[tilespmem:$0x1F800] =	vst v63  }
0x44: {  	_ =	swait.ge [sflag:s16], $0x2800  }
0x45: {  	[sflag:s16] =	ssyncset.done $0x0  }
0x46: {  	[sflag:s16] =	ssyncadd.s32 $0xFFFFD800  }
0x47: {  	[spmem:s10] =	stream.linear.scatter [tilespmem:s17], [sflag:$0x7], $0x2800, $0x38;
	[tilespmem:$0x1F800] =	vst v63  }
0x48: {  	_ =	swait.ge [sflag:s16], $0x2800  }
0x49: {  	[sflag:s16] =	ssyncset.done $0x0  }
0x4a: {  	[sflag:s16] =	ssyncadd.s32 $0xFFFFD800  }
0x4b: {  	[spmem:s11] =	stream.linear.scatter [tilespmem:s17], [sflag:$0x7], $0x2800, $0x38;
	[tilespmem:$0x1F800] =	vst v63  }
0x4c: {  	_ =	swait.ge [sflag:s16], $0x2800  }
0x4d: {  	[sflag:s16] =	ssyncset.done $0x0  }
0x4e: {  	[sflag:s16] =	ssyncadd.s32 $0xFFFFD800  }
0x4f: {  	[spmem:s12] =	stream.linear.scatter [tilespmem:s17], [sflag:$0x7], $0x2800, $0x38;
	[tilespmem:$0x1F800] =	vst v63  }
0x50: {  	_ =	swait.ge [sflag:s16], $0x2800  }
0x51: {  	[sflag:s16] =	ssyncset.done $0x0  }
0x52: {  	[sflag:s16] =	ssyncadd.s32 $0xFFFFD800  }
0x53: {  	[spmem:s13] =	stream.linear.scatter [tilespmem:s17], [sflag:$0x7], $0x2400, $0x38;
	[tilespmem:$0x1F800] =	vst v63  }
0x54: {  	_ =	swait.ge [sflag:s16], $0x2400  }
0x55: {  	[sflag:s16] =	ssyncset.done $0x0  }
0x56: {  	[sflag:s16] =	ssyncadd.s32 $0xFFFFDC00  }
0x57: {  	[bflag:$0x0] =	sbarrier.arrive $0xFFFF  }
0x58: {  	v1 =	vld [tilespmem:$0x0]  }
0x59: {  	v2 =	vld [tilespmem:$0x10]  }
0x5a: {  	v3 =	vld [tilespmem:$0x20]  }
0x5b: {  	v4 =	vld [tilespmem:$0x30]  }
0x5c: {  	v5 =	vld [tilespmem:$0x40]  }
0x5d: {  	v1 =	vand.u32 $0x3FFF, v1  }
0x5e: {  	[tilespmem:$0x4200] =	vst v1;
	v1 =	vand.u32 $0x3FFF, v2  }
0x5f: {  	[tilespmem:$0x4210] =	vst v1;
	v1 =	vand.u32 $0x3FFF, v3  }
0x60: {  	[tilespmem:$0x4220] =	vst v1;
	v1 =	vand.u32 $0x3FFF, v4  }
0x61: {  	[tilespmem:$0x4230] =	vst v1;
	v1 =	vand.u32 $0x3FFF, v5  }
0x62: {  	s8 =	simm.s32 $0x4200;
	[tilespmem:$0x4240] =	vst v1  }
0x63: {  	[tilespmem:s17], [sflag:$0x1] =	stream.indirect.gather [hbm4b:s4+s18], $0x80, s8, s18, $0xb8;
	[tilespmem:$0x1F800] =	vst v63  }
0x64: {  	v1 =	vld [tilespmem:$0x80]  }
0x65: {  	v2 =	vld [tilespmem:$0x90]  }
0x66: {  	v3 =	vld [tilespmem:$0xA0]  }
0x67: {  	v60 =	vld [tilespmem:$0xB0]  }
0x68: {  	v61 =	vld [tilespmem:$0xC0]  }
0x69: {  	v1 =	vand.u32 $0x3FFF, v1  }
0x6a: {  	[tilespmem:$0x4280] =	vst v1;
	v1 =	vand.u32 $0x3FFF, v2  }
0x6b: {  	[tilespmem:$0x4290] =	vst v1;
	v1 =	vand.u32 $0x3FFF, v3  }
0x6c: {  	[tilespmem:$0x42A0] =	vst v1;
	v1 =	vand.u32 $0x3FFF, v60  }
0x6d: {  	[tilespmem:$0x42B0] =	vst v1;
	v1 =	vand.u32 $0x3FFF, v61  }
0x6e: {  	[tilespmem:$0x42C0] =	vst v1  }
0x6f: {  	[tilespmem:s21], [sflag:$0x2] =	stream.indirect.gather [hbm4b:s4+s18], $0x80, s20, s18, $0xb8;
	[tilespmem:$0x1F800] =	vst v63  }
0x70: {  	v1 =	vld [tilespmem:$0x100]  }
0x71: {  	v2 =	vld [tilespmem:$0x110]  }
0x72: {  	v3 =	vld [tilespmem:$0x120]  }
0x73: {  	v62 =	vld [tilespmem:$0x130]  }
0x74: {  	v63 =	vld [tilespmem:$0x140]  }
0x75: {  	v1 =	vand.u32 $0x3FFF, v1  }
0x76: {  	[tilespmem:$0x4300] =	vst v1;
	v1 =	vand.u32 $0x3FFF, v2  }
0x77: {  	[tilespmem:$0x4310] =	vst v1;
	v1 =	vand.u32 $0x3FFF, v3  }
0x78: {  	[tilespmem:$0x4320] =	vst v1;
	v1 =	vand.u32 $0x3FFF, v62  }
0x79: {  	[tilespmem:$0x4330] =	vst v1;
	v1 =	vand.u32 $0x3FFF, v63  }
0x7a: {  	s22 =	simm.s32 $0x4300;
	[tilespmem:$0x4340] =	vst v1  }
0x7b: {  	[tilespmem:s23], [sflag:$0x3] =	stream.indirect.gather [hbm4b:s4+s18], $0x80, s22, s18, $0xb8;
	[tilespmem:$0x1F800] =	vst v63  }
0x7c: {  	s1 =	simm.s32 $0xFFFFFFFF;
	s22 =	simm.s32 $0x120  }
.LBB2_4:
0x7d: {  	_ =	swait.ge [sflag:s24], $0x2800  }
0x7e: {  	[sflag:s24] =	ssyncset.done $0x0  }
0x7f: {  	[sflag:s24] =	ssyncadd.s32 $0xFFFFD800  }
0x80: {  	v1 =	vld [tilespmem:s22+$0xFFFFFEE0];
	_ =	sdelay $0x4  }
0x81: {  	v1 =	vshrl.u32 v1, $0xE  }
0x82: {  	[tilespmem:$0x4000] =	vst v1  }
0x83: {  	v1 =	vld [tilespmem:s22+$0xFFFFFEF0];
	_ =	sdelay $0x4  }
0x84: {  	v1 =	vshrl.u32 v1, $0xE  }
0x85: {  	[tilespmem:$0x4010] =	vst v1  }
0x86: {  	v1 =	vld [tilespmem:s22+$0xFFFFFF00];
	_ =	sdelay $0x4  }
0x87: {  	v1 =	vshrl.u32 v1, $0xE  }
0x88: {  	[tilespmem:$0x4020] =	vst v1  }
0x89: {  	v1 =	vld [tilespmem:s22+$0xFFFFFF10];
	_ =	sdelay $0x4  }
0x8a: {  	v1 =	vshrl.u32 v1, $0xE  }
0x8b: {  	[tilespmem:$0x4030] =	vst v1  }
0x8c: {  	v1 =	vld [tilespmem:s22+$0xFFFFFF20];
	_ =	sdelay $0x4  }
0x8d: {  	p0 =	sgt.u32 s1, $0x7A;
	v1 =	vshrl.u32 v1, $0xE  }
0x8e: {  	s5 =	simm.s32 @!p0 $0x6;
	[tilespmem:$0x4040] =	vst v1  }
0x8f: {  	[spmem:s2] =	stream.indirect.scatter.add.f32 [tilespmem:s17], [sflag:$0x4], $0x80, s25, s18, $0xb8;
	[tilespmem:$0x1F800] =	vst v63  }
0x90: {  	_ =	swait.ge @!p0 [sflag:s5], $0x2800  }
0x91: {  	[sflag:s5] =	ssyncset.done @!p0 $0x0  }
0x92: {  	[sflag:s5] =	ssyncadd.s32 @!p0 $0xFFFFD800  }
0x93: {  	v1 =	vld @!p0 [tilespmem:s22+$0xFFFFFFE0];
	_ =	sdelay $0x4  }
0x94: {  	v1 =	vand.u32 @!p0 $0x3FFF, v1  }
0x95: {  	[tilespmem:$0x4300] =	vst @!p0 v1  }
0x96: {  	v1 =	vld @!p0 [tilespmem:s22+$0xFFFFFFF0];
	_ =	sdelay $0x4  }
0x97: {  	v1 =	vand.u32 @!p0 $0x3FFF, v1  }
0x98: {  	[tilespmem:$0x4310] =	vst @!p0 v1  }
0x99: {  	v1 =	vld @!p0 [tilespmem:s22+$0x0];
	_ =	sdelay $0x4  }
0x9a: {  	v1 =	vand.u32 @!p0 $0x3FFF, v1  }
0x9b: {  	[tilespmem:$0x4320] =	vst @!p0 v1  }
0x9c: {  	v1 =	vld @!p0 [tilespmem:s22+$0x10];
	_ =	sdelay $0x4  }
0x9d: {  	v1 =	vand.u32 @!p0 $0x3FFF, v1  }
0x9e: {  	[tilespmem:$0x4330] =	vst @!p0 v1  }
0x9f: {  	v1 =	vld @!p0 [tilespmem:s22+$0x20];
	_ =	sdelay $0x4  }
0xa0: {  	v1 =	vand.u32 @!p0 $0x3FFF, v1  }
0xa1: {  	s7 =	simm.s32 @!p0 $0x4300;
	s8 =	simm.s32 @!p0 $0x9400;
	s5 =	simm.s32 @!p0 $0x50;
	[tilespmem:$0x4340] =	vst @!p0 v1  }
0xa2: {  	[tilespmem:s8], [sflag:$0x3] =	stream.indirect.gather @!p0 [hbm4b:s4+s5], $0x80, s7, s5, $0xb8;
	[tilespmem:$0x1F800] =	vst v63  }
0xa3: {  	_ =	swait.ge [sflag:s26], $0x2800  }
0xa4: {  	[sflag:s26] =	ssyncset.done $0x0  }
0xa5: {  	[sflag:s26] =	ssyncadd.s32 $0xFFFFD800  }
0xa6: {  	v1 =	vld [tilespmem:s22+$0xFFFFFF60];
	_ =	sdelay $0x4  }
0xa7: {  	v1 =	vshrl.u32 v1, $0xE  }
0xa8: {  	[tilespmem:$0x4080] =	vst v1  }
0xa9: {  	v1 =	vld [tilespmem:s22+$0xFFFFFF70];
	_ =	sdelay $0x4  }
0xaa: {  	v1 =	vshrl.u32 v1, $0xE  }
0xab: {  	[tilespmem:$0x4090] =	vst v1  }
0xac: {  	v1 =	vld [tilespmem:s22+$0xFFFFFF80];
	_ =	sdelay $0x4  }
0xad: {  	v1 =	vshrl.u32 v1, $0xE  }
0xae: {  	[tilespmem:$0x40A0] =	vst v1  }
0xaf: {  	v1 =	vld [tilespmem:s22+$0xFFFFFF90];
	_ =	sdelay $0x4  }
0xb0: {  	v1 =	vshrl.u32 v1, $0xE  }
0xb1: {  	[tilespmem:$0x40B0] =	vst v1  }
0xb2: {  	v1 =	vld [tilespmem:s22+$0xFFFFFFA0];
	_ =	sdelay $0x4  }
0xb3: {  	p0 =	seq.s32 s1, $0x7A;
	v1 =	vshrl.u32 v1, $0xE  }
0xb4: {  	s5 =	simm.s32 @!p0 $0x4;
	[tilespmem:$0x40C0] =	vst v1  }
0xb5: {  	[spmem:s2] =	stream.indirect.scatter.add.f32 [tilespmem:s21], [sflag:$0x5], $0x80, s28, s18, $0xb8;
	[tilespmem:$0x1F800] =	vst v63  }
0xb6: {  	_ =	swait.ge @!p0 [sflag:s5], $0x2800  }
0xb7: {  	[sflag:s5] =	ssyncset.done @!p0 $0x0  }
0xb8: {  	[sflag:s5] =	ssyncadd.s32 @!p0 $0xFFFFD800  }
0xb9: {  	v1 =	vld @!p0 [tilespmem:s22+$0x60];
	_ =	sdelay $0x4  }
0xba: {  	v1 =	vand.u32 @!p0 $0x3FFF, v1  }
0xbb: {  	[tilespmem:$0x4200] =	vst @!p0 v1  }
0xbc: {  	v1 =	vld @!p0 [tilespmem:s22+$0x70];
	_ =	sdelay $0x4  }
0xbd: {  	v1 =	vand.u32 @!p0 $0x3FFF, v1  }
0xbe: {  	[tilespmem:$0x4210] =	vst @!p0 v1  }
0xbf: {  	v1 =	vld @!p0 [tilespmem:s22+$0x80];
	_ =	sdelay $0x4  }
0xc0: {  	v1 =	vand.u32 @!p0 $0x3FFF, v1  }
0xc1: {  	[tilespmem:$0x4220] =	vst @!p0 v1  }
0xc2: {  	v1 =	vld @!p0 [tilespmem:s22+$0x90];
	_ =	sdelay $0x4  }
0xc3: {  	v1 =	vand.u32 @!p0 $0x3FFF, v1  }
0xc4: {  	[tilespmem:$0x4230] =	vst @!p0 v1  }
0xc5: {  	v1 =	vld @!p0 [tilespmem:s22+$0xA0];
	_ =	sdelay $0x4  }
0xc6: {  	v1 =	vand.u32 @!p0 $0x3FFF, v1  }
0xc7: {  	s7 =	simm.s32 @!p0 $0x4200;
	s8 =	simm.s32 @!p0 $0x4400;
	s5 =	simm.s32 @!p0 $0x50;
	[tilespmem:$0x4240] =	vst @!p0 v1  }
0xc8: {  	[tilespmem:s8], [sflag:$0x1] =	stream.indirect.gather @!p0 [hbm4b:s4+s5], $0x80, s7, s5, $0xb8;
	[tilespmem:$0x1F800] =	vst v63  }
0xc9: {  	_ =	swait.ge [sflag:s29], $0x2800  }
0xca: {  	[sflag:s29] =	ssyncset.done $0x0  }
0xcb: {  	[sflag:s29] =	ssyncadd.s32 $0xFFFFD800  }
0xcc: {  	v1 =	vld [tilespmem:s22+$0xFFFFFFE0];
	_ =	sdelay $0x4  }
0xcd: {  	v1 =	vshrl.u32 v1, $0xE  }
0xce: {  	[tilespmem:$0x4100] =	vst v1  }
0xcf: {  	v1 =	vld [tilespmem:s22+$0xFFFFFFF0];
	_ =	sdelay $0x4  }
0xd0: {  	v1 =	vshrl.u32 v1, $0xE  }
0xd1: {  	[tilespmem:$0x4110] =	vst v1  }
0xd2: {  	v1 =	vld [tilespmem:s22+$0x0];
	_ =	sdelay $0x4  }
0xd3: {  	v1 =	vshrl.u32 v1, $0xE  }
0xd4: {  	[tilespmem:$0x4120] =	vst v1  }
0xd5: {  	v1 =	vld [tilespmem:s22+$0x10];
	_ =	sdelay $0x4  }
0xd6: {  	v1 =	vshrl.u32 v1, $0xE  }
0xd7: {  	[tilespmem:$0x4130] =	vst v1  }
0xd8: {  	v1 =	vld [tilespmem:s22+$0x20];
	_ =	sdelay $0x2  }
.Ltmp3:
0xd9: {  	_ = 	snop;
	(pc) =	sbr.rel @p0 .LBB2_6-.Ltmp3, $4  }
0xda: {  	_ = 	snop  }
0xdb: {  	v1 =	vshrl.u32 v1, $0xE  }
0xdc: {  	[tilespmem:$0x4140] =	vst v1  }
0xdd: {  	[spmem:s2] =	stream.indirect.scatter.add.f32 [tilespmem:s23], [sflag:$0x6], $0x80, s30, s18, $0xb8;
	[tilespmem:$0x1F800] =	vst v63  }
0xde: {  	_ =	swait.ge [sflag:s0], $0x2800  }
0xdf: {  	[sflag:s0] =	ssyncset.done $0x0  }
0xe0: {  	[sflag:s0] =	ssyncadd.s32 $0xFFFFD800  }
0xe1: {  	v1 =	vld [tilespmem:s22+$0xE0];
	_ =	sdelay $0x4  }
0xe2: {  	v1 =	vand.u32 $0x3FFF, v1  }
0xe3: {  	[tilespmem:$0x4280] =	vst v1  }
0xe4: {  	v1 =	vld [tilespmem:s22+$0xF0];
	_ =	sdelay $0x4  }
0xe5: {  	v1 =	vand.u32 $0x3FFF, v1  }
0xe6: {  	[tilespmem:$0x4290] =	vst v1  }
0xe7: {  	v1 =	vld [tilespmem:s22+$0x100];
	_ =	sdelay $0x4  }
0xe8: {  	v1 =	vand.u32 $0x3FFF, v1  }
0xe9: {  	[tilespmem:$0x42A0] =	vst v1  }
0xea: {  	v1 =	vld [tilespmem:s22+$0x110];
	_ =	sdelay $0x4  }
0xeb: {  	v1 =	vand.u32 $0x3FFF, v1  }
0xec: {  	[tilespmem:$0x42B0] =	vst v1  }
0xed: {  	v1 =	vld [tilespmem:s22+$0x120];
	_ =	sdelay $0x2  }
.Ltmp4:
0xee: {  	_ = 	snop;
	(pc) =	sbr.rel .LBB2_4-.Ltmp4, $4  }
0xef: {  	_ = 	snop  }
0xf0: {  	v1 =	vand.u32 $0x3FFF, v1  }
0xf1: {  	s1 =	sadd.s32 $0x3, s1;
	s22 =	sadd.s32 $0x180, s22;
	[tilespmem:$0x42C0] =	vst v1  }
0xf2: {  	[tilespmem:s21], [sflag:$0x2] =	stream.indirect.gather [hbm4b:s4+s18], $0x80, s20, s18, $0xb8;
	[tilespmem:$0x1F800] =	vst v63  }
.LBB2_7:
0xf3: {  	_ =	sfence.sel $0x180000  }
0xf4: {  	[bflag:$0x0] =	sbarrier.arrive $0xFFFF  }
0xf5: {  	_ =	strace $0x9000004D  }
0xf6: {  	s0 =	stileid.u32;
	[bflag:$0x2] =	sbarrier.arrive $0xFFFF  }
0xf7: {  	p0 =	sne.s32 s0, $0x0;
	s0 =	rddreg [dreg:$0x2]  }
0xf8: {  	s0 =	sadd.s32 @!p0 $0x100000, s0  }
0xf9: {  	[sflag:s0] =	ssyncadd.tile.s32 @!p0 $0x1;
	_ =	shalt  }
.Lfunc_end2:
_tile_overlayer_lowered:
.L_overlay_start_2:
0xfa: {  	(tag) =	ssettag $0x2  }
0xfb: {  	s0 =	rddreg [dreg:$0x0];
	s2 =	stileid.u32  }
0xfc: {  	s1 =	rddreg [dreg:$0x1];
	p0 =	sne.s32 s2, $0x0  }
0xfd: {  	s3 =	rddreg [dreg:$0x2];
	[bflag:$0x3] =	sbarrier.arrive $0xFFFF;
	s2 =	simm.s32 @!p0 $0x1C07  }
0xfe: {  	[timem:s3], [sflag:s2] =	dma.local @!p0 [hbm:s0], s1  }
0xff: {  	s0 =	simm.s32 @!p0 $0x7  }
0x100: {  	_ =	swait.ge @!p0 [sflag:s0], s1  }
0x101: {  	s1 =	ssub.s32 @!p0 $0x0, s1;
	[sflag:s0] =	ssyncset.done @!p0 $0x0  }
0x102: {  	[sflag:s0] =	ssyncadd.s32 @!p0 s1  }
0x103: {  	[bflag:$0x3] =	sbarrier.arrive $0xFFFF  }
0x104: {  	_ =	shalt  }

// kernel: kernel.19.cloned.1.call-start
scs
__scs_entry_jumppad:
0x0: {  	(pc) =	sbr.rel $0x88, $3  }
0x1: {  	(tag) =	ssettag $0x0;
	lr =	simm.s32 $0x1  }
0x2: {  	[smem:$0x3F9B] =	sst lr;
	_ =	strace $0xD0000000  }
0x3: {  	_ = 	snop  }
0x4: {  	_ = 	snop  }
0x5: {  	_ = 	snop  }
0x6: {  	_ = 	snop  }
0x7: {  	_ = 	snop  }
__scs_overlays_trampoline_lowered:
0x8: {  	[smem:$0x3FAA] =	sst s0  }
0x9: {  	[smem:$0x3FAB] =	sst s1  }
0xa: {  	[smem:$0x3FAC] =	sst s2  }
0xb: {  	[smem:$0x3FAD] =	sst s3  }
0xc: {  	[smem:$0x3FAE] =	sst s4  }
0xd: {  	[smem:$0x3FAF] =	sst s5  }
0xe: {  	[smem:$0x3FB0] =	sst s6  }
0xf: {  	[smem:$0x3FB1] =	sst s7  }
0x10: {  	[smem:$0x3FB2] =	sst s8  }
0x11: {  	[smem:$0x3FB3] =	sst s9;
	s0 =	simm.s32 @!p0 $0x0  }
0x12: {  	s1 =	sld [smem:$0x3F99];
	s0 =	simm.s32 @p0 $0x1  }
0x13: {  	[smem:$0x3FB4] =	sst s0;
	s0 =	simm.s32 @!p1 $0x0  }
0x14: {  	s2 =	sld [smem:$0x3F98];
	s0 =	simm.s32 @p1 $0x1  }
0x15: {  	[smem:$0x3FB5] =	sst s0;
	s0 =	simm.s32 @!p2 $0x0  }
0x16: {  	s3 =	sld [smem:$0x3FDB];
	s0 =	simm.s32 @p2 $0x1  }
0x17: {  	s4 =	simm.s32 $0x1BF5;
	[smem:$0x3FB7] =	sst s0  }
0x18: {  	s0 =	sld [smem:$0x3F9A];
	_ =	swait.ge [sflag:s4], $0x0  }
0x19: {  	s7 =	sld [smem:$0x3F9B]  }
0x1a: {  	s8 =	sadd.s32 $0xFFFFE003, lr  }
0x1b: {  	s9 =	sadd.s32 $0xFFFFFEF7, lr;
	s5 =	simm.s32 $0xFFFFFFFF;
	p2 =	slt.u32 s8, $0xFFFFF086  }
0x1c: {  	p1 =	slt.u32 s9, $0xF7A;
	s5 =	simm.s32 @!p2 $0x0  }
0x1d: {  	s5 =	simm.s32 @p1 $0x1;
	p0 =	seq.s32 s7, s2  }
0x1e: {  	s7 =	smul.u32 @!p0 $0xF7A, s2;
	p2 =	seq.s32 @!p0 s5, $0x0  }
0x1f: {  	s9 =	smul.u32 $0xF7A, s1;
	s8 =	simm.s32 @!p0 $0x1BF5;
	p2 =	por !p2, p0  }
0x20: {  	[sflag:s8] =	ssyncset.s32 @!p0 $0xFFFFF086;
	s6 =	sadd.s32 @!p0 s3, s7;
	s7 =	simm.s32 @!p0 $0x108  }
0x21: {  	s3 =	sadd.s32 s3, s9;
	s6 =	sadd.s32 @!p0 $0x88, s6;
	s7 =	simm.s32 @p2 $0x1082  }
0x22: {  	[simem:s7], [sflag:s8] =	dma.local @!p0 [hbm:s6], $0xF7A  }
0x23: {  	s9 =	sor.u32 $0xD0000000, s2;
	s6 =	simm.s32 $0x108;
	_ =	swait.ge @!p0 [sflag:s8], $0x0  }
0x24: {  	s3 =	sadd.s32 $0x88, s3;
	s6 =	simm.s32 @!p1 $0x1082;
	[sflag:s4] =	ssyncset.s32 $0xFFFFF086  }
0x25: {  	[simem:s6], [sflag:s4] =	dma.local [hbm:s3], $0xF7A  }
0x26: {  	[smem:$0x3F9B] =	sst s1;
	(tag) =	ssettag s2;
	_ =	strace s9  }
0x27: {  	s1 =	sld [smem:$0x3FAB]  }
0x28: {  	s2 =	sld [smem:$0x3FAC]  }
0x29: {  	s4 =	sld [smem:$0x3FAE]  }
0x2a: {  	p0 =	seq.s32 s5, $0x0;
	s5 =	sld [smem:$0x3FAF]  }
0x2b: {  	s6 =	sld [smem:$0x3FB0]  }
0x2c: {  	s7 =	sld [smem:$0x3FB1]  }
0x2d: {  	s3 =	simm.s32 $0x108;
	s8 =	sld [smem:$0x3FB2]  }
0x2e: {  	s3 =	simm.s32 @!p0 $0x1082;
	s9 =	sld [smem:$0x3FB3]  }
0x2f: {  	lr =	sadd.s32 s0, s3;
	s0 =	sld [smem:$0x3FAA]  }
0x30: {  	s3 =	sld [smem:$0x3FAD]  }
0x31: {  	[smem:$0x3FB6] =	sst s10  }
0x32: {  	s10 =	sld [smem:$0x3FB4];
	_ =	sdelay $0x3  }
0x33: {  	p0 =	seq.s32 s10, $0x1;
	s10 =	sld [smem:$0x3FB6];
	_ =	sdelay $0x3  }
0x34: {  	[smem:$0x3FB6] =	sst s10  }
0x35: {  	s10 =	sld [smem:$0x3FB5];
	_ =	sdelay $0x3  }
0x36: {  	p1 =	seq.s32 s10, $0x1;
	s10 =	sld [smem:$0x3FB6];
	_ =	sdelay $0x3  }
0x37: {  	[smem:$0x3FB6] =	sst s10  }
0x38: {  	s10 =	sld [smem:$0x3FB7]  }
0x39: {  	_ = 	snop;
	(pc) =	sbr.ind lr, $3  }
0x3a: {  	_ = 	snop  }
0x3b: {  	_ = 	snop  }
0x3c: {  	p2 =	seq.s32 s10, $0x1;
	s10 =	sld [smem:$0x3FB6]  }
0x3d: {  	_ =	shalt  }
0x3e: {  	_ =	shalt  }
0x3f: {  	_ =	shalt  }
0x40: {  	_ =	shalt  }
0x41: {  	_ =	shalt  }
0x42: {  	_ =	shalt  }
0x43: {  	_ =	shalt  }
0x44: {  	_ =	shalt  }
0x45: {  	_ =	shalt  }
0x46: {  	_ =	shalt  }
0x47: {  	_ =	shalt  }
0x48: {  	_ =	shalt  }
0x49: {  	_ =	shalt  }
0x4a: {  	_ =	shalt  }
0x4b: {  	_ =	shalt  }
0x4c: {  	_ =	shalt  }
0x4d: {  	_ =	shalt  }
0x4e: {  	_ =	shalt  }
0x4f: {  	_ =	shalt  }
0x50: {  	_ =	shalt  }
0x51: {  	_ =	shalt  }
0x52: {  	_ =	shalt  }
0x53: {  	_ =	shalt  }
0x54: {  	_ =	shalt  }
0x55: {  	_ =	shalt  }
0x56: {  	_ =	shalt  }
0x57: {  	_ =	shalt  }
0x58: {  	_ =	shalt  }
0x59: {  	_ =	shalt  }
0x5a: {  	_ =	shalt  }
0x5b: {  	_ =	shalt  }
0x5c: {  	_ =	shalt  }
0x5d: {  	_ =	shalt  }
0x5e: {  	_ =	shalt  }
0x5f: {  	_ =	shalt  }
0x60: {  	_ =	shalt  }
0x61: {  	_ =	shalt  }
0x62: {  	_ =	shalt  }
0x63: {  	_ =	shalt  }
0x64: {  	_ =	shalt  }
0x65: {  	_ =	shalt  }
0x66: {  	_ =	shalt  }
0x67: {  	_ =	shalt  }
0x68: {  	_ =	shalt  }
0x69: {  	_ =	shalt  }
0x6a: {  	_ =	shalt  }
0x6b: {  	_ =	shalt  }
0x6c: {  	_ =	shalt  }
0x6d: {  	_ =	shalt  }
0x6e: {  	_ =	shalt  }
0x6f: {  	_ =	shalt  }
0x70: {  	_ =	shalt  }
0x71: {  	_ =	shalt  }
0x72: {  	_ =	shalt  }
0x73: {  	_ =	shalt  }
0x74: {  	_ =	shalt  }
0x75: {  	_ =	shalt  }
0x76: {  	_ =	shalt  }
0x77: {  	_ =	shalt  }
0x78: {  	_ =	shalt  }
0x79: {  	_ =	shalt  }
0x7a: {  	_ =	shalt  }
0x7b: {  	_ =	shalt  }
0x7c: {  	_ =	shalt  }
0x7d: {  	_ =	shalt  }
0x7e: {  	_ =	shalt  }
0x7f: {  	_ =	shalt  }
0x80: {  	_ =	shalt  }
0x81: {  	_ =	shalt  }
0x82: {  	_ =	shalt  }
0x83: {  	_ =	shalt  }
0x84: {  	_ =	shalt  }
0x85: {  	_ =	shalt  }
0x86: {  	_ =	shalt  }
0x87: {  	_ =	shalt  }
.Lfunc_end0:
.L_simem_size_0:
called_computation.3_lowered:
.L_overlay_start_0:
0x88: {  	s2 =	sld [smem:$0x3FD9]  }
0x89: {  	s3 =	sld [smem:$0x3FFE];
	_ =	sdelay $0x1  }
0x8a: {  	s1 =	srdreg.scid  }
0x8b: {  	s0 =	sand.u32 $0x1, s1  }
0x8c: {  	s16 =	sshll.u32 s0, $0xA;
	s2 =	sadd.s32 s3, s2  }
0x8d: {  	s2 =	sadd.s32 s2, s16  }
0x8e: {  	[smem:$0x3FC2] =	sst s2  }
0x8f: {  	_ = 	snop  }
0x90: {  	(tm) =	ssettm $0x1  }
0x91: {  	s17 =	sld [smem:$0x3FFB];
	_ =	sdelay $0x3  }
0x92: {  	_ =	strace s17  }
0x93: {  	s2 =	sld [smem:$0x3FFC];
	_ =	sdelay $0x3  }
0x94: {  	_ =	strace s2  }
0x95: {  	s2 =	sld [smem:$0x3FFD];
	_ =	sdelay $0x3  }
0x96: {  	_ =	strace s2  }
0x97: {  	_ =	strace $0x8FFFFFFF  }
0x98: {  	s18 =	sld [smem:$0x3FDB];
	_ =	sdelay $0x1  }
0x99: {  	s19 =	simm.s32 $_scs_section_size  }
0x9a: {  	s4 =	simm.s32 $_size__tile_overlayer_lowered;
	s5 =	simm.s32 $_tile_overlayer_lowered  }
0x9b: {  	s22 =	simm.s32 $0x1BFF;
	s21 =	sshll.u32 s5, $0x1;
	s2 =	sadd.s32 s19, s18  }
0x9c: {  	s6 =	simm.s32 $0x0;
	s20 =	sshll.u32 s4, $0x1;
	s4 =	sadd.s32 s21, s2  }
0x9d: {  	[timem:s6], [sflag:s22] =	dma.local [hbm:s4], s20  }
0x9e: {  	_ =	swait.ge [sflag:s22], s20  }
0x9f: {  	s3 =	ssub.s32 $0x0, s20;
	[sflag:s22] =	ssyncset.done $0x0  }
0xa0: {  	[sflag:s22] =	ssyncadd.s32 s3;
	_ =	sdelay $0x1  }
0xa1: {  	s23 =	simm.s32 $0x1B8B  }
0xa2: {  	_ =	swait.ge [sflag:s23], $0x1  }
0xa3: {  	[sflag:s23] =	ssyncset.done $0x0  }
0xa4: {  	s25 =	simm.s32 $0x1B8E;
	s24 =	sld [smem:$0x3FFE];
	[sflag:s23] =	ssyncadd.s32 $0xFFFFFFFF  }
0xa5: {  	s26 =	simm.s32 $execute0_lowered;
	[smem:$0x3FD2] =	sst s25  }
0xa6: {  	s4 =	sshll.u32 s26, $0x1;
	_ =	strace $0x8000004F;
	[dreg:$0x1] =	wrdreg $0xFFFFFFFF  }
0xa7: {  	s28 =	simm.s32 $_size_execute0_lowered;
	s2 =	sadd.s32 s2, s4;
	[dreg:$0x0] =	wrdreg $0x0  }
0xa8: {  	s4 =	sshll.u32 s28, $0x1;
	[dreg:$0x2] =	wrdreg s2  }
0xa9: {  	[dreg:$0x3] =	wrdreg s4  }
0xaa: {  	[dreg:$0x4] =	wrdreg $0xC0  }
0xab: {  	_ =	task [dreg:s6], $0x5FFFF  }
0xac: {  	[dreg:$0x1] =	wrdreg $0xFFFFFFFF  }
0xad: {  	[dreg:$0x0] =	wrdreg $0x60  }
0xae: {  	[dreg:$0x2] =	wrdreg s24  }
0xaf: {  	[dreg:$0x3] =	wrdreg $0xBC000  }
0xb0: {  	[dreg:$0x4] =	wrdreg $0x9  }
0xb1: {  	_ =	task.clear_ibuf [dreg:s6], $0x5FFFF;
	_ =	strace $0x9000004F  }
0xb2: {  	s29 =	simm.s32 $0x9;
	_ =	strace $0x80000051  }
0xb3: {  	_ =	swait.ge [sflag:s29], $0x1  }
0xb4: {  	[sflag:s29] =	ssyncadd.s32 $0xFFFFFFFF  }
0xb5: {  	_ =	strace $0x90000051  }
0xb6: {  	_ =	sfence  }
0xb7: {  	s30 =	sld [smem:$0x0];
	_ =	sdelay $0x2  }
0xb8: {  	s31 =	sshll.u32 s1, $0xD;
	s1 =	sshrl.u32 s1, $0x2  }
0xb9: {  	s3 =	sand.u32 $0x4000, s31;
	s1 =	sadd.s32 s1, s30  }
0xba: {  	s0 =	sor.u32 s3, s0;
	s1 =	sshll.u32 s1, $0x11  }
0xbb: {  	s0 =	sor.u32 s1, s0  }
0xbc: {  	s0 =	sadd.s32 $0x8F2B, s0  }
0xbd: {  	[sflag:s0] =	ssyncadd.remote.s32 $0x1  }
0xbe: {  	_ =	sfence.sel $0xFFFF  }
0xbf: {  	[dreg:$0x0] =	wrdreg $0xFFFFFFFF;
	(pc) =	sbr.abs _section_cstart, $3  }
0xc0: {  	[dreg:$0x1] =	wrdreg $0xFFFFFFFF  }
0xc1: {  	_ =	task.clear_ibuf [dreg:s6], $0x2FFFF;
	_ =	strace $0x9FFFFFFF  }
0xc2: {  	(tm) =	ssettm $0x7FFFFFFF  }
0xc3: {  	_ =	shalt  }
tec
execute0_lowered:
.L_overlay_start_1:
0x0: {  	(tag) =	ssettag $0x1  }
0x1: {  	s0 =	rddreg [dreg:$0x0]  }
0x2: {  	s1 =	srdreg.scid;
	s2 =	rddreg [dreg:$0x1]  }
0x3: {  	s6 =	stileid.u32;
	s5 =	simm.s32 $0x0;
	s16 =	simm.s32 $0x7  }
0x4: {  	s17 =	simm.s32 $0x4400;
	s18 =	simm.s32 $0x50;
	s20 =	simm.s32 $0x4280  }
0x5: {  	s21 =	simm.s32 $0x6C00;
	s28 =	simm.s32 $0x4080;
	s29 =	simm.s32 $0x3  }
0x6: {  	s30 =	simm.s32 $0x4100;
	s31 =	simm.s32 $0x4;
	s4 =	smul.u32 $0x13C00, s6  }
0x7: {  	s1 =	sand.u32 $0x1, s1;
	s23 =	sshll.u32 s6, $0xB;
	s6 =	smul.u32 $0x4F000, s6  }
0x8: {  	s19 =	simm.s32 $0x0;
	[smem:$0x7FF] =	sst s5;
	s3 =	smul.u32 $0x140000, s1  }
0x9: {  	_ =	strace $0x80000050;
	s5 =	sadd.s32 s23, s0;
	s24 =	ssub.s32 $0x2, s1  }
0xa: {  	s1 =	sshll.u32 s1, $0xF;
	s23 =	simm.s32 $0x9400;
	s7 =	sshrl.u32 s24, $0x1  }
0xb: {  	s1 =	sadd.s32 s1, s5;
	s6 =	sshrl.u32 s6, $0x2;
	s3 =	sadd.s32 s4, s3  }
0xc: {  	s4 =	sadd.s32 $0x62800, s0;
	s1 =	sadd.s32 $0x52800, s1;
	s6 =	sadd.s32 s6, s2  }
0xd: {  	s3 =	sshrl.u32 s3, $0x3;
	[dreg:$0x3] =	wrdreg s1;
	s25 =	sadd.s32 $0x2800, s6  }
0xe: {  	s26 =	sadd.s32 $0x5000, s6;
	s9 =	sadd.s32 $0x7800, s6;
	s10 =	sadd.s32 $0xA000, s6  }
.Ltmp0:
0xf: {  	s11 =	sadd.s32 $0xC800, s6;
	s12 =	sadd.s32 $0xF000, s6;
	(pc) =	sbr.rel .LBB2_1-.Ltmp0, $4  }
0x10: {  	s13 =	sadd.s32 $0x11800, s6;
	s0 =	sadd.s32 s3, s0;
	[dreg:$0x4] =	wrdreg s25  }
0x11: {  	s3 =	ssub.s32 s24, s7;
	[dreg:$0x5] =	wrdreg s26;
	s24 =	simm.s32 $0x1  }
0x12: {  	s25 =	simm.s32 $0x4000;
	s26 =	simm.s32 $0x2;
	s14 =	sadd.s32 $0x8A800, s0  }
0x13: {  	v0 =	vimm.f32 $0.0e+00;
	s15 =	smax.u32 s3, $0x1;
	s0 =	simm.s32 $0x5;
	s3 =	simm.s32 $0x6  }
.LBB2_6:
0x14: {  	_ =	swait.ge [sflag:s31], $0x2800  }
0x15: {  	[sflag:s31] =	ssyncset.done $0x0  }
0x16: {  	[sflag:s31] =	ssyncadd.s32 $0xFFFFD800  }
0x17: {  	_ =	swait.ge [sflag:s0], $0x2800  }
0x18: {  	[sflag:s0] =	ssyncset.done $0x0  }
0x19: {  	[sflag:s0] =	ssyncadd.s32 $0xFFFFD800  }
0x1a: {  	s1 =	stileid.u32;
	_ =	swait.ge [sflag:s3], $0x2800  }
0x1b: {  	s5 =	sshrl.u32 s6, $0x3;
	s19 =	sadd.s32 $0x1, s19;
	[sflag:s3] =	ssyncset.done $0x0  }
0x1c: {  	s1 =	sshll.u32 s1, $0x6;
	p0 =	sne.s32 s19, s15;
	[sflag:s3] =	ssyncadd.s32 $0xFFFFD800  }
.Ltmp1:
0x1d: {  	s1 =	sor.u32 $0x1C07, s1;
	[bflag:$0x0] =	sbarrier.arrive $0xFFFF;
	(pc) =	sbr.rel @!p0 .LBB2_7-.Ltmp1, $4  }
0x1e: {  	[hbm:s14], [sflag:s1] =	dma.local [spmem:s5], $0x2780  }
0x1f: {  	_ =	swait.ge [sflag:s16], $0x2780  }
0x20: {  	[sflag:s16] =	ssyncset.done $0x0  }
0x21: {  	[sflag:s16] =	ssyncadd.s32 $0xFFFFD880  }
.LBB2_1:
0x22: {  	s1 =	simm.s32 $0x0;
	s5 =	rddreg [dreg:$0x3]  }
0x23: {  	[tilespmem:s1], [sflag:$0x7] =	stream.linear.gather [hbm4b:s5+s1], $0x3F00, $0x38;
	[tilespmem:$0x1F800] =	vst v63  }
0x24: {  	_ =	swait.ge [sflag:s16], $0x3F00  }
0x25: {  	[sflag:s16] =	ssyncset.done $0x0  }
0x26: {  	s22 =	simm.s32 $0x3C0;
	s1 =	simm.s32 $0x70;
	[sflag:s16] =	ssyncadd.s32 $0xFFFFC100  }
.LBB2_2:
0x27: {  	p0 =	sne.s32 s22, $0x9FC0;
	[tilespmem:s1+$0x4400] =	vst v0  }
0x28: {  	[tilespmem:s1+$0x4390] =	vst v0  }
0x29: {  	[tilespmem:s1+$0x43A0] =	vst v0  }
.Ltmp2:
0x2a: {  	[tilespmem:s1+$0x43B0] =	vst v0;
	(pc) =	sbr.rel @p0 .LBB2_2-.Ltmp2, $4  }
0x2b: {  	[tilespmem:s1+$0x43C0] =	vst v0  }
0x2c: {  	[tilespmem:s1+$0x43D0] =	vst v0  }
0x2d: {  	[tilespmem:s1+$0x43E0] =	vst v0  }
0x2e: {  	[tilespmem:s1+$0x43F0] =	vst v0;
	s1 =	sshra.s32 s22, $0x2;
	s22 =	sadd.s32 $0x200, s22  }
0x2f: {  	[tilespmem:s1+$0x4400] =	vst v0  }
0x30: {  	[tilespmem:s1+$0x4390] =	vst v0  }
0x31: {  	[tilespmem:s1+$0x43A0] =	vst v0  }
0x32: {  	[tilespmem:s1+$0x43B0] =	vst v0  }
0x33: {  	[tilespmem:s1+$0x43C0] =	vst v0  }
0x34: {  	[tilespmem:s1+$0x43D0] =	vst v0  }
0x35: {  	[tilespmem:s1+$0x43E0] =	vst v0  }
0x36: {  	[tilespmem:s1+$0x43F0] =	vst v0  }
0x37: {  	[spmem:s6] =	stream.linear.scatter [tilespmem:s17], [sflag:$0x7], $0x2800, $0x38;
	[tilespmem:$0x1F800] =	vst v63  }
0x38: {  	_ =	swait.ge [sflag:s16], $0x2800  }
0x39: {  	[sflag:s16] =	ssyncset.done $0x0  }
0x3a: {  	s5 =	rddreg [dreg:$0x4];
	[sflag:s16] =	ssyncadd.s32 $0xFFFFD800  }
0x3b: {  	[spmem:s5] =	stream.linear.scatter [tilespmem:s17], [sflag:$0x7], $0x2800, $0x38;
	[tilespmem:$0x1F800] =	vst v63  }
0x3c: {  	_ =	swait.ge [sflag:s16], $0x2800  }
0x3d: {  	[sflag:s16] =	ssyncset.done $0x0  }
0x3e: {  	s7 =	rddreg [dreg:$0x5];
	[sflag:s16] =	ssyncadd.s32 $0xFFFFD800  }
0x3f: {  	[spmem:s7] =	stream.linear.scatter [tilespmem:s17], [sflag:$0x7], $0x2800, $0x38;
	[tilespmem:$0x1F800] =	vst v63  }
0x40: {  	_ =	swait.ge [sflag:s16], $0x2800  }
0x41: {  	[sflag:s16] =	ssyncset.done $0x0  }
0x42: {  	[sflag:s16] =	ssyncadd.s32 $0xFFFFD800  }
0x43: {  	[spmem:s9] =	stream.linear.scatter [tilespmem:s17], [sflag:$0x7], $0x2800, $0x38;
	[tilespmem:$0x1F800] =	vst v63  }
0x44: {  	_ =	swait.ge [sflag:s16], $0x2800  }
0x45: {  	[sflag:s16] =	ssyncset.done $0x0  }
0x46: {  	[sflag:s16] =	ssyncadd.s32 $0xFFFFD800  }
0x47: {  	[spmem:s10] =	stream.linear.scatter [tilespmem:s17], [sflag:$0x7], $0x2800, $0x38;
	[tilespmem:$0x1F800] =	vst v63  }
0x48: {  	_ =	swait.ge [sflag:s16], $0x2800  }
0x49: {  	[sflag:s16] =	ssyncset.done $0x0  }
0x4a: {  	[sflag:s16] =	ssyncadd.s32 $0xFFFFD800  }
0x4b: {  	[spmem:s11] =	stream.linear.scatter [tilespmem:s17], [sflag:$0x7], $0x2800, $0x38;
	[tilespmem:$0x1F800] =	vst v63  }
0x4c: {  	_ =	swait.ge [sflag:s16], $0x2800  }
0x4d: {  	[sflag:s16] =	ssyncset.done $0x0  }
0x4e: {  	[sflag:s16] =	ssyncadd.s32 $0xFFFFD800  }
0x4f: {  	[spmem:s12] =	stream.linear.scatter [tilespmem:s17], [sflag:$0x7], $0x2800, $0x38;
	[tilespmem:$0x1F800] =	vst v63  }
0x50: {  	_ =	swait.ge [sflag:s16], $0x2800  }
0x51: {  	[sflag:s16] =	ssyncset.done $0x0  }
0x52: {  	[sflag:s16] =	ssyncadd.s32 $0xFFFFD800  }
0x53: {  	[spmem:s13] =	stream.linear.scatter [tilespmem:s17], [sflag:$0x7], $0x2400, $0x38;
	[tilespmem:$0x1F800] =	vst v63  }
0x54: {  	_ =	swait.ge [sflag:s16], $0x2400  }
0x55: {  	[sflag:s16] =	ssyncset.done $0x0  }
0x56: {  	[sflag:s16] =	ssyncadd.s32 $0xFFFFDC00  }
0x57: {  	[bflag:$0x0] =	sbarrier.arrive $0xFFFF  }
0x58: {  	v1 =	vld [tilespmem:$0x0]  }
0x59: {  	v2 =	vld [tilespmem:$0x10]  }
0x5a: {  	v3 =	vld [tilespmem:$0x20]  }
0x5b: {  	v4 =	vld [tilespmem:$0x30]  }
0x5c: {  	v5 =	vld [tilespmem:$0x40]  }
0x5d: {  	v1 =	vand.u32 $0x3FFF, v1  }
0x5e: {  	[tilespmem:$0x4200] =	vst v1;
	v1 =	vand.u32 $0x3FFF, v2  }
0x5f: {  	[tilespmem:$0x4210] =	vst v1;
	v1 =	vand.u32 $0x3FFF, v3  }
0x60: {  	[tilespmem:$0x4220] =	vst v1;
	v1 =	vand.u32 $0x3FFF, v4  }
0x61: {  	[tilespmem:$0x4230] =	vst v1;
	v1 =	vand.u32 $0x3FFF, v5  }
0x62: {  	s8 =	simm.s32 $0x4200;
	[tilespmem:$0x4240] =	vst v1  }
0x63: {  	[tilespmem:s17], [sflag:$0x1] =	stream.indirect.gather [hbm4b:s4+s18], $0x80, s8, s18, $0xb8;
	[tilespmem:$0x1F800] =	vst v63  }
0x64: {  	v1 =	vld [tilespmem:$0x80]  }
0x65: {  	v2 =	vld [tilespmem:$0x90]  }
0x66: {  	v3 =	vld [tilespmem:$0xA0]  }
0x67: {  	v60 =	vld [tilespmem:$0xB0]  }
0x68: {  	v61 =	vld [tilespmem:$0xC0]  }
0x69: {  	v1 =	vand.u32 $0x3FFF, v1  }
0x6a: {  	[tilespmem:$0x4280] =	vst v1;
	v1 =	vand.u32 $0x3FFF, v2  }
0x6b: {  	[tilespmem:$0x4290] =	vst v1;
	v1 =	vand.u32 $0x3FFF, v3  }
0x6c: {  	[tilespmem:$0x42A0] =	vst v1;
	v1 =	vand.u32 $0x3FFF, v60  }
0x6d: {  	[tilespmem:$0x42B0] =	vst v1;
	v1 =	vand.u32 $0x3FFF, v61  }
0x6e: {  	[tilespmem:$0x42C0] =	vst v1  }
0x6f: {  	[tilespmem:s21], [sflag:$0x2] =	stream.indirect.gather [hbm4b:s4+s18], $0x80, s20, s18, $0xb8;
	[tilespmem:$0x1F800] =	vst v63  }
0x70: {  	v1 =	vld [tilespmem:$0x100]  }
0x71: {  	v2 =	vld [tilespmem:$0x110]  }
0x72: {  	v3 =	vld [tilespmem:$0x120]  }
0x73: {  	v62 =	vld [tilespmem:$0x130]  }
0x74: {  	v63 =	vld [tilespmem:$0x140]  }
0x75: {  	v1 =	vand.u32 $0x3FFF, v1  }
0x76: {  	[tilespmem:$0x4300] =	vst v1;
	v1 =	vand.u32 $0x3FFF, v2  }
0x77: {  	[tilespmem:$0x4310] =	vst v1;
	v1 =	vand.u32 $0x3FFF, v3  }
0x78: {  	[tilespmem:$0x4320] =	vst v1;
	v1 =	vand.u32 $0x3FFF, v62  }
0x79: {  	[tilespmem:$0x4330] =	vst v1;
	v1 =	vand.u32 $0x3FFF, v63  }
0x7a: {  	s22 =	simm.s32 $0x4300;
	[tilespmem:$0x4340] =	vst v1  }
0x7b: {  	[tilespmem:s23], [sflag:$0x3] =	stream.indirect.gather [hbm4b:s4+s18], $0x80, s22, s18, $0xb8;
	[tilespmem:$0x1F800] =	vst v63  }
0x7c: {  	s1 =	simm.s32 $0xFFFFFFFF;
	s22 =	simm.s32 $0x120  }
.LBB2_4:
0x7d: {  	_ =	swait.ge [sflag:s24], $0x2800  }
0x7e: {  	[sflag:s24] =	ssyncset.done $0x0  }
0x7f: {  	[sflag:s24] =	ssyncadd.s32 $0xFFFFD800  }
0x80: {  	v1 =	vld [tilespmem:s22+$0xFFFFFEE0];
	_ =	sdelay $0x4  }
0x81: {  	v1 =	vshrl.u32 v1, $0xE  }
0x82: {  	[tilespmem:$0x4000] =	vst v1  }
0x83: {  	v1 =	vld [tilespmem:s22+$0xFFFFFEF0];
	_ =	sdelay $0x4  }
0x84: {  	v1 =	vshrl.u32 v1, $0xE  }
0x85: {  	[tilespmem:$0x4010] =	vst v1  }
0x86: {  	v1 =	vld [tilespmem:s22+$0xFFFFFF00];
	_ =	sdelay $0x4  }
0x87: {  	v1 =	vshrl.u32 v1, $0xE  }
0x88: {  	[tilespmem:$0x4020] =	vst v1  }
0x89: {  	v1 =	vld [tilespmem:s22+$0xFFFFFF10];
	_ =	sdelay $0x4  }
0x8a: {  	v1 =	vshrl.u32 v1, $0xE  }
0x8b: {  	[tilespmem:$0x4030] =	vst v1  }
0x8c: {  	v1 =	vld [tilespmem:s22+$0xFFFFFF20];
	_ =	sdelay $0x4  }
0x8d: {  	p0 =	sgt.u32 s1, $0x7A;
	v1 =	vshrl.u32 v1, $0xE  }
0x8e: {  	s5 =	simm.s32 @!p0 $0x6;
	[tilespmem:$0x4040] =	vst v1  }
0x8f: {  	[spmem:s2] =	stream.indirect.scatter.add.f32 [tilespmem:s17], [sflag:$0x4], $0x80, s25, s18, $0xb8;
	[tilespmem:$0x1F800] =	vst v63  }
0x90: {  	_ =	swait.ge @!p0 [sflag:s5], $0x2800  }
0x91: {  	[sflag:s5] =	ssyncset.done @!p0 $0x0  }
0x92: {  	[sflag:s5] =	ssyncadd.s32 @!p0 $0xFFFFD800  }
0x93: {  	v1 =	vld @!p0 [tilespmem:s22+$0xFFFFFFE0];
	_ =	sdelay $0x4  }
0x94: {  	v1 =	vand.u32 @!p0 $0x3FFF, v1  }
0x95: {  	[tilespmem:$0x4300] =	vst @!p0 v1  }
0x96: {  	v1 =	vld @!p0 [tilespmem:s22+$0xFFFFFFF0];
	_ =	sdelay $0x4  }
0x97: {  	v1 =	vand.u32 @!p0 $0x3FFF, v1  }
0x98: {  	[tilespmem:$0x4310] =	vst @!p0 v1  }
0x99: {  	v1 =	vld @!p0 [tilespmem:s22+$0x0];
	_ =	sdelay $0x4  }
0x9a: {  	v1 =	vand.u32 @!p0 $0x3FFF, v1  }
0x9b: {  	[tilespmem:$0x4320] =	vst @!p0 v1  }
0x9c: {  	v1 =	vld @!p0 [tilespmem:s22+$0x10];
	_ =	sdelay $0x4  }
0x9d: {  	v1 =	vand.u32 @!p0 $0x3FFF, v1  }
0x9e: {  	[tilespmem:$0x4330] =	vst @!p0 v1  }
0x9f: {  	v1 =	vld @!p0 [tilespmem:s22+$0x20];
	_ =	sdelay $0x4  }
0xa0: {  	v1 =	vand.u32 @!p0 $0x3FFF, v1  }
0xa1: {  	s7 =	simm.s32 @!p0 $0x4300;
	s8 =	simm.s32 @!p0 $0x9400;
	s5 =	simm.s32 @!p0 $0x50;
	[tilespmem:$0x4340] =	vst @!p0 v1  }
0xa2: {  	[tilespmem:s8], [sflag:$0x3] =	stream.indirect.gather @!p0 [hbm4b:s4+s5], $0x80, s7, s5, $0xb8;
	[tilespmem:$0x1F800] =	vst v63  }
0xa3: {  	_ =	swait.ge [sflag:s26], $0x2800  }
0xa4: {  	[sflag:s26] =	ssyncset.done $0x0  }
0xa5: {  	[sflag:s26] =	ssyncadd.s32 $0xFFFFD800  }
0xa6: {  	v1 =	vld [tilespmem:s22+$0xFFFFFF60];
	_ =	sdelay $0x4  }
0xa7: {  	v1 =	vshrl.u32 v1, $0xE  }
0xa8: {  	[tilespmem:$0x4080] =	vst v1  }
0xa9: {  	v1 =	vld [tilespmem:s22+$0xFFFFFF70];
	_ =	sdelay $0x4  }
0xaa: {  	v1 =	vshrl.u32 v1, $0xE  }
0xab: {  	[tilespmem:$0x4090] =	vst v1  }
0xac: {  	v1 =	vld [tilespmem:s22+$0xFFFFFF80];
	_ =	sdelay $0x4  }
0xad: {  	v1 =	vshrl.u32 v1, $0xE  }
0xae: {  	[tilespmem:$0x40A0] =	vst v1  }
0xaf: {  	v1 =	vld [tilespmem:s22+$0xFFFFFF90];
	_ =	sdelay $0x4  }
0xb0: {  	v1 =	vshrl.u32 v1, $0xE  }
0xb1: {  	[tilespmem:$0x40B0] =	vst v1  }
0xb2: {  	v1 =	vld [tilespmem:s22+$0xFFFFFFA0];
	_ =	sdelay $0x4  }
0xb3: {  	p0 =	seq.s32 s1, $0x7A;
	v1 =	vshrl.u32 v1, $0xE  }
0xb4: {  	s5 =	simm.s32 @!p0 $0x4;
	[tilespmem:$0x40C0] =	vst v1  }
0xb5: {  	[spmem:s2] =	stream.indirect.scatter.add.f32 [tilespmem:s21], [sflag:$0x5], $0x80, s28, s18, $0xb8;
	[tilespmem:$0x1F800] =	vst v63  }
0xb6: {  	_ =	swait.ge @!p0 [sflag:s5], $0x2800  }
0xb7: {  	[sflag:s5] =	ssyncset.done @!p0 $0x0  }
0xb8: {  	[sflag:s5] =	ssyncadd.s32 @!p0 $0xFFFFD800  }
0xb9: {  	v1 =	vld @!p0 [tilespmem:s22+$0x60];
	_ =	sdelay $0x4  }
0xba: {  	v1 =	vand.u32 @!p0 $0x3FFF, v1  }
0xbb: {  	[tilespmem:$0x4200] =	vst @!p0 v1  }
0xbc: {  	v1 =	vld @!p0 [tilespmem:s22+$0x70];
	_ =	sdelay $0x4  }
0xbd: {  	v1 =	vand.u32 @!p0 $0x3FFF, v1  }
0xbe: {  	[tilespmem:$0x4210] =	vst @!p0 v1  }
0xbf: {  	v1 =	vld @!p0 [tilespmem:s22+$0x80];
	_ =	sdelay $0x4  }
0xc0: {  	v1 =	vand.u32 @!p0 $0x3FFF, v1  }
0xc1: {  	[tilespmem:$0x4220] =	vst @!p0 v1  }
0xc2: {  	v1 =	vld @!p0 [tilespmem:s22+$0x90];
	_ =	sdelay $0x4  }
0xc3: {  	v1 =	vand.u32 @!p0 $0x3FFF, v1  }
0xc4: {  	[tilespmem:$0x4230] =	vst @!p0 v1  }
0xc5: {  	v1 =	vld @!p0 [tilespmem:s22+$0xA0];
	_ =	sdelay $0x4  }
0xc6: {  	v1 =	vand.u32 @!p0 $0x3FFF, v1  }
0xc7: {  	s7 =	simm.s32 @!p0 $0x4200;
	s8 =	simm.s32 @!p0 $0x4400;
	s5 =	simm.s32 @!p0 $0x50;
	[tilespmem:$0x4240] =	vst @!p0 v1  }
0xc8: {  	[tilespmem:s8], [sflag:$0x1] =	stream.indirect.gather @!p0 [hbm4b:s4+s5], $0x80, s7, s5, $0xb8;
	[tilespmem:$0x1F800] =	vst v63  }
0xc9: {  	_ =	swait.ge [sflag:s29], $0x2800  }
0xca: {  	[sflag:s29] =	ssyncset.done $0x0  }
0xcb: {  	[sflag:s29] =	ssyncadd.s32 $0xFFFFD800  }
0xcc: {  	v1 =	vld [tilespmem:s22+$0xFFFFFFE0];
	_ =	sdelay $0x4  }
0xcd: {  	v1 =	vshrl.u32 v1, $0xE  }
0xce: {  	[tilespmem:$0x4100] =	vst v1  }
0xcf: {  	v1 =	vld [tilespmem:s22+$0xFFFFFFF0];
	_ =	sdelay $0x4  }
0xd0: {  	v1 =	vshrl.u32 v1, $0xE  }
0xd1: {  	[tilespmem:$0x4110] =	vst v1  }
0xd2: {  	v1 =	vld [tilespmem:s22+$0x0];
	_ =	sdelay $0x4  }
0xd3: {  	v1 =	vshrl.u32 v1, $0xE  }
0xd4: {  	[tilespmem:$0x4120] =	vst v1  }
0xd5: {  	v1 =	vld [tilespmem:s22+$0x10];
	_ =	sdelay $0x4  }
0xd6: {  	v1 =	vshrl.u32 v1, $0xE  }
0xd7: {  	[tilespmem:$0x4130] =	vst v1  }
0xd8: {  	v1 =	vld [tilespmem:s22+$0x20];
	_ =	sdelay $0x2  }
.Ltmp3:
0xd9: {  	_ = 	snop;
	(pc) =	sbr.rel @p0 .LBB2_6-.Ltmp3, $4  }
0xda: {  	_ = 	snop  }
0xdb: {  	v1 =	vshrl.u32 v1, $0xE  }
0xdc: {  	[tilespmem:$0x4140] =	vst v1  }
0xdd: {  	[spmem:s2] =	stream.indirect.scatter.add.f32 [tilespmem:s23], [sflag:$0x6], $0x80, s30, s18, $0xb8;
	[tilespmem:$0x1F800] =	vst v63  }
0xde: {  	_ =	swait.ge [sflag:s0], $0x2800  }
0xdf: {  	[sflag:s0] =	ssyncset.done $0x0  }
0xe0: {  	[sflag:s0] =	ssyncadd.s32 $0xFFFFD800  }
0xe1: {  	v1 =	vld [tilespmem:s22+$0xE0];
	_ =	sdelay $0x4  }
0xe2: {  	v1 =	vand.u32 $0x3FFF, v1  }
0xe3: {  	[tilespmem:$0x4280] =	vst v1  }
0xe4: {  	v1 =	vld [tilespmem:s22+$0xF0];
	_ =	sdelay $0x4  }
0xe5: {  	v1 =	vand.u32 $0x3FFF, v1  }
0xe6: {  	[tilespmem:$0x4290] =	vst v1  }
0xe7: {  	v1 =	vld [tilespmem:s22+$0x100];
	_ =	sdelay $0x4  }
0xe8: {  	v1 =	vand.u32 $0x3FFF, v1  }
0xe9: {  	[tilespmem:$0x42A0] =	vst v1  }
0xea: {  	v1 =	vld [tilespmem:s22+$0x110];
	_ =	sdelay $0x4  }
0xeb: {  	v1 =	vand.u32 $0x3FFF, v1  }
0xec: {  	[tilespmem:$0x42B0] =	vst v1  }
0xed: {  	v1 =	vld [tilespmem:s22+$0x120];
	_ =	sdelay $0x2  }
.Ltmp4:
0xee: {  	_ = 	snop;
	(pc) =	sbr.rel .LBB2_4-.Ltmp4, $4  }
0xef: {  	_ = 	snop  }
0xf0: {  	v1 =	vand.u32 $0x3FFF, v1  }
0xf1: {  	s1 =	sadd.s32 $0x3, s1;
	s22 =	sadd.s32 $0x180, s22;
	[tilespmem:$0x42C0] =	vst v1  }
0xf2: {  	[tilespmem:s21], [sflag:$0x2] =	stream.indirect.gather [hbm4b:s4+s18], $0x80, s20, s18, $0xb8;
	[tilespmem:$0x1F800] =	vst v63  }
.LBB2_7:
0xf3: {  	_ =	sfence.sel $0x180000  }
0xf4: {  	[bflag:$0x0] =	sbarrier.arrive $0xFFFF  }
0xf5: {  	_ =	strace $0x90000050  }
0xf6: {  	s0 =	stileid.u32;
	[bflag:$0x2] =	sbarrier.arrive $0xFFFF  }
0xf7: {  	p0 =	sne.s32 s0, $0x0;
	s0 =	rddreg [dreg:$0x2]  }
0xf8: {  	s0 =	sadd.s32 @!p0 $0x100000, s0  }
0xf9: {  	[sflag:s0] =	ssyncadd.tile.s32 @!p0 $0x1;
	_ =	shalt  }
.Lfunc_end2:
_tile_overlayer_lowered:
.L_overlay_start_2:
0xfa: {  	(tag) =	ssettag $0x2  }
0xfb: {  	s0 =	rddreg [dreg:$0x0];
	s2 =	stileid.u32  }
0xfc: {  	s1 =	rddreg [dreg:$0x1];
	p0 =	sne.s32 s2, $0x0  }
0xfd: {  	s3 =	rddreg [dreg:$0x2];
	[bflag:$0x3] =	sbarrier.arrive $0xFFFF;
	s2 =	simm.s32 @!p0 $0x1C07  }
0xfe: {  	[timem:s3], [sflag:s2] =	dma.local @!p0 [hbm:s0], s1  }
0xff: {  	s0 =	simm.s32 @!p0 $0x7  }
0x100: {  	_ =	swait.ge @!p0 [sflag:s0], s1  }
0x101: {  	s1 =	ssub.s32 @!p0 $0x0, s1;
	[sflag:s0] =	ssyncset.done @!p0 $0x0  }
0x102: {  	[sflag:s0] =	ssyncadd.s32 @!p0 s1  }
0x103: {  	[bflag:$0x3] =	sbarrier.arrive $0xFFFF  }
0x104: {  	_ =	shalt  }

</sc_bundles>
